<compile_context>
chip_gen: v7x
topology: tpu7x:2x2x1
jax: 0.10.2.dev20260603
libtpu: 0.0.44.dev20260713+nightly
codegen_flags: <defaults>
</compile_context>

<pallas_src>
import functools

import jax
import jax.numpy as jnp
from jax import lax
from jax.experimental import pallas as pl
from jax.experimental.pallas import tpu as pltpu
from jax.experimental.pallas import tpu_sc as plsc

VOCAB_N = 100000
EMB_N = 300
B_N = 4096
L_N = 200

NC = 2
NS = 16
LANES = 16

CHUNK = 5120
NCHUNK = 20
VOCAB_PAD = CHUNK * NCHUNK
NBUF = 4
_CHUNK_ROWS = [CHUNK] * (NCHUNK - 1) + [VOCAB_N - CHUNK * (NCHUNK - 1)]


def _mm_body(w_ref, t_hbm, o_ref, buf, sems):
    def start(i):
        rows = _CHUNK_ROWS[i]
        pltpu.make_async_copy(
            t_hbm.at[pl.ds(i * CHUNK, rows), :],
            buf.at[i % NBUF, pl.ds(0, rows), :],
            sems.at[i % NBUF]).start()

    for i in range(NBUF):
        start(i)
    for i in range(NCHUNK):
        rows = _CHUNK_ROWS[i]
        pltpu.make_async_copy(
            t_hbm.at[pl.ds(i * CHUNK, rows), :],
            buf.at[i % NBUF, pl.ds(0, rows), :],
            sems.at[i % NBUF]).wait()
        o_ref[:, pl.ds(i * CHUNK, CHUNK)] = lax.dot_general(
            w_ref[...], buf[i % NBUF],
            dimension_numbers=(((1,), (1,)), ((), ())),
            preferred_element_type=jnp.float32)
        if i + NBUF < NCHUNK:
            start(i + NBUF)
    o_ref[:, 0:1] = jnp.zeros((8, 1), jnp.float32)


def _project_table(Wp, table):
    return pl.pallas_call(
        _mm_body,
        in_specs=[
            pl.BlockSpec(memory_space=pltpu.VMEM),
            pl.BlockSpec(memory_space=pl.ANY),
        ],
        out_specs=pl.BlockSpec(memory_space=pltpu.VMEM),
        out_shape=jax.ShapeDtypeStruct((8, VOCAB_PAD), jnp.float32),
        scratch_shapes=[
            pltpu.VMEM((NBUF, CHUNK, EMB_N), jnp.float32),
            pltpu.SemaphoreType.DMA((NBUF,)),
        ],
    )(Wp, table)


ROWS_PER_WORKER = B_N // NS
GROUPS_PER_WORKER = ROWS_PER_WORKER // LANES
GROUP_WORDS = LANES * L_N
WORKER_WORDS = ROWS_PER_WORKER * L_N


def _make_sc_kernel():
    mesh = plsc.VectorSubcoreMesh(core_axis_name="c", subcore_axis_name="s")

    @functools.partial(
        pl.kernel,
        mesh=mesh,
        compiler_params=pltpu.CompilerParams(needs_layout_passes=False),
        out_type=jax.ShapeDtypeStruct((2, B_N), jnp.float32),
        scratch_types=[
            pltpu.VMEM((VOCAB_PAD,), jnp.float32),
            pltpu.VMEM((GROUP_WORDS,), jnp.int32),
            pltpu.VMEM((GROUP_WORDS,), jnp.int32),
            pltpu.VMEM((ROWS_PER_WORKER,), jnp.float32),
            pltpu.VMEM((LANES,), jnp.float32),
            pltpu.SemaphoreType.DMA,
            pltpu.SemaphoreType.DMA,
        ],
    )
    def sc_kernel(small_hbm, x_hbm, bb_hbm, out_hbm, col_v, idx_a, idx_b,
                  out_v, b_v, sema, semb):
        cls = lax.axis_index("c")
        w2 = lax.axis_index("s")
        pltpu.sync_copy(small_hbm.at[cls], col_v)
        pltpu.sync_copy(bb_hbm.at[cls], b_v)
        bvec = b_v[...]
        rowoff = lax.iota(jnp.int32, 16) * L_N

        def startg(g, buf, sem):
            base = (w2 * GROUPS_PER_WORKER + g) * GROUP_WORDS
            pltpu.make_async_copy(
                x_hbm.at[pl.ds(base, GROUP_WORDS)], buf, sem).start()

        def waitg(g, buf, sem):
            base = (w2 * GROUPS_PER_WORKER + g) * GROUP_WORDS
            pltpu.make_async_copy(
                x_hbm.at[pl.ds(base, GROUP_WORDS)], buf, sem).wait()

        def process(g, buf):
            acc = jnp.zeros((LANES,), jnp.float32)
            for j in range(L_N):
                idxs = plsc.load_gather(buf, [rowoff + j])
                acc = acc + plsc.load_gather(col_v, [idxs])
            z = acc * jnp.float32(1.0 / L_N) + bvec
            out_v[pl.ds(g * LANES, LANES)] = (
                jnp.float32(1.0) / (jnp.float32(1.0) + jnp.exp(-z)))

        startg(0, idx_a, sema)

        def pair(p, carry):
            g = p * 2
            startg(g + 1, idx_b, semb)
            waitg(g, idx_a, sema)
            process(g, idx_a)

            @pl.when(p + 1 < GROUPS_PER_WORKER // 2)
            def _():
                startg(g + 2, idx_a, sema)

            waitg(g + 1, idx_b, semb)
            process(g + 1, idx_b)
            return carry

        lax.fori_loop(0, GROUPS_PER_WORKER // 2, pair, 0)
        pltpu.sync_copy(out_v, out_hbm.at[cls, pl.ds(w2 * ROWS_PER_WORKER,
                                                     ROWS_PER_WORKER)])

    return sc_kernel


_sc_kernel = _make_sc_kernel()


def kernel(x, table, W, b):
    xi = x.astype(jnp.int32).reshape(-1)
    Wp = jnp.pad(W.astype(jnp.float32), ((0, 8 - W.shape[0]), (0, 0)))
    small = _project_table(Wp, table.astype(jnp.float32))
    bb = jnp.broadcast_to(b.astype(jnp.float32)[:, None], (2, LANES))
    out2 = _sc_kernel(small, xi, bb)
    return out2.T

# --- scband reference (transcript-rebuilt; emitter-appended) ---
"""Pipeline reference for scband-baseline-23914377904564 (READ-ONLY COPY).

The authoritative reference and input builder live on the scoring server;
editing this copy changes nothing except your own understanding.
"""

import jax, jax.numpy as jnp
import numpy as np

VOCAB = 100000
EMB = 300
NUM_CLASSES = 2
B = 4096
L = 200


def setup_inputs(seed: int = 0) -> dict:
    key = jax.random.key(seed)
    k1, k2, k3, k4 = jax.random.split(key, 4)
    x = jax.random.randint(k1, (B, L), 0, VOCAB, dtype=jnp.int64 if jax.config.read('jax_enable_x64') else jnp.int32)
    table = jax.random.normal(k2, (VOCAB, EMB), dtype=jnp.float32)
    table = table.at[0].set(0.0)  # padding_idx=0
    bound = 1.0 / np.sqrt(EMB)
    W = jax.random.uniform(k3, (NUM_CLASSES, EMB), dtype=jnp.float32, minval=-bound, maxval=bound)
    b = jax.random.uniform(k4, (NUM_CLASSES,), dtype=jnp.float32, minval=-bound, maxval=bound)
    return {"x": x, "table": table, "W": W, "b": b}


def reference(x, table, W, b):
    # Embedding with padding_idx=0: row 0 is forced to zero
    emb_tab = table.at[0].set(0.0)
    embedded = jnp.take(emb_tab, x, axis=0)          # [B, L, EMB] gather
    pooled = embedded.mean(axis=1)                    # mean pooling over seq dim
    output = pooled @ W.T + b                         # Linear(300, num_classes)
    return jax.nn.sigmoid(output)

if __name__ == "__main__":
    import jax
    _d = setup_inputs()
    print(jax.jit(kernel)(*tuple(_d.values())))

</pallas_src>

<mosaic_0001>
#map = affine_map<(d0, d1) -> (0, 0)>
#map1 = affine_map<(d0, d1) -> (0)>
module attributes {stable_mosaic.version = 14 : i64} {
  func.func @sc_kernel(%arg0: i32, %arg1: i32, %arg2: memref<8x102400xf32, #tpu.memory_space<hbm>>, %arg3: memref<819200xi32, #tpu.memory_space<hbm>>, %arg4: memref<2x16xf32, #tpu.memory_space<hbm>>, %arg5: memref<2x4096xf32, #tpu.memory_space<hbm>>, %arg6: memref<102400xf32, #tpu.memory_space<vmem>>, %arg7: memref<3200xi32, #tpu.memory_space<vmem>>, %arg8: memref<3200xi32, #tpu.memory_space<vmem>>, %arg9: memref<256xf32, #tpu.memory_space<vmem>>, %arg10: memref<16xf32, #tpu.memory_space<vmem>>, %arg11: memref<!tpu.dma_semaphore, #tpu.memory_space<semaphore_mem>>, %arg12: memref<!tpu.dma_semaphore, #tpu.memory_space<semaphore_mem>>) attributes {dimension_semantics = [#tpu.dimension_semantics<core_parallel>, #tpu.dimension_semantics<subcore_parallel>], iteration_bounds = array<i64: 2, 16>, scalar_prefetch = 0 : i64, scratch_operands = 7 : i64, tpu.core_type = #tpu.core_type<sc_vector_subcore>, window_params = [{transform_indices = #map}, {transform_indices = #map1}, {transform_indices = #map}, {transform_indices = #map}]} {
    "tpu.region"() ({
      %run_scoped3A = tpu.sem_alloc : memref<!tpu.dma_semaphore, #tpu.memory_space<semaphore_mem>>
      %dma_start3A_16 = arith.constant 0 : i32
      %dma_start3A_17 = tpu.memref_slice %arg2[%arg0, %dma_start3A_16] : memref<8x102400xf32, #tpu.memory_space<hbm>> -> memref<1x102400xf32, #tpu.memory_space<hbm>>
      %dma_start3A_18 = tpu.memref_squeeze %dma_start3A_17 : memref<1x102400xf32, #tpu.memory_space<hbm>> -> memref<102400xf32, #tpu.memory_space<hbm>>
      %dma_start3A_19 = arith.constant 0 : i32
      %dma_start3A_20 = tpu.memref_slice %arg2[%arg0, %dma_start3A_19] : memref<8x102400xf32, #tpu.memory_space<hbm>> -> memref<1x102400xf32, #tpu.memory_space<hbm>>
      %dma_start3A_21 = tpu.memref_squeeze %dma_start3A_20 : memref<1x102400xf32, #tpu.memory_space<hbm>> -> memref<102400xf32, #tpu.memory_space<hbm>>
      tpu.enqueue_dma source(%dma_start3A_21 : memref<102400xf32, #tpu.memory_space<hbm>>) target(%arg6 : memref<102400xf32, #tpu.memory_space<vmem>>) target_semaphore(%run_scoped3A : memref<!tpu.dma_semaphore, #tpu.memory_space<semaphore_mem>>)
      %dma_wait3A = arith.constant 0 : i32
      %dma_wait3A_22 = tpu.memref_slice %arg2[%arg0, %dma_wait3A] : memref<8x102400xf32, #tpu.memory_space<hbm>> -> memref<1x102400xf32, #tpu.memory_space<hbm>>
      %dma_wait3A_23 = tpu.memref_squeeze %dma_wait3A_22 : memref<1x102400xf32, #tpu.memory_space<hbm>> -> memref<102400xf32, #tpu.memory_space<hbm>>
      %dma_wait3A_24 = arith.constant 0 : i32
      %dma_wait3A_25 = tpu.memref_slice %arg2[%arg0, %dma_wait3A_24] : memref<8x102400xf32, #tpu.memory_space<hbm>> -> memref<1x102400xf32, #tpu.memory_space<hbm>>
      %dma_wait3A_26 = tpu.memref_squeeze %dma_wait3A_25 : memref<1x102400xf32, #tpu.memory_space<hbm>> -> memref<102400xf32, #tpu.memory_space<hbm>>
      tpu.wait_dma2 semaphore(%run_scoped3A : memref<!tpu.dma_semaphore, #tpu.memory_space<semaphore_mem>>) src(%dma_wait3A_26 : memref<102400xf32, #tpu.memory_space<hbm>>) dst(%arg6 : memref<102400xf32, #tpu.memory_space<vmem>>)
      tpu.yield
    }) : () -> ()
    "tpu.region"() ({
      %run_scoped3A = tpu.sem_alloc : memref<!tpu.dma_semaphore, #tpu.memory_space<semaphore_mem>>
      %dma_start3A_16 = arith.constant 0 : i32
      %dma_start3A_17 = tpu.memref_slice %arg4[%arg0, %dma_start3A_16] : memref<2x16xf32, #tpu.memory_space<hbm>> -> memref<1x16xf32, #tpu.memory_space<hbm>>
      %dma_start3A_18 = tpu.memref_squeeze %dma_start3A_17 : memref<1x16xf32, #tpu.memory_space<hbm>> -> memref<16xf32, #tpu.memory_space<hbm>>
      %dma_start3A_19 = arith.constant 0 : i32
      %dma_start3A_20 = tpu.memref_slice %arg4[%arg0, %dma_start3A_19] : memref<2x16xf32, #tpu.memory_space<hbm>> -> memref<1x16xf32, #tpu.memory_space<hbm>>
      %dma_start3A_21 = tpu.memref_squeeze %dma_start3A_20 : memref<1x16xf32, #tpu.memory_space<hbm>> -> memref<16xf32, #tpu.memory_space<hbm>>
      tpu.enqueue_dma source(%dma_start3A_21 : memref<16xf32, #tpu.memory_space<hbm>>) target(%arg10 : memref<16xf32, #tpu.memory_space<vmem>>) target_semaphore(%run_scoped3A : memref<!tpu.dma_semaphore, #tpu.memory_space<semaphore_mem>>)
      %dma_wait3A = arith.constant 0 : i32
      %dma_wait3A_22 = tpu.memref_slice %arg4[%arg0, %dma_wait3A] : memref<2x16xf32, #tpu.memory_space<hbm>> -> memref<1x16xf32, #tpu.memory_space<hbm>>
      %dma_wait3A_23 = tpu.memref_squeeze %dma_wait3A_22 : memref<1x16xf32, #tpu.memory_space<hbm>> -> memref<16xf32, #tpu.memory_space<hbm>>
      %dma_wait3A_24 = arith.constant 0 : i32
      %dma_wait3A_25 = tpu.memref_slice %arg4[%arg0, %dma_wait3A_24] : memref<2x16xf32, #tpu.memory_space<hbm>> -> memref<1x16xf32, #tpu.memory_space<hbm>>
      %dma_wait3A_26 = tpu.memref_squeeze %dma_wait3A_25 : memref<1x16xf32, #tpu.memory_space<hbm>> -> memref<16xf32, #tpu.memory_space<hbm>>
      tpu.wait_dma2 semaphore(%run_scoped3A : memref<!tpu.dma_semaphore, #tpu.memory_space<semaphore_mem>>) src(%dma_wait3A_26 : memref<16xf32, #tpu.memory_space<hbm>>) dst(%arg10 : memref<16xf32, #tpu.memory_space<vmem>>)
      tpu.yield
    }) : () -> ()
    %get3A = arith.constant 0 : index
    %get3A_0 = tpu.vector_load %arg10[%get3A] {strides = array<i32>} : memref<16xf32, #tpu.memory_space<vmem>>, vector<16xf32>,
    %iota3A = tpu.iota {dimensions = array<i32: 0>} : vector<16xi32>
    %mul3A = arith.constant 200 : i32
    %mul3A_1 = vector.broadcast %mul3A : i32 to vector<16xi32>
    %mul3A_2 = arith.muli %iota3A, %mul3A_1 : vector<16xi32>
    %mul3A_3 = arith.constant 16 : i32
    %mul3A_4 = arith.muli %arg1, %mul3A_3 : i32
    %add3A = arith.constant 0 : i32
    %add3A_5 = arith.addi %mul3A_4, %add3A : i32
    %mul3A_6 = arith.constant 3200 : i32
    %mul3A_7 = arith.muli %add3A_5, %mul3A_6 : i32
    %dma_start3A = tpu.memref_slice %arg3[%mul3A_7] : memref<819200xi32, #tpu.memory_space<hbm>> -> memref<3200xi32, #tpu.memory_space<hbm>>
    %dma_start3A_8 = tpu.memref_slice %arg3[%mul3A_7] : memref<819200xi32, #tpu.memory_space<hbm>> -> memref<3200xi32, #tpu.memory_space<hbm>>
    tpu.enqueue_dma source(%dma_start3A_8 : memref<3200xi32, #tpu.memory_space<hbm>>) target(%arg7 : memref<3200xi32, #tpu.memory_space<vmem>>) target_semaphore(%arg11 : memref<!tpu.dma_semaphore, #tpu.memory_space<semaphore_mem>>)
    %scan3A = arith.constant 0 : i32
    %scan3A_9 = arith.constant 0 : i32
    %scan3A_10 = arith.constant 8 : i32
    %scan3A_11 = arith.addi %scan3A_9, %scan3A_10 : i32
    %scan3A_12 = arith.constant 1 : i32
    scf.for %scan3A_16 = %scan3A_9 to %scan3A_11 step %scan3A_12  : i32 {
      %mul3A_17 = arith.constant 2 : i32
      %mul3A_18 = arith.muli %scan3A_16, %mul3A_17 : i32
      %add3A_19 = arith.constant 1 : i32
      %add3A_20 = arith.addi %mul3A_18, %add3A_19 : i32
      %mul3A_21 = arith.constant 16 : i32
      %mul3A_22 = arith.muli %arg1, %mul3A_21 : i32
      %add3A_23 = arith.addi %mul3A_22, %add3A_20 : i32
      %mul3A_24 = arith.constant 3200 : i32
      %mul3A_25 = arith.muli %add3A_23, %mul3A_24 : i32
      %dma_start3A_26 = tpu.memref_slice %arg3[%mul3A_25] : memref<819200xi32, #tpu.memory_space<hbm>> -> memref<3200xi32, #tpu.memory_space<hbm>>
      %dma_start3A_27 = tpu.memref_slice %arg3[%mul3A_25] : memref<819200xi32, #tpu.memory_space<hbm>> -> memref<3200xi32, #tpu.memory_space<hbm>>
      tpu.enqueue_dma source(%dma_start3A_27 : memref<3200xi32, #tpu.memory_space<hbm>>) target(%arg8 : memref<3200xi32, #tpu.memory_space<vmem>>) target_semaphore(%arg12 : memref<!tpu.dma_semaphore, #tpu.memory_space<semaphore_mem>>)
      %mul3A_28 = arith.constant 16 : i32
      %mul3A_29 = arith.muli %arg1, %mul3A_28 : i32
      %add3A_30 = arith.addi %mul3A_29, %mul3A_18 : i32
      %mul3A_31 = arith.constant 3200 : i32
      %mul3A_32 = arith.muli %add3A_30, %mul3A_31 : i32
      %dma_wait3A = tpu.memref_slice %arg3[%mul3A_32] : memref<819200xi32, #tpu.memory_space<hbm>> -> memref<3200xi32, #tpu.memory_space<hbm>>
      %dma_wait3A_33 = tpu.memref_slice %arg3[%mul3A_32] : memref<819200xi32, #tpu.memory_space<hbm>> -> memref<3200xi32, #tpu.memory_space<hbm>>
      tpu.wait_dma2 semaphore(%arg11 : memref<!tpu.dma_semaphore, #tpu.memory_space<semaphore_mem>>) src(%dma_wait3A_33 : memref<3200xi32, #tpu.memory_space<hbm>>) dst(%arg7 : memref<3200xi32, #tpu.memory_space<vmem>>)
      %broadcast_in_dim3A = arith.constant 0.000000e+00 : f32
      %broadcast_in_dim3A_34 = vector.broadcast %broadcast_in_dim3A : f32 to vector<16xf32>
      %add3A_35 = arith.constant 0 : i32
      %add3A_36 = vector.broadcast %add3A_35 : i32 to vector<16xi32>
      %add3A_37 = arith.addi %mul3A_2, %add3A_36 : vector<16xi32>
      %gather3A = tpu.vector_load_idx %arg7[%add3A_37] : memref<3200xi32, #tpu.memory_space<vmem>>[vector<16xi32>], vector<16xi32>,
      %gather3A_38 = tpu.vector_load_idx %arg6[%gather3A] : memref<102400xf32, #tpu.memory_space<vmem>>[vector<16xi32>], vector<16xf32>,
      %add3A_39 = arith.addf %broadcast_in_dim3A_34, %gather3A_38 : vector<16xf32>
      %add3A_40 = arith.constant 1 : i32
      %add3A_41 = vector.broadcast %add3A_40 : i32 to vector<16xi32>
      %add3A_42 = arith.addi %mul3A_2, %add3A_41 : vector<16xi32>
      %gather3A_43 = tpu.vector_load_idx %arg7[%add3A_42] : memref<3200xi32, #tpu.memory_space<vmem>>[vector<16xi32>], vector<16xi32>,
      %gather3A_44 = tpu.vector_load_idx %arg6[%gather3A_43] : memref<102400xf32, #tpu.memory_space<vmem>>[vector<16xi32>], vector<16xf32>,
      %add3A_45 = arith.addf %add3A_39, %gather3A_44 : vector<16xf32>
      %add3A_46 = arith.constant 2 : i32
      %add3A_47 = vector.broadcast %add3A_46 : i32 to vector<16xi32>
      %add3A_48 = arith.addi %mul3A_2, %add3A_47 : vector<16xi32>
      %gather3A_49 = tpu.vector_load_idx %arg7[%add3A_48] : memref<3200xi32, #tpu.memory_space<vmem>>[vector<16xi32>], vector<16xi32>,
      %gather3A_50 = tpu.vector_load_idx %arg6[%gather3A_49] : memref<102400xf32, #tpu.memory_space<vmem>>[vector<16xi32>], vector<16xf32>,
      %add3A_51 = arith.addf %add3A_45, %gather3A_50 : vector<16xf32>
      %add3A_52 = arith.constant 3 : i32
      %add3A_53 = vector.broadcast %add3A_52 : i32 to vector<16xi32>
      %add3A_54 = arith.addi %mul3A_2, %add3A_53 : vector<16xi32>
      %gather3A_55 = tpu.vector_load_idx %arg7[%add3A_54] : memref<3200xi32, #tpu.memory_space<vmem>>[vector<16xi32>], vector<16xi32>,
      %gather3A_56 = tpu.vector_load_idx %arg6[%gather3A_55] : memref<102400xf32, #tpu.memory_space<vmem>>[vector<16xi32>], vector<16xf32>,
      %add3A_57 = arith.addf %add3A_51, %gather3A_56 : vector<16xf32>
      %add3A_58 = arith.constant 4 : i32
      %add3A_59 = vector.broadcast %add3A_58 : i32 to vector<16xi32>
      %add3A_60 = arith.addi %mul3A_2, %add3A_59 : vector<16xi32>
      %gather3A_61 = tpu.vector_load_idx %arg7[%add3A_60] : memref<3200xi32, #tpu.memory_space<vmem>>[vector<16xi32>], vector<16xi32>,
      %gather3A_62 = tpu.vector_load_idx %arg6[%gather3A_61] : memref<102400xf32, #tpu.memory_space<vmem>>[vector<16xi32>], vector<16xf32>,
      %add3A_63 = arith.addf %add3A_57, %gather3A_62 : vector<16xf32>
      %add3A_64 = arith.constant 5 : i32
      %add3A_65 = vector.broadcast %add3A_64 : i32 to vector<16xi32>
      %add3A_66 = arith.addi %mul3A_2, %add3A_65 : vector<16xi32>
      %gather3A_67 = tpu.vector_load_idx %arg7[%add3A_66] : memref<3200xi32, #tpu.memory_space<vmem>>[vector<16xi32>], vector<16xi32>,
      %gather3A_68 = tpu.vector_load_idx %arg6[%gather3A_67] : memref<102400xf32, #tpu.memory_space<vmem>>[vector<16xi32>], vector<16xf32>,
      %add3A_69 = arith.addf %add3A_63, %gather3A_68 : vector<16xf32>
      %add3A_70 = arith.constant 6 : i32
      %add3A_71 = vector.broadcast %add3A_70 : i32 to vector<16xi32>
      %add3A_72 = arith.addi %mul3A_2, %add3A_71 : vector<16xi32>
      %gather3A_73 = tpu.vector_load_idx %arg7[%add3A_72] : memref<3200xi32, #tpu.memory_space<vmem>>[vector<16xi32>], vector<16xi32>,
      %gather3A_74 = tpu.vector_load_idx %arg6[%gather3A_73] : memref<102400xf32, #tpu.memory_space<vmem>>[vector<16xi32>], vector<16xf32>,
      %add3A_75 = arith.addf %add3A_69, %gather3A_74 : vector<16xf32>
      %add3A_76 = arith.constant 7 : i32
      %add3A_77 = vector.broadcast %add3A_76 : i32 to vector<16xi32>
      %add3A_78 = arith.addi %mul3A_2, %add3A_77 : vector<16xi32>
      %gather3A_79 = tpu.vector_load_idx %arg7[%add3A_78] : memref<3200xi32, #tpu.memory_space<vmem>>[vector<16xi32>], vector<16xi32>,
      %gather3A_80 = tpu.vector_load_idx %arg6[%gather3A_79] : memref<102400xf32, #tpu.memory_space<vmem>>[vector<16xi32>], vector<16xf32>,
      %add3A_81 = arith.addf %add3A_75, %gather3A_80 : vector<16xf32>
      %add3A_82 = arith.constant 8 : i32
      %add3A_83 = vector.broadcast %add3A_82 : i32 to vector<16xi32>
      %add3A_84 = arith.addi %mul3A_2, %add3A_83 : vector<16xi32>
      %gather3A_85 = tpu.vector_load_idx %arg7[%add3A_84] : memref<3200xi32, #tpu.memory_space<vmem>>[vector<16xi32>], vector<16xi32>,
      %gather3A_86 = tpu.vector_load_idx %arg6[%gather3A_85] : memref<102400xf32, #tpu.memory_space<vmem>>[vector<16xi32>], vector<16xf32>,
      %add3A_87 = arith.addf %add3A_81, %gather3A_86 : vector<16xf32>
      %add3A_88 = arith.constant 9 : i32
      %add3A_89 = vector.broadcast %add3A_88 : i32 to vector<16xi32>
      %add3A_90 = arith.addi %mul3A_2, %add3A_89 : vector<16xi32>
      %gather3A_91 = tpu.vector_load_idx %arg7[%add3A_90] : memref<3200xi32, #tpu.memory_space<vmem>>[vector<16xi32>], vector<16xi32>,
      %gather3A_92 = tpu.vector_load_idx %arg6[%gather3A_91] : memref<102400xf32, #tpu.memory_space<vmem>>[vector<16xi32>], vector<16xf32>,
      %add3A_93 = arith.addf %add3A_87, %gather3A_92 : vector<16xf32>
      %add3A_94 = arith.constant 10 : i32
      %add3A_95 = vector.broadcast %add3A_94 : i32 to vector<16xi32>
      %add3A_96 = arith.addi %mul3A_2, %add3A_95 : vector<16xi32>
      %gather3A_97 = tpu.vector_load_idx %arg7[%add3A_96] : memref<3200xi32, #tpu.memory_space<vmem>>[vector<16xi32>], vector<16xi32>,
      %gather3A_98 = tpu.vector_load_idx %arg6[%gather3A_97] : memref<102400xf32, #tpu.memory_space<vmem>>[vector<16xi32>], vector<16xf32>,
      %add3A_99 = arith.addf %add3A_93, %gather3A_98 : vector<16xf32>
      %add3A_100 = arith.constant 11 : i32
      %add3A_101 = vector.broadcast %add3A_100 : i32 to vector<16xi32>
      %add3A_102 = arith.addi %mul3A_2, %add3A_101 : vector<16xi32>
      %gather3A_103 = tpu.vector_load_idx %arg7[%add3A_102] : memref<3200xi32, #tpu.memory_space<vmem>>[vector<16xi32>], vector<16xi32>,
      %gather3A_104 = tpu.vector_load_idx %arg6[%gather3A_103] : memref<102400xf32, #tpu.memory_space<vmem>>[vector<16xi32>], vector<16xf32>,
      %add3A_105 = arith.addf %add3A_99, %gather3A_104 : vector<16xf32>
      %add3A_106 = arith.constant 12 : i32
      %add3A_107 = vector.broadcast %add3A_106 : i32 to vector<16xi32>
      %add3A_108 = arith.addi %mul3A_2, %add3A_107 : vector<16xi32>
      %gather3A_109 = tpu.vector_load_idx %arg7[%add3A_108] : memref<3200xi32, #tpu.memory_space<vmem>>[vector<16xi32>], vector<16xi32>,
      %gather3A_110 = tpu.vector_load_idx %arg6[%gather3A_109] : memref<102400xf32, #tpu.memory_space<vmem>>[vector<16xi32>], vector<16xf32>,
      %add3A_111 = arith.addf %add3A_105, %gather3A_110 : vector<16xf32>
      %add3A_112 = arith.constant 13 : i32
      %add3A_113 = vector.broadcast %add3A_112 : i32 to vector<16xi32>
      %add3A_114 = arith.addi %mul3A_2, %add3A_113 : vector<16xi32>
      %gather3A_115 = tpu.vector_load_idx %arg7[%add3A_114] : memref<3200xi32, #tpu.memory_space<vmem>>[vector<16xi32>], vector<16xi32>,
      %gather3A_116 = tpu.vector_load_idx %arg6[%gather3A_115] : memref<102400xf32, #tpu.memory_space<vmem>>[vector<16xi32>], vector<16xf32>,
      %add3A_117 = arith.addf %add3A_111, %gather3A_116 : vector<16xf32>
      %add3A_118 = arith.constant 14 : i32
      %add3A_119 = vector.broadcast %add3A_118 : i32 to vector<16xi32>
      %add3A_120 = arith.addi %mul3A_2, %add3A_119 : vector<16xi32>
      %gather3A_121 = tpu.vector_load_idx %arg7[%add3A_120] : memref<3200xi32, #tpu.memory_space<vmem>>[vector<16xi32>], vector<16xi32>,
      %gather3A_122 = tpu.vector_load_idx %arg6[%gather3A_121] : memref<102400xf32, #tpu.memory_space<vmem>>[vector<16xi32>], vector<16xf32>,
      %add3A_123 = arith.addf %add3A_117, %gather3A_122 : vector<16xf32>
      %add3A_124 = arith.constant 15 : i32
      %add3A_125 = vector.broadcast %add3A_124 : i32 to vector<16xi32>
      %add3A_126 = arith.addi %mul3A_2, %add3A_125 : vector<16xi32>
      %gather3A_127 = tpu.vector_load_idx %arg7[%add3A_126] : memref<3200xi32, #tpu.memory_space<vmem>>[vector<16xi32>], vector<16xi32>,
      %gather3A_128 = tpu.vector_load_idx %arg6[%gather3A_127] : memref<102400xf32, #tpu.memory_space<vmem>>[vector<16xi32>], vector<16xf32>,
      %add3A_129 = arith.addf %add3A_123, %gather3A_128 : vector<16xf32>
      %add3A_130 = arith.constant 16 : i32
      %add3A_131 = vector.broadcast %add3A_130 : i32 to vector<16xi32>
      %add3A_132 = arith.addi %mul3A_2, %add3A_131 : vector<16xi32>
      %gather3A_133 = tpu.vector_load_idx %arg7[%add3A_132] : memref<3200xi32, #tpu.memory_space<vmem>>[vector<16xi32>], vector<16xi32>,
      %gather3A_134 = tpu.vector_load_idx %arg6[%gather3A_133] : memref<102400xf32, #tpu.memory_space<vmem>>[vector<16xi32>], vector<16xf32>,
      %add3A_135 = arith.addf %add3A_129, %gather3A_134 : vector<16xf32>
      %add3A_136 = arith.constant 17 : i32
      %add3A_137 = vector.broadcast %add3A_136 : i32 to vector<16xi32>
      %add3A_138 = arith.addi %mul3A_2, %add3A_137 : vector<16xi32>
      %gather3A_139 = tpu.vector_load_idx %arg7[%add3A_138] : memref<3200xi32, #tpu.memory_space<vmem>>[vector<16xi32>], vector<16xi32>,
      %gather3A_140 = tpu.vector_load_idx %arg6[%gather3A_139] : memref<102400xf32, #tpu.memory_space<vmem>>[vector<16xi32>], vector<16xf32>,
      %add3A_141 = arith.addf %add3A_135, %gather3A_140 : vector<16xf32>
      %add3A_142 = arith.constant 18 : i32
      %add3A_143 = vector.broadcast %add3A_142 : i32 to vector<16xi32>
      %add3A_144 = arith.addi %mul3A_2, %add3A_143 : vector<16xi32>
      %gather3A_145 = tpu.vector_load_idx %arg7[%add3A_144] : memref<3200xi32, #tpu.memory_space<vmem>>[vector<16xi32>], vector<16xi32>,
      %gather3A_146 = tpu.vector_load_idx %arg6[%gather3A_145] : memref<102400xf32, #tpu.memory_space<vmem>>[vector<16xi32>], vector<16xf32>,
      %add3A_147 = arith.addf %add3A_141, %gather3A_146 : vector<16xf32>
      %add3A_148 = arith.constant 19 : i32
      %add3A_149 = vector.broadcast %add3A_148 : i32 to vector<16xi32>
      %add3A_150 = arith.addi %mul3A_2, %add3A_149 : vector<16xi32>
      %gather3A_151 = tpu.vector_load_idx %arg7[%add3A_150] : memref<3200xi32, #tpu.memory_space<vmem>>[vector<16xi32>], vector<16xi32>,
      %gather3A_152 = tpu.vector_load_idx %arg6[%gather3A_151] : memref<102400xf32, #tpu.memory_space<vmem>>[vector<16xi32>], vector<16xf32>,
      %add3A_153 = arith.addf %add3A_147, %gather3A_152 : vector<16xf32>
      %add3A_154 = arith.constant 20 : i32
      %add3A_155 = vector.broadcast %add3A_154 : i32 to vector<16xi32>
      %add3A_156 = arith.addi %mul3A_2, %add3A_155 : vector<16xi32>
      %gather3A_157 = tpu.vector_load_idx %arg7[%add3A_156] : memref<3200xi32, #tpu.memory_space<vmem>>[vector<16xi32>], vector<16xi32>,
      %gather3A_158 = tpu.vector_load_idx %arg6[%gather3A_157] : memref<102400xf32, #tpu.memory_space<vmem>>[vector<16xi32>], vector<16xf32>,
      %add3A_159 = arith.addf %add3A_153, %gather3A_158 : vector<16xf32>
      %add3A_160 = arith.constant 21 : i32
      %add3A_161 = vector.broadcast %add3A_160 : i32 to vector<16xi32>
      %add3A_162 = arith.addi %mul3A_2, %add3A_161 : vector<16xi32>
      %gather3A_163 = tpu.vector_load_idx %arg7[%add3A_162] : memref<3200xi32, #tpu.memory_space<vmem>>[vector<16xi32>], vector<16xi32>,
      %gather3A_164 = tpu.vector_load_idx %arg6[%gather3A_163] : memref<102400xf32, #tpu.memory_space<vmem>>[vector<16xi32>], vector<16xf32>,
      %add3A_165 = arith.addf %add3A_159, %gather3A_164 : vector<16xf32>
      %add3A_166 = arith.constant 22 : i32
      %add3A_167 = vector.broadcast %add3A_166 : i32 to vector<16xi32>
      %add3A_168 = arith.addi %mul3A_2, %add3A_167 : vector<16xi32>
      %gather3A_169 = tpu.vector_load_idx %arg7[%add3A_168] : memref<3200xi32, #tpu.memory_space<vmem>>[vector<16xi32>], vector<16xi32>,
      %gather3A_170 = tpu.vector_load_idx %arg6[%gather3A_169] : memref<102400xf32, #tpu.memory_space<vmem>>[vector<16xi32>], vector<16xf32>,
      %add3A_171 = arith.addf %add3A_165, %gather3A_170 : vector<16xf32>
      %add3A_172 = arith.constant 23 : i32
      %add3A_173 = vector.broadcast %add3A_172 : i32 to vector<16xi32>
      %add3A_174 = arith.addi %mul3A_2, %add3A_173 : vector<16xi32>
      %gather3A_175 = tpu.vector_load_idx %arg7[%add3A_174] : memref<3200xi32, #tpu.memory_space<vmem>>[vector<16xi32>], vector<16xi32>,
      %gather3A_176 = tpu.vector_load_idx %arg6[%gather3A_175] : memref<102400xf32, #tpu.memory_space<vmem>>[vector<16xi32>], vector<16xf32>,
      %add3A_177 = arith.addf %add3A_171, %gather3A_176 : vector<16xf32>
      %add3A_178 = arith.constant 24 : i32
      %add3A_179 = vector.broadcast %add3A_178 : i32 to vector<16xi32>
      %add3A_180 = arith.addi %mul3A_2, %add3A_179 : vector<16xi32>
      %gather3A_181 = tpu.vector_load_idx %arg7[%add3A_180] : memref<3200xi32, #tpu.memory_space<vmem>>[vector<16xi32>], vector<16xi32>,
      %gather3A_182 = tpu.vector_load_idx %arg6[%gather3A_181] : memref<102400xf32, #tpu.memory_space<vmem>>[vector<16xi32>], vector<16xf32>,
      %add3A_183 = arith.addf %add3A_177, %gather3A_182 : vector<16xf32>
      %add3A_184 = arith.constant 25 : i32
      %add3A_185 = vector.broadcast %add3A_184 : i32 to vector<16xi32>
      %add3A_186 = arith.addi %mul3A_2, %add3A_185 : vector<16xi32>
      %gather3A_187 = tpu.vector_load_idx %arg7[%add3A_186] : memref<3200xi32, #tpu.memory_space<vmem>>[vector<16xi32>], vector<16xi32>,
      %gather3A_188 = tpu.vector_load_idx %arg6[%gather3A_187] : memref<102400xf32, #tpu.memory_space<vmem>>[vector<16xi32>], vector<16xf32>,
      %add3A_189 = arith.addf %add3A_183, %gather3A_188 : vector<16xf32>
      %add3A_190 = arith.constant 26 : i32
      %add3A_191 = vector.broadcast %add3A_190 : i32 to vector<16xi32>
      %add3A_192 = arith.addi %mul3A_2, %add3A_191 : vector<16xi32>
      %gather3A_193 = tpu.vector_load_idx %arg7[%add3A_192] : memref<3200xi32, #tpu.memory_space<vmem>>[vector<16xi32>], vector<16xi32>,
      %gather3A_194 = tpu.vector_load_idx %arg6[%gather3A_193] : memref<102400xf32, #tpu.memory_space<vmem>>[vector<16xi32>], vector<16xf32>,
      %add3A_195 = arith.addf %add3A_189, %gather3A_194 : vector<16xf32>
      %add3A_196 = arith.constant 27 : i32
      %add3A_197 = vector.broadcast %add3A_196 : i32 to vector<16xi32>
      %add3A_198 = arith.addi %mul3A_2, %add3A_197 : vector<16xi32>
      %gather3A_199 = tpu.vector_load_idx %arg7[%add3A_198] : memref<3200xi32, #tpu.memory_space<vmem>>[vector<16xi32>], vector<16xi32>,
      %gather3A_200 = tpu.vector_load_idx %arg6[%gather3A_199] : memref<102400xf32, #tpu.memory_space<vmem>>[vector<16xi32>], vector<16xf32>,
      %add3A_201 = arith.addf %add3A_195, %gather3A_200 : vector<16xf32>
      %add3A_202 = arith.constant 28 : i32
      %add3A_203 = vector.broadcast %add3A_202 : i32 to vector<16xi32>
      %add3A_204 = arith.addi %mul3A_2, %add3A_203 : vector<16xi32>
      %gather3A_205 = tpu.vector_load_idx %arg7[%add3A_204] : memref<3200xi32, #tpu.memory_space<vmem>>[vector<16xi32>], vector<16xi32>,
      %gather3A_206 = tpu.vector_load_idx %arg6[%gather3A_205] : memref<102400xf32, #tpu.memory_space<vmem>>[vector<16xi32>], vector<16xf32>,
      %add3A_207 = arith.addf %add3A_201, %gather3A_206 : vector<16xf32>
      %add3A_208 = arith.constant 29 : i32
      %add3A_209 = vector.broadcast %add3A_208 : i32 to vector<16xi32>
      %add3A_210 = arith.addi %mul3A_2, %add3A_209 : vector<16xi32>
      %gather3A_211 = tpu.vector_load_idx %arg7[%add3A_210] : memref<3200xi32, #tpu.memory_space<vmem>>[vector<16xi32>], vector<16xi32>,
      %gather3A_212 = tpu.vector_load_idx %arg6[%gather3A_211] : memref<102400xf32, #tpu.memory_space<vmem>>[vector<16xi32>], vector<16xf32>,
      %add3A_213 = arith.addf %add3A_207, %gather3A_212 : vector<16xf32>
      %add3A_214 = arith.constant 30 : i32
      %add3A_215 = vector.broadcast %add3A_214 : i32 to vector<16xi32>
      %add3A_216 = arith.addi %mul3A_2, %add3A_215 : vector<16xi32>
      %gather3A_217 = tpu.vector_load_idx %arg7[%add3A_216] : memref<3200xi32, #tpu.memory_space<vmem>>[vector<16xi32>], vector<16xi32>,
      %gather3A_218 = tpu.vector_load_idx %arg6[%gather3A_217] : memref<102400xf32, #tpu.memory_space<vmem>>[vector<16xi32>], vector<16xf32>,
      %add3A_219 = arith.addf %add3A_213, %gather3A_218 : vector<16xf32>
      %add3A_220 = arith.constant 31 : i32
      %add3A_221 = vector.broadcast %add3A_220 : i32 to vector<16xi32>
      %add3A_222 = arith.addi %mul3A_2, %add3A_221 : vector<16xi32>
      %gather3A_223 = tpu.vector_load_idx %arg7[%add3A_222] : memref<3200xi32, #tpu.memory_space<vmem>>[vector<16xi32>], vector<16xi32>,
      %gather3A_224 = tpu.vector_load_idx %arg6[%gather3A_223] : memref<102400xf32, #tpu.memory_space<vmem>>[vector<16xi32>], vector<16xf32>,
      %add3A_225 = arith.addf %add3A_219, %gather3A_224 : vector<16xf32>
      %add3A_226 = arith.constant 32 : i32
      %add3A_227 = vector.broadcast %add3A_226 : i32 to vector<16xi32>
      %add3A_228 = arith.addi %mul3A_2, %add3A_227 : vector<16xi32>
      %gather3A_229 = tpu.vector_load_idx %arg7[%add3A_228] : memref<3200xi32, #tpu.memory_space<vmem>>[vector<16xi32>], vector<16xi32>,
      %gather3A_230 = tpu.vector_load_idx %arg6[%gather3A_229] : memref<102400xf32, #tpu.memory_space<vmem>>[vector<16xi32>], vector<16xf32>,
      %add3A_231 = arith.addf %add3A_225, %gather3A_230 : vector<16xf32>
      %add3A_232 = arith.constant 33 : i32
      %add3A_233 = vector.broadcast %add3A_232 : i32 to vector<16xi32>
      %add3A_234 = arith.addi %mul3A_2, %add3A_233 : vector<16xi32>
      %gather3A_235 = tpu.vector_load_idx %arg7[%add3A_234] : memref<3200xi32, #tpu.memory_space<vmem>>[vector<16xi32>], vector<16xi32>,
      %gather3A_236 = tpu.vector_load_idx %arg6[%gather3A_235] : memref<102400xf32, #tpu.memory_space<vmem>>[vector<16xi32>], vector<16xf32>,
      %add3A_237 = arith.addf %add3A_231, %gather3A_236 : vector<16xf32>
      %add3A_238 = arith.constant 34 : i32
      %add3A_239 = vector.broadcast %add3A_238 : i32 to vector<16xi32>
      %add3A_240 = arith.addi %mul3A_2, %add3A_239 : vector<16xi32>
      %gather3A_241 = tpu.vector_load_idx %arg7[%add3A_240] : memref<3200xi32, #tpu.memory_space<vmem>>[vector<16xi32>], vector<16xi32>,
      %gather3A_242 = tpu.vector_load_idx %arg6[%gather3A_241] : memref<102400xf32, #tpu.memory_space<vmem>>[vector<16xi32>], vector<16xf32>,
      %add3A_243 = arith.addf %add3A_237, %gather3A_242 : vector<16xf32>
      %add3A_244 = arith.constant 35 : i32
      %add3A_245 = vector.broadcast %add3A_244 : i32 to vector<16xi32>
      %add3A_246 = arith.addi %mul3A_2, %add3A_245 : vector<16xi32>
      %gather3A_247 = tpu.vector_load_idx %arg7[%add3A_246] : memref<3200xi32, #tpu.memory_space<vmem>>[vector<16xi32>], vector<16xi32>,
      %gather3A_248 = tpu.vector_load_idx %arg6[%gather3A_247] : memref<102400xf32, #tpu.memory_space<vmem>>[vector<16xi32>], vector<16xf32>,
      %add3A_249 = arith.addf %add3A_243, %gather3A_248 : vector<16xf32>
      %add3A_250 = arith.constant 36 : i32
      %add3A_251 = vector.broadcast %add3A_250 : i32 to vector<16xi32>
      %add3A_252 = arith.addi %mul3A_2, %add3A_251 : vector<16xi32>
      %gather3A_253 = tpu.vector_load_idx %arg7[%add3A_252] : memref<3200xi32, #tpu.memory_space<vmem>>[vector<16xi32>], vector<16xi32>,
      %gather3A_254 = tpu.vector_load_idx %arg6[%gather3A_253] : memref<102400xf32, #tpu.memory_space<vmem>>[vector<16xi32>], vector<16xf32>,
      %add3A_255 = arith.addf %add3A_249, %gather3A_254 : vector<16xf32>
      %add3A_256 = arith.constant 37 : i32
      %add3A_257 = vector.broadcast %add3A_256 : i32 to vector<16xi32>
      %add3A_258 = arith.addi %mul3A_2, %add3A_257 : vector<16xi32>
      %gather3A_259 = tpu.vector_load_idx %arg7[%add3A_258] : memref<3200xi32, #tpu.memory_space<vmem>>[vector<16xi32>], vector<16xi32>,
      %gather3A_260 = tpu.vector_load_idx %arg6[%gather3A_259] : memref<102400xf32, #tpu.memory_space<vmem>>[vector<16xi32>], vector<16xf32>,
      %add3A_261 = arith.addf %add3A_255, %gather3A_260 : vector<16xf32>
      %add3A_262 = arith.constant 38 : i32
      %add3A_263 = vector.broadcast %add3A_262 : i32 to vector<16xi32>
      %add3A_264 = arith.addi %mul3A_2, %add3A_263 : vector<16xi32>
      %gather3A_265 = tpu.vector_load_idx %arg7[%add3A_264] : memref<3200xi32, #tpu.memory_space<vmem>>[vector<16xi32>], vector<16xi32>,
      %gather3A_266 = tpu.vector_load_idx %arg6[%gather3A_265] : memref<102400xf32, #tpu.memory_space<vmem>>[vector<16xi32>], vector<16xf32>,
      %add3A_267 = arith.addf %add3A_261, %gather3A_266 : vector<16xf32>
      %add3A_268 = arith.constant 39 : i32
      %add3A_269 = vector.broadcast %add3A_268 : i32 to vector<16xi32>
      %add3A_270 = arith.addi %mul3A_2, %add3A_269 : vector<16xi32>
      %gather3A_271 = tpu.vector_load_idx %arg7[%add3A_270] : memref<3200xi32, #tpu.memory_space<vmem>>[vector<16xi32>], vector<16xi32>,
      %gather3A_272 = tpu.vector_load_idx %arg6[%gather3A_271] : memref<102400xf32, #tpu.memory_space<vmem>>[vector<16xi32>], vector<16xf32>,
      %add3A_273 = arith.addf %add3A_267, %gather3A_272 : vector<16xf32>
      %add3A_274 = arith.constant 40 : i32
      %add3A_275 = vector.broadcast %add3A_274 : i32 to vector<16xi32>
      %add3A_276 = arith.addi %mul3A_2, %add3A_275 : vector<16xi32>
      %gather3A_277 = tpu.vector_load_idx %arg7[%add3A_276] : memref<3200xi32, #tpu.memory_space<vmem>>[vector<16xi32>], vector<16xi32>,
      %gather3A_278 = tpu.vector_load_idx %arg6[%gather3A_277] : memref<102400xf32, #tpu.memory_space<vmem>>[vector<16xi32>], vector<16xf32>,
      %add3A_279 = arith.addf %add3A_273, %gather3A_278 : vector<16xf32>
      %add3A_280 = arith.constant 41 : i32
      %add3A_281 = vector.broadcast %add3A_280 : i32 to vector<16xi32>
      %add3A_282 = arith.addi %mul3A_2, %add3A_281 : vector<16xi32>
      %gather3A_283 = tpu.vector_load_idx %arg7[%add3A_282] : memref<3200xi32, #tpu.memory_space<vmem>>[vector<16xi32>], vector<16xi32>,
      %gather3A_284 = tpu.vector_load_idx %arg6[%gather3A_283] : memref<102400xf32, #tpu.memory_space<vmem>>[vector<16xi32>], vector<16xf32>,
      %add3A_285 = arith.addf %add3A_279, %gather3A_284 : vector<16xf32>
      %add3A_286 = arith.constant 42 : i32
      %add3A_287 = vector.broadcast %add3A_286 : i32 to vector<16xi32>
      %add3A_288 = arith.addi %mul3A_2, %add3A_287 : vector<16xi32>
      %gather3A_289 = tpu.vector_load_idx %arg7[%add3A_288] : memref<3200xi32, #tpu.memory_space<vmem>>[vector<16xi32>], vector<16xi32>,
      %gather3A_290 = tpu.vector_load_idx %arg6[%gather3A_289] : memref<102400xf32, #tpu.memory_space<vmem>>[vector<16xi32>], vector<16xf32>,
      %add3A_291 = arith.addf %add3A_285, %gather3A_290 : vector<16xf32>
      %add3A_292 = arith.constant 43 : i32
      %add3A_293 = vector.broadcast %add3A_292 : i32 to vector<16xi32>
      %add3A_294 = arith.addi %mul3A_2, %add3A_293 : vector<16xi32>
      %gather3A_295 = tpu.vector_load_idx %arg7[%add3A_294] : memref<3200xi32, #tpu.memory_space<vmem>>[vector<16xi32>], vector<16xi32>,
      %gather3A_296 = tpu.vector_load_idx %arg6[%gather3A_295] : memref<102400xf32, #tpu.memory_space<vmem>>[vector<16xi32>], vector<16xf32>,
      %add3A_297 = arith.addf %add3A_291, %gather3A_296 : vector<16xf32>
      %add3A_298 = arith.constant 44 : i32
      %add3A_299 = vector.broadcast %add3A_298 : i32 to vector<16xi32>
      %add3A_300 = arith.addi %mul3A_2, %add3A_299 : vector<16xi32>
      %gather3A_301 = tpu.vector_load_idx %arg7[%add3A_300] : memref<3200xi32, #tpu.memory_space<vmem>>[vector<16xi32>], vector<16xi32>,
      %gather3A_302 = tpu.vector_load_idx %arg6[%gather3A_301] : memref<102400xf32, #tpu.memory_space<vmem>>[vector<16xi32>], vector<16xf32>,
      %add3A_303 = arith.addf %add3A_297, %gather3A_302 : vector<16xf32>
      %add3A_304 = arith.constant 45 : i32
      %add3A_305 = vector.broadcast %add3A_304 : i32 to vector<16xi32>
      %add3A_306 = arith.addi %mul3A_2, %add3A_305 : vector<16xi32>
      %gather3A_307 = tpu.vector_load_idx %arg7[%add3A_306] : memref<3200xi32, #tpu.memory_space<vmem>>[vector<16xi32>], vector<16xi32>,
      %gather3A_308 = tpu.vector_load_idx %arg6[%gather3A_307] : memref<102400xf32, #tpu.memory_space<vmem>>[vector<16xi32>], vector<16xf32>,
      %add3A_309 = arith.addf %add3A_303, %gather3A_308 : vector<16xf32>
      %add3A_310 = arith.constant 46 : i32
      %add3A_311 = vector.broadcast %add3A_310 : i32 to vector<16xi32>
      %add3A_312 = arith.addi %mul3A_2, %add3A_311 : vector<16xi32>
      %gather3A_313 = tpu.vector_load_idx %arg7[%add3A_312] : memref<3200xi32, #tpu.memory_space<vmem>>[vector<16xi32>], vector<16xi32>,
      %gather3A_314 = tpu.vector_load_idx %arg6[%gather3A_313] : memref<102400xf32, #tpu.memory_space<vmem>>[vector<16xi32>], vector<16xf32>,
      %add3A_315 = arith.addf %add3A_309, %gather3A_314 : vector<16xf32>
      %add3A_316 = arith.constant 47 : i32
      %add3A_317 = vector.broadcast %add3A_316 : i32 to vector<16xi32>
      %add3A_318 = arith.addi %mul3A_2, %add3A_317 : vector<16xi32>
      %gather3A_319 = tpu.vector_load_idx %arg7[%add3A_318] : memref<3200xi32, #tpu.memory_space<vmem>>[vector<16xi32>], vector<16xi32>,
      %gather3A_320 = tpu.vector_load_idx %arg6[%gather3A_319] : memref<102400xf32, #tpu.memory_space<vmem>>[vector<16xi32>], vector<16xf32>,
      %add3A_321 = arith.addf %add3A_315, %gather3A_320 : vector<16xf32>
      %add3A_322 = arith.constant 48 : i32
      %add3A_323 = vector.broadcast %add3A_322 : i32 to vector<16xi32>
      %add3A_324 = arith.addi %mul3A_2, %add3A_323 : vector<16xi32>
      %gather3A_325 = tpu.vector_load_idx %arg7[%add3A_324] : memref<3200xi32, #tpu.memory_space<vmem>>[vector<16xi32>], vector<16xi32>,
      %gather3A_326 = tpu.vector_load_idx %arg6[%gather3A_325] : memref<102400xf32, #tpu.memory_space<vmem>>[vector<16xi32>], vector<16xf32>,
      %add3A_327 = arith.addf %add3A_321, %gather3A_326 : vector<16xf32>
      %add3A_328 = arith.constant 49 : i32
      %add3A_329 = vector.broadcast %add3A_328 : i32 to vector<16xi32>
      %add3A_330 = arith.addi %mul3A_2, %add3A_329 : vector<16xi32>
      %gather3A_331 = tpu.vector_load_idx %arg7[%add3A_330] : memref<3200xi32, #tpu.memory_space<vmem>>[vector<16xi32>], vector<16xi32>,
      %gather3A_332 = tpu.vector_load_idx %arg6[%gather3A_331] : memref<102400xf32, #tpu.memory_space<vmem>>[vector<16xi32>], vector<16xf32>,
      %add3A_333 = arith.addf %add3A_327, %gather3A_332 : vector<16xf32>
      %add3A_334 = arith.constant 50 : i32
      %add3A_335 = vector.broadcast %add3A_334 : i32 to vector<16xi32>
      %add3A_336 = arith.addi %mul3A_2, %add3A_335 : vector<16xi32>
      %gather3A_337 = tpu.vector_load_idx %arg7[%add3A_336] : memref<3200xi32, #tpu.memory_space<vmem>>[vector<16xi32>], vector<16xi32>,
      %gather3A_338 = tpu.vector_load_idx %arg6[%gather3A_337] : memref<102400xf32, #tpu.memory_space<vmem>>[vector<16xi32>], vector<16xf32>,
      %add3A_339 = arith.addf %add3A_333, %gather3A_338 : vector<16xf32>
      %add3A_340 = arith.constant 51 : i32
      %add3A_341 = vector.broadcast %add3A_340 : i32 to vector<16xi32>
      %add3A_342 = arith.addi %mul3A_2, %add3A_341 : vector<16xi32>
      %gather3A_343 = tpu.vector_load_idx %arg7[%add3A_342] : memref<3200xi32, #tpu.memory_space<vmem>>[vector<16xi32>], vector<16xi32>,
      %gather3A_344 = tpu.vector_load_idx %arg6[%gather3A_343] : memref<102400xf32, #tpu.memory_space<vmem>>[vector<16xi32>], vector<16xf32>,
      %add3A_345 = arith.addf %add3A_339, %gather3A_344 : vector<16xf32>
      %add3A_346 = arith.constant 52 : i32
      %add3A_347 = vector.broadcast %add3A_346 : i32 to vector<16xi32>
      %add3A_348 = arith.addi %mul3A_2, %add3A_347 : vector<16xi32>
      %gather3A_349 = tpu.vector_load_idx %arg7[%add3A_348] : memref<3200xi32, #tpu.memory_space<vmem>>[vector<16xi32>], vector<16xi32>,
      %gather3A_350 = tpu.vector_load_idx %arg6[%gather3A_349] : memref<102400xf32, #tpu.memory_space<vmem>>[vector<16xi32>], vector<16xf32>,
      %add3A_351 = arith.addf %add3A_345, %gather3A_350 : vector<16xf32>
      %add3A_352 = arith.constant 53 : i32
      %add3A_353 = vector.broadcast %add3A_352 : i32 to vector<16xi32>
      %add3A_354 = arith.addi %mul3A_2, %add3A_353 : vector<16xi32>
      %gather3A_355 = tpu.vector_load_idx %arg7[%add3A_354] : memref<3200xi32, #tpu.memory_space<vmem>>[vector<16xi32>], vector<16xi32>,
      %gather3A_356 = tpu.vector_load_idx %arg6[%gather3A_355] : memref<102400xf32, #tpu.memory_space<vmem>>[vector<16xi32>], vector<16xf32>,
      %add3A_357 = arith.addf %add3A_351, %gather3A_356 : vector<16xf32>
      %add3A_358 = arith.constant 54 : i32
      %add3A_359 = vector.broadcast %add3A_358 : i32 to vector<16xi32>
      %add3A_360 = arith.addi %mul3A_2, %add3A_359 : vector<16xi32>
      %gather3A_361 = tpu.vector_load_idx %arg7[%add3A_360] : memref<3200xi32, #tpu.memory_space<vmem>>[vector<16xi32>], vector<16xi32>,
      %gather3A_362 = tpu.vector_load_idx %arg6[%gather3A_361] : memref<102400xf32, #tpu.memory_space<vmem>>[vector<16xi32>], vector<16xf32>,
      %add3A_363 = arith.addf %add3A_357, %gather3A_362 : vector<16xf32>
      %add3A_364 = arith.constant 55 : i32
      %add3A_365 = vector.broadcast %add3A_364 : i32 to vector<16xi32>
      %add3A_366 = arith.addi %mul3A_2, %add3A_365 : vector<16xi32>
      %gather3A_367 = tpu.vector_load_idx %arg7[%add3A_366] : memref<3200xi32, #tpu.memory_space<vmem>>[vector<16xi32>], vector<16xi32>,
      %gather3A_368 = tpu.vector_load_idx %arg6[%gather3A_367] : memref<102400xf32, #tpu.memory_space<vmem>>[vector<16xi32>], vector<16xf32>,
      %add3A_369 = arith.addf %add3A_363, %gather3A_368 : vector<16xf32>
      %add3A_370 = arith.constant 56 : i32
      %add3A_371 = vector.broadcast %add3A_370 : i32 to vector<16xi32>
      %add3A_372 = arith.addi %mul3A_2, %add3A_371 : vector<16xi32>
      %gather3A_373 = tpu.vector_load_idx %arg7[%add3A_372] : memref<3200xi32, #tpu.memory_space<vmem>>[vector<16xi32>], vector<16xi32>,
      %gather3A_374 = tpu.vector_load_idx %arg6[%gather3A_373] : memref<102400xf32, #tpu.memory_space<vmem>>[vector<16xi32>], vector<16xf32>,
      %add3A_375 = arith.addf %add3A_369, %gather3A_374 : vector<16xf32>
      %add3A_376 = arith.constant 57 : i32
      %add3A_377 = vector.broadcast %add3A_376 : i32 to vector<16xi32>
      %add3A_378 = arith.addi %mul3A_2, %add3A_377 : vector<16xi32>
      %gather3A_379 = tpu.vector_load_idx %arg7[%add3A_378] : memref<3200xi32, #tpu.memory_space<vmem>>[vector<16xi32>], vector<16xi32>,
      %gather3A_380 = tpu.vector_load_idx %arg6[%gather3A_379] : memref<102400xf32, #tpu.memory_space<vmem>>[vector<16xi32>], vector<16xf32>,
      %add3A_381 = arith.addf %add3A_375, %gather3A_380 : vector<16xf32>
      %add3A_382 = arith.constant 58 : i32
      %add3A_383 = vector.broadcast %add3A_382 : i32 to vector<16xi32>
      %add3A_384 = arith.addi %mul3A_2, %add3A_383 : vector<16xi32>
      %gather3A_385 = tpu.vector_load_idx %arg7[%add3A_384] : memref<3200xi32, #tpu.memory_space<vmem>>[vector<16xi32>], vector<16xi32>,
      %gather3A_386 = tpu.vector_load_idx %arg6[%gather3A_385] : memref<102400xf32, #tpu.memory_space<vmem>>[vector<16xi32>], vector<16xf32>,
      %add3A_387 = arith.addf %add3A_381, %gather3A_386 : vector<16xf32>
      %add3A_388 = arith.constant 59 : i32
      %add3A_389 = vector.broadcast %add3A_388 : i32 to vector<16xi32>
      %add3A_390 = arith.addi %mul3A_2, %add3A_389 : vector<16xi32>
      %gather3A_391 = tpu.vector_load_idx %arg7[%add3A_390] : memref<3200xi32, #tpu.memory_space<vmem>>[vector<16xi32>], vector<16xi32>,
      %gather3A_392 = tpu.vector_load_idx %arg6[%gather3A_391] : memref<102400xf32, #tpu.memory_space<vmem>>[vector<16xi32>], vector<16xf32>,
      %add3A_393 = arith.addf %add3A_387, %gather3A_392 : vector<16xf32>
      %add3A_394 = arith.constant 60 : i32
      %add3A_395 = vector.broadcast %add3A_394 : i32 to vector<16xi32>
      %add3A_396 = arith.addi %mul3A_2, %add3A_395 : vector<16xi32>
      %gather3A_397 = tpu.vector_load_idx %arg7[%add3A_396] : memref<3200xi32, #tpu.memory_space<vmem>>[vector<16xi32>], vector<16xi32>,
      %gather3A_398 = tpu.vector_load_idx %arg6[%gather3A_397] : memref<102400xf32, #tpu.memory_space<vmem>>[vector<16xi32>], vector<16xf32>,
      %add3A_399 = arith.addf %add3A_393, %gather3A_398 : vector<16xf32>
      %add3A_400 = arith.constant 61 : i32
      %add3A_401 = vector.broadcast %add3A_400 : i32 to vector<16xi32>
      %add3A_402 = arith.addi %mul3A_2, %add3A_401 : vector<16xi32>
      %gather3A_403 = tpu.vector_load_idx %arg7[%add3A_402] : memref<3200xi32, #tpu.memory_space<vmem>>[vector<16xi32>], vector<16xi32>,
      %gather3A_404 = tpu.vector_load_idx %arg6[%gather3A_403] : memref<102400xf32, #tpu.memory_space<vmem>>[vector<16xi32>], vector<16xf32>,
      %add3A_405 = arith.addf %add3A_399, %gather3A_404 : vector<16xf32>
      %add3A_406 = arith.constant 62 : i32
      %add3A_407 = vector.broadcast %add3A_406 : i32 to vector<16xi32>
      %add3A_408 = arith.addi %mul3A_2, %add3A_407 : vector<16xi32>
      %gather3A_409 = tpu.vector_load_idx %arg7[%add3A_408] : memref<3200xi32, #tpu.memory_space<vmem>>[vector<16xi32>], vector<16xi32>,
      %gather3A_410 = tpu.vector_load_idx %arg6[%gather3A_409] : memref<102400xf32, #tpu.memory_space<vmem>>[vector<16xi32>], vector<16xf32>,
      %add3A_411 = arith.addf %add3A_405, %gather3A_410 : vector<16xf32>
      %add3A_412 = arith.constant 63 : i32
      %add3A_413 = vector.broadcast %add3A_412 : i32 to vector<16xi32>
      %add3A_414 = arith.addi %mul3A_2, %add3A_413 : vector<16xi32>
      %gather3A_415 = tpu.vector_load_idx %arg7[%add3A_414] : memref<3200xi32, #tpu.memory_space<vmem>>[vector<16xi32>], vector<16xi32>,
      %gather3A_416 = tpu.vector_load_idx %arg6[%gather3A_415] : memref<102400xf32, #tpu.memory_space<vmem>>[vector<16xi32>], vector<16xf32>,
      %add3A_417 = arith.addf %add3A_411, %gather3A_416 : vector<16xf32>
      %add3A_418 = arith.constant 64 : i32
      %add3A_419 = vector.broadcast %add3A_418 : i32 to vector<16xi32>
      %add3A_420 = arith.addi %mul3A_2, %add3A_419 : vector<16xi32>
      %gather3A_421 = tpu.vector_load_idx %arg7[%add3A_420] : memref<3200xi32, #tpu.memory_space<vmem>>[vector<16xi32>], vector<16xi32>,
      %gather3A_422 = tpu.vector_load_idx %arg6[%gather3A_421] : memref<102400xf32, #tpu.memory_space<vmem>>[vector<16xi32>], vector<16xf32>,
      %add3A_423 = arith.addf %add3A_417, %gather3A_422 : vector<16xf32>
      %add3A_424 = arith.constant 65 : i32
      %add3A_425 = vector.broadcast %add3A_424 : i32 to vector<16xi32>
      %add3A_426 = arith.addi %mul3A_2, %add3A_425 : vector<16xi32>
      %gather3A_427 = tpu.vector_load_idx %arg7[%add3A_426] : memref<3200xi32, #tpu.memory_space<vmem>>[vector<16xi32>], vector<16xi32>,
      %gather3A_428 = tpu.vector_load_idx %arg6[%gather3A_427] : memref<102400xf32, #tpu.memory_space<vmem>>[vector<16xi32>], vector<16xf32>,
      %add3A_429 = arith.addf %add3A_423, %gather3A_428 : vector<16xf32>
      %add3A_430 = arith.constant 66 : i32
      %add3A_431 = vector.broadcast %add3A_430 : i32 to vector<16xi32>
      %add3A_432 = arith.addi %mul3A_2, %add3A_431 : vector<16xi32>
      %gather3A_433 = tpu.vector_load_idx %arg7[%add3A_432] : memref<3200xi32, #tpu.memory_space<vmem>>[vector<16xi32>], vector<16xi32>,
      %gather3A_434 = tpu.vector_load_idx %arg6[%gather3A_433] : memref<102400xf32, #tpu.memory_space<vmem>>[vector<16xi32>], vector<16xf32>,
      %add3A_435 = arith.addf %add3A_429, %gather3A_434 : vector<16xf32>
      %add3A_436 = arith.constant 67 : i32
      %add3A_437 = vector.broadcast %add3A_436 : i32 to vector<16xi32>
      %add3A_438 = arith.addi %mul3A_2, %add3A_437 : vector<16xi32>
      %gather3A_439 = tpu.vector_load_idx %arg7[%add3A_438] : memref<3200xi32, #tpu.memory_space<vmem>>[vector<16xi32>], vector<16xi32>,
      %gather3A_440 = tpu.vector_load_idx %arg6[%gather3A_439] : memref<102400xf32, #tpu.memory_space<vmem>>[vector<16xi32>], vector<16xf32>,
      %add3A_441 = arith.addf %add3A_435, %gather3A_440 : vector<16xf32>
      %add3A_442 = arith.constant 68 : i32
      %add3A_443 = vector.broadcast %add3A_442 : i32 to vector<16xi32>
      %add3A_444 = arith.addi %mul3A_2, %add3A_443 : vector<16xi32>
      %gather3A_445 = tpu.vector_load_idx %arg7[%add3A_444] : memref<3200xi32, #tpu.memory_space<vmem>>[vector<16xi32>], vector<16xi32>,
      %gather3A_446 = tpu.vector_load_idx %arg6[%gather3A_445] : memref<102400xf32, #tpu.memory_space<vmem>>[vector<16xi32>], vector<16xf32>,
      %add3A_447 = arith.addf %add3A_441, %gather3A_446 : vector<16xf32>
      %add3A_448 = arith.constant 69 : i32
      %add3A_449 = vector.broadcast %add3A_448 : i32 to vector<16xi32>
      %add3A_450 = arith.addi %mul3A_2, %add3A_449 : vector<16xi32>
      %gather3A_451 = tpu.vector_load_idx %arg7[%add3A_450] : memref<3200xi32, #tpu.memory_space<vmem>>[vector<16xi32>], vector<16xi32>,
      %gather3A_452 = tpu.vector_load_idx %arg6[%gather3A_451] : memref<102400xf32, #tpu.memory_space<vmem>>[vector<16xi32>], vector<16xf32>,
      %add3A_453 = arith.addf %add3A_447, %gather3A_452 : vector<16xf32>
      %add3A_454 = arith.constant 70 : i32
      %add3A_455 = vector.broadcast %add3A_454 : i32 to vector<16xi32>
      %add3A_456 = arith.addi %mul3A_2, %add3A_455 : vector<16xi32>
      %gather3A_457 = tpu.vector_load_idx %arg7[%add3A_456] : memref<3200xi32, #tpu.memory_space<vmem>>[vector<16xi32>], vector<16xi32>,
      %gather3A_458 = tpu.vector_load_idx %arg6[%gather3A_457] : memref<102400xf32, #tpu.memory_space<vmem>>[vector<16xi32>], vector<16xf32>,
      %add3A_459 = arith.addf %add3A_453, %gather3A_458 : vector<16xf32>
      %add3A_460 = arith.constant 71 : i32
      %add3A_461 = vector.broadcast %add3A_460 : i32 to vector<16xi32>
      %add3A_462 = arith.addi %mul3A_2, %add3A_461 : vector<16xi32>
      %gather3A_463 = tpu.vector_load_idx %arg7[%add3A_462] : memref<3200xi32, #tpu.memory_space<vmem>>[vector<16xi32>], vector<16xi32>,
      %gather3A_464 = tpu.vector_load_idx %arg6[%gather3A_463] : memref<102400xf32, #tpu.memory_space<vmem>>[vector<16xi32>], vector<16xf32>,
      %add3A_465 = arith.addf %add3A_459, %gather3A_464 : vector<16xf32>
      %add3A_466 = arith.constant 72 : i32
      %add3A_467 = vector.broadcast %add3A_466 : i32 to vector<16xi32>
      %add3A_468 = arith.addi %mul3A_2, %add3A_467 : vector<16xi32>
      %gather3A_469 = tpu.vector_load_idx %arg7[%add3A_468] : memref<3200xi32, #tpu.memory_space<vmem>>[vector<16xi32>], vector<16xi32>,
      %gather3A_470 = tpu.vector_load_idx %arg6[%gather3A_469] : memref<102400xf32, #tpu.memory_space<vmem>>[vector<16xi32>], vector<16xf32>,
      %add3A_471 = arith.addf %add3A_465, %gather3A_470 : vector<16xf32>
      %add3A_472 = arith.constant 73 : i32
      %add3A_473 = vector.broadcast %add3A_472 : i32 to vector<16xi32>
      %add3A_474 = arith.addi %mul3A_2, %add3A_473 : vector<16xi32>
      %gather3A_475 = tpu.vector_load_idx %arg7[%add3A_474] : memref<3200xi32, #tpu.memory_space<vmem>>[vector<16xi32>], vector<16xi32>,
      %gather3A_476 = tpu.vector_load_idx %arg6[%gather3A_475] : memref<102400xf32, #tpu.memory_space<vmem>>[vector<16xi32>], vector<16xf32>,
      %add3A_477 = arith.addf %add3A_471, %gather3A_476 : vector<16xf32>
      %add3A_478 = arith.constant 74 : i32
      %add3A_479 = vector.broadcast %add3A_478 : i32 to vector<16xi32>
      %add3A_480 = arith.addi %mul3A_2, %add3A_479 : vector<16xi32>
      %gather3A_481 = tpu.vector_load_idx %arg7[%add3A_480] : memref<3200xi32, #tpu.memory_space<vmem>>[vector<16xi32>], vector<16xi32>,
      %gather3A_482 = tpu.vector_load_idx %arg6[%gather3A_481] : memref<102400xf32, #tpu.memory_space<vmem>>[vector<16xi32>], vector<16xf32>,
      %add3A_483 = arith.addf %add3A_477, %gather3A_482 : vector<16xf32>
      %add3A_484 = arith.constant 75 : i32
      %add3A_485 = vector.broadcast %add3A_484 : i32 to vector<16xi32>
      %add3A_486 = arith.addi %mul3A_2, %add3A_485 : vector<16xi32>
      %gather3A_487 = tpu.vector_load_idx %arg7[%add3A_486] : memref<3200xi32, #tpu.memory_space<vmem>>[vector<16xi32>], vector<16xi32>,
      %gather3A_488 = tpu.vector_load_idx %arg6[%gather3A_487] : memref<102400xf32, #tpu.memory_space<vmem>>[vector<16xi32>], vector<16xf32>,
      %add3A_489 = arith.addf %add3A_483, %gather3A_488 : vector<16xf32>
      %add3A_490 = arith.constant 76 : i32
      %add3A_491 = vector.broadcast %add3A_490 : i32 to vector<16xi32>
      %add3A_492 = arith.addi %mul3A_2, %add3A_491 : vector<16xi32>
      %gather3A_493 = tpu.vector_load_idx %arg7[%add3A_492] : memref<3200xi32, #tpu.memory_space<vmem>>[vector<16xi32>], vector<16xi32>,
      %gather3A_494 = tpu.vector_load_idx %arg6[%gather3A_493] : memref<102400xf32, #tpu.memory_space<vmem>>[vector<16xi32>], vector<16xf32>,
      %add3A_495 = arith.addf %add3A_489, %gather3A_494 : vector<16xf32>
      %add3A_496 = arith.constant 77 : i32
      %add3A_497 = vector.broadcast %add3A_496 : i32 to vector<16xi32>
      %add3A_498 = arith.addi %mul3A_2, %add3A_497 : vector<16xi32>
      %gather3A_499 = tpu.vector_load_idx %arg7[%add3A_498] : memref<3200xi32, #tpu.memory_space<vmem>>[vector<16xi32>], vector<16xi32>,
      %gather3A_500 = tpu.vector_load_idx %arg6[%gather3A_499] : memref<102400xf32, #tpu.memory_space<vmem>>[vector<16xi32>], vector<16xf32>,
      %add3A_501 = arith.addf %add3A_495, %gather3A_500 : vector<16xf32>
      %add3A_502 = arith.constant 78 : i32
      %add3A_503 = vector.broadcast %add3A_502 : i32 to vector<16xi32>
      %add3A_504 = arith.addi %mul3A_2, %add3A_503 : vector<16xi32>
      %gather3A_505 = tpu.vector_load_idx %arg7[%add3A_504] : memref<3200xi32, #tpu.memory_space<vmem>>[vector<16xi32>], vector<16xi32>,
      %gather3A_506 = tpu.vector_load_idx %arg6[%gather3A_505] : memref<102400xf32, #tpu.memory_space<vmem>>[vector<16xi32>], vector<16xf32>,
      %add3A_507 = arith.addf %add3A_501, %gather3A_506 : vector<16xf32>
      %add3A_508 = arith.constant 79 : i32
      %add3A_509 = vector.broadcast %add3A_508 : i32 to vector<16xi32>
      %add3A_510 = arith.addi %mul3A_2, %add3A_509 : vector<16xi32>
      %gather3A_511 = tpu.vector_load_idx %arg7[%add3A_510] : memref<3200xi32, #tpu.memory_space<vmem>>[vector<16xi32>], vector<16xi32>,
      %gather3A_512 = tpu.vector_load_idx %arg6[%gather3A_511] : memref<102400xf32, #tpu.memory_space<vmem>>[vector<16xi32>], vector<16xf32>,
      %add3A_513 = arith.addf %add3A_507, %gather3A_512 : vector<16xf32>
      %add3A_514 = arith.constant 80 : i32
      %add3A_515 = vector.broadcast %add3A_514 : i32 to vector<16xi32>
      %add3A_516 = arith.addi %mul3A_2, %add3A_515 : vector<16xi32>
      %gather3A_517 = tpu.vector_load_idx %arg7[%add3A_516] : memref<3200xi32, #tpu.memory_space<vmem>>[vector<16xi32>], vector<16xi32>,
      %gather3A_518 = tpu.vector_load_idx %arg6[%gather3A_517] : memref<102400xf32, #tpu.memory_space<vmem>>[vector<16xi32>], vector<16xf32>,
      %add3A_519 = arith.addf %add3A_513, %gather3A_518 : vector<16xf32>
      %add3A_520 = arith.constant 81 : i32
      %add3A_521 = vector.broadcast %add3A_520 : i32 to vector<16xi32>
      %add3A_522 = arith.addi %mul3A_2, %add3A_521 : vector<16xi32>
      %gather3A_523 = tpu.vector_load_idx %arg7[%add3A_522] : memref<3200xi32, #tpu.memory_space<vmem>>[vector<16xi32>], vector<16xi32>,
      %gather3A_524 = tpu.vector_load_idx %arg6[%gather3A_523] : memref<102400xf32, #tpu.memory_space<vmem>>[vector<16xi32>], vector<16xf32>,
      %add3A_525 = arith.addf %add3A_519, %gather3A_524 : vector<16xf32>
      %add3A_526 = arith.constant 82 : i32
      %add3A_527 = vector.broadcast %add3A_526 : i32 to vector<16xi32>
      %add3A_528 = arith.addi %mul3A_2, %add3A_527 : vector<16xi32>
      %gather3A_529 = tpu.vector_load_idx %arg7[%add3A_528] : memref<3200xi32, #tpu.memory_space<vmem>>[vector<16xi32>], vector<16xi32>,
      %gather3A_530 = tpu.vector_load_idx %arg6[%gather3A_529] : memref<102400xf32, #tpu.memory_space<vmem>>[vector<16xi32>], vector<16xf32>,
      %add3A_531 = arith.addf %add3A_525, %gather3A_530 : vector<16xf32>
      %add3A_532 = arith.constant 83 : i32
      %add3A_533 = vector.broadcast %add3A_532 : i32 to vector<16xi32>
      %add3A_534 = arith.addi %mul3A_2, %add3A_533 : vector<16xi32>
      %gather3A_535 = tpu.vector_load_idx %arg7[%add3A_534] : memref<3200xi32, #tpu.memory_space<vmem>>[vector<16xi32>], vector<16xi32>,
      %gather3A_536 = tpu.vector_load_idx %arg6[%gather3A_535] : memref<102400xf32, #tpu.memory_space<vmem>>[vector<16xi32>], vector<16xf32>,
      %add3A_537 = arith.addf %add3A_531, %gather3A_536 : vector<16xf32>
      %add3A_538 = arith.constant 84 : i32
      %add3A_539 = vector.broadcast %add3A_538 : i32 to vector<16xi32>
      %add3A_540 = arith.addi %mul3A_2, %add3A_539 : vector<16xi32>
      %gather3A_541 = tpu.vector_load_idx %arg7[%add3A_540] : memref<3200xi32, #tpu.memory_space<vmem>>[vector<16xi32>], vector<16xi32>,
      %gather3A_542 = tpu.vector_load_idx %arg6[%gather3A_541] : memref<102400xf32, #tpu.memory_space<vmem>>[vector<16xi32>], vector<16xf32>,
      %add3A_543 = arith.addf %add3A_537, %gather3A_542 : vector<16xf32>
      %add3A_544 = arith.constant 85 : i32
      %add3A_545 = vector.broadcast %add3A_544 : i32 to vector<16xi32>
      %add3A_546 = arith.addi %mul3A_2, %add3A_545 : vector<16xi32>
      %gather3A_547 = tpu.vector_load_idx %arg7[%add3A_546] : memref<3200xi32, #tpu.memory_space<vmem>>[vector<16xi32>], vector<16xi32>,
      %gather3A_548 = tpu.vector_load_idx %arg6[%gather3A_547] : memref<102400xf32, #tpu.memory_space<vmem>>[vector<16xi32>], vector<16xf32>,
      %add3A_549 = arith.addf %add3A_543, %gather3A_548 : vector<16xf32>
      %add3A_550 = arith.constant 86 : i32
      %add3A_551 = vector.broadcast %add3A_550 : i32 to vector<16xi32>
      %add3A_552 = arith.addi %mul3A_2, %add3A_551 : vector<16xi32>
      %gather3A_553 = tpu.vector_load_idx %arg7[%add3A_552] : memref<3200xi32, #tpu.memory_space<vmem>>[vector<16xi32>], vector<16xi32>,
      %gather3A_554 = tpu.vector_load_idx %arg6[%gather3A_553] : memref<102400xf32, #tpu.memory_space<vmem>>[vector<16xi32>], vector<16xf32>,
      %add3A_555 = arith.addf %add3A_549, %gather3A_554 : vector<16xf32>
      %add3A_556 = arith.constant 87 : i32
      %add3A_557 = vector.broadcast %add3A_556 : i32 to vector<16xi32>
      %add3A_558 = arith.addi %mul3A_2, %add3A_557 : vector<16xi32>
      %gather3A_559 = tpu.vector_load_idx %arg7[%add3A_558] : memref<3200xi32, #tpu.memory_space<vmem>>[vector<16xi32>], vector<16xi32>,
      %gather3A_560 = tpu.vector_load_idx %arg6[%gather3A_559] : memref<102400xf32, #tpu.memory_space<vmem>>[vector<16xi32>], vector<16xf32>,
      %add3A_561 = arith.addf %add3A_555, %gather3A_560 : vector<16xf32>
      %add3A_562 = arith.constant 88 : i32
      %add3A_563 = vector.broadcast %add3A_562 : i32 to vector<16xi32>
      %add3A_564 = arith.addi %mul3A_2, %add3A_563 : vector<16xi32>
      %gather3A_565 = tpu.vector_load_idx %arg7[%add3A_564] : memref<3200xi32, #tpu.memory_space<vmem>>[vector<16xi32>], vector<16xi32>,
      %gather3A_566 = tpu.vector_load_idx %arg6[%gather3A_565] : memref<102400xf32, #tpu.memory_space<vmem>>[vector<16xi32>], vector<16xf32>,
      %add3A_567 = arith.addf %add3A_561, %gather3A_566 : vector<16xf32>
      %add3A_568 = arith.constant 89 : i32
      %add3A_569 = vector.broadcast %add3A_568 : i32 to vector<16xi32>
      %add3A_570 = arith.addi %mul3A_2, %add3A_569 : vector<16xi32>
      %gather3A_571 = tpu.vector_load_idx %arg7[%add3A_570] : memref<3200xi32, #tpu.memory_space<vmem>>[vector<16xi32>], vector<16xi32>,
      %gather3A_572 = tpu.vector_load_idx %arg6[%gather3A_571] : memref<102400xf32, #tpu.memory_space<vmem>>[vector<16xi32>], vector<16xf32>,
      %add3A_573 = arith.addf %add3A_567, %gather3A_572 : vector<16xf32>
      %add3A_574 = arith.constant 90 : i32
      %add3A_575 = vector.broadcast %add3A_574 : i32 to vector<16xi32>
      %add3A_576 = arith.addi %mul3A_2, %add3A_575 : vector<16xi32>
      %gather3A_577 = tpu.vector_load_idx %arg7[%add3A_576] : memref<3200xi32, #tpu.memory_space<vmem>>[vector<16xi32>], vector<16xi32>,
      %gather3A_578 = tpu.vector_load_idx %arg6[%gather3A_577] : memref<102400xf32, #tpu.memory_space<vmem>>[vector<16xi32>], vector<16xf32>,
      %add3A_579 = arith.addf %add3A_573, %gather3A_578 : vector<16xf32>
      %add3A_580 = arith.constant 91 : i32
      %add3A_581 = vector.broadcast %add3A_580 : i32 to vector<16xi32>
      %add3A_582 = arith.addi %mul3A_2, %add3A_581 : vector<16xi32>
      %gather3A_583 = tpu.vector_load_idx %arg7[%add3A_582] : memref<3200xi32, #tpu.memory_space<vmem>>[vector<16xi32>], vector<16xi32>,
      %gather3A_584 = tpu.vector_load_idx %arg6[%gather3A_583] : memref<102400xf32, #tpu.memory_space<vmem>>[vector<16xi32>], vector<16xf32>,
      %add3A_585 = arith.addf %add3A_579, %gather3A_584 : vector<16xf32>
      %add3A_586 = arith.constant 92 : i32
      %add3A_587 = vector.broadcast %add3A_586 : i32 to vector<16xi32>
      %add3A_588 = arith.addi %mul3A_2, %add3A_587 : vector<16xi32>
      %gather3A_589 = tpu.vector_load_idx %arg7[%add3A_588] : memref<3200xi32, #tpu.memory_space<vmem>>[vector<16xi32>], vector<16xi32>,
      %gather3A_590 = tpu.vector_load_idx %arg6[%gather3A_589] : memref<102400xf32, #tpu.memory_space<vmem>>[vector<16xi32>], vector<16xf32>,
      %add3A_591 = arith.addf %add3A_585, %gather3A_590 : vector<16xf32>
      %add3A_592 = arith.constant 93 : i32
      %add3A_593 = vector.broadcast %add3A_592 : i32 to vector<16xi32>
      %add3A_594 = arith.addi %mul3A_2, %add3A_593 : vector<16xi32>
      %gather3A_595 = tpu.vector_load_idx %arg7[%add3A_594] : memref<3200xi32, #tpu.memory_space<vmem>>[vector<16xi32>], vector<16xi32>,
      %gather3A_596 = tpu.vector_load_idx %arg6[%gather3A_595] : memref<102400xf32, #tpu.memory_space<vmem>>[vector<16xi32>], vector<16xf32>,
      %add3A_597 = arith.addf %add3A_591, %gather3A_596 : vector<16xf32>
      %add3A_598 = arith.constant 94 : i32
      %add3A_599 = vector.broadcast %add3A_598 : i32 to vector<16xi32>
      %add3A_600 = arith.addi %mul3A_2, %add3A_599 : vector<16xi32>
      %gather3A_601 = tpu.vector_load_idx %arg7[%add3A_600] : memref<3200xi32, #tpu.memory_space<vmem>>[vector<16xi32>], vector<16xi32>,
      %gather3A_602 = tpu.vector_load_idx %arg6[%gather3A_601] : memref<102400xf32, #tpu.memory_space<vmem>>[vector<16xi32>], vector<16xf32>,
      %add3A_603 = arith.addf %add3A_597, %gather3A_602 : vector<16xf32>
      %add3A_604 = arith.constant 95 : i32
      %add3A_605 = vector.broadcast %add3A_604 : i32 to vector<16xi32>
      %add3A_606 = arith.addi %mul3A_2, %add3A_605 : vector<16xi32>
      %gather3A_607 = tpu.vector_load_idx %arg7[%add3A_606] : memref<3200xi32, #tpu.memory_space<vmem>>[vector<16xi32>], vector<16xi32>,
      %gather3A_608 = tpu.vector_load_idx %arg6[%gather3A_607] : memref<102400xf32, #tpu.memory_space<vmem>>[vector<16xi32>], vector<16xf32>,
      %add3A_609 = arith.addf %add3A_603, %gather3A_608 : vector<16xf32>
      %add3A_610 = arith.constant 96 : i32
      %add3A_611 = vector.broadcast %add3A_610 : i32 to vector<16xi32>
      %add3A_612 = arith.addi %mul3A_2, %add3A_611 : vector<16xi32>
      %gather3A_613 = tpu.vector_load_idx %arg7[%add3A_612] : memref<3200xi32, #tpu.memory_space<vmem>>[vector<16xi32>], vector<16xi32>,
      %gather3A_614 = tpu.vector_load_idx %arg6[%gather3A_613] : memref<102400xf32, #tpu.memory_space<vmem>>[vector<16xi32>], vector<16xf32>,
      %add3A_615 = arith.addf %add3A_609, %gather3A_614 : vector<16xf32>
      %add3A_616 = arith.constant 97 : i32
      %add3A_617 = vector.broadcast %add3A_616 : i32 to vector<16xi32>
      %add3A_618 = arith.addi %mul3A_2, %add3A_617 : vector<16xi32>
      %gather3A_619 = tpu.vector_load_idx %arg7[%add3A_618] : memref<3200xi32, #tpu.memory_space<vmem>>[vector<16xi32>], vector<16xi32>,
      %gather3A_620 = tpu.vector_load_idx %arg6[%gather3A_619] : memref<102400xf32, #tpu.memory_space<vmem>>[vector<16xi32>], vector<16xf32>,
      %add3A_621 = arith.addf %add3A_615, %gather3A_620 : vector<16xf32>
      %add3A_622 = arith.constant 98 : i32
      %add3A_623 = vector.broadcast %add3A_622 : i32 to vector<16xi32>
      %add3A_624 = arith.addi %mul3A_2, %add3A_623 : vector<16xi32>
      %gather3A_625 = tpu.vector_load_idx %arg7[%add3A_624] : memref<3200xi32, #tpu.memory_space<vmem>>[vector<16xi32>], vector<16xi32>,
      %gather3A_626 = tpu.vector_load_idx %arg6[%gather3A_625] : memref<102400xf32, #tpu.memory_space<vmem>>[vector<16xi32>], vector<16xf32>,
      %add3A_627 = arith.addf %add3A_621, %gather3A_626 : vector<16xf32>
      %add3A_628 = arith.constant 99 : i32
      %add3A_629 = vector.broadcast %add3A_628 : i32 to vector<16xi32>
      %add3A_630 = arith.addi %mul3A_2, %add3A_629 : vector<16xi32>
      %gather3A_631 = tpu.vector_load_idx %arg7[%add3A_630] : memref<3200xi32, #tpu.memory_space<vmem>>[vector<16xi32>], vector<16xi32>,
      %gather3A_632 = tpu.vector_load_idx %arg6[%gather3A_631] : memref<102400xf32, #tpu.memory_space<vmem>>[vector<16xi32>], vector<16xf32>,
      %add3A_633 = arith.addf %add3A_627, %gather3A_632 : vector<16xf32>
      %add3A_634 = arith.constant 100 : i32
      %add3A_635 = vector.broadcast %add3A_634 : i32 to vector<16xi32>
      %add3A_636 = arith.addi %mul3A_2, %add3A_635 : vector<16xi32>
      %gather3A_637 = tpu.vector_load_idx %arg7[%add3A_636] : memref<3200xi32, #tpu.memory_space<vmem>>[vector<16xi32>], vector<16xi32>,
      %gather3A_638 = tpu.vector_load_idx %arg6[%gather3A_637] : memref<102400xf32, #tpu.memory_space<vmem>>[vector<16xi32>], vector<16xf32>,
      %add3A_639 = arith.addf %add3A_633, %gather3A_638 : vector<16xf32>
      %add3A_640 = arith.constant 101 : i32
      %add3A_641 = vector.broadcast %add3A_640 : i32 to vector<16xi32>
      %add3A_642 = arith.addi %mul3A_2, %add3A_641 : vector<16xi32>
      %gather3A_643 = tpu.vector_load_idx %arg7[%add3A_642] : memref<3200xi32, #tpu.memory_space<vmem>>[vector<16xi32>], vector<16xi32>,
      %gather3A_644 = tpu.vector_load_idx %arg6[%gather3A_643] : memref<102400xf32, #tpu.memory_space<vmem>>[vector<16xi32>], vector<16xf32>,
      %add3A_645 = arith.addf %add3A_639, %gather3A_644 : vector<16xf32>
      %add3A_646 = arith.constant 102 : i32
      %add3A_647 = vector.broadcast %add3A_646 : i32 to vector<16xi32>
      %add3A_648 = arith.addi %mul3A_2, %add3A_647 : vector<16xi32>
      %gather3A_649 = tpu.vector_load_idx %arg7[%add3A_648] : memref<3200xi32, #tpu.memory_space<vmem>>[vector<16xi32>], vector<16xi32>,
      %gather3A_650 = tpu.vector_load_idx %arg6[%gather3A_649] : memref<102400xf32, #tpu.memory_space<vmem>>[vector<16xi32>], vector<16xf32>,
      %add3A_651 = arith.addf %add3A_645, %gather3A_650 : vector<16xf32>
      %add3A_652 = arith.constant 103 : i32
      %add3A_653 = vector.broadcast %add3A_652 : i32 to vector<16xi32>
      %add3A_654 = arith.addi %mul3A_2, %add3A_653 : vector<16xi32>
      %gather3A_655 = tpu.vector_load_idx %arg7[%add3A_654] : memref<3200xi32, #tpu.memory_space<vmem>>[vector<16xi32>], vector<16xi32>,
      %gather3A_656 = tpu.vector_load_idx %arg6[%gather3A_655] : memref<102400xf32, #tpu.memory_space<vmem>>[vector<16xi32>], vector<16xf32>,
      %add3A_657 = arith.addf %add3A_651, %gather3A_656 : vector<16xf32>
      %add3A_658 = arith.constant 104 : i32
      %add3A_659 = vector.broadcast %add3A_658 : i32 to vector<16xi32>
      %add3A_660 = arith.addi %mul3A_2, %add3A_659 : vector<16xi32>
      %gather3A_661 = tpu.vector_load_idx %arg7[%add3A_660] : memref<3200xi32, #tpu.memory_space<vmem>>[vector<16xi32>], vector<16xi32>,
      %gather3A_662 = tpu.vector_load_idx %arg6[%gather3A_661] : memref<102400xf32, #tpu.memory_space<vmem>>[vector<16xi32>], vector<16xf32>,
      %add3A_663 = arith.addf %add3A_657, %gather3A_662 : vector<16xf32>
      %add3A_664 = arith.constant 105 : i32
      %add3A_665 = vector.broadcast %add3A_664 : i32 to vector<16xi32>
      %add3A_666 = arith.addi %mul3A_2, %add3A_665 : vector<16xi32>
      %gather3A_667 = tpu.vector_load_idx %arg7[%add3A_666] : memref<3200xi32, #tpu.memory_space<vmem>>[vector<16xi32>], vector<16xi32>,
      %gather3A_668 = tpu.vector_load_idx %arg6[%gather3A_667] : memref<102400xf32, #tpu.memory_space<vmem>>[vector<16xi32>], vector<16xf32>,
      %add3A_669 = arith.addf %add3A_663, %gather3A_668 : vector<16xf32>
      %add3A_670 = arith.constant 106 : i32
      %add3A_671 = vector.broadcast %add3A_670 : i32 to vector<16xi32>
      %add3A_672 = arith.addi %mul3A_2, %add3A_671 : vector<16xi32>
      %gather3A_673 = tpu.vector_load_idx %arg7[%add3A_672] : memref<3200xi32, #tpu.memory_space<vmem>>[vector<16xi32>], vector<16xi32>,
      %gather3A_674 = tpu.vector_load_idx %arg6[%gather3A_673] : memref<102400xf32, #tpu.memory_space<vmem>>[vector<16xi32>], vector<16xf32>,
      %add3A_675 = arith.addf %add3A_669, %gather3A_674 : vector<16xf32>
      %add3A_676 = arith.constant 107 : i32
      %add3A_677 = vector.broadcast %add3A_676 : i32 to vector<16xi32>
      %add3A_678 = arith.addi %mul3A_2, %add3A_677 : vector<16xi32>
      %gather3A_679 = tpu.vector_load_idx %arg7[%add3A_678] : memref<3200xi32, #tpu.memory_space<vmem>>[vector<16xi32>], vector<16xi32>,
      %gather3A_680 = tpu.vector_load_idx %arg6[%gather3A_679] : memref<102400xf32, #tpu.memory_space<vmem>>[vector<16xi32>], vector<16xf32>,
      %add3A_681 = arith.addf %add3A_675, %gather3A_680 : vector<16xf32>
      %add3A_682 = arith.constant 108 : i32
      %add3A_683 = vector.broadcast %add3A_682 : i32 to vector<16xi32>
      %add3A_684 = arith.addi %mul3A_2, %add3A_683 : vector<16xi32>
      %gather3A_685 = tpu.vector_load_idx %arg7[%add3A_684] : memref<3200xi32, #tpu.memory_space<vmem>>[vector<16xi32>], vector<16xi32>,
      %gather3A_686 = tpu.vector_load_idx %arg6[%gather3A_685] : memref<102400xf32, #tpu.memory_space<vmem>>[vector<16xi32>], vector<16xf32>,
      %add3A_687 = arith.addf %add3A_681, %gather3A_686 : vector<16xf32>
      %add3A_688 = arith.constant 109 : i32
      %add3A_689 = vector.broadcast %add3A_688 : i32 to vector<16xi32>
      %add3A_690 = arith.addi %mul3A_2, %add3A_689 : vector<16xi32>
      %gather3A_691 = tpu.vector_load_idx %arg7[%add3A_690] : memref<3200xi32, #tpu.memory_space<vmem>>[vector<16xi32>], vector<16xi32>,
      %gather3A_692 = tpu.vector_load_idx %arg6[%gather3A_691] : memref<102400xf32, #tpu.memory_space<vmem>>[vector<16xi32>], vector<16xf32>,
      %add3A_693 = arith.addf %add3A_687, %gather3A_692 : vector<16xf32>
      %add3A_694 = arith.constant 110 : i32
      %add3A_695 = vector.broadcast %add3A_694 : i32 to vector<16xi32>
      %add3A_696 = arith.addi %mul3A_2, %add3A_695 : vector<16xi32>
      %gather3A_697 = tpu.vector_load_idx %arg7[%add3A_696] : memref<3200xi32, #tpu.memory_space<vmem>>[vector<16xi32>], vector<16xi32>,
      %gather3A_698 = tpu.vector_load_idx %arg6[%gather3A_697] : memref<102400xf32, #tpu.memory_space<vmem>>[vector<16xi32>], vector<16xf32>,
      %add3A_699 = arith.addf %add3A_693, %gather3A_698 : vector<16xf32>
      %add3A_700 = arith.constant 111 : i32
      %add3A_701 = vector.broadcast %add3A_700 : i32 to vector<16xi32>
      %add3A_702 = arith.addi %mul3A_2, %add3A_701 : vector<16xi32>
      %gather3A_703 = tpu.vector_load_idx %arg7[%add3A_702] : memref<3200xi32, #tpu.memory_space<vmem>>[vector<16xi32>], vector<16xi32>,
      %gather3A_704 = tpu.vector_load_idx %arg6[%gather3A_703] : memref<102400xf32, #tpu.memory_space<vmem>>[vector<16xi32>], vector<16xf32>,
      %add3A_705 = arith.addf %add3A_699, %gather3A_704 : vector<16xf32>
      %add3A_706 = arith.constant 112 : i32
      %add3A_707 = vector.broadcast %add3A_706 : i32 to vector<16xi32>
      %add3A_708 = arith.addi %mul3A_2, %add3A_707 : vector<16xi32>
      %gather3A_709 = tpu.vector_load_idx %arg7[%add3A_708] : memref<3200xi32, #tpu.memory_space<vmem>>[vector<16xi32>], vector<16xi32>,
      %gather3A_710 = tpu.vector_load_idx %arg6[%gather3A_709] : memref<102400xf32, #tpu.memory_space<vmem>>[vector<16xi32>], vector<16xf32>,
      %add3A_711 = arith.addf %add3A_705, %gather3A_710 : vector<16xf32>
      %add3A_712 = arith.constant 113 : i32
      %add3A_713 = vector.broadcast %add3A_712 : i32 to vector<16xi32>
      %add3A_714 = arith.addi %mul3A_2, %add3A_713 : vector<16xi32>
      %gather3A_715 = tpu.vector_load_idx %arg7[%add3A_714] : memref<3200xi32, #tpu.memory_space<vmem>>[vector<16xi32>], vector<16xi32>,
      %gather3A_716 = tpu.vector_load_idx %arg6[%gather3A_715] : memref<102400xf32, #tpu.memory_space<vmem>>[vector<16xi32>], vector<16xf32>,
      %add3A_717 = arith.addf %add3A_711, %gather3A_716 : vector<16xf32>
      %add3A_718 = arith.constant 114 : i32
      %add3A_719 = vector.broadcast %add3A_718 : i32 to vector<16xi32>
      %add3A_720 = arith.addi %mul3A_2, %add3A_719 : vector<16xi32>
      %gather3A_721 = tpu.vector_load_idx %arg7[%add3A_720] : memref<3200xi32, #tpu.memory_space<vmem>>[vector<16xi32>], vector<16xi32>,
      %gather3A_722 = tpu.vector_load_idx %arg6[%gather3A_721] : memref<102400xf32, #tpu.memory_space<vmem>>[vector<16xi32>], vector<16xf32>,
      %add3A_723 = arith.addf %add3A_717, %gather3A_722 : vector<16xf32>
      %add3A_724 = arith.constant 115 : i32
      %add3A_725 = vector.broadcast %add3A_724 : i32 to vector<16xi32>
      %add3A_726 = arith.addi %mul3A_2, %add3A_725 : vector<16xi32>
      %gather3A_727 = tpu.vector_load_idx %arg7[%add3A_726] : memref<3200xi32, #tpu.memory_space<vmem>>[vector<16xi32>], vector<16xi32>,
      %gather3A_728 = tpu.vector_load_idx %arg6[%gather3A_727] : memref<102400xf32, #tpu.memory_space<vmem>>[vector<16xi32>], vector<16xf32>,
      %add3A_729 = arith.addf %add3A_723, %gather3A_728 : vector<16xf32>
      %add3A_730 = arith.constant 116 : i32
      %add3A_731 = vector.broadcast %add3A_730 : i32 to vector<16xi32>
      %add3A_732 = arith.addi %mul3A_2, %add3A_731 : vector<16xi32>
      %gather3A_733 = tpu.vector_load_idx %arg7[%add3A_732] : memref<3200xi32, #tpu.memory_space<vmem>>[vector<16xi32>], vector<16xi32>,
      %gather3A_734 = tpu.vector_load_idx %arg6[%gather3A_733] : memref<102400xf32, #tpu.memory_space<vmem>>[vector<16xi32>], vector<16xf32>,
      %add3A_735 = arith.addf %add3A_729, %gather3A_734 : vector<16xf32>
      %add3A_736 = arith.constant 117 : i32
      %add3A_737 = vector.broadcast %add3A_736 : i32 to vector<16xi32>
      %add3A_738 = arith.addi %mul3A_2, %add3A_737 : vector<16xi32>
      %gather3A_739 = tpu.vector_load_idx %arg7[%add3A_738] : memref<3200xi32, #tpu.memory_space<vmem>>[vector<16xi32>], vector<16xi32>,
      %gather3A_740 = tpu.vector_load_idx %arg6[%gather3A_739] : memref<102400xf32, #tpu.memory_space<vmem>>[vector<16xi32>], vector<16xf32>,
      %add3A_741 = arith.addf %add3A_735, %gather3A_740 : vector<16xf32>
      %add3A_742 = arith.constant 118 : i32
      %add3A_743 = vector.broadcast %add3A_742 : i32 to vector<16xi32>
      %add3A_744 = arith.addi %mul3A_2, %add3A_743 : vector<16xi32>
      %gather3A_745 = tpu.vector_load_idx %arg7[%add3A_744] : memref<3200xi32, #tpu.memory_space<vmem>>[vector<16xi32>], vector<16xi32>,
      %gather3A_746 = tpu.vector_load_idx %arg6[%gather3A_745] : memref<102400xf32, #tpu.memory_space<vmem>>[vector<16xi32>], vector<16xf32>,
      %add3A_747 = arith.addf %add3A_741, %gather3A_746 : vector<16xf32>
      %add3A_748 = arith.constant 119 : i32
      %add3A_749 = vector.broadcast %add3A_748 : i32 to vector<16xi32>
      %add3A_750 = arith.addi %mul3A_2, %add3A_749 : vector<16xi32>
      %gather3A_751 = tpu.vector_load_idx %arg7[%add3A_750] : memref<3200xi32, #tpu.memory_space<vmem>>[vector<16xi32>], vector<16xi32>,
      %gather3A_752 = tpu.vector_load_idx %arg6[%gather3A_751] : memref<102400xf32, #tpu.memory_space<vmem>>[vector<16xi32>], vector<16xf32>,
      %add3A_753 = arith.addf %add3A_747, %gather3A_752 : vector<16xf32>
      %add3A_754 = arith.constant 120 : i32
      %add3A_755 = vector.broadcast %add3A_754 : i32 to vector<16xi32>
      %add3A_756 = arith.addi %mul3A_2, %add3A_755 : vector<16xi32>
      %gather3A_757 = tpu.vector_load_idx %arg7[%add3A_756] : memref<3200xi32, #tpu.memory_space<vmem>>[vector<16xi32>], vector<16xi32>,
      %gather3A_758 = tpu.vector_load_idx %arg6[%gather3A_757] : memref<102400xf32, #tpu.memory_space<vmem>>[vector<16xi32>], vector<16xf32>,
      %add3A_759 = arith.addf %add3A_753, %gather3A_758 : vector<16xf32>
      %add3A_760 = arith.constant 121 : i32
      %add3A_761 = vector.broadcast %add3A_760 : i32 to vector<16xi32>
      %add3A_762 = arith.addi %mul3A_2, %add3A_761 : vector<16xi32>
      %gather3A_763 = tpu.vector_load_idx %arg7[%add3A_762] : memref<3200xi32, #tpu.memory_space<vmem>>[vector<16xi32>], vector<16xi32>,
      %gather3A_764 = tpu.vector_load_idx %arg6[%gather3A_763] : memref<102400xf32, #tpu.memory_space<vmem>>[vector<16xi32>], vector<16xf32>,
      %add3A_765 = arith.addf %add3A_759, %gather3A_764 : vector<16xf32>
      %add3A_766 = arith.constant 122 : i32
      %add3A_767 = vector.broadcast %add3A_766 : i32 to vector<16xi32>
      %add3A_768 = arith.addi %mul3A_2, %add3A_767 : vector<16xi32>
      %gather3A_769 = tpu.vector_load_idx %arg7[%add3A_768] : memref<3200xi32, #tpu.memory_space<vmem>>[vector<16xi32>], vector<16xi32>,
      %gather3A_770 = tpu.vector_load_idx %arg6[%gather3A_769] : memref<102400xf32, #tpu.memory_space<vmem>>[vector<16xi32>], vector<16xf32>,
      %add3A_771 = arith.addf %add3A_765, %gather3A_770 : vector<16xf32>
      %add3A_772 = arith.constant 123 : i32
      %add3A_773 = vector.broadcast %add3A_772 : i32 to vector<16xi32>
      %add3A_774 = arith.addi %mul3A_2, %add3A_773 : vector<16xi32>
      %gather3A_775 = tpu.vector_load_idx %arg7[%add3A_774] : memref<3200xi32, #tpu.memory_space<vmem>>[vector<16xi32>], vector<16xi32>,
      %gather3A_776 = tpu.vector_load_idx %arg6[%gather3A_775] : memref<102400xf32, #tpu.memory_space<vmem>>[vector<16xi32>], vector<16xf32>,
      %add3A_777 = arith.addf %add3A_771, %gather3A_776 : vector<16xf32>
      %add3A_778 = arith.constant 124 : i32
      %add3A_779 = vector.broadcast %add3A_778 : i32 to vector<16xi32>
      %add3A_780 = arith.addi %mul3A_2, %add3A_779 : vector<16xi32>
      %gather3A_781 = tpu.vector_load_idx %arg7[%add3A_780] : memref<3200xi32, #tpu.memory_space<vmem>>[vector<16xi32>], vector<16xi32>,
      %gather3A_782 = tpu.vector_load_idx %arg6[%gather3A_781] : memref<102400xf32, #tpu.memory_space<vmem>>[vector<16xi32>], vector<16xf32>,
      %add3A_783 = arith.addf %add3A_777, %gather3A_782 : vector<16xf32>
      %add3A_784 = arith.constant 125 : i32
      %add3A_785 = vector.broadcast %add3A_784 : i32 to vector<16xi32>
      %add3A_786 = arith.addi %mul3A_2, %add3A_785 : vector<16xi32>
      %gather3A_787 = tpu.vector_load_idx %arg7[%add3A_786] : memref<3200xi32, #tpu.memory_space<vmem>>[vector<16xi32>], vector<16xi32>,
      %gather3A_788 = tpu.vector_load_idx %arg6[%gather3A_787] : memref<102400xf32, #tpu.memory_space<vmem>>[vector<16xi32>], vector<16xf32>,
      %add3A_789 = arith.addf %add3A_783, %gather3A_788 : vector<16xf32>
      %add3A_790 = arith.constant 126 : i32
      %add3A_791 = vector.broadcast %add3A_790 : i32 to vector<16xi32>
      %add3A_792 = arith.addi %mul3A_2, %add3A_791 : vector<16xi32>
      %gather3A_793 = tpu.vector_load_idx %arg7[%add3A_792] : memref<3200xi32, #tpu.memory_space<vmem>>[vector<16xi32>], vector<16xi32>,
      %gather3A_794 = tpu.vector_load_idx %arg6[%gather3A_793] : memref<102400xf32, #tpu.memory_space<vmem>>[vector<16xi32>], vector<16xf32>,
      %add3A_795 = arith.addf %add3A_789, %gather3A_794 : vector<16xf32>
      %add3A_796 = arith.constant 127 : i32
      %add3A_797 = vector.broadcast %add3A_796 : i32 to vector<16xi32>
      %add3A_798 = arith.addi %mul3A_2, %add3A_797 : vector<16xi32>
      %gather3A_799 = tpu.vector_load_idx %arg7[%add3A_798] : memref<3200xi32, #tpu.memory_space<vmem>>[vector<16xi32>], vector<16xi32>,
      %gather3A_800 = tpu.vector_load_idx %arg6[%gather3A_799] : memref<102400xf32, #tpu.memory_space<vmem>>[vector<16xi32>], vector<16xf32>,
      %add3A_801 = arith.addf %add3A_795, %gather3A_800 : vector<16xf32>
      %add3A_802 = arith.constant 128 : i32
      %add3A_803 = vector.broadcast %add3A_802 : i32 to vector<16xi32>
      %add3A_804 = arith.addi %mul3A_2, %add3A_803 : vector<16xi32>
      %gather3A_805 = tpu.vector_load_idx %arg7[%add3A_804] : memref<3200xi32, #tpu.memory_space<vmem>>[vector<16xi32>], vector<16xi32>,
      %gather3A_806 = tpu.vector_load_idx %arg6[%gather3A_805] : memref<102400xf32, #tpu.memory_space<vmem>>[vector<16xi32>], vector<16xf32>,
      %add3A_807 = arith.addf %add3A_801, %gather3A_806 : vector<16xf32>
      %add3A_808 = arith.constant 129 : i32
      %add3A_809 = vector.broadcast %add3A_808 : i32 to vector<16xi32>
      %add3A_810 = arith.addi %mul3A_2, %add3A_809 : vector<16xi32>
      %gather3A_811 = tpu.vector_load_idx %arg7[%add3A_810] : memref<3200xi32, #tpu.memory_space<vmem>>[vector<16xi32>], vector<16xi32>,
      %gather3A_812 = tpu.vector_load_idx %arg6[%gather3A_811] : memref<102400xf32, #tpu.memory_space<vmem>>[vector<16xi32>], vector<16xf32>,
      %add3A_813 = arith.addf %add3A_807, %gather3A_812 : vector<16xf32>
      %add3A_814 = arith.constant 130 : i32
      %add3A_815 = vector.broadcast %add3A_814 : i32 to vector<16xi32>
      %add3A_816 = arith.addi %mul3A_2, %add3A_815 : vector<16xi32>
      %gather3A_817 = tpu.vector_load_idx %arg7[%add3A_816] : memref<3200xi32, #tpu.memory_space<vmem>>[vector<16xi32>], vector<16xi32>,
      %gather3A_818 = tpu.vector_load_idx %arg6[%gather3A_817] : memref<102400xf32, #tpu.memory_space<vmem>>[vector<16xi32>], vector<16xf32>,
      %add3A_819 = arith.addf %add3A_813, %gather3A_818 : vector<16xf32>
      %add3A_820 = arith.constant 131 : i32
      %add3A_821 = vector.broadcast %add3A_820 : i32 to vector<16xi32>
      %add3A_822 = arith.addi %mul3A_2, %add3A_821 : vector<16xi32>
      %gather3A_823 = tpu.vector_load_idx %arg7[%add3A_822] : memref<3200xi32, #tpu.memory_space<vmem>>[vector<16xi32>], vector<16xi32>,
      %gather3A_824 = tpu.vector_load_idx %arg6[%gather3A_823] : memref<102400xf32, #tpu.memory_space<vmem>>[vector<16xi32>], vector<16xf32>,
      %add3A_825 = arith.addf %add3A_819, %gather3A_824 : vector<16xf32>
      %add3A_826 = arith.constant 132 : i32
      %add3A_827 = vector.broadcast %add3A_826 : i32 to vector<16xi32>
      %add3A_828 = arith.addi %mul3A_2, %add3A_827 : vector<16xi32>
      %gather3A_829 = tpu.vector_load_idx %arg7[%add3A_828] : memref<3200xi32, #tpu.memory_space<vmem>>[vector<16xi32>], vector<16xi32>,
      %gather3A_830 = tpu.vector_load_idx %arg6[%gather3A_829] : memref<102400xf32, #tpu.memory_space<vmem>>[vector<16xi32>], vector<16xf32>,
      %add3A_831 = arith.addf %add3A_825, %gather3A_830 : vector<16xf32>
      %add3A_832 = arith.constant 133 : i32
      %add3A_833 = vector.broadcast %add3A_832 : i32 to vector<16xi32>
      %add3A_834 = arith.addi %mul3A_2, %add3A_833 : vector<16xi32>
      %gather3A_835 = tpu.vector_load_idx %arg7[%add3A_834] : memref<3200xi32, #tpu.memory_space<vmem>>[vector<16xi32>], vector<16xi32>,
      %gather3A_836 = tpu.vector_load_idx %arg6[%gather3A_835] : memref<102400xf32, #tpu.memory_space<vmem>>[vector<16xi32>], vector<16xf32>,
      %add3A_837 = arith.addf %add3A_831, %gather3A_836 : vector<16xf32>
      %add3A_838 = arith.constant 134 : i32
      %add3A_839 = vector.broadcast %add3A_838 : i32 to vector<16xi32>
      %add3A_840 = arith.addi %mul3A_2, %add3A_839 : vector<16xi32>
      %gather3A_841 = tpu.vector_load_idx %arg7[%add3A_840] : memref<3200xi32, #tpu.memory_space<vmem>>[vector<16xi32>], vector<16xi32>,
      %gather3A_842 = tpu.vector_load_idx %arg6[%gather3A_841] : memref<102400xf32, #tpu.memory_space<vmem>>[vector<16xi32>], vector<16xf32>,
      %add3A_843 = arith.addf %add3A_837, %gather3A_842 : vector<16xf32>
      %add3A_844 = arith.constant 135 : i32
      %add3A_845 = vector.broadcast %add3A_844 : i32 to vector<16xi32>
      %add3A_846 = arith.addi %mul3A_2, %add3A_845 : vector<16xi32>
      %gather3A_847 = tpu.vector_load_idx %arg7[%add3A_846] : memref<3200xi32, #tpu.memory_space<vmem>>[vector<16xi32>], vector<16xi32>,
      %gather3A_848 = tpu.vector_load_idx %arg6[%gather3A_847] : memref<102400xf32, #tpu.memory_space<vmem>>[vector<16xi32>], vector<16xf32>,
      %add3A_849 = arith.addf %add3A_843, %gather3A_848 : vector<16xf32>
      %add3A_850 = arith.constant 136 : i32
      %add3A_851 = vector.broadcast %add3A_850 : i32 to vector<16xi32>
      %add3A_852 = arith.addi %mul3A_2, %add3A_851 : vector<16xi32>
      %gather3A_853 = tpu.vector_load_idx %arg7[%add3A_852] : memref<3200xi32, #tpu.memory_space<vmem>>[vector<16xi32>], vector<16xi32>,
      %gather3A_854 = tpu.vector_load_idx %arg6[%gather3A_853] : memref<102400xf32, #tpu.memory_space<vmem>>[vector<16xi32>], vector<16xf32>,
      %add3A_855 = arith.addf %add3A_849, %gather3A_854 : vector<16xf32>
      %add3A_856 = arith.constant 137 : i32
      %add3A_857 = vector.broadcast %add3A_856 : i32 to vector<16xi32>
      %add3A_858 = arith.addi %mul3A_2, %add3A_857 : vector<16xi32>
      %gather3A_859 = tpu.vector_load_idx %arg7[%add3A_858] : memref<3200xi32, #tpu.memory_space<vmem>>[vector<16xi32>], vector<16xi32>,
      %gather3A_860 = tpu.vector_load_idx %arg6[%gather3A_859] : memref<102400xf32, #tpu.memory_space<vmem>>[vector<16xi32>], vector<16xf32>,
      %add3A_861 = arith.addf %add3A_855, %gather3A_860 : vector<16xf32>
      %add3A_862 = arith.constant 138 : i32
      %add3A_863 = vector.broadcast %add3A_862 : i32 to vector<16xi32>
      %add3A_864 = arith.addi %mul3A_2, %add3A_863 : vector<16xi32>
      %gather3A_865 = tpu.vector_load_idx %arg7[%add3A_864] : memref<3200xi32, #tpu.memory_space<vmem>>[vector<16xi32>], vector<16xi32>,
      %gather3A_866 = tpu.vector_load_idx %arg6[%gather3A_865] : memref<102400xf32, #tpu.memory_space<vmem>>[vector<16xi32>], vector<16xf32>,
      %add3A_867 = arith.addf %add3A_861, %gather3A_866 : vector<16xf32>
      %add3A_868 = arith.constant 139 : i32
      %add3A_869 = vector.broadcast %add3A_868 : i32 to vector<16xi32>
      %add3A_870 = arith.addi %mul3A_2, %add3A_869 : vector<16xi32>
      %gather3A_871 = tpu.vector_load_idx %arg7[%add3A_870] : memref<3200xi32, #tpu.memory_space<vmem>>[vector<16xi32>], vector<16xi32>,
      %gather3A_872 = tpu.vector_load_idx %arg6[%gather3A_871] : memref<102400xf32, #tpu.memory_space<vmem>>[vector<16xi32>], vector<16xf32>,
      %add3A_873 = arith.addf %add3A_867, %gather3A_872 : vector<16xf32>
      %add3A_874 = arith.constant 140 : i32
      %add3A_875 = vector.broadcast %add3A_874 : i32 to vector<16xi32>
      %add3A_876 = arith.addi %mul3A_2, %add3A_875 : vector<16xi32>
      %gather3A_877 = tpu.vector_load_idx %arg7[%add3A_876] : memref<3200xi32, #tpu.memory_space<vmem>>[vector<16xi32>], vector<16xi32>,
      %gather3A_878 = tpu.vector_load_idx %arg6[%gather3A_877] : memref<102400xf32, #tpu.memory_space<vmem>>[vector<16xi32>], vector<16xf32>,
      %add3A_879 = arith.addf %add3A_873, %gather3A_878 : vector<16xf32>
      %add3A_880 = arith.constant 141 : i32
      %add3A_881 = vector.broadcast %add3A_880 : i32 to vector<16xi32>
      %add3A_882 = arith.addi %mul3A_2, %add3A_881 : vector<16xi32>
      %gather3A_883 = tpu.vector_load_idx %arg7[%add3A_882] : memref<3200xi32, #tpu.memory_space<vmem>>[vector<16xi32>], vector<16xi32>,
      %gather3A_884 = tpu.vector_load_idx %arg6[%gather3A_883] : memref<102400xf32, #tpu.memory_space<vmem>>[vector<16xi32>], vector<16xf32>,
      %add3A_885 = arith.addf %add3A_879, %gather3A_884 : vector<16xf32>
      %add3A_886 = arith.constant 142 : i32
      %add3A_887 = vector.broadcast %add3A_886 : i32 to vector<16xi32>
      %add3A_888 = arith.addi %mul3A_2, %add3A_887 : vector<16xi32>
      %gather3A_889 = tpu.vector_load_idx %arg7[%add3A_888] : memref<3200xi32, #tpu.memory_space<vmem>>[vector<16xi32>], vector<16xi32>,
      %gather3A_890 = tpu.vector_load_idx %arg6[%gather3A_889] : memref<102400xf32, #tpu.memory_space<vmem>>[vector<16xi32>], vector<16xf32>,
      %add3A_891 = arith.addf %add3A_885, %gather3A_890 : vector<16xf32>
      %add3A_892 = arith.constant 143 : i32
      %add3A_893 = vector.broadcast %add3A_892 : i32 to vector<16xi32>
      %add3A_894 = arith.addi %mul3A_2, %add3A_893 : vector<16xi32>
      %gather3A_895 = tpu.vector_load_idx %arg7[%add3A_894] : memref<3200xi32, #tpu.memory_space<vmem>>[vector<16xi32>], vector<16xi32>,
      %gather3A_896 = tpu.vector_load_idx %arg6[%gather3A_895] : memref<102400xf32, #tpu.memory_space<vmem>>[vector<16xi32>], vector<16xf32>,
      %add3A_897 = arith.addf %add3A_891, %gather3A_896 : vector<16xf32>
      %add3A_898 = arith.constant 144 : i32
      %add3A_899 = vector.broadcast %add3A_898 : i32 to vector<16xi32>
      %add3A_900 = arith.addi %mul3A_2, %add3A_899 : vector<16xi32>
      %gather3A_901 = tpu.vector_load_idx %arg7[%add3A_900] : memref<3200xi32, #tpu.memory_space<vmem>>[vector<16xi32>], vector<16xi32>,
      %gather3A_902 = tpu.vector_load_idx %arg6[%gather3A_901] : memref<102400xf32, #tpu.memory_space<vmem>>[vector<16xi32>], vector<16xf32>,
      %add3A_903 = arith.addf %add3A_897, %gather3A_902 : vector<16xf32>
      %add3A_904 = arith.constant 145 : i32
      %add3A_905 = vector.broadcast %add3A_904 : i32 to vector<16xi32>
      %add3A_906 = arith.addi %mul3A_2, %add3A_905 : vector<16xi32>
      %gather3A_907 = tpu.vector_load_idx %arg7[%add3A_906] : memref<3200xi32, #tpu.memory_space<vmem>>[vector<16xi32>], vector<16xi32>,
      %gather3A_908 = tpu.vector_load_idx %arg6[%gather3A_907] : memref<102400xf32, #tpu.memory_space<vmem>>[vector<16xi32>], vector<16xf32>,
      %add3A_909 = arith.addf %add3A_903, %gather3A_908 : vector<16xf32>
      %add3A_910 = arith.constant 146 : i32
      %add3A_911 = vector.broadcast %add3A_910 : i32 to vector<16xi32>
      %add3A_912 = arith.addi %mul3A_2, %add3A_911 : vector<16xi32>
      %gather3A_913 = tpu.vector_load_idx %arg7[%add3A_912] : memref<3200xi32, #tpu.memory_space<vmem>>[vector<16xi32>], vector<16xi32>,
      %gather3A_914 = tpu.vector_load_idx %arg6[%gather3A_913] : memref<102400xf32, #tpu.memory_space<vmem>>[vector<16xi32>], vector<16xf32>,
      %add3A_915 = arith.addf %add3A_909, %gather3A_914 : vector<16xf32>
      %add3A_916 = arith.constant 147 : i32
      %add3A_917 = vector.broadcast %add3A_916 : i32 to vector<16xi32>
      %add3A_918 = arith.addi %mul3A_2, %add3A_917 : vector<16xi32>
      %gather3A_919 = tpu.vector_load_idx %arg7[%add3A_918] : memref<3200xi32, #tpu.memory_space<vmem>>[vector<16xi32>], vector<16xi32>,
      %gather3A_920 = tpu.vector_load_idx %arg6[%gather3A_919] : memref<102400xf32, #tpu.memory_space<vmem>>[vector<16xi32>], vector<16xf32>,
      %add3A_921 = arith.addf %add3A_915, %gather3A_920 : vector<16xf32>
      %add3A_922 = arith.constant 148 : i32
      %add3A_923 = vector.broadcast %add3A_922 : i32 to vector<16xi32>
      %add3A_924 = arith.addi %mul3A_2, %add3A_923 : vector<16xi32>
      %gather3A_925 = tpu.vector_load_idx %arg7[%add3A_924] : memref<3200xi32, #tpu.memory_space<vmem>>[vector<16xi32>], vector<16xi32>,
      %gather3A_926 = tpu.vector_load_idx %arg6[%gather3A_925] : memref<102400xf32, #tpu.memory_space<vmem>>[vector<16xi32>], vector<16xf32>,
      %add3A_927 = arith.addf %add3A_921, %gather3A_926 : vector<16xf32>
      %add3A_928 = arith.constant 149 : i32
      %add3A_929 = vector.broadcast %add3A_928 : i32 to vector<16xi32>
      %add3A_930 = arith.addi %mul3A_2, %add3A_929 : vector<16xi32>
      %gather3A_931 = tpu.vector_load_idx %arg7[%add3A_930] : memref<3200xi32, #tpu.memory_space<vmem>>[vector<16xi32>], vector<16xi32>,
      %gather3A_932 = tpu.vector_load_idx %arg6[%gather3A_931] : memref<102400xf32, #tpu.memory_space<vmem>>[vector<16xi32>], vector<16xf32>,
      %add3A_933 = arith.addf %add3A_927, %gather3A_932 : vector<16xf32>
      %add3A_934 = arith.constant 150 : i32
      %add3A_935 = vector.broadcast %add3A_934 : i32 to vector<16xi32>
      %add3A_936 = arith.addi %mul3A_2, %add3A_935 : vector<16xi32>
      %gather3A_937 = tpu.vector_load_idx %arg7[%add3A_936] : memref<3200xi32, #tpu.memory_space<vmem>>[vector<16xi32>], vector<16xi32>,
      %gather3A_938 = tpu.vector_load_idx %arg6[%gather3A_937] : memref<102400xf32, #tpu.memory_space<vmem>>[vector<16xi32>], vector<16xf32>,
      %add3A_939 = arith.addf %add3A_933, %gather3A_938 : vector<16xf32>
      %add3A_940 = arith.constant 151 : i32
      %add3A_941 = vector.broadcast %add3A_940 : i32 to vector<16xi32>
      %add3A_942 = arith.addi %mul3A_2, %add3A_941 : vector<16xi32>
      %gather3A_943 = tpu.vector_load_idx %arg7[%add3A_942] : memref<3200xi32, #tpu.memory_space<vmem>>[vector<16xi32>], vector<16xi32>,
      %gather3A_944 = tpu.vector_load_idx %arg6[%gather3A_943] : memref<102400xf32, #tpu.memory_space<vmem>>[vector<16xi32>], vector<16xf32>,
      %add3A_945 = arith.addf %add3A_939, %gather3A_944 : vector<16xf32>
      %add3A_946 = arith.constant 152 : i32
      %add3A_947 = vector.broadcast %add3A_946 : i32 to vector<16xi32>
      %add3A_948 = arith.addi %mul3A_2, %add3A_947 : vector<16xi32>
      %gather3A_949 = tpu.vector_load_idx %arg7[%add3A_948] : memref<3200xi32, #tpu.memory_space<vmem>>[vector<16xi32>], vector<16xi32>,
      %gather3A_950 = tpu.vector_load_idx %arg6[%gather3A_949] : memref<102400xf32, #tpu.memory_space<vmem>>[vector<16xi32>], vector<16xf32>,
      %add3A_951 = arith.addf %add3A_945, %gather3A_950 : vector<16xf32>
      %add3A_952 = arith.constant 153 : i32
      %add3A_953 = vector.broadcast %add3A_952 : i32 to vector<16xi32>
      %add3A_954 = arith.addi %mul3A_2, %add3A_953 : vector<16xi32>
      %gather3A_955 = tpu.vector_load_idx %arg7[%add3A_954] : memref<3200xi32, #tpu.memory_space<vmem>>[vector<16xi32>], vector<16xi32>,
      %gather3A_956 = tpu.vector_load_idx %arg6[%gather3A_955] : memref<102400xf32, #tpu.memory_space<vmem>>[vector<16xi32>], vector<16xf32>,
      %add3A_957 = arith.addf %add3A_951, %gather3A_956 : vector<16xf32>
      %add3A_958 = arith.constant 154 : i32
      %add3A_959 = vector.broadcast %add3A_958 : i32 to vector<16xi32>
      %add3A_960 = arith.addi %mul3A_2, %add3A_959 : vector<16xi32>
      %gather3A_961 = tpu.vector_load_idx %arg7[%add3A_960] : memref<3200xi32, #tpu.memory_space<vmem>>[vector<16xi32>], vector<16xi32>,
      %gather3A_962 = tpu.vector_load_idx %arg6[%gather3A_961] : memref<102400xf32, #tpu.memory_space<vmem>>[vector<16xi32>], vector<16xf32>,
      %add3A_963 = arith.addf %add3A_957, %gather3A_962 : vector<16xf32>
      %add3A_964 = arith.constant 155 : i32
      %add3A_965 = vector.broadcast %add3A_964 : i32 to vector<16xi32>
      %add3A_966 = arith.addi %mul3A_2, %add3A_965 : vector<16xi32>
      %gather3A_967 = tpu.vector_load_idx %arg7[%add3A_966] : memref<3200xi32, #tpu.memory_space<vmem>>[vector<16xi32>], vector<16xi32>,
      %gather3A_968 = tpu.vector_load_idx %arg6[%gather3A_967] : memref<102400xf32, #tpu.memory_space<vmem>>[vector<16xi32>], vector<16xf32>,
      %add3A_969 = arith.addf %add3A_963, %gather3A_968 : vector<16xf32>
      %add3A_970 = arith.constant 156 : i32
      %add3A_971 = vector.broadcast %add3A_970 : i32 to vector<16xi32>
      %add3A_972 = arith.addi %mul3A_2, %add3A_971 : vector<16xi32>
      %gather3A_973 = tpu.vector_load_idx %arg7[%add3A_972] : memref<3200xi32, #tpu.memory_space<vmem>>[vector<16xi32>], vector<16xi32>,
      %gather3A_974 = tpu.vector_load_idx %arg6[%gather3A_973] : memref<102400xf32, #tpu.memory_space<vmem>>[vector<16xi32>], vector<16xf32>,
      %add3A_975 = arith.addf %add3A_969, %gather3A_974 : vector<16xf32>
      %add3A_976 = arith.constant 157 : i32
      %add3A_977 = vector.broadcast %add3A_976 : i32 to vector<16xi32>
      %add3A_978 = arith.addi %mul3A_2, %add3A_977 : vector<16xi32>
      %gather3A_979 = tpu.vector_load_idx %arg7[%add3A_978] : memref<3200xi32, #tpu.memory_space<vmem>>[vector<16xi32>], vector<16xi32>,
      %gather3A_980 = tpu.vector_load_idx %arg6[%gather3A_979] : memref<102400xf32, #tpu.memory_space<vmem>>[vector<16xi32>], vector<16xf32>,
      %add3A_981 = arith.addf %add3A_975, %gather3A_980 : vector<16xf32>
      %add3A_982 = arith.constant 158 : i32
      %add3A_983 = vector.broadcast %add3A_982 : i32 to vector<16xi32>
      %add3A_984 = arith.addi %mul3A_2, %add3A_983 : vector<16xi32>
      %gather3A_985 = tpu.vector_load_idx %arg7[%add3A_984] : memref<3200xi32, #tpu.memory_space<vmem>>[vector<16xi32>], vector<16xi32>,
      %gather3A_986 = tpu.vector_load_idx %arg6[%gather3A_985] : memref<102400xf32, #tpu.memory_space<vmem>>[vector<16xi32>], vector<16xf32>,
      %add3A_987 = arith.addf %add3A_981, %gather3A_986 : vector<16xf32>
      %add3A_988 = arith.constant 159 : i32
      %add3A_989 = vector.broadcast %add3A_988 : i32 to vector<16xi32>
      %add3A_990 = arith.addi %mul3A_2, %add3A_989 : vector<16xi32>
      %gather3A_991 = tpu.vector_load_idx %arg7[%add3A_990] : memref<3200xi32, #tpu.memory_space<vmem>>[vector<16xi32>], vector<16xi32>,
      %gather3A_992 = tpu.vector_load_idx %arg6[%gather3A_991] : memref<102400xf32, #tpu.memory_space<vmem>>[vector<16xi32>], vector<16xf32>,
      %add3A_993 = arith.addf %add3A_987, %gather3A_992 : vector<16xf32>
      %add3A_994 = arith.constant 160 : i32
      %add3A_995 = vector.broadcast %add3A_994 : i32 to vector<16xi32>
      %add3A_996 = arith.addi %mul3A_2, %add3A_995 : vector<16xi32>
      %gather3A_997 = tpu.vector_load_idx %arg7[%add3A_996] : memref<3200xi32, #tpu.memory_space<vmem>>[vector<16xi32>], vector<16xi32>,
      %gather3A_998 = tpu.vector_load_idx %arg6[%gather3A_997] : memref<102400xf32, #tpu.memory_space<vmem>>[vector<16xi32>], vector<16xf32>,
      %add3A_999 = arith.addf %add3A_993, %gather3A_998 : vector<16xf32>
      %add3A_1000 = arith.constant 161 : i32
      %add3A_1001 = vector.broadcast %add3A_1000 : i32 to vector<16xi32>
      %add3A_1002 = arith.addi %mul3A_2, %add3A_1001 : vector<16xi32>
      %gather3A_1003 = tpu.vector_load_idx %arg7[%add3A_1002] : memref<3200xi32, #tpu.memory_space<vmem>>[vector<16xi32>], vector<16xi32>,
      %gather3A_1004 = tpu.vector_load_idx %arg6[%gather3A_1003] : memref<102400xf32, #tpu.memory_space<vmem>>[vector<16xi32>], vector<16xf32>,
      %add3A_1005 = arith.addf %add3A_999, %gather3A_1004 : vector<16xf32>
      %add3A_1006 = arith.constant 162 : i32
      %add3A_1007 = vector.broadcast %add3A_1006 : i32 to vector<16xi32>
      %add3A_1008 = arith.addi %mul3A_2, %add3A_1007 : vector<16xi32>
      %gather3A_1009 = tpu.vector_load_idx %arg7[%add3A_1008] : memref<3200xi32, #tpu.memory_space<vmem>>[vector<16xi32>], vector<16xi32>,
      %gather3A_1010 = tpu.vector_load_idx %arg6[%gather3A_1009] : memref<102400xf32, #tpu.memory_space<vmem>>[vector<16xi32>], vector<16xf32>,
      %add3A_1011 = arith.addf %add3A_1005, %gather3A_1010 : vector<16xf32>
      %add3A_1012 = arith.constant 163 : i32
      %add3A_1013 = vector.broadcast %add3A_1012 : i32 to vector<16xi32>
      %add3A_1014 = arith.addi %mul3A_2, %add3A_1013 : vector<16xi32>
      %gather3A_1015 = tpu.vector_load_idx %arg7[%add3A_1014] : memref<3200xi32, #tpu.memory_space<vmem>>[vector<16xi32>], vector<16xi32>,
      %gather3A_1016 = tpu.vector_load_idx %arg6[%gather3A_1015] : memref<102400xf32, #tpu.memory_space<vmem>>[vector<16xi32>], vector<16xf32>,
      %add3A_1017 = arith.addf %add3A_1011, %gather3A_1016 : vector<16xf32>
      %add3A_1018 = arith.constant 164 : i32
      %add3A_1019 = vector.broadcast %add3A_1018 : i32 to vector<16xi32>
      %add3A_1020 = arith.addi %mul3A_2, %add3A_1019 : vector<16xi32>
      %gather3A_1021 = tpu.vector_load_idx %arg7[%add3A_1020] : memref<3200xi32, #tpu.memory_space<vmem>>[vector<16xi32>], vector<16xi32>,
      %gather3A_1022 = tpu.vector_load_idx %arg6[%gather3A_1021] : memref<102400xf32, #tpu.memory_space<vmem>>[vector<16xi32>], vector<16xf32>,
      %add3A_1023 = arith.addf %add3A_1017, %gather3A_1022 : vector<16xf32>
      %add3A_1024 = arith.constant 165 : i32
      %add3A_1025 = vector.broadcast %add3A_1024 : i32 to vector<16xi32>
      %add3A_1026 = arith.addi %mul3A_2, %add3A_1025 : vector<16xi32>
      %gather3A_1027 = tpu.vector_load_idx %arg7[%add3A_1026] : memref<3200xi32, #tpu.memory_space<vmem>>[vector<16xi32>], vector<16xi32>,
      %gather3A_1028 = tpu.vector_load_idx %arg6[%gather3A_1027] : memref<102400xf32, #tpu.memory_space<vmem>>[vector<16xi32>], vector<16xf32>,
      %add3A_1029 = arith.addf %add3A_1023, %gather3A_1028 : vector<16xf32>
      %add3A_1030 = arith.constant 166 : i32
      %add3A_1031 = vector.broadcast %add3A_1030 : i32 to vector<16xi32>
      %add3A_1032 = arith.addi %mul3A_2, %add3A_1031 : vector<16xi32>
      %gather3A_1033 = tpu.vector_load_idx %arg7[%add3A_1032] : memref<3200xi32, #tpu.memory_space<vmem>>[vector<16xi32>], vector<16xi32>,
      %gather3A_1034 = tpu.vector_load_idx %arg6[%gather3A_1033] : memref<102400xf32, #tpu.memory_space<vmem>>[vector<16xi32>], vector<16xf32>,
      %add3A_1035 = arith.addf %add3A_1029, %gather3A_1034 : vector<16xf32>
      %add3A_1036 = arith.constant 167 : i32
      %add3A_1037 = vector.broadcast %add3A_1036 : i32 to vector<16xi32>
      %add3A_1038 = arith.addi %mul3A_2, %add3A_1037 : vector<16xi32>
      %gather3A_1039 = tpu.vector_load_idx %arg7[%add3A_1038] : memref<3200xi32, #tpu.memory_space<vmem>>[vector<16xi32>], vector<16xi32>,
      %gather3A_1040 = tpu.vector_load_idx %arg6[%gather3A_1039] : memref<102400xf32, #tpu.memory_space<vmem>>[vector<16xi32>], vector<16xf32>,
      %add3A_1041 = arith.addf %add3A_1035, %gather3A_1040 : vector<16xf32>
      %add3A_1042 = arith.constant 168 : i32
      %add3A_1043 = vector.broadcast %add3A_1042 : i32 to vector<16xi32>
      %add3A_1044 = arith.addi %mul3A_2, %add3A_1043 : vector<16xi32>
      %gather3A_1045 = tpu.vector_load_idx %arg7[%add3A_1044] : memref<3200xi32, #tpu.memory_space<vmem>>[vector<16xi32>], vector<16xi32>,
      %gather3A_1046 = tpu.vector_load_idx %arg6[%gather3A_1045] : memref<102400xf32, #tpu.memory_space<vmem>>[vector<16xi32>], vector<16xf32>,
      %add3A_1047 = arith.addf %add3A_1041, %gather3A_1046 : vector<16xf32>
      %add3A_1048 = arith.constant 169 : i32
      %add3A_1049 = vector.broadcast %add3A_1048 : i32 to vector<16xi32>
      %add3A_1050 = arith.addi %mul3A_2, %add3A_1049 : vector<16xi32>
      %gather3A_1051 = tpu.vector_load_idx %arg7[%add3A_1050] : memref<3200xi32, #tpu.memory_space<vmem>>[vector<16xi32>], vector<16xi32>,
      %gather3A_1052 = tpu.vector_load_idx %arg6[%gather3A_1051] : memref<102400xf32, #tpu.memory_space<vmem>>[vector<16xi32>], vector<16xf32>,
      %add3A_1053 = arith.addf %add3A_1047, %gather3A_1052 : vector<16xf32>
      %add3A_1054 = arith.constant 170 : i32
      %add3A_1055 = vector.broadcast %add3A_1054 : i32 to vector<16xi32>
      %add3A_1056 = arith.addi %mul3A_2, %add3A_1055 : vector<16xi32>
      %gather3A_1057 = tpu.vector_load_idx %arg7[%add3A_1056] : memref<3200xi32, #tpu.memory_space<vmem>>[vector<16xi32>], vector<16xi32>,
      %gather3A_1058 = tpu.vector_load_idx %arg6[%gather3A_1057] : memref<102400xf32, #tpu.memory_space<vmem>>[vector<16xi32>], vector<16xf32>,
      %add3A_1059 = arith.addf %add3A_1053, %gather3A_1058 : vector<16xf32>
      %add3A_1060 = arith.constant 171 : i32
      %add3A_1061 = vector.broadcast %add3A_1060 : i32 to vector<16xi32>
      %add3A_1062 = arith.addi %mul3A_2, %add3A_1061 : vector<16xi32>
      %gather3A_1063 = tpu.vector_load_idx %arg7[%add3A_1062] : memref<3200xi32, #tpu.memory_space<vmem>>[vector<16xi32>], vector<16xi32>,
      %gather3A_1064 = tpu.vector_load_idx %arg6[%gather3A_1063] : memref<102400xf32, #tpu.memory_space<vmem>>[vector<16xi32>], vector<16xf32>,
      %add3A_1065 = arith.addf %add3A_1059, %gather3A_1064 : vector<16xf32>
      %add3A_1066 = arith.constant 172 : i32
      %add3A_1067 = vector.broadcast %add3A_1066 : i32 to vector<16xi32>
      %add3A_1068 = arith.addi %mul3A_2, %add3A_1067 : vector<16xi32>
      %gather3A_1069 = tpu.vector_load_idx %arg7[%add3A_1068] : memref<3200xi32, #tpu.memory_space<vmem>>[vector<16xi32>], vector<16xi32>,
      %gather3A_1070 = tpu.vector_load_idx %arg6[%gather3A_1069] : memref<102400xf32, #tpu.memory_space<vmem>>[vector<16xi32>], vector<16xf32>,
      %add3A_1071 = arith.addf %add3A_1065, %gather3A_1070 : vector<16xf32>
      %add3A_1072 = arith.constant 173 : i32
      %add3A_1073 = vector.broadcast %add3A_1072 : i32 to vector<16xi32>
      %add3A_1074 = arith.addi %mul3A_2, %add3A_1073 : vector<16xi32>
      %gather3A_1075 = tpu.vector_load_idx %arg7[%add3A_1074] : memref<3200xi32, #tpu.memory_space<vmem>>[vector<16xi32>], vector<16xi32>,
      %gather3A_1076 = tpu.vector_load_idx %arg6[%gather3A_1075] : memref<102400xf32, #tpu.memory_space<vmem>>[vector<16xi32>], vector<16xf32>,
      %add3A_1077 = arith.addf %add3A_1071, %gather3A_1076 : vector<16xf32>
      %add3A_1078 = arith.constant 174 : i32
      %add3A_1079 = vector.broadcast %add3A_1078 : i32 to vector<16xi32>
      %add3A_1080 = arith.addi %mul3A_2, %add3A_1079 : vector<16xi32>
      %gather3A_1081 = tpu.vector_load_idx %arg7[%add3A_1080] : memref<3200xi32, #tpu.memory_space<vmem>>[vector<16xi32>], vector<16xi32>,
      %gather3A_1082 = tpu.vector_load_idx %arg6[%gather3A_1081] : memref<102400xf32, #tpu.memory_space<vmem>>[vector<16xi32>], vector<16xf32>,
      %add3A_1083 = arith.addf %add3A_1077, %gather3A_1082 : vector<16xf32>
      %add3A_1084 = arith.constant 175 : i32
      %add3A_1085 = vector.broadcast %add3A_1084 : i32 to vector<16xi32>
      %add3A_1086 = arith.addi %mul3A_2, %add3A_1085 : vector<16xi32>
      %gather3A_1087 = tpu.vector_load_idx %arg7[%add3A_1086] : memref<3200xi32, #tpu.memory_space<vmem>>[vector<16xi32>], vector<16xi32>,
      %gather3A_1088 = tpu.vector_load_idx %arg6[%gather3A_1087] : memref<102400xf32, #tpu.memory_space<vmem>>[vector<16xi32>], vector<16xf32>,
      %add3A_1089 = arith.addf %add3A_1083, %gather3A_1088 : vector<16xf32>
      %add3A_1090 = arith.constant 176 : i32
      %add3A_1091 = vector.broadcast %add3A_1090 : i32 to vector<16xi32>
      %add3A_1092 = arith.addi %mul3A_2, %add3A_1091 : vector<16xi32>
      %gather3A_1093 = tpu.vector_load_idx %arg7[%add3A_1092] : memref<3200xi32, #tpu.memory_space<vmem>>[vector<16xi32>], vector<16xi32>,
      %gather3A_1094 = tpu.vector_load_idx %arg6[%gather3A_1093] : memref<102400xf32, #tpu.memory_space<vmem>>[vector<16xi32>], vector<16xf32>,
      %add3A_1095 = arith.addf %add3A_1089, %gather3A_1094 : vector<16xf32>
      %add3A_1096 = arith.constant 177 : i32
      %add3A_1097 = vector.broadcast %add3A_1096 : i32 to vector<16xi32>
      %add3A_1098 = arith.addi %mul3A_2, %add3A_1097 : vector<16xi32>
      %gather3A_1099 = tpu.vector_load_idx %arg7[%add3A_1098] : memref<3200xi32, #tpu.memory_space<vmem>>[vector<16xi32>], vector<16xi32>,
      %gather3A_1100 = tpu.vector_load_idx %arg6[%gather3A_1099] : memref<102400xf32, #tpu.memory_space<vmem>>[vector<16xi32>], vector<16xf32>,
      %add3A_1101 = arith.addf %add3A_1095, %gather3A_1100 : vector<16xf32>
      %add3A_1102 = arith.constant 178 : i32
      %add3A_1103 = vector.broadcast %add3A_1102 : i32 to vector<16xi32>
      %add3A_1104 = arith.addi %mul3A_2, %add3A_1103 : vector<16xi32>
      %gather3A_1105 = tpu.vector_load_idx %arg7[%add3A_1104] : memref<3200xi32, #tpu.memory_space<vmem>>[vector<16xi32>], vector<16xi32>,
      %gather3A_1106 = tpu.vector_load_idx %arg6[%gather3A_1105] : memref<102400xf32, #tpu.memory_space<vmem>>[vector<16xi32>], vector<16xf32>,
      %add3A_1107 = arith.addf %add3A_1101, %gather3A_1106 : vector<16xf32>
      %add3A_1108 = arith.constant 179 : i32
      %add3A_1109 = vector.broadcast %add3A_1108 : i32 to vector<16xi32>
      %add3A_1110 = arith.addi %mul3A_2, %add3A_1109 : vector<16xi32>
      %gather3A_1111 = tpu.vector_load_idx %arg7[%add3A_1110] : memref<3200xi32, #tpu.memory_space<vmem>>[vector<16xi32>], vector<16xi32>,
      %gather3A_1112 = tpu.vector_load_idx %arg6[%gather3A_1111] : memref<102400xf32, #tpu.memory_space<vmem>>[vector<16xi32>], vector<16xf32>,
      %add3A_1113 = arith.addf %add3A_1107, %gather3A_1112 : vector<16xf32>
      %add3A_1114 = arith.constant 180 : i32
      %add3A_1115 = vector.broadcast %add3A_1114 : i32 to vector<16xi32>
      %add3A_1116 = arith.addi %mul3A_2, %add3A_1115 : vector<16xi32>
      %gather3A_1117 = tpu.vector_load_idx %arg7[%add3A_1116] : memref<3200xi32, #tpu.memory_space<vmem>>[vector<16xi32>], vector<16xi32>,
      %gather3A_1118 = tpu.vector_load_idx %arg6[%gather3A_1117] : memref<102400xf32, #tpu.memory_space<vmem>>[vector<16xi32>], vector<16xf32>,
      %add3A_1119 = arith.addf %add3A_1113, %gather3A_1118 : vector<16xf32>
      %add3A_1120 = arith.constant 181 : i32
      %add3A_1121 = vector.broadcast %add3A_1120 : i32 to vector<16xi32>
      %add3A_1122 = arith.addi %mul3A_2, %add3A_1121 : vector<16xi32>
      %gather3A_1123 = tpu.vector_load_idx %arg7[%add3A_1122] : memref<3200xi32, #tpu.memory_space<vmem>>[vector<16xi32>], vector<16xi32>,
      %gather3A_1124 = tpu.vector_load_idx %arg6[%gather3A_1123] : memref<102400xf32, #tpu.memory_space<vmem>>[vector<16xi32>], vector<16xf32>,
      %add3A_1125 = arith.addf %add3A_1119, %gather3A_1124 : vector<16xf32>
      %add3A_1126 = arith.constant 182 : i32
      %add3A_1127 = vector.broadcast %add3A_1126 : i32 to vector<16xi32>
      %add3A_1128 = arith.addi %mul3A_2, %add3A_1127 : vector<16xi32>
      %gather3A_1129 = tpu.vector_load_idx %arg7[%add3A_1128] : memref<3200xi32, #tpu.memory_space<vmem>>[vector<16xi32>], vector<16xi32>,
      %gather3A_1130 = tpu.vector_load_idx %arg6[%gather3A_1129] : memref<102400xf32, #tpu.memory_space<vmem>>[vector<16xi32>], vector<16xf32>,
      %add3A_1131 = arith.addf %add3A_1125, %gather3A_1130 : vector<16xf32>
      %add3A_1132 = arith.constant 183 : i32
      %add3A_1133 = vector.broadcast %add3A_1132 : i32 to vector<16xi32>
      %add3A_1134 = arith.addi %mul3A_2, %add3A_1133 : vector<16xi32>
      %gather3A_1135 = tpu.vector_load_idx %arg7[%add3A_1134] : memref<3200xi32, #tpu.memory_space<vmem>>[vector<16xi32>], vector<16xi32>,
      %gather3A_1136 = tpu.vector_load_idx %arg6[%gather3A_1135] : memref<102400xf32, #tpu.memory_space<vmem>>[vector<16xi32>], vector<16xf32>,
      %add3A_1137 = arith.addf %add3A_1131, %gather3A_1136 : vector<16xf32>
      %add3A_1138 = arith.constant 184 : i32
      %add3A_1139 = vector.broadcast %add3A_1138 : i32 to vector<16xi32>
      %add3A_1140 = arith.addi %mul3A_2, %add3A_1139 : vector<16xi32>
      %gather3A_1141 = tpu.vector_load_idx %arg7[%add3A_1140] : memref<3200xi32, #tpu.memory_space<vmem>>[vector<16xi32>], vector<16xi32>,
      %gather3A_1142 = tpu.vector_load_idx %arg6[%gather3A_1141] : memref<102400xf32, #tpu.memory_space<vmem>>[vector<16xi32>], vector<16xf32>,
      %add3A_1143 = arith.addf %add3A_1137, %gather3A_1142 : vector<16xf32>
      %add3A_1144 = arith.constant 185 : i32
      %add3A_1145 = vector.broadcast %add3A_1144 : i32 to vector<16xi32>
      %add3A_1146 = arith.addi %mul3A_2, %add3A_1145 : vector<16xi32>
      %gather3A_1147 = tpu.vector_load_idx %arg7[%add3A_1146] : memref<3200xi32, #tpu.memory_space<vmem>>[vector<16xi32>], vector<16xi32>,
      %gather3A_1148 = tpu.vector_load_idx %arg6[%gather3A_1147] : memref<102400xf32, #tpu.memory_space<vmem>>[vector<16xi32>], vector<16xf32>,
      %add3A_1149 = arith.addf %add3A_1143, %gather3A_1148 : vector<16xf32>
      %add3A_1150 = arith.constant 186 : i32
      %add3A_1151 = vector.broadcast %add3A_1150 : i32 to vector<16xi32>
      %add3A_1152 = arith.addi %mul3A_2, %add3A_1151 : vector<16xi32>
      %gather3A_1153 = tpu.vector_load_idx %arg7[%add3A_1152] : memref<3200xi32, #tpu.memory_space<vmem>>[vector<16xi32>], vector<16xi32>,
      %gather3A_1154 = tpu.vector_load_idx %arg6[%gather3A_1153] : memref<102400xf32, #tpu.memory_space<vmem>>[vector<16xi32>], vector<16xf32>,
      %add3A_1155 = arith.addf %add3A_1149, %gather3A_1154 : vector<16xf32>
      %add3A_1156 = arith.constant 187 : i32
      %add3A_1157 = vector.broadcast %add3A_1156 : i32 to vector<16xi32>
      %add3A_1158 = arith.addi %mul3A_2, %add3A_1157 : vector<16xi32>
      %gather3A_1159 = tpu.vector_load_idx %arg7[%add3A_1158] : memref<3200xi32, #tpu.memory_space<vmem>>[vector<16xi32>], vector<16xi32>,
      %gather3A_1160 = tpu.vector_load_idx %arg6[%gather3A_1159] : memref<102400xf32, #tpu.memory_space<vmem>>[vector<16xi32>], vector<16xf32>,
      %add3A_1161 = arith.addf %add3A_1155, %gather3A_1160 : vector<16xf32>
      %add3A_1162 = arith.constant 188 : i32
      %add3A_1163 = vector.broadcast %add3A_1162 : i32 to vector<16xi32>
      %add3A_1164 = arith.addi %mul3A_2, %add3A_1163 : vector<16xi32>
      %gather3A_1165 = tpu.vector_load_idx %arg7[%add3A_1164] : memref<3200xi32, #tpu.memory_space<vmem>>[vector<16xi32>], vector<16xi32>,
      %gather3A_1166 = tpu.vector_load_idx %arg6[%gather3A_1165] : memref<102400xf32, #tpu.memory_space<vmem>>[vector<16xi32>], vector<16xf32>,
      %add3A_1167 = arith.addf %add3A_1161, %gather3A_1166 : vector<16xf32>
      %add3A_1168 = arith.constant 189 : i32
      %add3A_1169 = vector.broadcast %add3A_1168 : i32 to vector<16xi32>
      %add3A_1170 = arith.addi %mul3A_2, %add3A_1169 : vector<16xi32>
      %gather3A_1171 = tpu.vector_load_idx %arg7[%add3A_1170] : memref<3200xi32, #tpu.memory_space<vmem>>[vector<16xi32>], vector<16xi32>,
      %gather3A_1172 = tpu.vector_load_idx %arg6[%gather3A_1171] : memref<102400xf32, #tpu.memory_space<vmem>>[vector<16xi32>], vector<16xf32>,
      %add3A_1173 = arith.addf %add3A_1167, %gather3A_1172 : vector<16xf32>
      %add3A_1174 = arith.constant 190 : i32
      %add3A_1175 = vector.broadcast %add3A_1174 : i32 to vector<16xi32>
      %add3A_1176 = arith.addi %mul3A_2, %add3A_1175 : vector<16xi32>
      %gather3A_1177 = tpu.vector_load_idx %arg7[%add3A_1176] : memref<3200xi32, #tpu.memory_space<vmem>>[vector<16xi32>], vector<16xi32>,
      %gather3A_1178 = tpu.vector_load_idx %arg6[%gather3A_1177] : memref<102400xf32, #tpu.memory_space<vmem>>[vector<16xi32>], vector<16xf32>,
      %add3A_1179 = arith.addf %add3A_1173, %gather3A_1178 : vector<16xf32>
      %add3A_1180 = arith.constant 191 : i32
      %add3A_1181 = vector.broadcast %add3A_1180 : i32 to vector<16xi32>
      %add3A_1182 = arith.addi %mul3A_2, %add3A_1181 : vector<16xi32>
      %gather3A_1183 = tpu.vector_load_idx %arg7[%add3A_1182] : memref<3200xi32, #tpu.memory_space<vmem>>[vector<16xi32>], vector<16xi32>,
      %gather3A_1184 = tpu.vector_load_idx %arg6[%gather3A_1183] : memref<102400xf32, #tpu.memory_space<vmem>>[vector<16xi32>], vector<16xf32>,
      %add3A_1185 = arith.addf %add3A_1179, %gather3A_1184 : vector<16xf32>
      %add3A_1186 = arith.constant 192 : i32
      %add3A_1187 = vector.broadcast %add3A_1186 : i32 to vector<16xi32>
      %add3A_1188 = arith.addi %mul3A_2, %add3A_1187 : vector<16xi32>
      %gather3A_1189 = tpu.vector_load_idx %arg7[%add3A_1188] : memref<3200xi32, #tpu.memory_space<vmem>>[vector<16xi32>], vector<16xi32>,
      %gather3A_1190 = tpu.vector_load_idx %arg6[%gather3A_1189] : memref<102400xf32, #tpu.memory_space<vmem>>[vector<16xi32>], vector<16xf32>,
      %add3A_1191 = arith.addf %add3A_1185, %gather3A_1190 : vector<16xf32>
      %add3A_1192 = arith.constant 193 : i32
      %add3A_1193 = vector.broadcast %add3A_1192 : i32 to vector<16xi32>
      %add3A_1194 = arith.addi %mul3A_2, %add3A_1193 : vector<16xi32>
      %gather3A_1195 = tpu.vector_load_idx %arg7[%add3A_1194] : memref<3200xi32, #tpu.memory_space<vmem>>[vector<16xi32>], vector<16xi32>,
      %gather3A_1196 = tpu.vector_load_idx %arg6[%gather3A_1195] : memref<102400xf32, #tpu.memory_space<vmem>>[vector<16xi32>], vector<16xf32>,
      %add3A_1197 = arith.addf %add3A_1191, %gather3A_1196 : vector<16xf32>
      %add3A_1198 = arith.constant 194 : i32
      %add3A_1199 = vector.broadcast %add3A_1198 : i32 to vector<16xi32>
      %add3A_1200 = arith.addi %mul3A_2, %add3A_1199 : vector<16xi32>
      %gather3A_1201 = tpu.vector_load_idx %arg7[%add3A_1200] : memref<3200xi32, #tpu.memory_space<vmem>>[vector<16xi32>], vector<16xi32>,
      %gather3A_1202 = tpu.vector_load_idx %arg6[%gather3A_1201] : memref<102400xf32, #tpu.memory_space<vmem>>[vector<16xi32>], vector<16xf32>,
      %add3A_1203 = arith.addf %add3A_1197, %gather3A_1202 : vector<16xf32>
      %add3A_1204 = arith.constant 195 : i32
      %add3A_1205 = vector.broadcast %add3A_1204 : i32 to vector<16xi32>
      %add3A_1206 = arith.addi %mul3A_2, %add3A_1205 : vector<16xi32>
      %gather3A_1207 = tpu.vector_load_idx %arg7[%add3A_1206] : memref<3200xi32, #tpu.memory_space<vmem>>[vector<16xi32>], vector<16xi32>,
      %gather3A_1208 = tpu.vector_load_idx %arg6[%gather3A_1207] : memref<102400xf32, #tpu.memory_space<vmem>>[vector<16xi32>], vector<16xf32>,
      %add3A_1209 = arith.addf %add3A_1203, %gather3A_1208 : vector<16xf32>
      %add3A_1210 = arith.constant 196 : i32
      %add3A_1211 = vector.broadcast %add3A_1210 : i32 to vector<16xi32>
      %add3A_1212 = arith.addi %mul3A_2, %add3A_1211 : vector<16xi32>
      %gather3A_1213 = tpu.vector_load_idx %arg7[%add3A_1212] : memref<3200xi32, #tpu.memory_space<vmem>>[vector<16xi32>], vector<16xi32>,
      %gather3A_1214 = tpu.vector_load_idx %arg6[%gather3A_1213] : memref<102400xf32, #tpu.memory_space<vmem>>[vector<16xi32>], vector<16xf32>,
      %add3A_1215 = arith.addf %add3A_1209, %gather3A_1214 : vector<16xf32>
      %add3A_1216 = arith.constant 197 : i32
      %add3A_1217 = vector.broadcast %add3A_1216 : i32 to vector<16xi32>
      %add3A_1218 = arith.addi %mul3A_2, %add3A_1217 : vector<16xi32>
      %gather3A_1219 = tpu.vector_load_idx %arg7[%add3A_1218] : memref<3200xi32, #tpu.memory_space<vmem>>[vector<16xi32>], vector<16xi32>,
      %gather3A_1220 = tpu.vector_load_idx %arg6[%gather3A_1219] : memref<102400xf32, #tpu.memory_space<vmem>>[vector<16xi32>], vector<16xf32>,
      %add3A_1221 = arith.addf %add3A_1215, %gather3A_1220 : vector<16xf32>
      %add3A_1222 = arith.constant 198 : i32
      %add3A_1223 = vector.broadcast %add3A_1222 : i32 to vector<16xi32>
      %add3A_1224 = arith.addi %mul3A_2, %add3A_1223 : vector<16xi32>
      %gather3A_1225 = tpu.vector_load_idx %arg7[%add3A_1224] : memref<3200xi32, #tpu.memory_space<vmem>>[vector<16xi32>], vector<16xi32>,
      %gather3A_1226 = tpu.vector_load_idx %arg6[%gather3A_1225] : memref<102400xf32, #tpu.memory_space<vmem>>[vector<16xi32>], vector<16xf32>,
      %add3A_1227 = arith.addf %add3A_1221, %gather3A_1226 : vector<16xf32>
      %add3A_1228 = arith.constant 199 : i32
      %add3A_1229 = vector.broadcast %add3A_1228 : i32 to vector<16xi32>
      %add3A_1230 = arith.addi %mul3A_2, %add3A_1229 : vector<16xi32>
      %gather3A_1231 = tpu.vector_load_idx %arg7[%add3A_1230] : memref<3200xi32, #tpu.memory_space<vmem>>[vector<16xi32>], vector<16xi32>,
      %gather3A_1232 = tpu.vector_load_idx %arg6[%gather3A_1231] : memref<102400xf32, #tpu.memory_space<vmem>>[vector<16xi32>], vector<16xf32>,
      %add3A_1233 = arith.addf %add3A_1227, %gather3A_1232 : vector<16xf32>
      %mul3A_1234 = arith.constant 5.000000e-03 : f32
      %mul3A_1235 = vector.broadcast %mul3A_1234 : f32 to vector<16xf32>
      %mul3A_1236 = arith.mulf %add3A_1233, %mul3A_1235 : vector<16xf32>
      %add3A_1237 = arith.addf %mul3A_1236, %get3A_0 : vector<16xf32>
      %neg3A = arith.constant 0.000000e+00 : f32
      %neg3A_1238 = vector.broadcast %neg3A : f32 to vector<16xf32>
      %neg3A_1239 = arith.subf %neg3A_1238, %add3A_1237 : vector<16xf32>
      %exp3A = math.exp %neg3A_1239 : vector<16xf32>
      %add3A_1240 = arith.constant 1.000000e+00 : f32
      %add3A_1241 = vector.broadcast %add3A_1240 : f32 to vector<16xf32>
      %add3A_1242 = arith.addf %add3A_1241, %exp3A : vector<16xf32>
      %div3A = arith.constant 1.000000e+00 : f32
      %div3A_1243 = vector.broadcast %div3A : f32 to vector<16xf32>
      %div3A_1244 = arith.divf %div3A_1243, %add3A_1242 : vector<16xf32>
      %mul3A_1245 = arith.constant 16 : i32
      %mul3A_1246 = arith.muli %mul3A_18, %mul3A_1245 : i32
      %swap3A = arith.index_cast %mul3A_1246 : i32 to index
      %swap3A_1247 = tpu.vector_load %arg9[%swap3A] {strides = array<i32>} : memref<256xf32, #tpu.memory_space<vmem>>, vector<16xf32>,
      tpu.vector_store %arg9[%swap3A], %div3A_1244 {strides = array<i32>} : memref<256xf32, #tpu.memory_space<vmem>>, vector<16xf32>,
      %add3A_1248 = arith.constant 1 : i32
      %add3A_1249 = arith.addi %scan3A_16, %add3A_1248 : i32
      %lt3A = arith.constant 8 : i32
      %lt3A_1250 = arith.cmpi slt, %add3A_1249, %lt3A : i32
      %convert_element_type3A = arith.extui %lt3A_1250 : i1 to i32
      %cond3A = arith.constant 0 : i32
      %cond3A_1251 = arith.cmpi ne, %convert_element_type3A, %cond3A : i32
      scf.if %cond3A_1251 {
        %add3A_2483 = arith.constant 2 : i32
        %add3A_2484 = arith.addi %mul3A_18, %add3A_2483 : i32
        %mul3A_2485 = arith.constant 16 : i32
        %mul3A_2486 = arith.muli %arg1, %mul3A_2485 : i32
        %add3A_2487 = arith.addi %mul3A_2486, %add3A_2484 : i32
        %mul3A_2488 = arith.constant 3200 : i32
        %mul3A_2489 = arith.muli %add3A_2487, %mul3A_2488 : i32
        %dma_start3A_2490 = tpu.memref_slice %arg3[%mul3A_2489] : memref<819200xi32, #tpu.memory_space<hbm>> -> memref<3200xi32, #tpu.memory_space<hbm>>
        %dma_start3A_2491 = tpu.memref_slice %arg3[%mul3A_2489] : memref<819200xi32, #tpu.memory_space<hbm>> -> memref<3200xi32, #tpu.memory_space<hbm>>
        tpu.enqueue_dma source(%dma_start3A_2491 : memref<3200xi32, #tpu.memory_space<hbm>>) target(%arg7 : memref<3200xi32, #tpu.memory_space<vmem>>) target_semaphore(%arg11 : memref<!tpu.dma_semaphore, #tpu.memory_space<semaphore_mem>>)
      } else {
      }
      %add3A_1252 = arith.constant 1 : i32
      %add3A_1253 = arith.addi %mul3A_18, %add3A_1252 : i32
      %mul3A_1254 = arith.constant 16 : i32
      %mul3A_1255 = arith.muli %arg1, %mul3A_1254 : i32
      %add3A_1256 = arith.addi %mul3A_1255, %add3A_1253 : i32
      %mul3A_1257 = arith.constant 3200 : i32
      %mul3A_1258 = arith.muli %add3A_1256, %mul3A_1257 : i32
      %dma_wait3A_1259 = tpu.memref_slice %arg3[%mul3A_1258] : memref<819200xi32, #tpu.memory_space<hbm>> -> memref<3200xi32, #tpu.memory_space<hbm>>
      %dma_wait3A_1260 = tpu.memref_slice %arg3[%mul3A_1258] : memref<819200xi32, #tpu.memory_space<hbm>> -> memref<3200xi32, #tpu.memory_space<hbm>>
      tpu.wait_dma2 semaphore(%arg12 : memref<!tpu.dma_semaphore, #tpu.memory_space<semaphore_mem>>) src(%dma_wait3A_1260 : memref<3200xi32, #tpu.memory_space<hbm>>) dst(%arg8 : memref<3200xi32, #tpu.memory_space<vmem>>)
      %add3A_1261 = arith.constant 1 : i32
      %add3A_1262 = arith.addi %mul3A_18, %add3A_1261 : i32
      %broadcast_in_dim3A_1263 = arith.constant 0.000000e+00 : f32
      %broadcast_in_dim3A_1264 = vector.broadcast %broadcast_in_dim3A_1263 : f32 to vector<16xf32>
      %add3A_1265 = arith.constant 0 : i32
      %add3A_1266 = vector.broadcast %add3A_1265 : i32 to vector<16xi32>
      %add3A_1267 = arith.addi %mul3A_2, %add3A_1266 : vector<16xi32>
      %gather3A_1268 = tpu.vector_load_idx %arg8[%add3A_1267] : memref<3200xi32, #tpu.memory_space<vmem>>[vector<16xi32>], vector<16xi32>,
      %gather3A_1269 = tpu.vector_load_idx %arg6[%gather3A_1268] : memref<102400xf32, #tpu.memory_space<vmem>>[vector<16xi32>], vector<16xf32>,
      %add3A_1270 = arith.addf %broadcast_in_dim3A_1264, %gather3A_1269 : vector<16xf32>
      %add3A_1271 = arith.constant 1 : i32
      %add3A_1272 = vector.broadcast %add3A_1271 : i32 to vector<16xi32>
      %add3A_1273 = arith.addi %mul3A_2, %add3A_1272 : vector<16xi32>
      %gather3A_1274 = tpu.vector_load_idx %arg8[%add3A_1273] : memref<3200xi32, #tpu.memory_space<vmem>>[vector<16xi32>], vector<16xi32>,
      %gather3A_1275 = tpu.vector_load_idx %arg6[%gather3A_1274] : memref<102400xf32, #tpu.memory_space<vmem>>[vector<16xi32>], vector<16xf32>,
      %add3A_1276 = arith.addf %add3A_1270, %gather3A_1275 : vector<16xf32>
      %add3A_1277 = arith.constant 2 : i32
      %add3A_1278 = vector.broadcast %add3A_1277 : i32 to vector<16xi32>
      %add3A_1279 = arith.addi %mul3A_2, %add3A_1278 : vector<16xi32>
      %gather3A_1280 = tpu.vector_load_idx %arg8[%add3A_1279] : memref<3200xi32, #tpu.memory_space<vmem>>[vector<16xi32>], vector<16xi32>,
      %gather3A_1281 = tpu.vector_load_idx %arg6[%gather3A_1280] : memref<102400xf32, #tpu.memory_space<vmem>>[vector<16xi32>], vector<16xf32>,
      %add3A_1282 = arith.addf %add3A_1276, %gather3A_1281 : vector<16xf32>
      %add3A_1283 = arith.constant 3 : i32
      %add3A_1284 = vector.broadcast %add3A_1283 : i32 to vector<16xi32>
      %add3A_1285 = arith.addi %mul3A_2, %add3A_1284 : vector<16xi32>
      %gather3A_1286 = tpu.vector_load_idx %arg8[%add3A_1285] : memref<3200xi32, #tpu.memory_space<vmem>>[vector<16xi32>], vector<16xi32>,
      %gather3A_1287 = tpu.vector_load_idx %arg6[%gather3A_1286] : memref<102400xf32, #tpu.memory_space<vmem>>[vector<16xi32>], vector<16xf32>,
      %add3A_1288 = arith.addf %add3A_1282, %gather3A_1287 : vector<16xf32>
      %add3A_1289 = arith.constant 4 : i32
      %add3A_1290 = vector.broadcast %add3A_1289 : i32 to vector<16xi32>
      %add3A_1291 = arith.addi %mul3A_2, %add3A_1290 : vector<16xi32>
      %gather3A_1292 = tpu.vector_load_idx %arg8[%add3A_1291] : memref<3200xi32, #tpu.memory_space<vmem>>[vector<16xi32>], vector<16xi32>,
      %gather3A_1293 = tpu.vector_load_idx %arg6[%gather3A_1292] : memref<102400xf32, #tpu.memory_space<vmem>>[vector<16xi32>], vector<16xf32>,
      %add3A_1294 = arith.addf %add3A_1288, %gather3A_1293 : vector<16xf32>
      %add3A_1295 = arith.constant 5 : i32
      %add3A_1296 = vector.broadcast %add3A_1295 : i32 to vector<16xi32>
      %add3A_1297 = arith.addi %mul3A_2, %add3A_1296 : vector<16xi32>
      %gather3A_1298 = tpu.vector_load_idx %arg8[%add3A_1297] : memref<3200xi32, #tpu.memory_space<vmem>>[vector<16xi32>], vector<16xi32>,
      %gather3A_1299 = tpu.vector_load_idx %arg6[%gather3A_1298] : memref<102400xf32, #tpu.memory_space<vmem>>[vector<16xi32>], vector<16xf32>,
      %add3A_1300 = arith.addf %add3A_1294, %gather3A_1299 : vector<16xf32>
      %add3A_1301 = arith.constant 6 : i32
      %add3A_1302 = vector.broadcast %add3A_1301 : i32 to vector<16xi32>
      %add3A_1303 = arith.addi %mul3A_2, %add3A_1302 : vector<16xi32>
      %gather3A_1304 = tpu.vector_load_idx %arg8[%add3A_1303] : memref<3200xi32, #tpu.memory_space<vmem>>[vector<16xi32>], vector<16xi32>,
      %gather3A_1305 = tpu.vector_load_idx %arg6[%gather3A_1304] : memref<102400xf32, #tpu.memory_space<vmem>>[vector<16xi32>], vector<16xf32>,
      %add3A_1306 = arith.addf %add3A_1300, %gather3A_1305 : vector<16xf32>
      %add3A_1307 = arith.constant 7 : i32
      %add3A_1308 = vector.broadcast %add3A_1307 : i32 to vector<16xi32>
      %add3A_1309 = arith.addi %mul3A_2, %add3A_1308 : vector<16xi32>
      %gather3A_1310 = tpu.vector_load_idx %arg8[%add3A_1309] : memref<3200xi32, #tpu.memory_space<vmem>>[vector<16xi32>], vector<16xi32>,
      %gather3A_1311 = tpu.vector_load_idx %arg6[%gather3A_1310] : memref<102400xf32, #tpu.memory_space<vmem>>[vector<16xi32>], vector<16xf32>,
      %add3A_1312 = arith.addf %add3A_1306, %gather3A_1311 : vector<16xf32>
      %add3A_1313 = arith.constant 8 : i32
      %add3A_1314 = vector.broadcast %add3A_1313 : i32 to vector<16xi32>
      %add3A_1315 = arith.addi %mul3A_2, %add3A_1314 : vector<16xi32>
      %gather3A_1316 = tpu.vector_load_idx %arg8[%add3A_1315] : memref<3200xi32, #tpu.memory_space<vmem>>[vector<16xi32>], vector<16xi32>,
      %gather3A_1317 = tpu.vector_load_idx %arg6[%gather3A_1316] : memref<102400xf32, #tpu.memory_space<vmem>>[vector<16xi32>], vector<16xf32>,
      %add3A_1318 = arith.addf %add3A_1312, %gather3A_1317 : vector<16xf32>
      %add3A_1319 = arith.constant 9 : i32
      %add3A_1320 = vector.broadcast %add3A_1319 : i32 to vector<16xi32>
      %add3A_1321 = arith.addi %mul3A_2, %add3A_1320 : vector<16xi32>
      %gather3A_1322 = tpu.vector_load_idx %arg8[%add3A_1321] : memref<3200xi32, #tpu.memory_space<vmem>>[vector<16xi32>], vector<16xi32>,
      %gather3A_1323 = tpu.vector_load_idx %arg6[%gather3A_1322] : memref<102400xf32, #tpu.memory_space<vmem>>[vector<16xi32>], vector<16xf32>,
      %add3A_1324 = arith.addf %add3A_1318, %gather3A_1323 : vector<16xf32>
      %add3A_1325 = arith.constant 10 : i32
      %add3A_1326 = vector.broadcast %add3A_1325 : i32 to vector<16xi32>
      %add3A_1327 = arith.addi %mul3A_2, %add3A_1326 : vector<16xi32>
      %gather3A_1328 = tpu.vector_load_idx %arg8[%add3A_1327] : memref<3200xi32, #tpu.memory_space<vmem>>[vector<16xi32>], vector<16xi32>,
      %gather3A_1329 = tpu.vector_load_idx %arg6[%gather3A_1328] : memref<102400xf32, #tpu.memory_space<vmem>>[vector<16xi32>], vector<16xf32>,
      %add3A_1330 = arith.addf %add3A_1324, %gather3A_1329 : vector<16xf32>
      %add3A_1331 = arith.constant 11 : i32
      %add3A_1332 = vector.broadcast %add3A_1331 : i32 to vector<16xi32>
      %add3A_1333 = arith.addi %mul3A_2, %add3A_1332 : vector<16xi32>
      %gather3A_1334 = tpu.vector_load_idx %arg8[%add3A_1333] : memref<3200xi32, #tpu.memory_space<vmem>>[vector<16xi32>], vector<16xi32>,
      %gather3A_1335 = tpu.vector_load_idx %arg6[%gather3A_1334] : memref<102400xf32, #tpu.memory_space<vmem>>[vector<16xi32>], vector<16xf32>,
      %add3A_1336 = arith.addf %add3A_1330, %gather3A_1335 : vector<16xf32>
      %add3A_1337 = arith.constant 12 : i32
      %add3A_1338 = vector.broadcast %add3A_1337 : i32 to vector<16xi32>
      %add3A_1339 = arith.addi %mul3A_2, %add3A_1338 : vector<16xi32>
      %gather3A_1340 = tpu.vector_load_idx %arg8[%add3A_1339] : memref<3200xi32, #tpu.memory_space<vmem>>[vector<16xi32>], vector<16xi32>,
      %gather3A_1341 = tpu.vector_load_idx %arg6[%gather3A_1340] : memref<102400xf32, #tpu.memory_space<vmem>>[vector<16xi32>], vector<16xf32>,
      %add3A_1342 = arith.addf %add3A_1336, %gather3A_1341 : vector<16xf32>
      %add3A_1343 = arith.constant 13 : i32
      %add3A_1344 = vector.broadcast %add3A_1343 : i32 to vector<16xi32>
      %add3A_1345 = arith.addi %mul3A_2, %add3A_1344 : vector<16xi32>
      %gather3A_1346 = tpu.vector_load_idx %arg8[%add3A_1345] : memref<3200xi32, #tpu.memory_space<vmem>>[vector<16xi32>], vector<16xi32>,
      %gather3A_1347 = tpu.vector_load_idx %arg6[%gather3A_1346] : memref<102400xf32, #tpu.memory_space<vmem>>[vector<16xi32>], vector<16xf32>,
      %add3A_1348 = arith.addf %add3A_1342, %gather3A_1347 : vector<16xf32>
      %add3A_1349 = arith.constant 14 : i32
      %add3A_1350 = vector.broadcast %add3A_1349 : i32 to vector<16xi32>
      %add3A_1351 = arith.addi %mul3A_2, %add3A_1350 : vector<16xi32>
      %gather3A_1352 = tpu.vector_load_idx %arg8[%add3A_1351] : memref<3200xi32, #tpu.memory_space<vmem>>[vector<16xi32>], vector<16xi32>,
      %gather3A_1353 = tpu.vector_load_idx %arg6[%gather3A_1352] : memref<102400xf32, #tpu.memory_space<vmem>>[vector<16xi32>], vector<16xf32>,
      %add3A_1354 = arith.addf %add3A_1348, %gather3A_1353 : vector<16xf32>
      %add3A_1355 = arith.constant 15 : i32
      %add3A_1356 = vector.broadcast %add3A_1355 : i32 to vector<16xi32>
      %add3A_1357 = arith.addi %mul3A_2, %add3A_1356 : vector<16xi32>
      %gather3A_1358 = tpu.vector_load_idx %arg8[%add3A_1357] : memref<3200xi32, #tpu.memory_space<vmem>>[vector<16xi32>], vector<16xi32>,
      %gather3A_1359 = tpu.vector_load_idx %arg6[%gather3A_1358] : memref<102400xf32, #tpu.memory_space<vmem>>[vector<16xi32>], vector<16xf32>,
      %add3A_1360 = arith.addf %add3A_1354, %gather3A_1359 : vector<16xf32>
      %add3A_1361 = arith.constant 16 : i32
      %add3A_1362 = vector.broadcast %add3A_1361 : i32 to vector<16xi32>
      %add3A_1363 = arith.addi %mul3A_2, %add3A_1362 : vector<16xi32>
      %gather3A_1364 = tpu.vector_load_idx %arg8[%add3A_1363] : memref<3200xi32, #tpu.memory_space<vmem>>[vector<16xi32>], vector<16xi32>,
      %gather3A_1365 = tpu.vector_load_idx %arg6[%gather3A_1364] : memref<102400xf32, #tpu.memory_space<vmem>>[vector<16xi32>], vector<16xf32>,
      %add3A_1366 = arith.addf %add3A_1360, %gather3A_1365 : vector<16xf32>
      %add3A_1367 = arith.constant 17 : i32
      %add3A_1368 = vector.broadcast %add3A_1367 : i32 to vector<16xi32>
      %add3A_1369 = arith.addi %mul3A_2, %add3A_1368 : vector<16xi32>
      %gather3A_1370 = tpu.vector_load_idx %arg8[%add3A_1369] : memref<3200xi32, #tpu.memory_space<vmem>>[vector<16xi32>], vector<16xi32>,
      %gather3A_1371 = tpu.vector_load_idx %arg6[%gather3A_1370] : memref<102400xf32, #tpu.memory_space<vmem>>[vector<16xi32>], vector<16xf32>,
      %add3A_1372 = arith.addf %add3A_1366, %gather3A_1371 : vector<16xf32>
      %add3A_1373 = arith.constant 18 : i32
      %add3A_1374 = vector.broadcast %add3A_1373 : i32 to vector<16xi32>
      %add3A_1375 = arith.addi %mul3A_2, %add3A_1374 : vector<16xi32>
      %gather3A_1376 = tpu.vector_load_idx %arg8[%add3A_1375] : memref<3200xi32, #tpu.memory_space<vmem>>[vector<16xi32>], vector<16xi32>,
      %gather3A_1377 = tpu.vector_load_idx %arg6[%gather3A_1376] : memref<102400xf32, #tpu.memory_space<vmem>>[vector<16xi32>], vector<16xf32>,
      %add3A_1378 = arith.addf %add3A_1372, %gather3A_1377 : vector<16xf32>
      %add3A_1379 = arith.constant 19 : i32
      %add3A_1380 = vector.broadcast %add3A_1379 : i32 to vector<16xi32>
      %add3A_1381 = arith.addi %mul3A_2, %add3A_1380 : vector<16xi32>
      %gather3A_1382 = tpu.vector_load_idx %arg8[%add3A_1381] : memref<3200xi32, #tpu.memory_space<vmem>>[vector<16xi32>], vector<16xi32>,
      %gather3A_1383 = tpu.vector_load_idx %arg6[%gather3A_1382] : memref<102400xf32, #tpu.memory_space<vmem>>[vector<16xi32>], vector<16xf32>,
      %add3A_1384 = arith.addf %add3A_1378, %gather3A_1383 : vector<16xf32>
      %add3A_1385 = arith.constant 20 : i32
      %add3A_1386 = vector.broadcast %add3A_1385 : i32 to vector<16xi32>
      %add3A_1387 = arith.addi %mul3A_2, %add3A_1386 : vector<16xi32>
      %gather3A_1388 = tpu.vector_load_idx %arg8[%add3A_1387] : memref<3200xi32, #tpu.memory_space<vmem>>[vector<16xi32>], vector<16xi32>,
      %gather3A_1389 = tpu.vector_load_idx %arg6[%gather3A_1388] : memref<102400xf32, #tpu.memory_space<vmem>>[vector<16xi32>], vector<16xf32>,
      %add3A_1390 = arith.addf %add3A_1384, %gather3A_1389 : vector<16xf32>
      %add3A_1391 = arith.constant 21 : i32
      %add3A_1392 = vector.broadcast %add3A_1391 : i32 to vector<16xi32>
      %add3A_1393 = arith.addi %mul3A_2, %add3A_1392 : vector<16xi32>
      %gather3A_1394 = tpu.vector_load_idx %arg8[%add3A_1393] : memref<3200xi32, #tpu.memory_space<vmem>>[vector<16xi32>], vector<16xi32>,
      %gather3A_1395 = tpu.vector_load_idx %arg6[%gather3A_1394] : memref<102400xf32, #tpu.memory_space<vmem>>[vector<16xi32>], vector<16xf32>,
      %add3A_1396 = arith.addf %add3A_1390, %gather3A_1395 : vector<16xf32>
      %add3A_1397 = arith.constant 22 : i32
      %add3A_1398 = vector.broadcast %add3A_1397 : i32 to vector<16xi32>
      %add3A_1399 = arith.addi %mul3A_2, %add3A_1398 : vector<16xi32>
      %gather3A_1400 = tpu.vector_load_idx %arg8[%add3A_1399] : memref<3200xi32, #tpu.memory_space<vmem>>[vector<16xi32>], vector<16xi32>,
      %gather3A_1401 = tpu.vector_load_idx %arg6[%gather3A_1400] : memref<102400xf32, #tpu.memory_space<vmem>>[vector<16xi32>], vector<16xf32>,
      %add3A_1402 = arith.addf %add3A_1396, %gather3A_1401 : vector<16xf32>
      %add3A_1403 = arith.constant 23 : i32
      %add3A_1404 = vector.broadcast %add3A_1403 : i32 to vector<16xi32>
      %add3A_1405 = arith.addi %mul3A_2, %add3A_1404 : vector<16xi32>
      %gather3A_1406 = tpu.vector_load_idx %arg8[%add3A_1405] : memref<3200xi32, #tpu.memory_space<vmem>>[vector<16xi32>], vector<16xi32>,
      %gather3A_1407 = tpu.vector_load_idx %arg6[%gather3A_1406] : memref<102400xf32, #tpu.memory_space<vmem>>[vector<16xi32>], vector<16xf32>,
      %add3A_1408 = arith.addf %add3A_1402, %gather3A_1407 : vector<16xf32>
      %add3A_1409 = arith.constant 24 : i32
      %add3A_1410 = vector.broadcast %add3A_1409 : i32 to vector<16xi32>
      %add3A_1411 = arith.addi %mul3A_2, %add3A_1410 : vector<16xi32>
      %gather3A_1412 = tpu.vector_load_idx %arg8[%add3A_1411] : memref<3200xi32, #tpu.memory_space<vmem>>[vector<16xi32>], vector<16xi32>,
      %gather3A_1413 = tpu.vector_load_idx %arg6[%gather3A_1412] : memref<102400xf32, #tpu.memory_space<vmem>>[vector<16xi32>], vector<16xf32>,
      %add3A_1414 = arith.addf %add3A_1408, %gather3A_1413 : vector<16xf32>
      %add3A_1415 = arith.constant 25 : i32
      %add3A_1416 = vector.broadcast %add3A_1415 : i32 to vector<16xi32>
      %add3A_1417 = arith.addi %mul3A_2, %add3A_1416 : vector<16xi32>
      %gather3A_1418 = tpu.vector_load_idx %arg8[%add3A_1417] : memref<3200xi32, #tpu.memory_space<vmem>>[vector<16xi32>], vector<16xi32>,
      %gather3A_1419 = tpu.vector_load_idx %arg6[%gather3A_1418] : memref<102400xf32, #tpu.memory_space<vmem>>[vector<16xi32>], vector<16xf32>,
      %add3A_1420 = arith.addf %add3A_1414, %gather3A_1419 : vector<16xf32>
      %add3A_1421 = arith.constant 26 : i32
      %add3A_1422 = vector.broadcast %add3A_1421 : i32 to vector<16xi32>
      %add3A_1423 = arith.addi %mul3A_2, %add3A_1422 : vector<16xi32>
      %gather3A_1424 = tpu.vector_load_idx %arg8[%add3A_1423] : memref<3200xi32, #tpu.memory_space<vmem>>[vector<16xi32>], vector<16xi32>,
      %gather3A_1425 = tpu.vector_load_idx %arg6[%gather3A_1424] : memref<102400xf32, #tpu.memory_space<vmem>>[vector<16xi32>], vector<16xf32>,
      %add3A_1426 = arith.addf %add3A_1420, %gather3A_1425 : vector<16xf32>
      %add3A_1427 = arith.constant 27 : i32
      %add3A_1428 = vector.broadcast %add3A_1427 : i32 to vector<16xi32>
      %add3A_1429 = arith.addi %mul3A_2, %add3A_1428 : vector<16xi32>
      %gather3A_1430 = tpu.vector_load_idx %arg8[%add3A_1429] : memref<3200xi32, #tpu.memory_space<vmem>>[vector<16xi32>], vector<16xi32>,
      %gather3A_1431 = tpu.vector_load_idx %arg6[%gather3A_1430] : memref<102400xf32, #tpu.memory_space<vmem>>[vector<16xi32>], vector<16xf32>,
      %add3A_1432 = arith.addf %add3A_1426, %gather3A_1431 : vector<16xf32>
      %add3A_1433 = arith.constant 28 : i32
      %add3A_1434 = vector.broadcast %add3A_1433 : i32 to vector<16xi32>
      %add3A_1435 = arith.addi %mul3A_2, %add3A_1434 : vector<16xi32>
      %gather3A_1436 = tpu.vector_load_idx %arg8[%add3A_1435] : memref<3200xi32, #tpu.memory_space<vmem>>[vector<16xi32>], vector<16xi32>,
      %gather3A_1437 = tpu.vector_load_idx %arg6[%gather3A_1436] : memref<102400xf32, #tpu.memory_space<vmem>>[vector<16xi32>], vector<16xf32>,
      %add3A_1438 = arith.addf %add3A_1432, %gather3A_1437 : vector<16xf32>
      %add3A_1439 = arith.constant 29 : i32
      %add3A_1440 = vector.broadcast %add3A_1439 : i32 to vector<16xi32>
      %add3A_1441 = arith.addi %mul3A_2, %add3A_1440 : vector<16xi32>
      %gather3A_1442 = tpu.vector_load_idx %arg8[%add3A_1441] : memref<3200xi32, #tpu.memory_space<vmem>>[vector<16xi32>], vector<16xi32>,
      %gather3A_1443 = tpu.vector_load_idx %arg6[%gather3A_1442] : memref<102400xf32, #tpu.memory_space<vmem>>[vector<16xi32>], vector<16xf32>,
      %add3A_1444 = arith.addf %add3A_1438, %gather3A_1443 : vector<16xf32>
      %add3A_1445 = arith.constant 30 : i32
      %add3A_1446 = vector.broadcast %add3A_1445 : i32 to vector<16xi32>
      %add3A_1447 = arith.addi %mul3A_2, %add3A_1446 : vector<16xi32>
      %gather3A_1448 = tpu.vector_load_idx %arg8[%add3A_1447] : memref<3200xi32, #tpu.memory_space<vmem>>[vector<16xi32>], vector<16xi32>,
      %gather3A_1449 = tpu.vector_load_idx %arg6[%gather3A_1448] : memref<102400xf32, #tpu.memory_space<vmem>>[vector<16xi32>], vector<16xf32>,
      %add3A_1450 = arith.addf %add3A_1444, %gather3A_1449 : vector<16xf32>
      %add3A_1451 = arith.constant 31 : i32
      %add3A_1452 = vector.broadcast %add3A_1451 : i32 to vector<16xi32>
      %add3A_1453 = arith.addi %mul3A_2, %add3A_1452 : vector<16xi32>
      %gather3A_1454 = tpu.vector_load_idx %arg8[%add3A_1453] : memref<3200xi32, #tpu.memory_space<vmem>>[vector<16xi32>], vector<16xi32>,
      %gather3A_1455 = tpu.vector_load_idx %arg6[%gather3A_1454] : memref<102400xf32, #tpu.memory_space<vmem>>[vector<16xi32>], vector<16xf32>,
      %add3A_1456 = arith.addf %add3A_1450, %gather3A_1455 : vector<16xf32>
      %add3A_1457 = arith.constant 32 : i32
      %add3A_1458 = vector.broadcast %add3A_1457 : i32 to vector<16xi32>
      %add3A_1459 = arith.addi %mul3A_2, %add3A_1458 : vector<16xi32>
      %gather3A_1460 = tpu.vector_load_idx %arg8[%add3A_1459] : memref<3200xi32, #tpu.memory_space<vmem>>[vector<16xi32>], vector<16xi32>,
      %gather3A_1461 = tpu.vector_load_idx %arg6[%gather3A_1460] : memref<102400xf32, #tpu.memory_space<vmem>>[vector<16xi32>], vector<16xf32>,
      %add3A_1462 = arith.addf %add3A_1456, %gather3A_1461 : vector<16xf32>
      %add3A_1463 = arith.constant 33 : i32
      %add3A_1464 = vector.broadcast %add3A_1463 : i32 to vector<16xi32>
      %add3A_1465 = arith.addi %mul3A_2, %add3A_1464 : vector<16xi32>
      %gather3A_1466 = tpu.vector_load_idx %arg8[%add3A_1465] : memref<3200xi32, #tpu.memory_space<vmem>>[vector<16xi32>], vector<16xi32>,
      %gather3A_1467 = tpu.vector_load_idx %arg6[%gather3A_1466] : memref<102400xf32, #tpu.memory_space<vmem>>[vector<16xi32>], vector<16xf32>,
      %add3A_1468 = arith.addf %add3A_1462, %gather3A_1467 : vector<16xf32>
      %add3A_1469 = arith.constant 34 : i32
      %add3A_1470 = vector.broadcast %add3A_1469 : i32 to vector<16xi32>
      %add3A_1471 = arith.addi %mul3A_2, %add3A_1470 : vector<16xi32>
      %gather3A_1472 = tpu.vector_load_idx %arg8[%add3A_1471] : memref<3200xi32, #tpu.memory_space<vmem>>[vector<16xi32>], vector<16xi32>,
      %gather3A_1473 = tpu.vector_load_idx %arg6[%gather3A_1472] : memref<102400xf32, #tpu.memory_space<vmem>>[vector<16xi32>], vector<16xf32>,
      %add3A_1474 = arith.addf %add3A_1468, %gather3A_1473 : vector<16xf32>
      %add3A_1475 = arith.constant 35 : i32
      %add3A_1476 = vector.broadcast %add3A_1475 : i32 to vector<16xi32>
      %add3A_1477 = arith.addi %mul3A_2, %add3A_1476 : vector<16xi32>
      %gather3A_1478 = tpu.vector_load_idx %arg8[%add3A_1477] : memref<3200xi32, #tpu.memory_space<vmem>>[vector<16xi32>], vector<16xi32>,
      %gather3A_1479 = tpu.vector_load_idx %arg6[%gather3A_1478] : memref<102400xf32, #tpu.memory_space<vmem>>[vector<16xi32>], vector<16xf32>,
      %add3A_1480 = arith.addf %add3A_1474, %gather3A_1479 : vector<16xf32>
      %add3A_1481 = arith.constant 36 : i32
      %add3A_1482 = vector.broadcast %add3A_1481 : i32 to vector<16xi32>
      %add3A_1483 = arith.addi %mul3A_2, %add3A_1482 : vector<16xi32>
      %gather3A_1484 = tpu.vector_load_idx %arg8[%add3A_1483] : memref<3200xi32, #tpu.memory_space<vmem>>[vector<16xi32>], vector<16xi32>,
      %gather3A_1485 = tpu.vector_load_idx %arg6[%gather3A_1484] : memref<102400xf32, #tpu.memory_space<vmem>>[vector<16xi32>], vector<16xf32>,
      %add3A_1486 = arith.addf %add3A_1480, %gather3A_1485 : vector<16xf32>
      %add3A_1487 = arith.constant 37 : i32
      %add3A_1488 = vector.broadcast %add3A_1487 : i32 to vector<16xi32>
      %add3A_1489 = arith.addi %mul3A_2, %add3A_1488 : vector<16xi32>
      %gather3A_1490 = tpu.vector_load_idx %arg8[%add3A_1489] : memref<3200xi32, #tpu.memory_space<vmem>>[vector<16xi32>], vector<16xi32>,
      %gather3A_1491 = tpu.vector_load_idx %arg6[%gather3A_1490] : memref<102400xf32, #tpu.memory_space<vmem>>[vector<16xi32>], vector<16xf32>,
      %add3A_1492 = arith.addf %add3A_1486, %gather3A_1491 : vector<16xf32>
      %add3A_1493 = arith.constant 38 : i32
      %add3A_1494 = vector.broadcast %add3A_1493 : i32 to vector<16xi32>
      %add3A_1495 = arith.addi %mul3A_2, %add3A_1494 : vector<16xi32>
      %gather3A_1496 = tpu.vector_load_idx %arg8[%add3A_1495] : memref<3200xi32, #tpu.memory_space<vmem>>[vector<16xi32>], vector<16xi32>,
      %gather3A_1497 = tpu.vector_load_idx %arg6[%gather3A_1496] : memref<102400xf32, #tpu.memory_space<vmem>>[vector<16xi32>], vector<16xf32>,
      %add3A_1498 = arith.addf %add3A_1492, %gather3A_1497 : vector<16xf32>
      %add3A_1499 = arith.constant 39 : i32
      %add3A_1500 = vector.broadcast %add3A_1499 : i32 to vector<16xi32>
      %add3A_1501 = arith.addi %mul3A_2, %add3A_1500 : vector<16xi32>
      %gather3A_1502 = tpu.vector_load_idx %arg8[%add3A_1501] : memref<3200xi32, #tpu.memory_space<vmem>>[vector<16xi32>], vector<16xi32>,
      %gather3A_1503 = tpu.vector_load_idx %arg6[%gather3A_1502] : memref<102400xf32, #tpu.memory_space<vmem>>[vector<16xi32>], vector<16xf32>,
      %add3A_1504 = arith.addf %add3A_1498, %gather3A_1503 : vector<16xf32>
      %add3A_1505 = arith.constant 40 : i32
      %add3A_1506 = vector.broadcast %add3A_1505 : i32 to vector<16xi32>
      %add3A_1507 = arith.addi %mul3A_2, %add3A_1506 : vector<16xi32>
      %gather3A_1508 = tpu.vector_load_idx %arg8[%add3A_1507] : memref<3200xi32, #tpu.memory_space<vmem>>[vector<16xi32>], vector<16xi32>,
      %gather3A_1509 = tpu.vector_load_idx %arg6[%gather3A_1508] : memref<102400xf32, #tpu.memory_space<vmem>>[vector<16xi32>], vector<16xf32>,
      %add3A_1510 = arith.addf %add3A_1504, %gather3A_1509 : vector<16xf32>
      %add3A_1511 = arith.constant 41 : i32
      %add3A_1512 = vector.broadcast %add3A_1511 : i32 to vector<16xi32>
      %add3A_1513 = arith.addi %mul3A_2, %add3A_1512 : vector<16xi32>
      %gather3A_1514 = tpu.vector_load_idx %arg8[%add3A_1513] : memref<3200xi32, #tpu.memory_space<vmem>>[vector<16xi32>], vector<16xi32>,
      %gather3A_1515 = tpu.vector_load_idx %arg6[%gather3A_1514] : memref<102400xf32, #tpu.memory_space<vmem>>[vector<16xi32>], vector<16xf32>,
      %add3A_1516 = arith.addf %add3A_1510, %gather3A_1515 : vector<16xf32>
      %add3A_1517 = arith.constant 42 : i32
      %add3A_1518 = vector.broadcast %add3A_1517 : i32 to vector<16xi32>
      %add3A_1519 = arith.addi %mul3A_2, %add3A_1518 : vector<16xi32>
      %gather3A_1520 = tpu.vector_load_idx %arg8[%add3A_1519] : memref<3200xi32, #tpu.memory_space<vmem>>[vector<16xi32>], vector<16xi32>,
      %gather3A_1521 = tpu.vector_load_idx %arg6[%gather3A_1520] : memref<102400xf32, #tpu.memory_space<vmem>>[vector<16xi32>], vector<16xf32>,
      %add3A_1522 = arith.addf %add3A_1516, %gather3A_1521 : vector<16xf32>
      %add3A_1523 = arith.constant 43 : i32
      %add3A_1524 = vector.broadcast %add3A_1523 : i32 to vector<16xi32>
      %add3A_1525 = arith.addi %mul3A_2, %add3A_1524 : vector<16xi32>
      %gather3A_1526 = tpu.vector_load_idx %arg8[%add3A_1525] : memref<3200xi32, #tpu.memory_space<vmem>>[vector<16xi32>], vector<16xi32>,
      %gather3A_1527 = tpu.vector_load_idx %arg6[%gather3A_1526] : memref<102400xf32, #tpu.memory_space<vmem>>[vector<16xi32>], vector<16xf32>,
      %add3A_1528 = arith.addf %add3A_1522, %gather3A_1527 : vector<16xf32>
      %add3A_1529 = arith.constant 44 : i32
      %add3A_1530 = vector.broadcast %add3A_1529 : i32 to vector<16xi32>
      %add3A_1531 = arith.addi %mul3A_2, %add3A_1530 : vector<16xi32>
      %gather3A_1532 = tpu.vector_load_idx %arg8[%add3A_1531] : memref<3200xi32, #tpu.memory_space<vmem>>[vector<16xi32>], vector<16xi32>,
      %gather3A_1533 = tpu.vector_load_idx %arg6[%gather3A_1532] : memref<102400xf32, #tpu.memory_space<vmem>>[vector<16xi32>], vector<16xf32>,
      %add3A_1534 = arith.addf %add3A_1528, %gather3A_1533 : vector<16xf32>
      %add3A_1535 = arith.constant 45 : i32
      %add3A_1536 = vector.broadcast %add3A_1535 : i32 to vector<16xi32>
      %add3A_1537 = arith.addi %mul3A_2, %add3A_1536 : vector<16xi32>
      %gather3A_1538 = tpu.vector_load_idx %arg8[%add3A_1537] : memref<3200xi32, #tpu.memory_space<vmem>>[vector<16xi32>], vector<16xi32>,
      %gather3A_1539 = tpu.vector_load_idx %arg6[%gather3A_1538] : memref<102400xf32, #tpu.memory_space<vmem>>[vector<16xi32>], vector<16xf32>,
      %add3A_1540 = arith.addf %add3A_1534, %gather3A_1539 : vector<16xf32>
      %add3A_1541 = arith.constant 46 : i32
      %add3A_1542 = vector.broadcast %add3A_1541 : i32 to vector<16xi32>
      %add3A_1543 = arith.addi %mul3A_2, %add3A_1542 : vector<16xi32>
      %gather3A_1544 = tpu.vector_load_idx %arg8[%add3A_1543] : memref<3200xi32, #tpu.memory_space<vmem>>[vector<16xi32>], vector<16xi32>,
      %gather3A_1545 = tpu.vector_load_idx %arg6[%gather3A_1544] : memref<102400xf32, #tpu.memory_space<vmem>>[vector<16xi32>], vector<16xf32>,
      %add3A_1546 = arith.addf %add3A_1540, %gather3A_1545 : vector<16xf32>
      %add3A_1547 = arith.constant 47 : i32
      %add3A_1548 = vector.broadcast %add3A_1547 : i32 to vector<16xi32>
      %add3A_1549 = arith.addi %mul3A_2, %add3A_1548 : vector<16xi32>
      %gather3A_1550 = tpu.vector_load_idx %arg8[%add3A_1549] : memref<3200xi32, #tpu.memory_space<vmem>>[vector<16xi32>], vector<16xi32>,
      %gather3A_1551 = tpu.vector_load_idx %arg6[%gather3A_1550] : memref<102400xf32, #tpu.memory_space<vmem>>[vector<16xi32>], vector<16xf32>,
      %add3A_1552 = arith.addf %add3A_1546, %gather3A_1551 : vector<16xf32>
      %add3A_1553 = arith.constant 48 : i32
      %add3A_1554 = vector.broadcast %add3A_1553 : i32 to vector<16xi32>
      %add3A_1555 = arith.addi %mul3A_2, %add3A_1554 : vector<16xi32>
      %gather3A_1556 = tpu.vector_load_idx %arg8[%add3A_1555] : memref<3200xi32, #tpu.memory_space<vmem>>[vector<16xi32>], vector<16xi32>,
      %gather3A_1557 = tpu.vector_load_idx %arg6[%gather3A_1556] : memref<102400xf32, #tpu.memory_space<vmem>>[vector<16xi32>], vector<16xf32>,
      %add3A_1558 = arith.addf %add3A_1552, %gather3A_1557 : vector<16xf32>
      %add3A_1559 = arith.constant 49 : i32
      %add3A_1560 = vector.broadcast %add3A_1559 : i32 to vector<16xi32>
      %add3A_1561 = arith.addi %mul3A_2, %add3A_1560 : vector<16xi32>
      %gather3A_1562 = tpu.vector_load_idx %arg8[%add3A_1561] : memref<3200xi32, #tpu.memory_space<vmem>>[vector<16xi32>], vector<16xi32>,
      %gather3A_1563 = tpu.vector_load_idx %arg6[%gather3A_1562] : memref<102400xf32, #tpu.memory_space<vmem>>[vector<16xi32>], vector<16xf32>,
      %add3A_1564 = arith.addf %add3A_1558, %gather3A_1563 : vector<16xf32>
      %add3A_1565 = arith.constant 50 : i32
      %add3A_1566 = vector.broadcast %add3A_1565 : i32 to vector<16xi32>
      %add3A_1567 = arith.addi %mul3A_2, %add3A_1566 : vector<16xi32>
      %gather3A_1568 = tpu.vector_load_idx %arg8[%add3A_1567] : memref<3200xi32, #tpu.memory_space<vmem>>[vector<16xi32>], vector<16xi32>,
      %gather3A_1569 = tpu.vector_load_idx %arg6[%gather3A_1568] : memref<102400xf32, #tpu.memory_space<vmem>>[vector<16xi32>], vector<16xf32>,
      %add3A_1570 = arith.addf %add3A_1564, %gather3A_1569 : vector<16xf32>
      %add3A_1571 = arith.constant 51 : i32
      %add3A_1572 = vector.broadcast %add3A_1571 : i32 to vector<16xi32>
      %add3A_1573 = arith.addi %mul3A_2, %add3A_1572 : vector<16xi32>
      %gather3A_1574 = tpu.vector_load_idx %arg8[%add3A_1573] : memref<3200xi32, #tpu.memory_space<vmem>>[vector<16xi32>], vector<16xi32>,
      %gather3A_1575 = tpu.vector_load_idx %arg6[%gather3A_1574] : memref<102400xf32, #tpu.memory_space<vmem>>[vector<16xi32>], vector<16xf32>,
      %add3A_1576 = arith.addf %add3A_1570, %gather3A_1575 : vector<16xf32>
      %add3A_1577 = arith.constant 52 : i32
      %add3A_1578 = vector.broadcast %add3A_1577 : i32 to vector<16xi32>
      %add3A_1579 = arith.addi %mul3A_2, %add3A_1578 : vector<16xi32>
      %gather3A_1580 = tpu.vector_load_idx %arg8[%add3A_1579] : memref<3200xi32, #tpu.memory_space<vmem>>[vector<16xi32>], vector<16xi32>,
      %gather3A_1581 = tpu.vector_load_idx %arg6[%gather3A_1580] : memref<102400xf32, #tpu.memory_space<vmem>>[vector<16xi32>], vector<16xf32>,
      %add3A_1582 = arith.addf %add3A_1576, %gather3A_1581 : vector<16xf32>
      %add3A_1583 = arith.constant 53 : i32
      %add3A_1584 = vector.broadcast %add3A_1583 : i32 to vector<16xi32>
      %add3A_1585 = arith.addi %mul3A_2, %add3A_1584 : vector<16xi32>
      %gather3A_1586 = tpu.vector_load_idx %arg8[%add3A_1585] : memref<3200xi32, #tpu.memory_space<vmem>>[vector<16xi32>], vector<16xi32>,
      %gather3A_1587 = tpu.vector_load_idx %arg6[%gather3A_1586] : memref<102400xf32, #tpu.memory_space<vmem>>[vector<16xi32>], vector<16xf32>,
      %add3A_1588 = arith.addf %add3A_1582, %gather3A_1587 : vector<16xf32>
      %add3A_1589 = arith.constant 54 : i32
      %add3A_1590 = vector.broadcast %add3A_1589 : i32 to vector<16xi32>
      %add3A_1591 = arith.addi %mul3A_2, %add3A_1590 : vector<16xi32>
      %gather3A_1592 = tpu.vector_load_idx %arg8[%add3A_1591] : memref<3200xi32, #tpu.memory_space<vmem>>[vector<16xi32>], vector<16xi32>,
      %gather3A_1593 = tpu.vector_load_idx %arg6[%gather3A_1592] : memref<102400xf32, #tpu.memory_space<vmem>>[vector<16xi32>], vector<16xf32>,
      %add3A_1594 = arith.addf %add3A_1588, %gather3A_1593 : vector<16xf32>
      %add3A_1595 = arith.constant 55 : i32
      %add3A_1596 = vector.broadcast %add3A_1595 : i32 to vector<16xi32>
      %add3A_1597 = arith.addi %mul3A_2, %add3A_1596 : vector<16xi32>
      %gather3A_1598 = tpu.vector_load_idx %arg8[%add3A_1597] : memref<3200xi32, #tpu.memory_space<vmem>>[vector<16xi32>], vector<16xi32>,
      %gather3A_1599 = tpu.vector_load_idx %arg6[%gather3A_1598] : memref<102400xf32, #tpu.memory_space<vmem>>[vector<16xi32>], vector<16xf32>,
      %add3A_1600 = arith.addf %add3A_1594, %gather3A_1599 : vector<16xf32>
      %add3A_1601 = arith.constant 56 : i32
      %add3A_1602 = vector.broadcast %add3A_1601 : i32 to vector<16xi32>
      %add3A_1603 = arith.addi %mul3A_2, %add3A_1602 : vector<16xi32>
      %gather3A_1604 = tpu.vector_load_idx %arg8[%add3A_1603] : memref<3200xi32, #tpu.memory_space<vmem>>[vector<16xi32>], vector<16xi32>,
      %gather3A_1605 = tpu.vector_load_idx %arg6[%gather3A_1604] : memref<102400xf32, #tpu.memory_space<vmem>>[vector<16xi32>], vector<16xf32>,
      %add3A_1606 = arith.addf %add3A_1600, %gather3A_1605 : vector<16xf32>
      %add3A_1607 = arith.constant 57 : i32
      %add3A_1608 = vector.broadcast %add3A_1607 : i32 to vector<16xi32>
      %add3A_1609 = arith.addi %mul3A_2, %add3A_1608 : vector<16xi32>
      %gather3A_1610 = tpu.vector_load_idx %arg8[%add3A_1609] : memref<3200xi32, #tpu.memory_space<vmem>>[vector<16xi32>], vector<16xi32>,
      %gather3A_1611 = tpu.vector_load_idx %arg6[%gather3A_1610] : memref<102400xf32, #tpu.memory_space<vmem>>[vector<16xi32>], vector<16xf32>,
      %add3A_1612 = arith.addf %add3A_1606, %gather3A_1611 : vector<16xf32>
      %add3A_1613 = arith.constant 58 : i32
      %add3A_1614 = vector.broadcast %add3A_1613 : i32 to vector<16xi32>
      %add3A_1615 = arith.addi %mul3A_2, %add3A_1614 : vector<16xi32>
      %gather3A_1616 = tpu.vector_load_idx %arg8[%add3A_1615] : memref<3200xi32, #tpu.memory_space<vmem>>[vector<16xi32>], vector<16xi32>,
      %gather3A_1617 = tpu.vector_load_idx %arg6[%gather3A_1616] : memref<102400xf32, #tpu.memory_space<vmem>>[vector<16xi32>], vector<16xf32>,
      %add3A_1618 = arith.addf %add3A_1612, %gather3A_1617 : vector<16xf32>
      %add3A_1619 = arith.constant 59 : i32
      %add3A_1620 = vector.broadcast %add3A_1619 : i32 to vector<16xi32>
      %add3A_1621 = arith.addi %mul3A_2, %add3A_1620 : vector<16xi32>
      %gather3A_1622 = tpu.vector_load_idx %arg8[%add3A_1621] : memref<3200xi32, #tpu.memory_space<vmem>>[vector<16xi32>], vector<16xi32>,
      %gather3A_1623 = tpu.vector_load_idx %arg6[%gather3A_1622] : memref<102400xf32, #tpu.memory_space<vmem>>[vector<16xi32>], vector<16xf32>,
      %add3A_1624 = arith.addf %add3A_1618, %gather3A_1623 : vector<16xf32>
      %add3A_1625 = arith.constant 60 : i32
      %add3A_1626 = vector.broadcast %add3A_1625 : i32 to vector<16xi32>
      %add3A_1627 = arith.addi %mul3A_2, %add3A_1626 : vector<16xi32>
      %gather3A_1628 = tpu.vector_load_idx %arg8[%add3A_1627] : memref<3200xi32, #tpu.memory_space<vmem>>[vector<16xi32>], vector<16xi32>,
      %gather3A_1629 = tpu.vector_load_idx %arg6[%gather3A_1628] : memref<102400xf32, #tpu.memory_space<vmem>>[vector<16xi32>], vector<16xf32>,
      %add3A_1630 = arith.addf %add3A_1624, %gather3A_1629 : vector<16xf32>
      %add3A_1631 = arith.constant 61 : i32
      %add3A_1632 = vector.broadcast %add3A_1631 : i32 to vector<16xi32>
      %add3A_1633 = arith.addi %mul3A_2, %add3A_1632 : vector<16xi32>
      %gather3A_1634 = tpu.vector_load_idx %arg8[%add3A_1633] : memref<3200xi32, #tpu.memory_space<vmem>>[vector<16xi32>], vector<16xi32>,
      %gather3A_1635 = tpu.vector_load_idx %arg6[%gather3A_1634] : memref<102400xf32, #tpu.memory_space<vmem>>[vector<16xi32>], vector<16xf32>,
      %add3A_1636 = arith.addf %add3A_1630, %gather3A_1635 : vector<16xf32>
      %add3A_1637 = arith.constant 62 : i32
      %add3A_1638 = vector.broadcast %add3A_1637 : i32 to vector<16xi32>
      %add3A_1639 = arith.addi %mul3A_2, %add3A_1638 : vector<16xi32>
      %gather3A_1640 = tpu.vector_load_idx %arg8[%add3A_1639] : memref<3200xi32, #tpu.memory_space<vmem>>[vector<16xi32>], vector<16xi32>,
      %gather3A_1641 = tpu.vector_load_idx %arg6[%gather3A_1640] : memref<102400xf32, #tpu.memory_space<vmem>>[vector<16xi32>], vector<16xf32>,
      %add3A_1642 = arith.addf %add3A_1636, %gather3A_1641 : vector<16xf32>
      %add3A_1643 = arith.constant 63 : i32
      %add3A_1644 = vector.broadcast %add3A_1643 : i32 to vector<16xi32>
      %add3A_1645 = arith.addi %mul3A_2, %add3A_1644 : vector<16xi32>
      %gather3A_1646 = tpu.vector_load_idx %arg8[%add3A_1645] : memref<3200xi32, #tpu.memory_space<vmem>>[vector<16xi32>], vector<16xi32>,
      %gather3A_1647 = tpu.vector_load_idx %arg6[%gather3A_1646] : memref<102400xf32, #tpu.memory_space<vmem>>[vector<16xi32>], vector<16xf32>,
      %add3A_1648 = arith.addf %add3A_1642, %gather3A_1647 : vector<16xf32>
      %add3A_1649 = arith.constant 64 : i32
      %add3A_1650 = vector.broadcast %add3A_1649 : i32 to vector<16xi32>
      %add3A_1651 = arith.addi %mul3A_2, %add3A_1650 : vector<16xi32>
      %gather3A_1652 = tpu.vector_load_idx %arg8[%add3A_1651] : memref<3200xi32, #tpu.memory_space<vmem>>[vector<16xi32>], vector<16xi32>,
      %gather3A_1653 = tpu.vector_load_idx %arg6[%gather3A_1652] : memref<102400xf32, #tpu.memory_space<vmem>>[vector<16xi32>], vector<16xf32>,
      %add3A_1654 = arith.addf %add3A_1648, %gather3A_1653 : vector<16xf32>
      %add3A_1655 = arith.constant 65 : i32
      %add3A_1656 = vector.broadcast %add3A_1655 : i32 to vector<16xi32>
      %add3A_1657 = arith.addi %mul3A_2, %add3A_1656 : vector<16xi32>
      %gather3A_1658 = tpu.vector_load_idx %arg8[%add3A_1657] : memref<3200xi32, #tpu.memory_space<vmem>>[vector<16xi32>], vector<16xi32>,
      %gather3A_1659 = tpu.vector_load_idx %arg6[%gather3A_1658] : memref<102400xf32, #tpu.memory_space<vmem>>[vector<16xi32>], vector<16xf32>,
      %add3A_1660 = arith.addf %add3A_1654, %gather3A_1659 : vector<16xf32>
      %add3A_1661 = arith.constant 66 : i32
      %add3A_1662 = vector.broadcast %add3A_1661 : i32 to vector<16xi32>
      %add3A_1663 = arith.addi %mul3A_2, %add3A_1662 : vector<16xi32>
      %gather3A_1664 = tpu.vector_load_idx %arg8[%add3A_1663] : memref<3200xi32, #tpu.memory_space<vmem>>[vector<16xi32>], vector<16xi32>,
      %gather3A_1665 = tpu.vector_load_idx %arg6[%gather3A_1664] : memref<102400xf32, #tpu.memory_space<vmem>>[vector<16xi32>], vector<16xf32>,
      %add3A_1666 = arith.addf %add3A_1660, %gather3A_1665 : vector<16xf32>
      %add3A_1667 = arith.constant 67 : i32
      %add3A_1668 = vector.broadcast %add3A_1667 : i32 to vector<16xi32>
      %add3A_1669 = arith.addi %mul3A_2, %add3A_1668 : vector<16xi32>
      %gather3A_1670 = tpu.vector_load_idx %arg8[%add3A_1669] : memref<3200xi32, #tpu.memory_space<vmem>>[vector<16xi32>], vector<16xi32>,
      %gather3A_1671 = tpu.vector_load_idx %arg6[%gather3A_1670] : memref<102400xf32, #tpu.memory_space<vmem>>[vector<16xi32>], vector<16xf32>,
      %add3A_1672 = arith.addf %add3A_1666, %gather3A_1671 : vector<16xf32>
      %add3A_1673 = arith.constant 68 : i32
      %add3A_1674 = vector.broadcast %add3A_1673 : i32 to vector<16xi32>
      %add3A_1675 = arith.addi %mul3A_2, %add3A_1674 : vector<16xi32>
      %gather3A_1676 = tpu.vector_load_idx %arg8[%add3A_1675] : memref<3200xi32, #tpu.memory_space<vmem>>[vector<16xi32>], vector<16xi32>,
      %gather3A_1677 = tpu.vector_load_idx %arg6[%gather3A_1676] : memref<102400xf32, #tpu.memory_space<vmem>>[vector<16xi32>], vector<16xf32>,
      %add3A_1678 = arith.addf %add3A_1672, %gather3A_1677 : vector<16xf32>
      %add3A_1679 = arith.constant 69 : i32
      %add3A_1680 = vector.broadcast %add3A_1679 : i32 to vector<16xi32>
      %add3A_1681 = arith.addi %mul3A_2, %add3A_1680 : vector<16xi32>
      %gather3A_1682 = tpu.vector_load_idx %arg8[%add3A_1681] : memref<3200xi32, #tpu.memory_space<vmem>>[vector<16xi32>], vector<16xi32>,
      %gather3A_1683 = tpu.vector_load_idx %arg6[%gather3A_1682] : memref<102400xf32, #tpu.memory_space<vmem>>[vector<16xi32>], vector<16xf32>,
      %add3A_1684 = arith.addf %add3A_1678, %gather3A_1683 : vector<16xf32>
      %add3A_1685 = arith.constant 70 : i32
      %add3A_1686 = vector.broadcast %add3A_1685 : i32 to vector<16xi32>
      %add3A_1687 = arith.addi %mul3A_2, %add3A_1686 : vector<16xi32>
      %gather3A_1688 = tpu.vector_load_idx %arg8[%add3A_1687] : memref<3200xi32, #tpu.memory_space<vmem>>[vector<16xi32>], vector<16xi32>,
      %gather3A_1689 = tpu.vector_load_idx %arg6[%gather3A_1688] : memref<102400xf32, #tpu.memory_space<vmem>>[vector<16xi32>], vector<16xf32>,
      %add3A_1690 = arith.addf %add3A_1684, %gather3A_1689 : vector<16xf32>
      %add3A_1691 = arith.constant 71 : i32
      %add3A_1692 = vector.broadcast %add3A_1691 : i32 to vector<16xi32>
      %add3A_1693 = arith.addi %mul3A_2, %add3A_1692 : vector<16xi32>
      %gather3A_1694 = tpu.vector_load_idx %arg8[%add3A_1693] : memref<3200xi32, #tpu.memory_space<vmem>>[vector<16xi32>], vector<16xi32>,
      %gather3A_1695 = tpu.vector_load_idx %arg6[%gather3A_1694] : memref<102400xf32, #tpu.memory_space<vmem>>[vector<16xi32>], vector<16xf32>,
      %add3A_1696 = arith.addf %add3A_1690, %gather3A_1695 : vector<16xf32>
      %add3A_1697 = arith.constant 72 : i32
      %add3A_1698 = vector.broadcast %add3A_1697 : i32 to vector<16xi32>
      %add3A_1699 = arith.addi %mul3A_2, %add3A_1698 : vector<16xi32>
      %gather3A_1700 = tpu.vector_load_idx %arg8[%add3A_1699] : memref<3200xi32, #tpu.memory_space<vmem>>[vector<16xi32>], vector<16xi32>,
      %gather3A_1701 = tpu.vector_load_idx %arg6[%gather3A_1700] : memref<102400xf32, #tpu.memory_space<vmem>>[vector<16xi32>], vector<16xf32>,
      %add3A_1702 = arith.addf %add3A_1696, %gather3A_1701 : vector<16xf32>
      %add3A_1703 = arith.constant 73 : i32
      %add3A_1704 = vector.broadcast %add3A_1703 : i32 to vector<16xi32>
      %add3A_1705 = arith.addi %mul3A_2, %add3A_1704 : vector<16xi32>
      %gather3A_1706 = tpu.vector_load_idx %arg8[%add3A_1705] : memref<3200xi32, #tpu.memory_space<vmem>>[vector<16xi32>], vector<16xi32>,
      %gather3A_1707 = tpu.vector_load_idx %arg6[%gather3A_1706] : memref<102400xf32, #tpu.memory_space<vmem>>[vector<16xi32>], vector<16xf32>,
      %add3A_1708 = arith.addf %add3A_1702, %gather3A_1707 : vector<16xf32>
      %add3A_1709 = arith.constant 74 : i32
      %add3A_1710 = vector.broadcast %add3A_1709 : i32 to vector<16xi32>
      %add3A_1711 = arith.addi %mul3A_2, %add3A_1710 : vector<16xi32>
      %gather3A_1712 = tpu.vector_load_idx %arg8[%add3A_1711] : memref<3200xi32, #tpu.memory_space<vmem>>[vector<16xi32>], vector<16xi32>,
      %gather3A_1713 = tpu.vector_load_idx %arg6[%gather3A_1712] : memref<102400xf32, #tpu.memory_space<vmem>>[vector<16xi32>], vector<16xf32>,
      %add3A_1714 = arith.addf %add3A_1708, %gather3A_1713 : vector<16xf32>
      %add3A_1715 = arith.constant 75 : i32
      %add3A_1716 = vector.broadcast %add3A_1715 : i32 to vector<16xi32>
      %add3A_1717 = arith.addi %mul3A_2, %add3A_1716 : vector<16xi32>
      %gather3A_1718 = tpu.vector_load_idx %arg8[%add3A_1717] : memref<3200xi32, #tpu.memory_space<vmem>>[vector<16xi32>], vector<16xi32>,
      %gather3A_1719 = tpu.vector_load_idx %arg6[%gather3A_1718] : memref<102400xf32, #tpu.memory_space<vmem>>[vector<16xi32>], vector<16xf32>,
      %add3A_1720 = arith.addf %add3A_1714, %gather3A_1719 : vector<16xf32>
      %add3A_1721 = arith.constant 76 : i32
      %add3A_1722 = vector.broadcast %add3A_1721 : i32 to vector<16xi32>
      %add3A_1723 = arith.addi %mul3A_2, %add3A_1722 : vector<16xi32>
      %gather3A_1724 = tpu.vector_load_idx %arg8[%add3A_1723] : memref<3200xi32, #tpu.memory_space<vmem>>[vector<16xi32>], vector<16xi32>,
      %gather3A_1725 = tpu.vector_load_idx %arg6[%gather3A_1724] : memref<102400xf32, #tpu.memory_space<vmem>>[vector<16xi32>], vector<16xf32>,
      %add3A_1726 = arith.addf %add3A_1720, %gather3A_1725 : vector<16xf32>
      %add3A_1727 = arith.constant 77 : i32
      %add3A_1728 = vector.broadcast %add3A_1727 : i32 to vector<16xi32>
      %add3A_1729 = arith.addi %mul3A_2, %add3A_1728 : vector<16xi32>
      %gather3A_1730 = tpu.vector_load_idx %arg8[%add3A_1729] : memref<3200xi32, #tpu.memory_space<vmem>>[vector<16xi32>], vector<16xi32>,
      %gather3A_1731 = tpu.vector_load_idx %arg6[%gather3A_1730] : memref<102400xf32, #tpu.memory_space<vmem>>[vector<16xi32>], vector<16xf32>,
      %add3A_1732 = arith.addf %add3A_1726, %gather3A_1731 : vector<16xf32>
      %add3A_1733 = arith.constant 78 : i32
      %add3A_1734 = vector.broadcast %add3A_1733 : i32 to vector<16xi32>
      %add3A_1735 = arith.addi %mul3A_2, %add3A_1734 : vector<16xi32>
      %gather3A_1736 = tpu.vector_load_idx %arg8[%add3A_1735] : memref<3200xi32, #tpu.memory_space<vmem>>[vector<16xi32>], vector<16xi32>,
      %gather3A_1737 = tpu.vector_load_idx %arg6[%gather3A_1736] : memref<102400xf32, #tpu.memory_space<vmem>>[vector<16xi32>], vector<16xf32>,
      %add3A_1738 = arith.addf %add3A_1732, %gather3A_1737 : vector<16xf32>
      %add3A_1739 = arith.constant 79 : i32
      %add3A_1740 = vector.broadcast %add3A_1739 : i32 to vector<16xi32>
      %add3A_1741 = arith.addi %mul3A_2, %add3A_1740 : vector<16xi32>
      %gather3A_1742 = tpu.vector_load_idx %arg8[%add3A_1741] : memref<3200xi32, #tpu.memory_space<vmem>>[vector<16xi32>], vector<16xi32>,
      %gather3A_1743 = tpu.vector_load_idx %arg6[%gather3A_1742] : memref<102400xf32, #tpu.memory_space<vmem>>[vector<16xi32>], vector<16xf32>,
      %add3A_1744 = arith.addf %add3A_1738, %gather3A_1743 : vector<16xf32>
      %add3A_1745 = arith.constant 80 : i32
      %add3A_1746 = vector.broadcast %add3A_1745 : i32 to vector<16xi32>
      %add3A_1747 = arith.addi %mul3A_2, %add3A_1746 : vector<16xi32>
      %gather3A_1748 = tpu.vector_load_idx %arg8[%add3A_1747] : memref<3200xi32, #tpu.memory_space<vmem>>[vector<16xi32>], vector<16xi32>,
      %gather3A_1749 = tpu.vector_load_idx %arg6[%gather3A_1748] : memref<102400xf32, #tpu.memory_space<vmem>>[vector<16xi32>], vector<16xf32>,
      %add3A_1750 = arith.addf %add3A_1744, %gather3A_1749 : vector<16xf32>
      %add3A_1751 = arith.constant 81 : i32
      %add3A_1752 = vector.broadcast %add3A_1751 : i32 to vector<16xi32>
      %add3A_1753 = arith.addi %mul3A_2, %add3A_1752 : vector<16xi32>
      %gather3A_1754 = tpu.vector_load_idx %arg8[%add3A_1753] : memref<3200xi32, #tpu.memory_space<vmem>>[vector<16xi32>], vector<16xi32>,
      %gather3A_1755 = tpu.vector_load_idx %arg6[%gather3A_1754] : memref<102400xf32, #tpu.memory_space<vmem>>[vector<16xi32>], vector<16xf32>,
      %add3A_1756 = arith.addf %add3A_1750, %gather3A_1755 : vector<16xf32>
      %add3A_1757 = arith.constant 82 : i32
      %add3A_1758 = vector.broadcast %add3A_1757 : i32 to vector<16xi32>
      %add3A_1759 = arith.addi %mul3A_2, %add3A_1758 : vector<16xi32>
      %gather3A_1760 = tpu.vector_load_idx %arg8[%add3A_1759] : memref<3200xi32, #tpu.memory_space<vmem>>[vector<16xi32>], vector<16xi32>,
      %gather3A_1761 = tpu.vector_load_idx %arg6[%gather3A_1760] : memref<102400xf32, #tpu.memory_space<vmem>>[vector<16xi32>], vector<16xf32>,
      %add3A_1762 = arith.addf %add3A_1756, %gather3A_1761 : vector<16xf32>
      %add3A_1763 = arith.constant 83 : i32
      %add3A_1764 = vector.broadcast %add3A_1763 : i32 to vector<16xi32>
      %add3A_1765 = arith.addi %mul3A_2, %add3A_1764 : vector<16xi32>
      %gather3A_1766 = tpu.vector_load_idx %arg8[%add3A_1765] : memref<3200xi32, #tpu.memory_space<vmem>>[vector<16xi32>], vector<16xi32>,
      %gather3A_1767 = tpu.vector_load_idx %arg6[%gather3A_1766] : memref<102400xf32, #tpu.memory_space<vmem>>[vector<16xi32>], vector<16xf32>,
      %add3A_1768 = arith.addf %add3A_1762, %gather3A_1767 : vector<16xf32>
      %add3A_1769 = arith.constant 84 : i32
      %add3A_1770 = vector.broadcast %add3A_1769 : i32 to vector<16xi32>
      %add3A_1771 = arith.addi %mul3A_2, %add3A_1770 : vector<16xi32>
      %gather3A_1772 = tpu.vector_load_idx %arg8[%add3A_1771] : memref<3200xi32, #tpu.memory_space<vmem>>[vector<16xi32>], vector<16xi32>,
      %gather3A_1773 = tpu.vector_load_idx %arg6[%gather3A_1772] : memref<102400xf32, #tpu.memory_space<vmem>>[vector<16xi32>], vector<16xf32>,
      %add3A_1774 = arith.addf %add3A_1768, %gather3A_1773 : vector<16xf32>
      %add3A_1775 = arith.constant 85 : i32
      %add3A_1776 = vector.broadcast %add3A_1775 : i32 to vector<16xi32>
      %add3A_1777 = arith.addi %mul3A_2, %add3A_1776 : vector<16xi32>
      %gather3A_1778 = tpu.vector_load_idx %arg8[%add3A_1777] : memref<3200xi32, #tpu.memory_space<vmem>>[vector<16xi32>], vector<16xi32>,
      %gather3A_1779 = tpu.vector_load_idx %arg6[%gather3A_1778] : memref<102400xf32, #tpu.memory_space<vmem>>[vector<16xi32>], vector<16xf32>,
      %add3A_1780 = arith.addf %add3A_1774, %gather3A_1779 : vector<16xf32>
      %add3A_1781 = arith.constant 86 : i32
      %add3A_1782 = vector.broadcast %add3A_1781 : i32 to vector<16xi32>
      %add3A_1783 = arith.addi %mul3A_2, %add3A_1782 : vector<16xi32>
      %gather3A_1784 = tpu.vector_load_idx %arg8[%add3A_1783] : memref<3200xi32, #tpu.memory_space<vmem>>[vector<16xi32>], vector<16xi32>,
      %gather3A_1785 = tpu.vector_load_idx %arg6[%gather3A_1784] : memref<102400xf32, #tpu.memory_space<vmem>>[vector<16xi32>], vector<16xf32>,
      %add3A_1786 = arith.addf %add3A_1780, %gather3A_1785 : vector<16xf32>
      %add3A_1787 = arith.constant 87 : i32
      %add3A_1788 = vector.broadcast %add3A_1787 : i32 to vector<16xi32>
      %add3A_1789 = arith.addi %mul3A_2, %add3A_1788 : vector<16xi32>
      %gather3A_1790 = tpu.vector_load_idx %arg8[%add3A_1789] : memref<3200xi32, #tpu.memory_space<vmem>>[vector<16xi32>], vector<16xi32>,
      %gather3A_1791 = tpu.vector_load_idx %arg6[%gather3A_1790] : memref<102400xf32, #tpu.memory_space<vmem>>[vector<16xi32>], vector<16xf32>,
      %add3A_1792 = arith.addf %add3A_1786, %gather3A_1791 : vector<16xf32>
      %add3A_1793 = arith.constant 88 : i32
      %add3A_1794 = vector.broadcast %add3A_1793 : i32 to vector<16xi32>
      %add3A_1795 = arith.addi %mul3A_2, %add3A_1794 : vector<16xi32>
      %gather3A_1796 = tpu.vector_load_idx %arg8[%add3A_1795] : memref<3200xi32, #tpu.memory_space<vmem>>[vector<16xi32>], vector<16xi32>,
      %gather3A_1797 = tpu.vector_load_idx %arg6[%gather3A_1796] : memref<102400xf32, #tpu.memory_space<vmem>>[vector<16xi32>], vector<16xf32>,
      %add3A_1798 = arith.addf %add3A_1792, %gather3A_1797 : vector<16xf32>
      %add3A_1799 = arith.constant 89 : i32
      %add3A_1800 = vector.broadcast %add3A_1799 : i32 to vector<16xi32>
      %add3A_1801 = arith.addi %mul3A_2, %add3A_1800 : vector<16xi32>
      %gather3A_1802 = tpu.vector_load_idx %arg8[%add3A_1801] : memref<3200xi32, #tpu.memory_space<vmem>>[vector<16xi32>], vector<16xi32>,
      %gather3A_1803 = tpu.vector_load_idx %arg6[%gather3A_1802] : memref<102400xf32, #tpu.memory_space<vmem>>[vector<16xi32>], vector<16xf32>,
      %add3A_1804 = arith.addf %add3A_1798, %gather3A_1803 : vector<16xf32>
      %add3A_1805 = arith.constant 90 : i32
      %add3A_1806 = vector.broadcast %add3A_1805 : i32 to vector<16xi32>
      %add3A_1807 = arith.addi %mul3A_2, %add3A_1806 : vector<16xi32>
      %gather3A_1808 = tpu.vector_load_idx %arg8[%add3A_1807] : memref<3200xi32, #tpu.memory_space<vmem>>[vector<16xi32>], vector<16xi32>,
      %gather3A_1809 = tpu.vector_load_idx %arg6[%gather3A_1808] : memref<102400xf32, #tpu.memory_space<vmem>>[vector<16xi32>], vector<16xf32>,
      %add3A_1810 = arith.addf %add3A_1804, %gather3A_1809 : vector<16xf32>
      %add3A_1811 = arith.constant 91 : i32
      %add3A_1812 = vector.broadcast %add3A_1811 : i32 to vector<16xi32>
      %add3A_1813 = arith.addi %mul3A_2, %add3A_1812 : vector<16xi32>
      %gather3A_1814 = tpu.vector_load_idx %arg8[%add3A_1813] : memref<3200xi32, #tpu.memory_space<vmem>>[vector<16xi32>], vector<16xi32>,
      %gather3A_1815 = tpu.vector_load_idx %arg6[%gather3A_1814] : memref<102400xf32, #tpu.memory_space<vmem>>[vector<16xi32>], vector<16xf32>,
      %add3A_1816 = arith.addf %add3A_1810, %gather3A_1815 : vector<16xf32>
      %add3A_1817 = arith.constant 92 : i32
      %add3A_1818 = vector.broadcast %add3A_1817 : i32 to vector<16xi32>
      %add3A_1819 = arith.addi %mul3A_2, %add3A_1818 : vector<16xi32>
      %gather3A_1820 = tpu.vector_load_idx %arg8[%add3A_1819] : memref<3200xi32, #tpu.memory_space<vmem>>[vector<16xi32>], vector<16xi32>,
      %gather3A_1821 = tpu.vector_load_idx %arg6[%gather3A_1820] : memref<102400xf32, #tpu.memory_space<vmem>>[vector<16xi32>], vector<16xf32>,
      %add3A_1822 = arith.addf %add3A_1816, %gather3A_1821 : vector<16xf32>
      %add3A_1823 = arith.constant 93 : i32
      %add3A_1824 = vector.broadcast %add3A_1823 : i32 to vector<16xi32>
      %add3A_1825 = arith.addi %mul3A_2, %add3A_1824 : vector<16xi32>
      %gather3A_1826 = tpu.vector_load_idx %arg8[%add3A_1825] : memref<3200xi32, #tpu.memory_space<vmem>>[vector<16xi32>], vector<16xi32>,
      %gather3A_1827 = tpu.vector_load_idx %arg6[%gather3A_1826] : memref<102400xf32, #tpu.memory_space<vmem>>[vector<16xi32>], vector<16xf32>,
      %add3A_1828 = arith.addf %add3A_1822, %gather3A_1827 : vector<16xf32>
      %add3A_1829 = arith.constant 94 : i32
      %add3A_1830 = vector.broadcast %add3A_1829 : i32 to vector<16xi32>
      %add3A_1831 = arith.addi %mul3A_2, %add3A_1830 : vector<16xi32>
      %gather3A_1832 = tpu.vector_load_idx %arg8[%add3A_1831] : memref<3200xi32, #tpu.memory_space<vmem>>[vector<16xi32>], vector<16xi32>,
      %gather3A_1833 = tpu.vector_load_idx %arg6[%gather3A_1832] : memref<102400xf32, #tpu.memory_space<vmem>>[vector<16xi32>], vector<16xf32>,
      %add3A_1834 = arith.addf %add3A_1828, %gather3A_1833 : vector<16xf32>
      %add3A_1835 = arith.constant 95 : i32
      %add3A_1836 = vector.broadcast %add3A_1835 : i32 to vector<16xi32>
      %add3A_1837 = arith.addi %mul3A_2, %add3A_1836 : vector<16xi32>
      %gather3A_1838 = tpu.vector_load_idx %arg8[%add3A_1837] : memref<3200xi32, #tpu.memory_space<vmem>>[vector<16xi32>], vector<16xi32>,
      %gather3A_1839 = tpu.vector_load_idx %arg6[%gather3A_1838] : memref<102400xf32, #tpu.memory_space<vmem>>[vector<16xi32>], vector<16xf32>,
      %add3A_1840 = arith.addf %add3A_1834, %gather3A_1839 : vector<16xf32>
      %add3A_1841 = arith.constant 96 : i32
      %add3A_1842 = vector.broadcast %add3A_1841 : i32 to vector<16xi32>
      %add3A_1843 = arith.addi %mul3A_2, %add3A_1842 : vector<16xi32>
      %gather3A_1844 = tpu.vector_load_idx %arg8[%add3A_1843] : memref<3200xi32, #tpu.memory_space<vmem>>[vector<16xi32>], vector<16xi32>,
      %gather3A_1845 = tpu.vector_load_idx %arg6[%gather3A_1844] : memref<102400xf32, #tpu.memory_space<vmem>>[vector<16xi32>], vector<16xf32>,
      %add3A_1846 = arith.addf %add3A_1840, %gather3A_1845 : vector<16xf32>
      %add3A_1847 = arith.constant 97 : i32
      %add3A_1848 = vector.broadcast %add3A_1847 : i32 to vector<16xi32>
      %add3A_1849 = arith.addi %mul3A_2, %add3A_1848 : vector<16xi32>
      %gather3A_1850 = tpu.vector_load_idx %arg8[%add3A_1849] : memref<3200xi32, #tpu.memory_space<vmem>>[vector<16xi32>], vector<16xi32>,
      %gather3A_1851 = tpu.vector_load_idx %arg6[%gather3A_1850] : memref<102400xf32, #tpu.memory_space<vmem>>[vector<16xi32>], vector<16xf32>,
      %add3A_1852 = arith.addf %add3A_1846, %gather3A_1851 : vector<16xf32>
      %add3A_1853 = arith.constant 98 : i32
      %add3A_1854 = vector.broadcast %add3A_1853 : i32 to vector<16xi32>
      %add3A_1855 = arith.addi %mul3A_2, %add3A_1854 : vector<16xi32>
      %gather3A_1856 = tpu.vector_load_idx %arg8[%add3A_1855] : memref<3200xi32, #tpu.memory_space<vmem>>[vector<16xi32>], vector<16xi32>,
      %gather3A_1857 = tpu.vector_load_idx %arg6[%gather3A_1856] : memref<102400xf32, #tpu.memory_space<vmem>>[vector<16xi32>], vector<16xf32>,
      %add3A_1858 = arith.addf %add3A_1852, %gather3A_1857 : vector<16xf32>
      %add3A_1859 = arith.constant 99 : i32
      %add3A_1860 = vector.broadcast %add3A_1859 : i32 to vector<16xi32>
      %add3A_1861 = arith.addi %mul3A_2, %add3A_1860 : vector<16xi32>
      %gather3A_1862 = tpu.vector_load_idx %arg8[%add3A_1861] : memref<3200xi32, #tpu.memory_space<vmem>>[vector<16xi32>], vector<16xi32>,
      %gather3A_1863 = tpu.vector_load_idx %arg6[%gather3A_1862] : memref<102400xf32, #tpu.memory_space<vmem>>[vector<16xi32>], vector<16xf32>,
      %add3A_1864 = arith.addf %add3A_1858, %gather3A_1863 : vector<16xf32>
      %add3A_1865 = arith.constant 100 : i32
      %add3A_1866 = vector.broadcast %add3A_1865 : i32 to vector<16xi32>
      %add3A_1867 = arith.addi %mul3A_2, %add3A_1866 : vector<16xi32>
      %gather3A_1868 = tpu.vector_load_idx %arg8[%add3A_1867] : memref<3200xi32, #tpu.memory_space<vmem>>[vector<16xi32>], vector<16xi32>,
      %gather3A_1869 = tpu.vector_load_idx %arg6[%gather3A_1868] : memref<102400xf32, #tpu.memory_space<vmem>>[vector<16xi32>], vector<16xf32>,
      %add3A_1870 = arith.addf %add3A_1864, %gather3A_1869 : vector<16xf32>
      %add3A_1871 = arith.constant 101 : i32
      %add3A_1872 = vector.broadcast %add3A_1871 : i32 to vector<16xi32>
      %add3A_1873 = arith.addi %mul3A_2, %add3A_1872 : vector<16xi32>
      %gather3A_1874 = tpu.vector_load_idx %arg8[%add3A_1873] : memref<3200xi32, #tpu.memory_space<vmem>>[vector<16xi32>], vector<16xi32>,
      %gather3A_1875 = tpu.vector_load_idx %arg6[%gather3A_1874] : memref<102400xf32, #tpu.memory_space<vmem>>[vector<16xi32>], vector<16xf32>,
      %add3A_1876 = arith.addf %add3A_1870, %gather3A_1875 : vector<16xf32>
      %add3A_1877 = arith.constant 102 : i32
      %add3A_1878 = vector.broadcast %add3A_1877 : i32 to vector<16xi32>
      %add3A_1879 = arith.addi %mul3A_2, %add3A_1878 : vector<16xi32>
      %gather3A_1880 = tpu.vector_load_idx %arg8[%add3A_1879] : memref<3200xi32, #tpu.memory_space<vmem>>[vector<16xi32>], vector<16xi32>,
      %gather3A_1881 = tpu.vector_load_idx %arg6[%gather3A_1880] : memref<102400xf32, #tpu.memory_space<vmem>>[vector<16xi32>], vector<16xf32>,
      %add3A_1882 = arith.addf %add3A_1876, %gather3A_1881 : vector<16xf32>
      %add3A_1883 = arith.constant 103 : i32
      %add3A_1884 = vector.broadcast %add3A_1883 : i32 to vector<16xi32>
      %add3A_1885 = arith.addi %mul3A_2, %add3A_1884 : vector<16xi32>
      %gather3A_1886 = tpu.vector_load_idx %arg8[%add3A_1885] : memref<3200xi32, #tpu.memory_space<vmem>>[vector<16xi32>], vector<16xi32>,
      %gather3A_1887 = tpu.vector_load_idx %arg6[%gather3A_1886] : memref<102400xf32, #tpu.memory_space<vmem>>[vector<16xi32>], vector<16xf32>,
      %add3A_1888 = arith.addf %add3A_1882, %gather3A_1887 : vector<16xf32>
      %add3A_1889 = arith.constant 104 : i32
      %add3A_1890 = vector.broadcast %add3A_1889 : i32 to vector<16xi32>
      %add3A_1891 = arith.addi %mul3A_2, %add3A_1890 : vector<16xi32>
      %gather3A_1892 = tpu.vector_load_idx %arg8[%add3A_1891] : memref<3200xi32, #tpu.memory_space<vmem>>[vector<16xi32>], vector<16xi32>,
      %gather3A_1893 = tpu.vector_load_idx %arg6[%gather3A_1892] : memref<102400xf32, #tpu.memory_space<vmem>>[vector<16xi32>], vector<16xf32>,
      %add3A_1894 = arith.addf %add3A_1888, %gather3A_1893 : vector<16xf32>
      %add3A_1895 = arith.constant 105 : i32
      %add3A_1896 = vector.broadcast %add3A_1895 : i32 to vector<16xi32>
      %add3A_1897 = arith.addi %mul3A_2, %add3A_1896 : vector<16xi32>
      %gather3A_1898 = tpu.vector_load_idx %arg8[%add3A_1897] : memref<3200xi32, #tpu.memory_space<vmem>>[vector<16xi32>], vector<16xi32>,
      %gather3A_1899 = tpu.vector_load_idx %arg6[%gather3A_1898] : memref<102400xf32, #tpu.memory_space<vmem>>[vector<16xi32>], vector<16xf32>,
      %add3A_1900 = arith.addf %add3A_1894, %gather3A_1899 : vector<16xf32>
      %add3A_1901 = arith.constant 106 : i32
      %add3A_1902 = vector.broadcast %add3A_1901 : i32 to vector<16xi32>
      %add3A_1903 = arith.addi %mul3A_2, %add3A_1902 : vector<16xi32>
      %gather3A_1904 = tpu.vector_load_idx %arg8[%add3A_1903] : memref<3200xi32, #tpu.memory_space<vmem>>[vector<16xi32>], vector<16xi32>,
      %gather3A_1905 = tpu.vector_load_idx %arg6[%gather3A_1904] : memref<102400xf32, #tpu.memory_space<vmem>>[vector<16xi32>], vector<16xf32>,
      %add3A_1906 = arith.addf %add3A_1900, %gather3A_1905 : vector<16xf32>
      %add3A_1907 = arith.constant 107 : i32
      %add3A_1908 = vector.broadcast %add3A_1907 : i32 to vector<16xi32>
      %add3A_1909 = arith.addi %mul3A_2, %add3A_1908 : vector<16xi32>
      %gather3A_1910 = tpu.vector_load_idx %arg8[%add3A_1909] : memref<3200xi32, #tpu.memory_space<vmem>>[vector<16xi32>], vector<16xi32>,
      %gather3A_1911 = tpu.vector_load_idx %arg6[%gather3A_1910] : memref<102400xf32, #tpu.memory_space<vmem>>[vector<16xi32>], vector<16xf32>,
      %add3A_1912 = arith.addf %add3A_1906, %gather3A_1911 : vector<16xf32>
      %add3A_1913 = arith.constant 108 : i32
      %add3A_1914 = vector.broadcast %add3A_1913 : i32 to vector<16xi32>
      %add3A_1915 = arith.addi %mul3A_2, %add3A_1914 : vector<16xi32>
      %gather3A_1916 = tpu.vector_load_idx %arg8[%add3A_1915] : memref<3200xi32, #tpu.memory_space<vmem>>[vector<16xi32>], vector<16xi32>,
      %gather3A_1917 = tpu.vector_load_idx %arg6[%gather3A_1916] : memref<102400xf32, #tpu.memory_space<vmem>>[vector<16xi32>], vector<16xf32>,
      %add3A_1918 = arith.addf %add3A_1912, %gather3A_1917 : vector<16xf32>
      %add3A_1919 = arith.constant 109 : i32
      %add3A_1920 = vector.broadcast %add3A_1919 : i32 to vector<16xi32>
      %add3A_1921 = arith.addi %mul3A_2, %add3A_1920 : vector<16xi32>
      %gather3A_1922 = tpu.vector_load_idx %arg8[%add3A_1921] : memref<3200xi32, #tpu.memory_space<vmem>>[vector<16xi32>], vector<16xi32>,
      %gather3A_1923 = tpu.vector_load_idx %arg6[%gather3A_1922] : memref<102400xf32, #tpu.memory_space<vmem>>[vector<16xi32>], vector<16xf32>,
      %add3A_1924 = arith.addf %add3A_1918, %gather3A_1923 : vector<16xf32>
      %add3A_1925 = arith.constant 110 : i32
      %add3A_1926 = vector.broadcast %add3A_1925 : i32 to vector<16xi32>
      %add3A_1927 = arith.addi %mul3A_2, %add3A_1926 : vector<16xi32>
      %gather3A_1928 = tpu.vector_load_idx %arg8[%add3A_1927] : memref<3200xi32, #tpu.memory_space<vmem>>[vector<16xi32>], vector<16xi32>,
      %gather3A_1929 = tpu.vector_load_idx %arg6[%gather3A_1928] : memref<102400xf32, #tpu.memory_space<vmem>>[vector<16xi32>], vector<16xf32>,
      %add3A_1930 = arith.addf %add3A_1924, %gather3A_1929 : vector<16xf32>
      %add3A_1931 = arith.constant 111 : i32
      %add3A_1932 = vector.broadcast %add3A_1931 : i32 to vector<16xi32>
      %add3A_1933 = arith.addi %mul3A_2, %add3A_1932 : vector<16xi32>
      %gather3A_1934 = tpu.vector_load_idx %arg8[%add3A_1933] : memref<3200xi32, #tpu.memory_space<vmem>>[vector<16xi32>], vector<16xi32>,
      %gather3A_1935 = tpu.vector_load_idx %arg6[%gather3A_1934] : memref<102400xf32, #tpu.memory_space<vmem>>[vector<16xi32>], vector<16xf32>,
      %add3A_1936 = arith.addf %add3A_1930, %gather3A_1935 : vector<16xf32>
      %add3A_1937 = arith.constant 112 : i32
      %add3A_1938 = vector.broadcast %add3A_1937 : i32 to vector<16xi32>
      %add3A_1939 = arith.addi %mul3A_2, %add3A_1938 : vector<16xi32>
      %gather3A_1940 = tpu.vector_load_idx %arg8[%add3A_1939] : memref<3200xi32, #tpu.memory_space<vmem>>[vector<16xi32>], vector<16xi32>,
      %gather3A_1941 = tpu.vector_load_idx %arg6[%gather3A_1940] : memref<102400xf32, #tpu.memory_space<vmem>>[vector<16xi32>], vector<16xf32>,
      %add3A_1942 = arith.addf %add3A_1936, %gather3A_1941 : vector<16xf32>
      %add3A_1943 = arith.constant 113 : i32
      %add3A_1944 = vector.broadcast %add3A_1943 : i32 to vector<16xi32>
      %add3A_1945 = arith.addi %mul3A_2, %add3A_1944 : vector<16xi32>
      %gather3A_1946 = tpu.vector_load_idx %arg8[%add3A_1945] : memref<3200xi32, #tpu.memory_space<vmem>>[vector<16xi32>], vector<16xi32>,
      %gather3A_1947 = tpu.vector_load_idx %arg6[%gather3A_1946] : memref<102400xf32, #tpu.memory_space<vmem>>[vector<16xi32>], vector<16xf32>,
      %add3A_1948 = arith.addf %add3A_1942, %gather3A_1947 : vector<16xf32>
      %add3A_1949 = arith.constant 114 : i32
      %add3A_1950 = vector.broadcast %add3A_1949 : i32 to vector<16xi32>
      %add3A_1951 = arith.addi %mul3A_2, %add3A_1950 : vector<16xi32>
      %gather3A_1952 = tpu.vector_load_idx %arg8[%add3A_1951] : memref<3200xi32, #tpu.memory_space<vmem>>[vector<16xi32>], vector<16xi32>,
      %gather3A_1953 = tpu.vector_load_idx %arg6[%gather3A_1952] : memref<102400xf32, #tpu.memory_space<vmem>>[vector<16xi32>], vector<16xf32>,
      %add3A_1954 = arith.addf %add3A_1948, %gather3A_1953 : vector<16xf32>
      %add3A_1955 = arith.constant 115 : i32
      %add3A_1956 = vector.broadcast %add3A_1955 : i32 to vector<16xi32>
      %add3A_1957 = arith.addi %mul3A_2, %add3A_1956 : vector<16xi32>
      %gather3A_1958 = tpu.vector_load_idx %arg8[%add3A_1957] : memref<3200xi32, #tpu.memory_space<vmem>>[vector<16xi32>], vector<16xi32>,
      %gather3A_1959 = tpu.vector_load_idx %arg6[%gather3A_1958] : memref<102400xf32, #tpu.memory_space<vmem>>[vector<16xi32>], vector<16xf32>,
      %add3A_1960 = arith.addf %add3A_1954, %gather3A_1959 : vector<16xf32>
      %add3A_1961 = arith.constant 116 : i32
      %add3A_1962 = vector.broadcast %add3A_1961 : i32 to vector<16xi32>
      %add3A_1963 = arith.addi %mul3A_2, %add3A_1962 : vector<16xi32>
      %gather3A_1964 = tpu.vector_load_idx %arg8[%add3A_1963] : memref<3200xi32, #tpu.memory_space<vmem>>[vector<16xi32>], vector<16xi32>,
      %gather3A_1965 = tpu.vector_load_idx %arg6[%gather3A_1964] : memref<102400xf32, #tpu.memory_space<vmem>>[vector<16xi32>], vector<16xf32>,
      %add3A_1966 = arith.addf %add3A_1960, %gather3A_1965 : vector<16xf32>
      %add3A_1967 = arith.constant 117 : i32
      %add3A_1968 = vector.broadcast %add3A_1967 : i32 to vector<16xi32>
      %add3A_1969 = arith.addi %mul3A_2, %add3A_1968 : vector<16xi32>
      %gather3A_1970 = tpu.vector_load_idx %arg8[%add3A_1969] : memref<3200xi32, #tpu.memory_space<vmem>>[vector<16xi32>], vector<16xi32>,
      %gather3A_1971 = tpu.vector_load_idx %arg6[%gather3A_1970] : memref<102400xf32, #tpu.memory_space<vmem>>[vector<16xi32>], vector<16xf32>,
      %add3A_1972 = arith.addf %add3A_1966, %gather3A_1971 : vector<16xf32>
      %add3A_1973 = arith.constant 118 : i32
      %add3A_1974 = vector.broadcast %add3A_1973 : i32 to vector<16xi32>
      %add3A_1975 = arith.addi %mul3A_2, %add3A_1974 : vector<16xi32>
      %gather3A_1976 = tpu.vector_load_idx %arg8[%add3A_1975] : memref<3200xi32, #tpu.memory_space<vmem>>[vector<16xi32>], vector<16xi32>,
      %gather3A_1977 = tpu.vector_load_idx %arg6[%gather3A_1976] : memref<102400xf32, #tpu.memory_space<vmem>>[vector<16xi32>], vector<16xf32>,
      %add3A_1978 = arith.addf %add3A_1972, %gather3A_1977 : vector<16xf32>
      %add3A_1979 = arith.constant 119 : i32
      %add3A_1980 = vector.broadcast %add3A_1979 : i32 to vector<16xi32>
      %add3A_1981 = arith.addi %mul3A_2, %add3A_1980 : vector<16xi32>
      %gather3A_1982 = tpu.vector_load_idx %arg8[%add3A_1981] : memref<3200xi32, #tpu.memory_space<vmem>>[vector<16xi32>], vector<16xi32>,
      %gather3A_1983 = tpu.vector_load_idx %arg6[%gather3A_1982] : memref<102400xf32, #tpu.memory_space<vmem>>[vector<16xi32>], vector<16xf32>,
      %add3A_1984 = arith.addf %add3A_1978, %gather3A_1983 : vector<16xf32>
      %add3A_1985 = arith.constant 120 : i32
      %add3A_1986 = vector.broadcast %add3A_1985 : i32 to vector<16xi32>
      %add3A_1987 = arith.addi %mul3A_2, %add3A_1986 : vector<16xi32>
      %gather3A_1988 = tpu.vector_load_idx %arg8[%add3A_1987] : memref<3200xi32, #tpu.memory_space<vmem>>[vector<16xi32>], vector<16xi32>,
      %gather3A_1989 = tpu.vector_load_idx %arg6[%gather3A_1988] : memref<102400xf32, #tpu.memory_space<vmem>>[vector<16xi32>], vector<16xf32>,
      %add3A_1990 = arith.addf %add3A_1984, %gather3A_1989 : vector<16xf32>
      %add3A_1991 = arith.constant 121 : i32
      %add3A_1992 = vector.broadcast %add3A_1991 : i32 to vector<16xi32>
      %add3A_1993 = arith.addi %mul3A_2, %add3A_1992 : vector<16xi32>
      %gather3A_1994 = tpu.vector_load_idx %arg8[%add3A_1993] : memref<3200xi32, #tpu.memory_space<vmem>>[vector<16xi32>], vector<16xi32>,
      %gather3A_1995 = tpu.vector_load_idx %arg6[%gather3A_1994] : memref<102400xf32, #tpu.memory_space<vmem>>[vector<16xi32>], vector<16xf32>,
      %add3A_1996 = arith.addf %add3A_1990, %gather3A_1995 : vector<16xf32>
      %add3A_1997 = arith.constant 122 : i32
      %add3A_1998 = vector.broadcast %add3A_1997 : i32 to vector<16xi32>
      %add3A_1999 = arith.addi %mul3A_2, %add3A_1998 : vector<16xi32>
      %gather3A_2000 = tpu.vector_load_idx %arg8[%add3A_1999] : memref<3200xi32, #tpu.memory_space<vmem>>[vector<16xi32>], vector<16xi32>,
      %gather3A_2001 = tpu.vector_load_idx %arg6[%gather3A_2000] : memref<102400xf32, #tpu.memory_space<vmem>>[vector<16xi32>], vector<16xf32>,
      %add3A_2002 = arith.addf %add3A_1996, %gather3A_2001 : vector<16xf32>
      %add3A_2003 = arith.constant 123 : i32
      %add3A_2004 = vector.broadcast %add3A_2003 : i32 to vector<16xi32>
      %add3A_2005 = arith.addi %mul3A_2, %add3A_2004 : vector<16xi32>
      %gather3A_2006 = tpu.vector_load_idx %arg8[%add3A_2005] : memref<3200xi32, #tpu.memory_space<vmem>>[vector<16xi32>], vector<16xi32>,
      %gather3A_2007 = tpu.vector_load_idx %arg6[%gather3A_2006] : memref<102400xf32, #tpu.memory_space<vmem>>[vector<16xi32>], vector<16xf32>,
      %add3A_2008 = arith.addf %add3A_2002, %gather3A_2007 : vector<16xf32>
      %add3A_2009 = arith.constant 124 : i32
      %add3A_2010 = vector.broadcast %add3A_2009 : i32 to vector<16xi32>
      %add3A_2011 = arith.addi %mul3A_2, %add3A_2010 : vector<16xi32>
      %gather3A_2012 = tpu.vector_load_idx %arg8[%add3A_2011] : memref<3200xi32, #tpu.memory_space<vmem>>[vector<16xi32>], vector<16xi32>,
      %gather3A_2013 = tpu.vector_load_idx %arg6[%gather3A_2012] : memref<102400xf32, #tpu.memory_space<vmem>>[vector<16xi32>], vector<16xf32>,
      %add3A_2014 = arith.addf %add3A_2008, %gather3A_2013 : vector<16xf32>
      %add3A_2015 = arith.constant 125 : i32
      %add3A_2016 = vector.broadcast %add3A_2015 : i32 to vector<16xi32>
      %add3A_2017 = arith.addi %mul3A_2, %add3A_2016 : vector<16xi32>
      %gather3A_2018 = tpu.vector_load_idx %arg8[%add3A_2017] : memref<3200xi32, #tpu.memory_space<vmem>>[vector<16xi32>], vector<16xi32>,
      %gather3A_2019 = tpu.vector_load_idx %arg6[%gather3A_2018] : memref<102400xf32, #tpu.memory_space<vmem>>[vector<16xi32>], vector<16xf32>,
      %add3A_2020 = arith.addf %add3A_2014, %gather3A_2019 : vector<16xf32>
      %add3A_2021 = arith.constant 126 : i32
      %add3A_2022 = vector.broadcast %add3A_2021 : i32 to vector<16xi32>
      %add3A_2023 = arith.addi %mul3A_2, %add3A_2022 : vector<16xi32>
      %gather3A_2024 = tpu.vector_load_idx %arg8[%add3A_2023] : memref<3200xi32, #tpu.memory_space<vmem>>[vector<16xi32>], vector<16xi32>,
      %gather3A_2025 = tpu.vector_load_idx %arg6[%gather3A_2024] : memref<102400xf32, #tpu.memory_space<vmem>>[vector<16xi32>], vector<16xf32>,
      %add3A_2026 = arith.addf %add3A_2020, %gather3A_2025 : vector<16xf32>
      %add3A_2027 = arith.constant 127 : i32
      %add3A_2028 = vector.broadcast %add3A_2027 : i32 to vector<16xi32>
      %add3A_2029 = arith.addi %mul3A_2, %add3A_2028 : vector<16xi32>
      %gather3A_2030 = tpu.vector_load_idx %arg8[%add3A_2029] : memref<3200xi32, #tpu.memory_space<vmem>>[vector<16xi32>], vector<16xi32>,
      %gather3A_2031 = tpu.vector_load_idx %arg6[%gather3A_2030] : memref<102400xf32, #tpu.memory_space<vmem>>[vector<16xi32>], vector<16xf32>,
      %add3A_2032 = arith.addf %add3A_2026, %gather3A_2031 : vector<16xf32>
      %add3A_2033 = arith.constant 128 : i32
      %add3A_2034 = vector.broadcast %add3A_2033 : i32 to vector<16xi32>
      %add3A_2035 = arith.addi %mul3A_2, %add3A_2034 : vector<16xi32>
      %gather3A_2036 = tpu.vector_load_idx %arg8[%add3A_2035] : memref<3200xi32, #tpu.memory_space<vmem>>[vector<16xi32>], vector<16xi32>,
      %gather3A_2037 = tpu.vector_load_idx %arg6[%gather3A_2036] : memref<102400xf32, #tpu.memory_space<vmem>>[vector<16xi32>], vector<16xf32>,
      %add3A_2038 = arith.addf %add3A_2032, %gather3A_2037 : vector<16xf32>
      %add3A_2039 = arith.constant 129 : i32
      %add3A_2040 = vector.broadcast %add3A_2039 : i32 to vector<16xi32>
      %add3A_2041 = arith.addi %mul3A_2, %add3A_2040 : vector<16xi32>
      %gather3A_2042 = tpu.vector_load_idx %arg8[%add3A_2041] : memref<3200xi32, #tpu.memory_space<vmem>>[vector<16xi32>], vector<16xi32>,
      %gather3A_2043 = tpu.vector_load_idx %arg6[%gather3A_2042] : memref<102400xf32, #tpu.memory_space<vmem>>[vector<16xi32>], vector<16xf32>,
      %add3A_2044 = arith.addf %add3A_2038, %gather3A_2043 : vector<16xf32>
      %add3A_2045 = arith.constant 130 : i32
      %add3A_2046 = vector.broadcast %add3A_2045 : i32 to vector<16xi32>
      %add3A_2047 = arith.addi %mul3A_2, %add3A_2046 : vector<16xi32>
      %gather3A_2048 = tpu.vector_load_idx %arg8[%add3A_2047] : memref<3200xi32, #tpu.memory_space<vmem>>[vector<16xi32>], vector<16xi32>,
      %gather3A_2049 = tpu.vector_load_idx %arg6[%gather3A_2048] : memref<102400xf32, #tpu.memory_space<vmem>>[vector<16xi32>], vector<16xf32>,
      %add3A_2050 = arith.addf %add3A_2044, %gather3A_2049 : vector<16xf32>
      %add3A_2051 = arith.constant 131 : i32
      %add3A_2052 = vector.broadcast %add3A_2051 : i32 to vector<16xi32>
      %add3A_2053 = arith.addi %mul3A_2, %add3A_2052 : vector<16xi32>
      %gather3A_2054 = tpu.vector_load_idx %arg8[%add3A_2053] : memref<3200xi32, #tpu.memory_space<vmem>>[vector<16xi32>], vector<16xi32>,
      %gather3A_2055 = tpu.vector_load_idx %arg6[%gather3A_2054] : memref<102400xf32, #tpu.memory_space<vmem>>[vector<16xi32>], vector<16xf32>,
      %add3A_2056 = arith.addf %add3A_2050, %gather3A_2055 : vector<16xf32>
      %add3A_2057 = arith.constant 132 : i32
      %add3A_2058 = vector.broadcast %add3A_2057 : i32 to vector<16xi32>
      %add3A_2059 = arith.addi %mul3A_2, %add3A_2058 : vector<16xi32>
      %gather3A_2060 = tpu.vector_load_idx %arg8[%add3A_2059] : memref<3200xi32, #tpu.memory_space<vmem>>[vector<16xi32>], vector<16xi32>,
      %gather3A_2061 = tpu.vector_load_idx %arg6[%gather3A_2060] : memref<102400xf32, #tpu.memory_space<vmem>>[vector<16xi32>], vector<16xf32>,
      %add3A_2062 = arith.addf %add3A_2056, %gather3A_2061 : vector<16xf32>
      %add3A_2063 = arith.constant 133 : i32
      %add3A_2064 = vector.broadcast %add3A_2063 : i32 to vector<16xi32>
      %add3A_2065 = arith.addi %mul3A_2, %add3A_2064 : vector<16xi32>
      %gather3A_2066 = tpu.vector_load_idx %arg8[%add3A_2065] : memref<3200xi32, #tpu.memory_space<vmem>>[vector<16xi32>], vector<16xi32>,
      %gather3A_2067 = tpu.vector_load_idx %arg6[%gather3A_2066] : memref<102400xf32, #tpu.memory_space<vmem>>[vector<16xi32>], vector<16xf32>,
      %add3A_2068 = arith.addf %add3A_2062, %gather3A_2067 : vector<16xf32>
      %add3A_2069 = arith.constant 134 : i32
      %add3A_2070 = vector.broadcast %add3A_2069 : i32 to vector<16xi32>
      %add3A_2071 = arith.addi %mul3A_2, %add3A_2070 : vector<16xi32>
      %gather3A_2072 = tpu.vector_load_idx %arg8[%add3A_2071] : memref<3200xi32, #tpu.memory_space<vmem>>[vector<16xi32>], vector<16xi32>,
      %gather3A_2073 = tpu.vector_load_idx %arg6[%gather3A_2072] : memref<102400xf32, #tpu.memory_space<vmem>>[vector<16xi32>], vector<16xf32>,
      %add3A_2074 = arith.addf %add3A_2068, %gather3A_2073 : vector<16xf32>
      %add3A_2075 = arith.constant 135 : i32
      %add3A_2076 = vector.broadcast %add3A_2075 : i32 to vector<16xi32>
      %add3A_2077 = arith.addi %mul3A_2, %add3A_2076 : vector<16xi32>
      %gather3A_2078 = tpu.vector_load_idx %arg8[%add3A_2077] : memref<3200xi32, #tpu.memory_space<vmem>>[vector<16xi32>], vector<16xi32>,
      %gather3A_2079 = tpu.vector_load_idx %arg6[%gather3A_2078] : memref<102400xf32, #tpu.memory_space<vmem>>[vector<16xi32>], vector<16xf32>,
      %add3A_2080 = arith.addf %add3A_2074, %gather3A_2079 : vector<16xf32>
      %add3A_2081 = arith.constant 136 : i32
      %add3A_2082 = vector.broadcast %add3A_2081 : i32 to vector<16xi32>
      %add3A_2083 = arith.addi %mul3A_2, %add3A_2082 : vector<16xi32>
      %gather3A_2084 = tpu.vector_load_idx %arg8[%add3A_2083] : memref<3200xi32, #tpu.memory_space<vmem>>[vector<16xi32>], vector<16xi32>,
      %gather3A_2085 = tpu.vector_load_idx %arg6[%gather3A_2084] : memref<102400xf32, #tpu.memory_space<vmem>>[vector<16xi32>], vector<16xf32>,
      %add3A_2086 = arith.addf %add3A_2080, %gather3A_2085 : vector<16xf32>
      %add3A_2087 = arith.constant 137 : i32
      %add3A_2088 = vector.broadcast %add3A_2087 : i32 to vector<16xi32>
      %add3A_2089 = arith.addi %mul3A_2, %add3A_2088 : vector<16xi32>
      %gather3A_2090 = tpu.vector_load_idx %arg8[%add3A_2089] : memref<3200xi32, #tpu.memory_space<vmem>>[vector<16xi32>], vector<16xi32>,
      %gather3A_2091 = tpu.vector_load_idx %arg6[%gather3A_2090] : memref<102400xf32, #tpu.memory_space<vmem>>[vector<16xi32>], vector<16xf32>,
      %add3A_2092 = arith.addf %add3A_2086, %gather3A_2091 : vector<16xf32>
      %add3A_2093 = arith.constant 138 : i32
      %add3A_2094 = vector.broadcast %add3A_2093 : i32 to vector<16xi32>
      %add3A_2095 = arith.addi %mul3A_2, %add3A_2094 : vector<16xi32>
      %gather3A_2096 = tpu.vector_load_idx %arg8[%add3A_2095] : memref<3200xi32, #tpu.memory_space<vmem>>[vector<16xi32>], vector<16xi32>,
      %gather3A_2097 = tpu.vector_load_idx %arg6[%gather3A_2096] : memref<102400xf32, #tpu.memory_space<vmem>>[vector<16xi32>], vector<16xf32>,
      %add3A_2098 = arith.addf %add3A_2092, %gather3A_2097 : vector<16xf32>
      %add3A_2099 = arith.constant 139 : i32
      %add3A_2100 = vector.broadcast %add3A_2099 : i32 to vector<16xi32>
      %add3A_2101 = arith.addi %mul3A_2, %add3A_2100 : vector<16xi32>
      %gather3A_2102 = tpu.vector_load_idx %arg8[%add3A_2101] : memref<3200xi32, #tpu.memory_space<vmem>>[vector<16xi32>], vector<16xi32>,
      %gather3A_2103 = tpu.vector_load_idx %arg6[%gather3A_2102] : memref<102400xf32, #tpu.memory_space<vmem>>[vector<16xi32>], vector<16xf32>,
      %add3A_2104 = arith.addf %add3A_2098, %gather3A_2103 : vector<16xf32>
      %add3A_2105 = arith.constant 140 : i32
      %add3A_2106 = vector.broadcast %add3A_2105 : i32 to vector<16xi32>
      %add3A_2107 = arith.addi %mul3A_2, %add3A_2106 : vector<16xi32>
      %gather3A_2108 = tpu.vector_load_idx %arg8[%add3A_2107] : memref<3200xi32, #tpu.memory_space<vmem>>[vector<16xi32>], vector<16xi32>,
      %gather3A_2109 = tpu.vector_load_idx %arg6[%gather3A_2108] : memref<102400xf32, #tpu.memory_space<vmem>>[vector<16xi32>], vector<16xf32>,
      %add3A_2110 = arith.addf %add3A_2104, %gather3A_2109 : vector<16xf32>
      %add3A_2111 = arith.constant 141 : i32
      %add3A_2112 = vector.broadcast %add3A_2111 : i32 to vector<16xi32>
      %add3A_2113 = arith.addi %mul3A_2, %add3A_2112 : vector<16xi32>
      %gather3A_2114 = tpu.vector_load_idx %arg8[%add3A_2113] : memref<3200xi32, #tpu.memory_space<vmem>>[vector<16xi32>], vector<16xi32>,
      %gather3A_2115 = tpu.vector_load_idx %arg6[%gather3A_2114] : memref<102400xf32, #tpu.memory_space<vmem>>[vector<16xi32>], vector<16xf32>,
      %add3A_2116 = arith.addf %add3A_2110, %gather3A_2115 : vector<16xf32>
      %add3A_2117 = arith.constant 142 : i32
      %add3A_2118 = vector.broadcast %add3A_2117 : i32 to vector<16xi32>
      %add3A_2119 = arith.addi %mul3A_2, %add3A_2118 : vector<16xi32>
      %gather3A_2120 = tpu.vector_load_idx %arg8[%add3A_2119] : memref<3200xi32, #tpu.memory_space<vmem>>[vector<16xi32>], vector<16xi32>,
      %gather3A_2121 = tpu.vector_load_idx %arg6[%gather3A_2120] : memref<102400xf32, #tpu.memory_space<vmem>>[vector<16xi32>], vector<16xf32>,
      %add3A_2122 = arith.addf %add3A_2116, %gather3A_2121 : vector<16xf32>
      %add3A_2123 = arith.constant 143 : i32
      %add3A_2124 = vector.broadcast %add3A_2123 : i32 to vector<16xi32>
      %add3A_2125 = arith.addi %mul3A_2, %add3A_2124 : vector<16xi32>
      %gather3A_2126 = tpu.vector_load_idx %arg8[%add3A_2125] : memref<3200xi32, #tpu.memory_space<vmem>>[vector<16xi32>], vector<16xi32>,
      %gather3A_2127 = tpu.vector_load_idx %arg6[%gather3A_2126] : memref<102400xf32, #tpu.memory_space<vmem>>[vector<16xi32>], vector<16xf32>,
      %add3A_2128 = arith.addf %add3A_2122, %gather3A_2127 : vector<16xf32>
      %add3A_2129 = arith.constant 144 : i32
      %add3A_2130 = vector.broadcast %add3A_2129 : i32 to vector<16xi32>
      %add3A_2131 = arith.addi %mul3A_2, %add3A_2130 : vector<16xi32>
      %gather3A_2132 = tpu.vector_load_idx %arg8[%add3A_2131] : memref<3200xi32, #tpu.memory_space<vmem>>[vector<16xi32>], vector<16xi32>,
      %gather3A_2133 = tpu.vector_load_idx %arg6[%gather3A_2132] : memref<102400xf32, #tpu.memory_space<vmem>>[vector<16xi32>], vector<16xf32>,
      %add3A_2134 = arith.addf %add3A_2128, %gather3A_2133 : vector<16xf32>
      %add3A_2135 = arith.constant 145 : i32
      %add3A_2136 = vector.broadcast %add3A_2135 : i32 to vector<16xi32>
      %add3A_2137 = arith.addi %mul3A_2, %add3A_2136 : vector<16xi32>
      %gather3A_2138 = tpu.vector_load_idx %arg8[%add3A_2137] : memref<3200xi32, #tpu.memory_space<vmem>>[vector<16xi32>], vector<16xi32>,
      %gather3A_2139 = tpu.vector_load_idx %arg6[%gather3A_2138] : memref<102400xf32, #tpu.memory_space<vmem>>[vector<16xi32>], vector<16xf32>,
      %add3A_2140 = arith.addf %add3A_2134, %gather3A_2139 : vector<16xf32>
      %add3A_2141 = arith.constant 146 : i32
      %add3A_2142 = vector.broadcast %add3A_2141 : i32 to vector<16xi32>
      %add3A_2143 = arith.addi %mul3A_2, %add3A_2142 : vector<16xi32>
      %gather3A_2144 = tpu.vector_load_idx %arg8[%add3A_2143] : memref<3200xi32, #tpu.memory_space<vmem>>[vector<16xi32>], vector<16xi32>,
      %gather3A_2145 = tpu.vector_load_idx %arg6[%gather3A_2144] : memref<102400xf32, #tpu.memory_space<vmem>>[vector<16xi32>], vector<16xf32>,
      %add3A_2146 = arith.addf %add3A_2140, %gather3A_2145 : vector<16xf32>
      %add3A_2147 = arith.constant 147 : i32
      %add3A_2148 = vector.broadcast %add3A_2147 : i32 to vector<16xi32>
      %add3A_2149 = arith.addi %mul3A_2, %add3A_2148 : vector<16xi32>
      %gather3A_2150 = tpu.vector_load_idx %arg8[%add3A_2149] : memref<3200xi32, #tpu.memory_space<vmem>>[vector<16xi32>], vector<16xi32>,
      %gather3A_2151 = tpu.vector_load_idx %arg6[%gather3A_2150] : memref<102400xf32, #tpu.memory_space<vmem>>[vector<16xi32>], vector<16xf32>,
      %add3A_2152 = arith.addf %add3A_2146, %gather3A_2151 : vector<16xf32>
      %add3A_2153 = arith.constant 148 : i32
      %add3A_2154 = vector.broadcast %add3A_2153 : i32 to vector<16xi32>
      %add3A_2155 = arith.addi %mul3A_2, %add3A_2154 : vector<16xi32>
      %gather3A_2156 = tpu.vector_load_idx %arg8[%add3A_2155] : memref<3200xi32, #tpu.memory_space<vmem>>[vector<16xi32>], vector<16xi32>,
      %gather3A_2157 = tpu.vector_load_idx %arg6[%gather3A_2156] : memref<102400xf32, #tpu.memory_space<vmem>>[vector<16xi32>], vector<16xf32>,
      %add3A_2158 = arith.addf %add3A_2152, %gather3A_2157 : vector<16xf32>
      %add3A_2159 = arith.constant 149 : i32
      %add3A_2160 = vector.broadcast %add3A_2159 : i32 to vector<16xi32>
      %add3A_2161 = arith.addi %mul3A_2, %add3A_2160 : vector<16xi32>
      %gather3A_2162 = tpu.vector_load_idx %arg8[%add3A_2161] : memref<3200xi32, #tpu.memory_space<vmem>>[vector<16xi32>], vector<16xi32>,
      %gather3A_2163 = tpu.vector_load_idx %arg6[%gather3A_2162] : memref<102400xf32, #tpu.memory_space<vmem>>[vector<16xi32>], vector<16xf32>,
      %add3A_2164 = arith.addf %add3A_2158, %gather3A_2163 : vector<16xf32>
      %add3A_2165 = arith.constant 150 : i32
      %add3A_2166 = vector.broadcast %add3A_2165 : i32 to vector<16xi32>
      %add3A_2167 = arith.addi %mul3A_2, %add3A_2166 : vector<16xi32>
      %gather3A_2168 = tpu.vector_load_idx %arg8[%add3A_2167] : memref<3200xi32, #tpu.memory_space<vmem>>[vector<16xi32>], vector<16xi32>,
      %gather3A_2169 = tpu.vector_load_idx %arg6[%gather3A_2168] : memref<102400xf32, #tpu.memory_space<vmem>>[vector<16xi32>], vector<16xf32>,
      %add3A_2170 = arith.addf %add3A_2164, %gather3A_2169 : vector<16xf32>
      %add3A_2171 = arith.constant 151 : i32
      %add3A_2172 = vector.broadcast %add3A_2171 : i32 to vector<16xi32>
      %add3A_2173 = arith.addi %mul3A_2, %add3A_2172 : vector<16xi32>
      %gather3A_2174 = tpu.vector_load_idx %arg8[%add3A_2173] : memref<3200xi32, #tpu.memory_space<vmem>>[vector<16xi32>], vector<16xi32>,
      %gather3A_2175 = tpu.vector_load_idx %arg6[%gather3A_2174] : memref<102400xf32, #tpu.memory_space<vmem>>[vector<16xi32>], vector<16xf32>,
      %add3A_2176 = arith.addf %add3A_2170, %gather3A_2175 : vector<16xf32>
      %add3A_2177 = arith.constant 152 : i32
      %add3A_2178 = vector.broadcast %add3A_2177 : i32 to vector<16xi32>
      %add3A_2179 = arith.addi %mul3A_2, %add3A_2178 : vector<16xi32>
      %gather3A_2180 = tpu.vector_load_idx %arg8[%add3A_2179] : memref<3200xi32, #tpu.memory_space<vmem>>[vector<16xi32>], vector<16xi32>,
      %gather3A_2181 = tpu.vector_load_idx %arg6[%gather3A_2180] : memref<102400xf32, #tpu.memory_space<vmem>>[vector<16xi32>], vector<16xf32>,
      %add3A_2182 = arith.addf %add3A_2176, %gather3A_2181 : vector<16xf32>
      %add3A_2183 = arith.constant 153 : i32
      %add3A_2184 = vector.broadcast %add3A_2183 : i32 to vector<16xi32>
      %add3A_2185 = arith.addi %mul3A_2, %add3A_2184 : vector<16xi32>
      %gather3A_2186 = tpu.vector_load_idx %arg8[%add3A_2185] : memref<3200xi32, #tpu.memory_space<vmem>>[vector<16xi32>], vector<16xi32>,
      %gather3A_2187 = tpu.vector_load_idx %arg6[%gather3A_2186] : memref<102400xf32, #tpu.memory_space<vmem>>[vector<16xi32>], vector<16xf32>,
      %add3A_2188 = arith.addf %add3A_2182, %gather3A_2187 : vector<16xf32>
      %add3A_2189 = arith.constant 154 : i32
      %add3A_2190 = vector.broadcast %add3A_2189 : i32 to vector<16xi32>
      %add3A_2191 = arith.addi %mul3A_2, %add3A_2190 : vector<16xi32>
      %gather3A_2192 = tpu.vector_load_idx %arg8[%add3A_2191] : memref<3200xi32, #tpu.memory_space<vmem>>[vector<16xi32>], vector<16xi32>,
      %gather3A_2193 = tpu.vector_load_idx %arg6[%gather3A_2192] : memref<102400xf32, #tpu.memory_space<vmem>>[vector<16xi32>], vector<16xf32>,
      %add3A_2194 = arith.addf %add3A_2188, %gather3A_2193 : vector<16xf32>
      %add3A_2195 = arith.constant 155 : i32
      %add3A_2196 = vector.broadcast %add3A_2195 : i32 to vector<16xi32>
      %add3A_2197 = arith.addi %mul3A_2, %add3A_2196 : vector<16xi32>
      %gather3A_2198 = tpu.vector_load_idx %arg8[%add3A_2197] : memref<3200xi32, #tpu.memory_space<vmem>>[vector<16xi32>], vector<16xi32>,
      %gather3A_2199 = tpu.vector_load_idx %arg6[%gather3A_2198] : memref<102400xf32, #tpu.memory_space<vmem>>[vector<16xi32>], vector<16xf32>,
      %add3A_2200 = arith.addf %add3A_2194, %gather3A_2199 : vector<16xf32>
      %add3A_2201 = arith.constant 156 : i32
      %add3A_2202 = vector.broadcast %add3A_2201 : i32 to vector<16xi32>
      %add3A_2203 = arith.addi %mul3A_2, %add3A_2202 : vector<16xi32>
      %gather3A_2204 = tpu.vector_load_idx %arg8[%add3A_2203] : memref<3200xi32, #tpu.memory_space<vmem>>[vector<16xi32>], vector<16xi32>,
      %gather3A_2205 = tpu.vector_load_idx %arg6[%gather3A_2204] : memref<102400xf32, #tpu.memory_space<vmem>>[vector<16xi32>], vector<16xf32>,
      %add3A_2206 = arith.addf %add3A_2200, %gather3A_2205 : vector<16xf32>
      %add3A_2207 = arith.constant 157 : i32
      %add3A_2208 = vector.broadcast %add3A_2207 : i32 to vector<16xi32>
      %add3A_2209 = arith.addi %mul3A_2, %add3A_2208 : vector<16xi32>
      %gather3A_2210 = tpu.vector_load_idx %arg8[%add3A_2209] : memref<3200xi32, #tpu.memory_space<vmem>>[vector<16xi32>], vector<16xi32>,
      %gather3A_2211 = tpu.vector_load_idx %arg6[%gather3A_2210] : memref<102400xf32, #tpu.memory_space<vmem>>[vector<16xi32>], vector<16xf32>,
      %add3A_2212 = arith.addf %add3A_2206, %gather3A_2211 : vector<16xf32>
      %add3A_2213 = arith.constant 158 : i32
      %add3A_2214 = vector.broadcast %add3A_2213 : i32 to vector<16xi32>
      %add3A_2215 = arith.addi %mul3A_2, %add3A_2214 : vector<16xi32>
      %gather3A_2216 = tpu.vector_load_idx %arg8[%add3A_2215] : memref<3200xi32, #tpu.memory_space<vmem>>[vector<16xi32>], vector<16xi32>,
      %gather3A_2217 = tpu.vector_load_idx %arg6[%gather3A_2216] : memref<102400xf32, #tpu.memory_space<vmem>>[vector<16xi32>], vector<16xf32>,
      %add3A_2218 = arith.addf %add3A_2212, %gather3A_2217 : vector<16xf32>
      %add3A_2219 = arith.constant 159 : i32
      %add3A_2220 = vector.broadcast %add3A_2219 : i32 to vector<16xi32>
      %add3A_2221 = arith.addi %mul3A_2, %add3A_2220 : vector<16xi32>
      %gather3A_2222 = tpu.vector_load_idx %arg8[%add3A_2221] : memref<3200xi32, #tpu.memory_space<vmem>>[vector<16xi32>], vector<16xi32>,
      %gather3A_2223 = tpu.vector_load_idx %arg6[%gather3A_2222] : memref<102400xf32, #tpu.memory_space<vmem>>[vector<16xi32>], vector<16xf32>,
      %add3A_2224 = arith.addf %add3A_2218, %gather3A_2223 : vector<16xf32>
      %add3A_2225 = arith.constant 160 : i32
      %add3A_2226 = vector.broadcast %add3A_2225 : i32 to vector<16xi32>
      %add3A_2227 = arith.addi %mul3A_2, %add3A_2226 : vector<16xi32>
      %gather3A_2228 = tpu.vector_load_idx %arg8[%add3A_2227] : memref<3200xi32, #tpu.memory_space<vmem>>[vector<16xi32>], vector<16xi32>,
      %gather3A_2229 = tpu.vector_load_idx %arg6[%gather3A_2228] : memref<102400xf32, #tpu.memory_space<vmem>>[vector<16xi32>], vector<16xf32>,
      %add3A_2230 = arith.addf %add3A_2224, %gather3A_2229 : vector<16xf32>
      %add3A_2231 = arith.constant 161 : i32
      %add3A_2232 = vector.broadcast %add3A_2231 : i32 to vector<16xi32>
      %add3A_2233 = arith.addi %mul3A_2, %add3A_2232 : vector<16xi32>
      %gather3A_2234 = tpu.vector_load_idx %arg8[%add3A_2233] : memref<3200xi32, #tpu.memory_space<vmem>>[vector<16xi32>], vector<16xi32>,
      %gather3A_2235 = tpu.vector_load_idx %arg6[%gather3A_2234] : memref<102400xf32, #tpu.memory_space<vmem>>[vector<16xi32>], vector<16xf32>,
      %add3A_2236 = arith.addf %add3A_2230, %gather3A_2235 : vector<16xf32>
      %add3A_2237 = arith.constant 162 : i32
      %add3A_2238 = vector.broadcast %add3A_2237 : i32 to vector<16xi32>
      %add3A_2239 = arith.addi %mul3A_2, %add3A_2238 : vector<16xi32>
      %gather3A_2240 = tpu.vector_load_idx %arg8[%add3A_2239] : memref<3200xi32, #tpu.memory_space<vmem>>[vector<16xi32>], vector<16xi32>,
      %gather3A_2241 = tpu.vector_load_idx %arg6[%gather3A_2240] : memref<102400xf32, #tpu.memory_space<vmem>>[vector<16xi32>], vector<16xf32>,
      %add3A_2242 = arith.addf %add3A_2236, %gather3A_2241 : vector<16xf32>
      %add3A_2243 = arith.constant 163 : i32
      %add3A_2244 = vector.broadcast %add3A_2243 : i32 to vector<16xi32>
      %add3A_2245 = arith.addi %mul3A_2, %add3A_2244 : vector<16xi32>
      %gather3A_2246 = tpu.vector_load_idx %arg8[%add3A_2245] : memref<3200xi32, #tpu.memory_space<vmem>>[vector<16xi32>], vector<16xi32>,
      %gather3A_2247 = tpu.vector_load_idx %arg6[%gather3A_2246] : memref<102400xf32, #tpu.memory_space<vmem>>[vector<16xi32>], vector<16xf32>,
      %add3A_2248 = arith.addf %add3A_2242, %gather3A_2247 : vector<16xf32>
      %add3A_2249 = arith.constant 164 : i32
      %add3A_2250 = vector.broadcast %add3A_2249 : i32 to vector<16xi32>
      %add3A_2251 = arith.addi %mul3A_2, %add3A_2250 : vector<16xi32>
      %gather3A_2252 = tpu.vector_load_idx %arg8[%add3A_2251] : memref<3200xi32, #tpu.memory_space<vmem>>[vector<16xi32>], vector<16xi32>,
      %gather3A_2253 = tpu.vector_load_idx %arg6[%gather3A_2252] : memref<102400xf32, #tpu.memory_space<vmem>>[vector<16xi32>], vector<16xf32>,
      %add3A_2254 = arith.addf %add3A_2248, %gather3A_2253 : vector<16xf32>
      %add3A_2255 = arith.constant 165 : i32
      %add3A_2256 = vector.broadcast %add3A_2255 : i32 to vector<16xi32>
      %add3A_2257 = arith.addi %mul3A_2, %add3A_2256 : vector<16xi32>
      %gather3A_2258 = tpu.vector_load_idx %arg8[%add3A_2257] : memref<3200xi32, #tpu.memory_space<vmem>>[vector<16xi32>], vector<16xi32>,
      %gather3A_2259 = tpu.vector_load_idx %arg6[%gather3A_2258] : memref<102400xf32, #tpu.memory_space<vmem>>[vector<16xi32>], vector<16xf32>,
      %add3A_2260 = arith.addf %add3A_2254, %gather3A_2259 : vector<16xf32>
      %add3A_2261 = arith.constant 166 : i32
      %add3A_2262 = vector.broadcast %add3A_2261 : i32 to vector<16xi32>
      %add3A_2263 = arith.addi %mul3A_2, %add3A_2262 : vector<16xi32>
      %gather3A_2264 = tpu.vector_load_idx %arg8[%add3A_2263] : memref<3200xi32, #tpu.memory_space<vmem>>[vector<16xi32>], vector<16xi32>,
      %gather3A_2265 = tpu.vector_load_idx %arg6[%gather3A_2264] : memref<102400xf32, #tpu.memory_space<vmem>>[vector<16xi32>], vector<16xf32>,
      %add3A_2266 = arith.addf %add3A_2260, %gather3A_2265 : vector<16xf32>
      %add3A_2267 = arith.constant 167 : i32
      %add3A_2268 = vector.broadcast %add3A_2267 : i32 to vector<16xi32>
      %add3A_2269 = arith.addi %mul3A_2, %add3A_2268 : vector<16xi32>
      %gather3A_2270 = tpu.vector_load_idx %arg8[%add3A_2269] : memref<3200xi32, #tpu.memory_space<vmem>>[vector<16xi32>], vector<16xi32>,
      %gather3A_2271 = tpu.vector_load_idx %arg6[%gather3A_2270] : memref<102400xf32, #tpu.memory_space<vmem>>[vector<16xi32>], vector<16xf32>,
      %add3A_2272 = arith.addf %add3A_2266, %gather3A_2271 : vector<16xf32>
      %add3A_2273 = arith.constant 168 : i32
      %add3A_2274 = vector.broadcast %add3A_2273 : i32 to vector<16xi32>
      %add3A_2275 = arith.addi %mul3A_2, %add3A_2274 : vector<16xi32>
      %gather3A_2276 = tpu.vector_load_idx %arg8[%add3A_2275] : memref<3200xi32, #tpu.memory_space<vmem>>[vector<16xi32>], vector<16xi32>,
      %gather3A_2277 = tpu.vector_load_idx %arg6[%gather3A_2276] : memref<102400xf32, #tpu.memory_space<vmem>>[vector<16xi32>], vector<16xf32>,
      %add3A_2278 = arith.addf %add3A_2272, %gather3A_2277 : vector<16xf32>
      %add3A_2279 = arith.constant 169 : i32
      %add3A_2280 = vector.broadcast %add3A_2279 : i32 to vector<16xi32>
      %add3A_2281 = arith.addi %mul3A_2, %add3A_2280 : vector<16xi32>
      %gather3A_2282 = tpu.vector_load_idx %arg8[%add3A_2281] : memref<3200xi32, #tpu.memory_space<vmem>>[vector<16xi32>], vector<16xi32>,
      %gather3A_2283 = tpu.vector_load_idx %arg6[%gather3A_2282] : memref<102400xf32, #tpu.memory_space<vmem>>[vector<16xi32>], vector<16xf32>,
      %add3A_2284 = arith.addf %add3A_2278, %gather3A_2283 : vector<16xf32>
      %add3A_2285 = arith.constant 170 : i32
      %add3A_2286 = vector.broadcast %add3A_2285 : i32 to vector<16xi32>
      %add3A_2287 = arith.addi %mul3A_2, %add3A_2286 : vector<16xi32>
      %gather3A_2288 = tpu.vector_load_idx %arg8[%add3A_2287] : memref<3200xi32, #tpu.memory_space<vmem>>[vector<16xi32>], vector<16xi32>,
      %gather3A_2289 = tpu.vector_load_idx %arg6[%gather3A_2288] : memref<102400xf32, #tpu.memory_space<vmem>>[vector<16xi32>], vector<16xf32>,
      %add3A_2290 = arith.addf %add3A_2284, %gather3A_2289 : vector<16xf32>
      %add3A_2291 = arith.constant 171 : i32
      %add3A_2292 = vector.broadcast %add3A_2291 : i32 to vector<16xi32>
      %add3A_2293 = arith.addi %mul3A_2, %add3A_2292 : vector<16xi32>
      %gather3A_2294 = tpu.vector_load_idx %arg8[%add3A_2293] : memref<3200xi32, #tpu.memory_space<vmem>>[vector<16xi32>], vector<16xi32>,
      %gather3A_2295 = tpu.vector_load_idx %arg6[%gather3A_2294] : memref<102400xf32, #tpu.memory_space<vmem>>[vector<16xi32>], vector<16xf32>,
      %add3A_2296 = arith.addf %add3A_2290, %gather3A_2295 : vector<16xf32>
      %add3A_2297 = arith.constant 172 : i32
      %add3A_2298 = vector.broadcast %add3A_2297 : i32 to vector<16xi32>
      %add3A_2299 = arith.addi %mul3A_2, %add3A_2298 : vector<16xi32>
      %gather3A_2300 = tpu.vector_load_idx %arg8[%add3A_2299] : memref<3200xi32, #tpu.memory_space<vmem>>[vector<16xi32>], vector<16xi32>,
      %gather3A_2301 = tpu.vector_load_idx %arg6[%gather3A_2300] : memref<102400xf32, #tpu.memory_space<vmem>>[vector<16xi32>], vector<16xf32>,
      %add3A_2302 = arith.addf %add3A_2296, %gather3A_2301 : vector<16xf32>
      %add3A_2303 = arith.constant 173 : i32
      %add3A_2304 = vector.broadcast %add3A_2303 : i32 to vector<16xi32>
      %add3A_2305 = arith.addi %mul3A_2, %add3A_2304 : vector<16xi32>
      %gather3A_2306 = tpu.vector_load_idx %arg8[%add3A_2305] : memref<3200xi32, #tpu.memory_space<vmem>>[vector<16xi32>], vector<16xi32>,
      %gather3A_2307 = tpu.vector_load_idx %arg6[%gather3A_2306] : memref<102400xf32, #tpu.memory_space<vmem>>[vector<16xi32>], vector<16xf32>,
      %add3A_2308 = arith.addf %add3A_2302, %gather3A_2307 : vector<16xf32>
      %add3A_2309 = arith.constant 174 : i32
      %add3A_2310 = vector.broadcast %add3A_2309 : i32 to vector<16xi32>
      %add3A_2311 = arith.addi %mul3A_2, %add3A_2310 : vector<16xi32>
      %gather3A_2312 = tpu.vector_load_idx %arg8[%add3A_2311] : memref<3200xi32, #tpu.memory_space<vmem>>[vector<16xi32>], vector<16xi32>,
      %gather3A_2313 = tpu.vector_load_idx %arg6[%gather3A_2312] : memref<102400xf32, #tpu.memory_space<vmem>>[vector<16xi32>], vector<16xf32>,
      %add3A_2314 = arith.addf %add3A_2308, %gather3A_2313 : vector<16xf32>
      %add3A_2315 = arith.constant 175 : i32
      %add3A_2316 = vector.broadcast %add3A_2315 : i32 to vector<16xi32>
      %add3A_2317 = arith.addi %mul3A_2, %add3A_2316 : vector<16xi32>
      %gather3A_2318 = tpu.vector_load_idx %arg8[%add3A_2317] : memref<3200xi32, #tpu.memory_space<vmem>>[vector<16xi32>], vector<16xi32>,
      %gather3A_2319 = tpu.vector_load_idx %arg6[%gather3A_2318] : memref<102400xf32, #tpu.memory_space<vmem>>[vector<16xi32>], vector<16xf32>,
      %add3A_2320 = arith.addf %add3A_2314, %gather3A_2319 : vector<16xf32>
      %add3A_2321 = arith.constant 176 : i32
      %add3A_2322 = vector.broadcast %add3A_2321 : i32 to vector<16xi32>
      %add3A_2323 = arith.addi %mul3A_2, %add3A_2322 : vector<16xi32>
      %gather3A_2324 = tpu.vector_load_idx %arg8[%add3A_2323] : memref<3200xi32, #tpu.memory_space<vmem>>[vector<16xi32>], vector<16xi32>,
      %gather3A_2325 = tpu.vector_load_idx %arg6[%gather3A_2324] : memref<102400xf32, #tpu.memory_space<vmem>>[vector<16xi32>], vector<16xf32>,
      %add3A_2326 = arith.addf %add3A_2320, %gather3A_2325 : vector<16xf32>
      %add3A_2327 = arith.constant 177 : i32
      %add3A_2328 = vector.broadcast %add3A_2327 : i32 to vector<16xi32>
      %add3A_2329 = arith.addi %mul3A_2, %add3A_2328 : vector<16xi32>
      %gather3A_2330 = tpu.vector_load_idx %arg8[%add3A_2329] : memref<3200xi32, #tpu.memory_space<vmem>>[vector<16xi32>], vector<16xi32>,
      %gather3A_2331 = tpu.vector_load_idx %arg6[%gather3A_2330] : memref<102400xf32, #tpu.memory_space<vmem>>[vector<16xi32>], vector<16xf32>,
      %add3A_2332 = arith.addf %add3A_2326, %gather3A_2331 : vector<16xf32>
      %add3A_2333 = arith.constant 178 : i32
      %add3A_2334 = vector.broadcast %add3A_2333 : i32 to vector<16xi32>
      %add3A_2335 = arith.addi %mul3A_2, %add3A_2334 : vector<16xi32>
      %gather3A_2336 = tpu.vector_load_idx %arg8[%add3A_2335] : memref<3200xi32, #tpu.memory_space<vmem>>[vector<16xi32>], vector<16xi32>,
      %gather3A_2337 = tpu.vector_load_idx %arg6[%gather3A_2336] : memref<102400xf32, #tpu.memory_space<vmem>>[vector<16xi32>], vector<16xf32>,
      %add3A_2338 = arith.addf %add3A_2332, %gather3A_2337 : vector<16xf32>
      %add3A_2339 = arith.constant 179 : i32
      %add3A_2340 = vector.broadcast %add3A_2339 : i32 to vector<16xi32>
      %add3A_2341 = arith.addi %mul3A_2, %add3A_2340 : vector<16xi32>
      %gather3A_2342 = tpu.vector_load_idx %arg8[%add3A_2341] : memref<3200xi32, #tpu.memory_space<vmem>>[vector<16xi32>], vector<16xi32>,
      %gather3A_2343 = tpu.vector_load_idx %arg6[%gather3A_2342] : memref<102400xf32, #tpu.memory_space<vmem>>[vector<16xi32>], vector<16xf32>,
      %add3A_2344 = arith.addf %add3A_2338, %gather3A_2343 : vector<16xf32>
      %add3A_2345 = arith.constant 180 : i32
      %add3A_2346 = vector.broadcast %add3A_2345 : i32 to vector<16xi32>
      %add3A_2347 = arith.addi %mul3A_2, %add3A_2346 : vector<16xi32>
      %gather3A_2348 = tpu.vector_load_idx %arg8[%add3A_2347] : memref<3200xi32, #tpu.memory_space<vmem>>[vector<16xi32>], vector<16xi32>,
      %gather3A_2349 = tpu.vector_load_idx %arg6[%gather3A_2348] : memref<102400xf32, #tpu.memory_space<vmem>>[vector<16xi32>], vector<16xf32>,
      %add3A_2350 = arith.addf %add3A_2344, %gather3A_2349 : vector<16xf32>
      %add3A_2351 = arith.constant 181 : i32
      %add3A_2352 = vector.broadcast %add3A_2351 : i32 to vector<16xi32>
      %add3A_2353 = arith.addi %mul3A_2, %add3A_2352 : vector<16xi32>
      %gather3A_2354 = tpu.vector_load_idx %arg8[%add3A_2353] : memref<3200xi32, #tpu.memory_space<vmem>>[vector<16xi32>], vector<16xi32>,
      %gather3A_2355 = tpu.vector_load_idx %arg6[%gather3A_2354] : memref<102400xf32, #tpu.memory_space<vmem>>[vector<16xi32>], vector<16xf32>,
      %add3A_2356 = arith.addf %add3A_2350, %gather3A_2355 : vector<16xf32>
      %add3A_2357 = arith.constant 182 : i32
      %add3A_2358 = vector.broadcast %add3A_2357 : i32 to vector<16xi32>
      %add3A_2359 = arith.addi %mul3A_2, %add3A_2358 : vector<16xi32>
      %gather3A_2360 = tpu.vector_load_idx %arg8[%add3A_2359] : memref<3200xi32, #tpu.memory_space<vmem>>[vector<16xi32>], vector<16xi32>,
      %gather3A_2361 = tpu.vector_load_idx %arg6[%gather3A_2360] : memref<102400xf32, #tpu.memory_space<vmem>>[vector<16xi32>], vector<16xf32>,
      %add3A_2362 = arith.addf %add3A_2356, %gather3A_2361 : vector<16xf32>
      %add3A_2363 = arith.constant 183 : i32
      %add3A_2364 = vector.broadcast %add3A_2363 : i32 to vector<16xi32>
      %add3A_2365 = arith.addi %mul3A_2, %add3A_2364 : vector<16xi32>
      %gather3A_2366 = tpu.vector_load_idx %arg8[%add3A_2365] : memref<3200xi32, #tpu.memory_space<vmem>>[vector<16xi32>], vector<16xi32>,
      %gather3A_2367 = tpu.vector_load_idx %arg6[%gather3A_2366] : memref<102400xf32, #tpu.memory_space<vmem>>[vector<16xi32>], vector<16xf32>,
      %add3A_2368 = arith.addf %add3A_2362, %gather3A_2367 : vector<16xf32>
      %add3A_2369 = arith.constant 184 : i32
      %add3A_2370 = vector.broadcast %add3A_2369 : i32 to vector<16xi32>
      %add3A_2371 = arith.addi %mul3A_2, %add3A_2370 : vector<16xi32>
      %gather3A_2372 = tpu.vector_load_idx %arg8[%add3A_2371] : memref<3200xi32, #tpu.memory_space<vmem>>[vector<16xi32>], vector<16xi32>,
      %gather3A_2373 = tpu.vector_load_idx %arg6[%gather3A_2372] : memref<102400xf32, #tpu.memory_space<vmem>>[vector<16xi32>], vector<16xf32>,
      %add3A_2374 = arith.addf %add3A_2368, %gather3A_2373 : vector<16xf32>
      %add3A_2375 = arith.constant 185 : i32
      %add3A_2376 = vector.broadcast %add3A_2375 : i32 to vector<16xi32>
      %add3A_2377 = arith.addi %mul3A_2, %add3A_2376 : vector<16xi32>
      %gather3A_2378 = tpu.vector_load_idx %arg8[%add3A_2377] : memref<3200xi32, #tpu.memory_space<vmem>>[vector<16xi32>], vector<16xi32>,
      %gather3A_2379 = tpu.vector_load_idx %arg6[%gather3A_2378] : memref<102400xf32, #tpu.memory_space<vmem>>[vector<16xi32>], vector<16xf32>,
      %add3A_2380 = arith.addf %add3A_2374, %gather3A_2379 : vector<16xf32>
      %add3A_2381 = arith.constant 186 : i32
      %add3A_2382 = vector.broadcast %add3A_2381 : i32 to vector<16xi32>
      %add3A_2383 = arith.addi %mul3A_2, %add3A_2382 : vector<16xi32>
      %gather3A_2384 = tpu.vector_load_idx %arg8[%add3A_2383] : memref<3200xi32, #tpu.memory_space<vmem>>[vector<16xi32>], vector<16xi32>,
      %gather3A_2385 = tpu.vector_load_idx %arg6[%gather3A_2384] : memref<102400xf32, #tpu.memory_space<vmem>>[vector<16xi32>], vector<16xf32>,
      %add3A_2386 = arith.addf %add3A_2380, %gather3A_2385 : vector<16xf32>
      %add3A_2387 = arith.constant 187 : i32
      %add3A_2388 = vector.broadcast %add3A_2387 : i32 to vector<16xi32>
      %add3A_2389 = arith.addi %mul3A_2, %add3A_2388 : vector<16xi32>
      %gather3A_2390 = tpu.vector_load_idx %arg8[%add3A_2389] : memref<3200xi32, #tpu.memory_space<vmem>>[vector<16xi32>], vector<16xi32>,
      %gather3A_2391 = tpu.vector_load_idx %arg6[%gather3A_2390] : memref<102400xf32, #tpu.memory_space<vmem>>[vector<16xi32>], vector<16xf32>,
      %add3A_2392 = arith.addf %add3A_2386, %gather3A_2391 : vector<16xf32>
      %add3A_2393 = arith.constant 188 : i32
      %add3A_2394 = vector.broadcast %add3A_2393 : i32 to vector<16xi32>
      %add3A_2395 = arith.addi %mul3A_2, %add3A_2394 : vector<16xi32>
      %gather3A_2396 = tpu.vector_load_idx %arg8[%add3A_2395] : memref<3200xi32, #tpu.memory_space<vmem>>[vector<16xi32>], vector<16xi32>,
      %gather3A_2397 = tpu.vector_load_idx %arg6[%gather3A_2396] : memref<102400xf32, #tpu.memory_space<vmem>>[vector<16xi32>], vector<16xf32>,
      %add3A_2398 = arith.addf %add3A_2392, %gather3A_2397 : vector<16xf32>
      %add3A_2399 = arith.constant 189 : i32
      %add3A_2400 = vector.broadcast %add3A_2399 : i32 to vector<16xi32>
      %add3A_2401 = arith.addi %mul3A_2, %add3A_2400 : vector<16xi32>
      %gather3A_2402 = tpu.vector_load_idx %arg8[%add3A_2401] : memref<3200xi32, #tpu.memory_space<vmem>>[vector<16xi32>], vector<16xi32>,
      %gather3A_2403 = tpu.vector_load_idx %arg6[%gather3A_2402] : memref<102400xf32, #tpu.memory_space<vmem>>[vector<16xi32>], vector<16xf32>,
      %add3A_2404 = arith.addf %add3A_2398, %gather3A_2403 : vector<16xf32>
      %add3A_2405 = arith.constant 190 : i32
      %add3A_2406 = vector.broadcast %add3A_2405 : i32 to vector<16xi32>
      %add3A_2407 = arith.addi %mul3A_2, %add3A_2406 : vector<16xi32>
      %gather3A_2408 = tpu.vector_load_idx %arg8[%add3A_2407] : memref<3200xi32, #tpu.memory_space<vmem>>[vector<16xi32>], vector<16xi32>,
      %gather3A_2409 = tpu.vector_load_idx %arg6[%gather3A_2408] : memref<102400xf32, #tpu.memory_space<vmem>>[vector<16xi32>], vector<16xf32>,
      %add3A_2410 = arith.addf %add3A_2404, %gather3A_2409 : vector<16xf32>
      %add3A_2411 = arith.constant 191 : i32
      %add3A_2412 = vector.broadcast %add3A_2411 : i32 to vector<16xi32>
      %add3A_2413 = arith.addi %mul3A_2, %add3A_2412 : vector<16xi32>
      %gather3A_2414 = tpu.vector_load_idx %arg8[%add3A_2413] : memref<3200xi32, #tpu.memory_space<vmem>>[vector<16xi32>], vector<16xi32>,
      %gather3A_2415 = tpu.vector_load_idx %arg6[%gather3A_2414] : memref<102400xf32, #tpu.memory_space<vmem>>[vector<16xi32>], vector<16xf32>,
      %add3A_2416 = arith.addf %add3A_2410, %gather3A_2415 : vector<16xf32>
      %add3A_2417 = arith.constant 192 : i32
      %add3A_2418 = vector.broadcast %add3A_2417 : i32 to vector<16xi32>
      %add3A_2419 = arith.addi %mul3A_2, %add3A_2418 : vector<16xi32>
      %gather3A_2420 = tpu.vector_load_idx %arg8[%add3A_2419] : memref<3200xi32, #tpu.memory_space<vmem>>[vector<16xi32>], vector<16xi32>,
      %gather3A_2421 = tpu.vector_load_idx %arg6[%gather3A_2420] : memref<102400xf32, #tpu.memory_space<vmem>>[vector<16xi32>], vector<16xf32>,
      %add3A_2422 = arith.addf %add3A_2416, %gather3A_2421 : vector<16xf32>
      %add3A_2423 = arith.constant 193 : i32
      %add3A_2424 = vector.broadcast %add3A_2423 : i32 to vector<16xi32>
      %add3A_2425 = arith.addi %mul3A_2, %add3A_2424 : vector<16xi32>
      %gather3A_2426 = tpu.vector_load_idx %arg8[%add3A_2425] : memref<3200xi32, #tpu.memory_space<vmem>>[vector<16xi32>], vector<16xi32>,
      %gather3A_2427 = tpu.vector_load_idx %arg6[%gather3A_2426] : memref<102400xf32, #tpu.memory_space<vmem>>[vector<16xi32>], vector<16xf32>,
      %add3A_2428 = arith.addf %add3A_2422, %gather3A_2427 : vector<16xf32>
      %add3A_2429 = arith.constant 194 : i32
      %add3A_2430 = vector.broadcast %add3A_2429 : i32 to vector<16xi32>
      %add3A_2431 = arith.addi %mul3A_2, %add3A_2430 : vector<16xi32>
      %gather3A_2432 = tpu.vector_load_idx %arg8[%add3A_2431] : memref<3200xi32, #tpu.memory_space<vmem>>[vector<16xi32>], vector<16xi32>,
      %gather3A_2433 = tpu.vector_load_idx %arg6[%gather3A_2432] : memref<102400xf32, #tpu.memory_space<vmem>>[vector<16xi32>], vector<16xf32>,
      %add3A_2434 = arith.addf %add3A_2428, %gather3A_2433 : vector<16xf32>
      %add3A_2435 = arith.constant 195 : i32
      %add3A_2436 = vector.broadcast %add3A_2435 : i32 to vector<16xi32>
      %add3A_2437 = arith.addi %mul3A_2, %add3A_2436 : vector<16xi32>
      %gather3A_2438 = tpu.vector_load_idx %arg8[%add3A_2437] : memref<3200xi32, #tpu.memory_space<vmem>>[vector<16xi32>], vector<16xi32>,
      %gather3A_2439 = tpu.vector_load_idx %arg6[%gather3A_2438] : memref<102400xf32, #tpu.memory_space<vmem>>[vector<16xi32>], vector<16xf32>,
      %add3A_2440 = arith.addf %add3A_2434, %gather3A_2439 : vector<16xf32>
      %add3A_2441 = arith.constant 196 : i32
      %add3A_2442 = vector.broadcast %add3A_2441 : i32 to vector<16xi32>
      %add3A_2443 = arith.addi %mul3A_2, %add3A_2442 : vector<16xi32>
      %gather3A_2444 = tpu.vector_load_idx %arg8[%add3A_2443] : memref<3200xi32, #tpu.memory_space<vmem>>[vector<16xi32>], vector<16xi32>,
      %gather3A_2445 = tpu.vector_load_idx %arg6[%gather3A_2444] : memref<102400xf32, #tpu.memory_space<vmem>>[vector<16xi32>], vector<16xf32>,
      %add3A_2446 = arith.addf %add3A_2440, %gather3A_2445 : vector<16xf32>
      %add3A_2447 = arith.constant 197 : i32
      %add3A_2448 = vector.broadcast %add3A_2447 : i32 to vector<16xi32>
      %add3A_2449 = arith.addi %mul3A_2, %add3A_2448 : vector<16xi32>
      %gather3A_2450 = tpu.vector_load_idx %arg8[%add3A_2449] : memref<3200xi32, #tpu.memory_space<vmem>>[vector<16xi32>], vector<16xi32>,
      %gather3A_2451 = tpu.vector_load_idx %arg6[%gather3A_2450] : memref<102400xf32, #tpu.memory_space<vmem>>[vector<16xi32>], vector<16xf32>,
      %add3A_2452 = arith.addf %add3A_2446, %gather3A_2451 : vector<16xf32>
      %add3A_2453 = arith.constant 198 : i32
      %add3A_2454 = vector.broadcast %add3A_2453 : i32 to vector<16xi32>
      %add3A_2455 = arith.addi %mul3A_2, %add3A_2454 : vector<16xi32>
      %gather3A_2456 = tpu.vector_load_idx %arg8[%add3A_2455] : memref<3200xi32, #tpu.memory_space<vmem>>[vector<16xi32>], vector<16xi32>,
      %gather3A_2457 = tpu.vector_load_idx %arg6[%gather3A_2456] : memref<102400xf32, #tpu.memory_space<vmem>>[vector<16xi32>], vector<16xf32>,
      %add3A_2458 = arith.addf %add3A_2452, %gather3A_2457 : vector<16xf32>
      %add3A_2459 = arith.constant 199 : i32
      %add3A_2460 = vector.broadcast %add3A_2459 : i32 to vector<16xi32>
      %add3A_2461 = arith.addi %mul3A_2, %add3A_2460 : vector<16xi32>
      %gather3A_2462 = tpu.vector_load_idx %arg8[%add3A_2461] : memref<3200xi32, #tpu.memory_space<vmem>>[vector<16xi32>], vector<16xi32>,
      %gather3A_2463 = tpu.vector_load_idx %arg6[%gather3A_2462] : memref<102400xf32, #tpu.memory_space<vmem>>[vector<16xi32>], vector<16xf32>,
      %add3A_2464 = arith.addf %add3A_2458, %gather3A_2463 : vector<16xf32>
      %mul3A_2465 = arith.constant 5.000000e-03 : f32
      %mul3A_2466 = vector.broadcast %mul3A_2465 : f32 to vector<16xf32>
      %mul3A_2467 = arith.mulf %add3A_2464, %mul3A_2466 : vector<16xf32>
      %add3A_2468 = arith.addf %mul3A_2467, %get3A_0 : vector<16xf32>
      %neg3A_2469 = arith.constant 0.000000e+00 : f32
      %neg3A_2470 = vector.broadcast %neg3A_2469 : f32 to vector<16xf32>
      %neg3A_2471 = arith.subf %neg3A_2470, %add3A_2468 : vector<16xf32>
      %exp3A_2472 = math.exp %neg3A_2471 : vector<16xf32>
      %add3A_2473 = arith.constant 1.000000e+00 : f32
      %add3A_2474 = vector.broadcast %add3A_2473 : f32 to vector<16xf32>
      %add3A_2475 = arith.addf %add3A_2474, %exp3A_2472 : vector<16xf32>
      %div3A_2476 = arith.constant 1.000000e+00 : f32
      %div3A_2477 = vector.broadcast %div3A_2476 : f32 to vector<16xf32>
      %div3A_2478 = arith.divf %div3A_2477, %add3A_2475 : vector<16xf32>
      %mul3A_2479 = arith.constant 16 : i32
      %mul3A_2480 = arith.muli %add3A_1262, %mul3A_2479 : i32
      %swap3A_2481 = arith.index_cast %mul3A_2480 : i32 to index
      %swap3A_2482 = tpu.vector_load %arg9[%swap3A_2481] {strides = array<i32>} : memref<256xf32, #tpu.memory_space<vmem>>, vector<16xf32>,
      tpu.vector_store %arg9[%swap3A_2481], %div3A_2478 {strides = array<i32>} : memref<256xf32, #tpu.memory_space<vmem>>, vector<16xf32>,
    }
    %scan3A_13 = arith.constant 8 : i32
    %mul3A_14 = arith.constant 256 : i32
    %mul3A_15 = arith.muli %arg1, %mul3A_14 : i32
    "tpu.region"() ({
      %run_scoped3A = tpu.sem_alloc : memref<!tpu.dma_semaphore, #tpu.memory_space<semaphore_mem>>
      %dma_start3A_16 = tpu.memref_slice %arg5[%arg0, %mul3A_15] : memref<2x4096xf32, #tpu.memory_space<hbm>> -> memref<1x256xf32, #tpu.memory_space<hbm>>
      %dma_start3A_17 = tpu.memref_squeeze %dma_start3A_16 : memref<1x256xf32, #tpu.memory_space<hbm>> -> memref<256xf32, #tpu.memory_space<hbm>>
      %dma_start3A_18 = tpu.memref_slice %arg5[%arg0, %mul3A_15] : memref<2x4096xf32, #tpu.memory_space<hbm>> -> memref<1x256xf32, #tpu.memory_space<hbm>>
      %dma_start3A_19 = tpu.memref_squeeze %dma_start3A_18 : memref<1x256xf32, #tpu.memory_space<hbm>> -> memref<256xf32, #tpu.memory_space<hbm>>
      tpu.enqueue_dma source(%arg9 : memref<256xf32, #tpu.memory_space<vmem>>) target(%dma_start3A_19 : memref<256xf32, #tpu.memory_space<hbm>>) target_semaphore(%run_scoped3A : memref<!tpu.dma_semaphore, #tpu.memory_space<semaphore_mem>>)
      %dma_wait3A = tpu.memref_slice %arg5[%arg0, %mul3A_15] : memref<2x4096xf32, #tpu.memory_space<hbm>> -> memref<1x256xf32, #tpu.memory_space<hbm>>
      %dma_wait3A_20 = tpu.memref_squeeze %dma_wait3A : memref<1x256xf32, #tpu.memory_space<hbm>> -> memref<256xf32, #tpu.memory_space<hbm>>
      %dma_wait3A_21 = tpu.memref_slice %arg5[%arg0, %mul3A_15] : memref<2x4096xf32, #tpu.memory_space<hbm>> -> memref<1x256xf32, #tpu.memory_space<hbm>>
      %dma_wait3A_22 = tpu.memref_squeeze %dma_wait3A_21 : memref<1x256xf32, #tpu.memory_space<hbm>> -> memref<256xf32, #tpu.memory_space<hbm>>
      tpu.wait_dma2 semaphore(%run_scoped3A : memref<!tpu.dma_semaphore, #tpu.memory_space<semaphore_mem>>) src(%arg9 : memref<256xf32, #tpu.memory_space<vmem>>) dst(%dma_wait3A_22 : memref<256xf32, #tpu.memory_space<hbm>>)
      tpu.yield
    }) : () -> ()
    return
  }
}

module attributes {stable_mosaic.version = 14 : i64} {
  func.func @_mm_body(%arg0: memref<8x300xf32, #tpu.memory_space<vmem>>, %arg1: memref<100000x300xf32, #tpu.memory_space<any>>, %arg2: memref<8x102400xf32, #tpu.memory_space<vmem>>, %arg3: memref<4x5120x300xf32, #tpu.memory_space<vmem>>, %arg4: memref<4x!tpu.dma_semaphore, #tpu.memory_space<semaphore_mem>>) attributes {dimension_semantics = [], scalar_prefetch = 0 : i64, scratch_operands = 2 : i64, tpu.core_type = #tpu.core_type<tc>} {
    %dma_start3A = arith.constant 0 : i32
    %dma_start3A_0 = arith.constant 0 : i32
    %dma_start3A_1 = tpu.memref_slice %arg4[%dma_start3A_0] : memref<4x!tpu.dma_semaphore, #tpu.memory_space<semaphore_mem>> -> memref<1x!tpu.dma_semaphore, #tpu.memory_space<semaphore_mem>>
    %dma_start3A_2 = tpu.memref_squeeze %dma_start3A_1 : memref<1x!tpu.dma_semaphore, #tpu.memory_space<semaphore_mem>> -> memref<!tpu.dma_semaphore, #tpu.memory_space<semaphore_mem>>
    %dma_start3A_3 = arith.constant 0 : i32
    %dma_start3A_4 = arith.constant 0 : i32
    %dma_start3A_5 = tpu.memref_slice %arg3[%dma_start3A, %dma_start3A_3, %dma_start3A_4] : memref<4x5120x300xf32, #tpu.memory_space<vmem>> -> memref<1x5120x300xf32, #tpu.memory_space<vmem>>
    %dma_start3A_6 = tpu.memref_squeeze %dma_start3A_5 : memref<1x5120x300xf32, #tpu.memory_space<vmem>> -> memref<5120x300xf32, #tpu.memory_space<vmem>>
    %dma_start3A_7 = arith.constant 0 : i32
    %dma_start3A_8 = arith.constant 0 : i32
    %dma_start3A_9 = tpu.memref_slice %arg1[%dma_start3A_7, %dma_start3A_8] : memref<100000x300xf32, #tpu.memory_space<any>> -> memref<5120x300xf32, #tpu.memory_space<any>>
    tpu.enqueue_dma source(%dma_start3A_9 : memref<5120x300xf32, #tpu.memory_space<any>>) target(%dma_start3A_6 : memref<5120x300xf32, #tpu.memory_space<vmem>>) target_semaphore(%dma_start3A_2 : memref<!tpu.dma_semaphore, #tpu.memory_space<semaphore_mem>>)
    %dma_start3A_10 = arith.constant 1 : i32
    %dma_start3A_11 = arith.constant 1 : i32
    %dma_start3A_12 = tpu.memref_slice %arg4[%dma_start3A_11] : memref<4x!tpu.dma_semaphore, #tpu.memory_space<semaphore_mem>> -> memref<1x!tpu.dma_semaphore, #tpu.memory_space<semaphore_mem>>
    %dma_start3A_13 = tpu.memref_squeeze %dma_start3A_12 : memref<1x!tpu.dma_semaphore, #tpu.memory_space<semaphore_mem>> -> memref<!tpu.dma_semaphore, #tpu.memory_space<semaphore_mem>>
    %dma_start3A_14 = arith.constant 0 : i32
    %dma_start3A_15 = arith.constant 0 : i32
    %dma_start3A_16 = tpu.memref_slice %arg3[%dma_start3A_10, %dma_start3A_14, %dma_start3A_15] : memref<4x5120x300xf32, #tpu.memory_space<vmem>> -> memref<1x5120x300xf32, #tpu.memory_space<vmem>>
    %dma_start3A_17 = tpu.memref_squeeze %dma_start3A_16 : memref<1x5120x300xf32, #tpu.memory_space<vmem>> -> memref<5120x300xf32, #tpu.memory_space<vmem>>
    %dma_start3A_18 = arith.constant 5120 : i32
    %dma_start3A_19 = arith.constant 0 : i32
    %dma_start3A_20 = tpu.memref_slice %arg1[%dma_start3A_18, %dma_start3A_19] : memref<100000x300xf32, #tpu.memory_space<any>> -> memref<5120x300xf32, #tpu.memory_space<any>>
    tpu.enqueue_dma source(%dma_start3A_20 : memref<5120x300xf32, #tpu.memory_space<any>>) target(%dma_start3A_17 : memref<5120x300xf32, #tpu.memory_space<vmem>>) target_semaphore(%dma_start3A_13 : memref<!tpu.dma_semaphore, #tpu.memory_space<semaphore_mem>>)
    %dma_start3A_21 = arith.constant 2 : i32
    %dma_start3A_22 = arith.constant 2 : i32
    %dma_start3A_23 = tpu.memref_slice %arg4[%dma_start3A_22] : memref<4x!tpu.dma_semaphore, #tpu.memory_space<semaphore_mem>> -> memref<1x!tpu.dma_semaphore, #tpu.memory_space<semaphore_mem>>
    %dma_start3A_24 = tpu.memref_squeeze %dma_start3A_23 : memref<1x!tpu.dma_semaphore, #tpu.memory_space<semaphore_mem>> -> memref<!tpu.dma_semaphore, #tpu.memory_space<semaphore_mem>>
    %dma_start3A_25 = arith.constant 0 : i32
    %dma_start3A_26 = arith.constant 0 : i32
    %dma_start3A_27 = tpu.memref_slice %arg3[%dma_start3A_21, %dma_start3A_25, %dma_start3A_26] : memref<4x5120x300xf32, #tpu.memory_space<vmem>> -> memref<1x5120x300xf32, #tpu.memory_space<vmem>>
    %dma_start3A_28 = tpu.memref_squeeze %dma_start3A_27 : memref<1x5120x300xf32, #tpu.memory_space<vmem>> -> memref<5120x300xf32, #tpu.memory_space<vmem>>
    %dma_start3A_29 = arith.constant 10240 : i32
    %dma_start3A_30 = arith.constant 0 : i32
    %dma_start3A_31 = tpu.memref_slice %arg1[%dma_start3A_29, %dma_start3A_30] : memref<100000x300xf32, #tpu.memory_space<any>> -> memref<5120x300xf32, #tpu.memory_space<any>>
    tpu.enqueue_dma source(%dma_start3A_31 : memref<5120x300xf32, #tpu.memory_space<any>>) target(%dma_start3A_28 : memref<5120x300xf32, #tpu.memory_space<vmem>>) target_semaphore(%dma_start3A_24 : memref<!tpu.dma_semaphore, #tpu.memory_space<semaphore_mem>>)
    %dma_start3A_32 = arith.constant 3 : i32
    %dma_start3A_33 = arith.constant 3 : i32
    %dma_start3A_34 = tpu.memref_slice %arg4[%dma_start3A_33] : memref<4x!tpu.dma_semaphore, #tpu.memory_space<semaphore_mem>> -> memref<1x!tpu.dma_semaphore, #tpu.memory_space<semaphore_mem>>
    %dma_start3A_35 = tpu.memref_squeeze %dma_start3A_34 : memref<1x!tpu.dma_semaphore, #tpu.memory_space<semaphore_mem>> -> memref<!tpu.dma_semaphore, #tpu.memory_space<semaphore_mem>>
    %dma_start3A_36 = arith.constant 0 : i32
    %dma_start3A_37 = arith.constant 0 : i32
    %dma_start3A_38 = tpu.memref_slice %arg3[%dma_start3A_32, %dma_start3A_36, %dma_start3A_37] : memref<4x5120x300xf32, #tpu.memory_space<vmem>> -> memref<1x5120x300xf32, #tpu.memory_space<vmem>>
    %dma_start3A_39 = tpu.memref_squeeze %dma_start3A_38 : memref<1x5120x300xf32, #tpu.memory_space<vmem>> -> memref<5120x300xf32, #tpu.memory_space<vmem>>
    %dma_start3A_40 = arith.constant 15360 : i32
    %dma_start3A_41 = arith.constant 0 : i32
    %dma_start3A_42 = tpu.memref_slice %arg1[%dma_start3A_40, %dma_start3A_41] : memref<100000x300xf32, #tpu.memory_space<any>> -> memref<5120x300xf32, #tpu.memory_space<any>>
    tpu.enqueue_dma source(%dma_start3A_42 : memref<5120x300xf32, #tpu.memory_space<any>>) target(%dma_start3A_39 : memref<5120x300xf32, #tpu.memory_space<vmem>>) target_semaphore(%dma_start3A_35 : memref<!tpu.dma_semaphore, #tpu.memory_space<semaphore_mem>>)
    %dma_wait3A = arith.constant 0 : i32
    %dma_wait3A_43 = arith.constant 0 : i32
    %dma_wait3A_44 = tpu.memref_slice %arg4[%dma_wait3A_43] : memref<4x!tpu.dma_semaphore, #tpu.memory_space<semaphore_mem>> -> memref<1x!tpu.dma_semaphore, #tpu.memory_space<semaphore_mem>>
    %dma_wait3A_45 = tpu.memref_squeeze %dma_wait3A_44 : memref<1x!tpu.dma_semaphore, #tpu.memory_space<semaphore_mem>> -> memref<!tpu.dma_semaphore, #tpu.memory_space<semaphore_mem>>
    %dma_wait3A_46 = arith.constant 0 : i32
    %dma_wait3A_47 = arith.constant 0 : i32
    %dma_wait3A_48 = tpu.memref_slice %arg3[%dma_wait3A, %dma_wait3A_46, %dma_wait3A_47] : memref<4x5120x300xf32, #tpu.memory_space<vmem>> -> memref<1x5120x300xf32, #tpu.memory_space<vmem>>
    %dma_wait3A_49 = tpu.memref_squeeze %dma_wait3A_48 : memref<1x5120x300xf32, #tpu.memory_space<vmem>> -> memref<5120x300xf32, #tpu.memory_space<vmem>>
    %dma_wait3A_50 = arith.constant 0 : i32
    %dma_wait3A_51 = arith.constant 0 : i32
    %dma_wait3A_52 = tpu.memref_slice %arg1[%dma_wait3A_50, %dma_wait3A_51] : memref<100000x300xf32, #tpu.memory_space<any>> -> memref<5120x300xf32, #tpu.memory_space<any>>
    tpu.wait_dma2 semaphore(%dma_wait3A_45 : memref<!tpu.dma_semaphore, #tpu.memory_space<semaphore_mem>>) src(%dma_wait3A_52 : memref<5120x300xf32, #tpu.memory_space<any>>) dst(%dma_wait3A_49 : memref<5120x300xf32, #tpu.memory_space<vmem>>)
    %get3A = arith.constant 0 : index
    %get3A_53 = arith.constant 0 : index
    %get3A_54 = vector.load %arg0[%get3A, %get3A_53] : memref<8x300xf32, #tpu.memory_space<vmem>>, vector<8x300xf32>
    %get3A_55 = arith.constant 0 : index
    %get3A_56 = arith.constant 0 : index
    %get3A_57 = arith.constant 0 : index
    %get3A_58 = vector.load %arg3[%get3A_55, %get3A_56, %get3A_57] : memref<4x5120x300xf32, #tpu.memory_space<vmem>>, vector<1x5120x300xf32>
    %get3A_59 = vector.shape_cast %get3A_58 : vector<1x5120x300xf32> to vector<5120x300xf32>
    %dot_general3A = arith.constant dense<0.000000e+00> : vector<8x5120xf32>
    %dot_general3A_60 = tpu.matmul %get3A_54, %get3A_59, %dot_general3A {dimension_numbers = #tpu.dot_dimension_numbers<[1], [1], [0], [0], [0, 0, 1, 0], [], []>, transpose_lhs_hint = false} : vector<8x300xf32>, vector<5120x300xf32>, vector<8x5120xf32> -> vector<8x5120xf32>
    %swap3A = arith.constant 0 : index
    %swap3A_61 = arith.constant 0 : index
    %swap3A_62 = vector.load %arg2[%swap3A, %swap3A_61] : memref<8x102400xf32, #tpu.memory_space<vmem>>, vector<8x5120xf32>
    tpu.vector_store %arg2[%swap3A, %swap3A_61], %dot_general3A_60 {strides = array<i32>} : memref<8x102400xf32, #tpu.memory_space<vmem>>, vector<8x5120xf32>,
    %dma_start3A_63 = arith.constant 0 : i32
    %dma_start3A_64 = arith.constant 0 : i32
    %dma_start3A_65 = tpu.memref_slice %arg4[%dma_start3A_64] : memref<4x!tpu.dma_semaphore, #tpu.memory_space<semaphore_mem>> -> memref<1x!tpu.dma_semaphore, #tpu.memory_space<semaphore_mem>>
    %dma_start3A_66 = tpu.memref_squeeze %dma_start3A_65 : memref<1x!tpu.dma_semaphore, #tpu.memory_space<semaphore_mem>> -> memref<!tpu.dma_semaphore, #tpu.memory_space<semaphore_mem>>
    %dma_start3A_67 = arith.constant 0 : i32
    %dma_start3A_68 = arith.constant 0 : i32
    %dma_start3A_69 = tpu.memref_slice %arg3[%dma_start3A_63, %dma_start3A_67, %dma_start3A_68] : memref<4x5120x300xf32, #tpu.memory_space<vmem>> -> memref<1x5120x300xf32, #tpu.memory_space<vmem>>
    %dma_start3A_70 = tpu.memref_squeeze %dma_start3A_69 : memref<1x5120x300xf32, #tpu.memory_space<vmem>> -> memref<5120x300xf32, #tpu.memory_space<vmem>>
    %dma_start3A_71 = arith.constant 20480 : i32
    %dma_start3A_72 = arith.constant 0 : i32
    %dma_start3A_73 = tpu.memref_slice %arg1[%dma_start3A_71, %dma_start3A_72] : memref<100000x300xf32, #tpu.memory_space<any>> -> memref<5120x300xf32, #tpu.memory_space<any>>
    tpu.enqueue_dma source(%dma_start3A_73 : memref<5120x300xf32, #tpu.memory_space<any>>) target(%dma_start3A_70 : memref<5120x300xf32, #tpu.memory_space<vmem>>) target_semaphore(%dma_start3A_66 : memref<!tpu.dma_semaphore, #tpu.memory_space<semaphore_mem>>)
    %dma_wait3A_74 = arith.constant 1 : i32
    %dma_wait3A_75 = arith.constant 1 : i32
    %dma_wait3A_76 = tpu.memref_slice %arg4[%dma_wait3A_75] : memref<4x!tpu.dma_semaphore, #tpu.memory_space<semaphore_mem>> -> memref<1x!tpu.dma_semaphore, #tpu.memory_space<semaphore_mem>>
    %dma_wait3A_77 = tpu.memref_squeeze %dma_wait3A_76 : memref<1x!tpu.dma_semaphore, #tpu.memory_space<semaphore_mem>> -> memref<!tpu.dma_semaphore, #tpu.memory_space<semaphore_mem>>
    %dma_wait3A_78 = arith.constant 0 : i32
    %dma_wait3A_79 = arith.constant 0 : i32
    %dma_wait3A_80 = tpu.memref_slice %arg3[%dma_wait3A_74, %dma_wait3A_78, %dma_wait3A_79] : memref<4x5120x300xf32, #tpu.memory_space<vmem>> -> memref<1x5120x300xf32, #tpu.memory_space<vmem>>
    %dma_wait3A_81 = tpu.memref_squeeze %dma_wait3A_80 : memref<1x5120x300xf32, #tpu.memory_space<vmem>> -> memref<5120x300xf32, #tpu.memory_space<vmem>>
    %dma_wait3A_82 = arith.constant 5120 : i32
    %dma_wait3A_83 = arith.constant 0 : i32
    %dma_wait3A_84 = tpu.memref_slice %arg1[%dma_wait3A_82, %dma_wait3A_83] : memref<100000x300xf32, #tpu.memory_space<any>> -> memref<5120x300xf32, #tpu.memory_space<any>>
    tpu.wait_dma2 semaphore(%dma_wait3A_77 : memref<!tpu.dma_semaphore, #tpu.memory_space<semaphore_mem>>) src(%dma_wait3A_84 : memref<5120x300xf32, #tpu.memory_space<any>>) dst(%dma_wait3A_81 : memref<5120x300xf32, #tpu.memory_space<vmem>>)
    %get3A_85 = arith.constant 0 : index
    %get3A_86 = arith.constant 0 : index
    %get3A_87 = vector.load %arg0[%get3A_85, %get3A_86] : memref<8x300xf32, #tpu.memory_space<vmem>>, vector<8x300xf32>
    %get3A_88 = arith.constant 1 : index
    %get3A_89 = arith.constant 0 : index
    %get3A_90 = arith.constant 0 : index
    %get3A_91 = vector.load %arg3[%get3A_88, %get3A_89, %get3A_90] : memref<4x5120x300xf32, #tpu.memory_space<vmem>>, vector<1x5120x300xf32>
    %get3A_92 = vector.shape_cast %get3A_91 : vector<1x5120x300xf32> to vector<5120x300xf32>
    %dot_general3A_93 = arith.constant dense<0.000000e+00> : vector<8x5120xf32>
    %dot_general3A_94 = tpu.matmul %get3A_87, %get3A_92, %dot_general3A_93 {dimension_numbers = #tpu.dot_dimension_numbers<[1], [1], [0], [0], [0, 0, 1, 0], [], []>, transpose_lhs_hint = false} : vector<8x300xf32>, vector<5120x300xf32>, vector<8x5120xf32> -> vector<8x5120xf32>
    %swap3A_95 = arith.constant 0 : index
    %swap3A_96 = arith.constant 5120 : index
    %swap3A_97 = vector.load %arg2[%swap3A_95, %swap3A_96] : memref<8x102400xf32, #tpu.memory_space<vmem>>, vector<8x5120xf32>
    tpu.vector_store %arg2[%swap3A_95, %swap3A_96], %dot_general3A_94 {strides = array<i32>} : memref<8x102400xf32, #tpu.memory_space<vmem>>, vector<8x5120xf32>,
    %dma_start3A_98 = arith.constant 1 : i32
    %dma_start3A_99 = arith.constant 1 : i32
    %dma_start3A_100 = tpu.memref_slice %arg4[%dma_start3A_99] : memref<4x!tpu.dma_semaphore, #tpu.memory_space<semaphore_mem>> -> memref<1x!tpu.dma_semaphore, #tpu.memory_space<semaphore_mem>>
    %dma_start3A_101 = tpu.memref_squeeze %dma_start3A_100 : memref<1x!tpu.dma_semaphore, #tpu.memory_space<semaphore_mem>> -> memref<!tpu.dma_semaphore, #tpu.memory_space<semaphore_mem>>
    %dma_start3A_102 = arith.constant 0 : i32
    %dma_start3A_103 = arith.constant 0 : i32
    %dma_start3A_104 = tpu.memref_slice %arg3[%dma_start3A_98, %dma_start3A_102, %dma_start3A_103] : memref<4x5120x300xf32, #tpu.memory_space<vmem>> -> memref<1x5120x300xf32, #tpu.memory_space<vmem>>
    %dma_start3A_105 = tpu.memref_squeeze %dma_start3A_104 : memref<1x5120x300xf32, #tpu.memory_space<vmem>> -> memref<5120x300xf32, #tpu.memory_space<vmem>>
    %dma_start3A_106 = arith.constant 25600 : i32
    %dma_start3A_107 = arith.constant 0 : i32
    %dma_start3A_108 = tpu.memref_slice %arg1[%dma_start3A_106, %dma_start3A_107] : memref<100000x300xf32, #tpu.memory_space<any>> -> memref<5120x300xf32, #tpu.memory_space<any>>
    tpu.enqueue_dma source(%dma_start3A_108 : memref<5120x300xf32, #tpu.memory_space<any>>) target(%dma_start3A_105 : memref<5120x300xf32, #tpu.memory_space<vmem>>) target_semaphore(%dma_start3A_101 : memref<!tpu.dma_semaphore, #tpu.memory_space<semaphore_mem>>)
    %dma_wait3A_109 = arith.constant 2 : i32
    %dma_wait3A_110 = arith.constant 2 : i32
    %dma_wait3A_111 = tpu.memref_slice %arg4[%dma_wait3A_110] : memref<4x!tpu.dma_semaphore, #tpu.memory_space<semaphore_mem>> -> memref<1x!tpu.dma_semaphore, #tpu.memory_space<semaphore_mem>>
    %dma_wait3A_112 = tpu.memref_squeeze %dma_wait3A_111 : memref<1x!tpu.dma_semaphore, #tpu.memory_space<semaphore_mem>> -> memref<!tpu.dma_semaphore, #tpu.memory_space<semaphore_mem>>
    %dma_wait3A_113 = arith.constant 0 : i32
    %dma_wait3A_114 = arith.constant 0 : i32
    %dma_wait3A_115 = tpu.memref_slice %arg3[%dma_wait3A_109, %dma_wait3A_113, %dma_wait3A_114] : memref<4x5120x300xf32, #tpu.memory_space<vmem>> -> memref<1x5120x300xf32, #tpu.memory_space<vmem>>
    %dma_wait3A_116 = tpu.memref_squeeze %dma_wait3A_115 : memref<1x5120x300xf32, #tpu.memory_space<vmem>> -> memref<5120x300xf32, #tpu.memory_space<vmem>>
    %dma_wait3A_117 = arith.constant 10240 : i32
    %dma_wait3A_118 = arith.constant 0 : i32
    %dma_wait3A_119 = tpu.memref_slice %arg1[%dma_wait3A_117, %dma_wait3A_118] : memref<100000x300xf32, #tpu.memory_space<any>> -> memref<5120x300xf32, #tpu.memory_space<any>>
    tpu.wait_dma2 semaphore(%dma_wait3A_112 : memref<!tpu.dma_semaphore, #tpu.memory_space<semaphore_mem>>) src(%dma_wait3A_119 : memref<5120x300xf32, #tpu.memory_space<any>>) dst(%dma_wait3A_116 : memref<5120x300xf32, #tpu.memory_space<vmem>>)
    %get3A_120 = arith.constant 0 : index
    %get3A_121 = arith.constant 0 : index
    %get3A_122 = vector.load %arg0[%get3A_120, %get3A_121] : memref<8x300xf32, #tpu.memory_space<vmem>>, vector<8x300xf32>
    %get3A_123 = arith.constant 2 : index
    %get3A_124 = arith.constant 0 : index
    %get3A_125 = arith.constant 0 : index
    %get3A_126 = vector.load %arg3[%get3A_123, %get3A_124, %get3A_125] : memref<4x5120x300xf32, #tpu.memory_space<vmem>>, vector<1x5120x300xf32>
    %get3A_127 = vector.shape_cast %get3A_126 : vector<1x5120x300xf32> to vector<5120x300xf32>
    %dot_general3A_128 = arith.constant dense<0.000000e+00> : vector<8x5120xf32>
    %dot_general3A_129 = tpu.matmul %get3A_122, %get3A_127, %dot_general3A_128 {dimension_numbers = #tpu.dot_dimension_numbers<[1], [1], [0], [0], [0, 0, 1, 0], [], []>, transpose_lhs_hint = false} : vector<8x300xf32>, vector<5120x300xf32>, vector<8x5120xf32> -> vector<8x5120xf32>
    %swap3A_130 = arith.constant 0 : index
    %swap3A_131 = arith.constant 10240 : index
    %swap3A_132 = vector.load %arg2[%swap3A_130, %swap3A_131] : memref<8x102400xf32, #tpu.memory_space<vmem>>, vector<8x5120xf32>
    tpu.vector_store %arg2[%swap3A_130, %swap3A_131], %dot_general3A_129 {strides = array<i32>} : memref<8x102400xf32, #tpu.memory_space<vmem>>, vector<8x5120xf32>,
    %dma_start3A_133 = arith.constant 2 : i32
    %dma_start3A_134 = arith.constant 2 : i32
    %dma_start3A_135 = tpu.memref_slice %arg4[%dma_start3A_134] : memref<4x!tpu.dma_semaphore, #tpu.memory_space<semaphore_mem>> -> memref<1x!tpu.dma_semaphore, #tpu.memory_space<semaphore_mem>>
    %dma_start3A_136 = tpu.memref_squeeze %dma_start3A_135 : memref<1x!tpu.dma_semaphore, #tpu.memory_space<semaphore_mem>> -> memref<!tpu.dma_semaphore, #tpu.memory_space<semaphore_mem>>
    %dma_start3A_137 = arith.constant 0 : i32
    %dma_start3A_138 = arith.constant 0 : i32
    %dma_start3A_139 = tpu.memref_slice %arg3[%dma_start3A_133, %dma_start3A_137, %dma_start3A_138] : memref<4x5120x300xf32, #tpu.memory_space<vmem>> -> memref<1x5120x300xf32, #tpu.memory_space<vmem>>
    %dma_start3A_140 = tpu.memref_squeeze %dma_start3A_139 : memref<1x5120x300xf32, #tpu.memory_space<vmem>> -> memref<5120x300xf32, #tpu.memory_space<vmem>>
    %dma_start3A_141 = arith.constant 30720 : i32
    %dma_start3A_142 = arith.constant 0 : i32
    %dma_start3A_143 = tpu.memref_slice %arg1[%dma_start3A_141, %dma_start3A_142] : memref<100000x300xf32, #tpu.memory_space<any>> -> memref<5120x300xf32, #tpu.memory_space<any>>
    tpu.enqueue_dma source(%dma_start3A_143 : memref<5120x300xf32, #tpu.memory_space<any>>) target(%dma_start3A_140 : memref<5120x300xf32, #tpu.memory_space<vmem>>) target_semaphore(%dma_start3A_136 : memref<!tpu.dma_semaphore, #tpu.memory_space<semaphore_mem>>)
    %dma_wait3A_144 = arith.constant 3 : i32
    %dma_wait3A_145 = arith.constant 3 : i32
    %dma_wait3A_146 = tpu.memref_slice %arg4[%dma_wait3A_145] : memref<4x!tpu.dma_semaphore, #tpu.memory_space<semaphore_mem>> -> memref<1x!tpu.dma_semaphore, #tpu.memory_space<semaphore_mem>>
    %dma_wait3A_147 = tpu.memref_squeeze %dma_wait3A_146 : memref<1x!tpu.dma_semaphore, #tpu.memory_space<semaphore_mem>> -> memref<!tpu.dma_semaphore, #tpu.memory_space<semaphore_mem>>
    %dma_wait3A_148 = arith.constant 0 : i32
    %dma_wait3A_149 = arith.constant 0 : i32
    %dma_wait3A_150 = tpu.memref_slice %arg3[%dma_wait3A_144, %dma_wait3A_148, %dma_wait3A_149] : memref<4x5120x300xf32, #tpu.memory_space<vmem>> -> memref<1x5120x300xf32, #tpu.memory_space<vmem>>
    %dma_wait3A_151 = tpu.memref_squeeze %dma_wait3A_150 : memref<1x5120x300xf32, #tpu.memory_space<vmem>> -> memref<5120x300xf32, #tpu.memory_space<vmem>>
    %dma_wait3A_152 = arith.constant 15360 : i32
    %dma_wait3A_153 = arith.constant 0 : i32
    %dma_wait3A_154 = tpu.memref_slice %arg1[%dma_wait3A_152, %dma_wait3A_153] : memref<100000x300xf32, #tpu.memory_space<any>> -> memref<5120x300xf32, #tpu.memory_space<any>>
    tpu.wait_dma2 semaphore(%dma_wait3A_147 : memref<!tpu.dma_semaphore, #tpu.memory_space<semaphore_mem>>) src(%dma_wait3A_154 : memref<5120x300xf32, #tpu.memory_space<any>>) dst(%dma_wait3A_151 : memref<5120x300xf32, #tpu.memory_space<vmem>>)
    %get3A_155 = arith.constant 0 : index
    %get3A_156 = arith.constant 0 : index
    %get3A_157 = vector.load %arg0[%get3A_155, %get3A_156] : memref<8x300xf32, #tpu.memory_space<vmem>>, vector<8x300xf32>
    %get3A_158 = arith.constant 3 : index
    %get3A_159 = arith.constant 0 : index
    %get3A_160 = arith.constant 0 : index
    %get3A_161 = vector.load %arg3[%get3A_158, %get3A_159, %get3A_160] : memref<4x5120x300xf32, #tpu.memory_space<vmem>>, vector<1x5120x300xf32>
    %get3A_162 = vector.shape_cast %get3A_161 : vector<1x5120x300xf32> to vector<5120x300xf32>
    %dot_general3A_163 = arith.constant dense<0.000000e+00> : vector<8x5120xf32>
    %dot_general3A_164 = tpu.matmul %get3A_157, %get3A_162, %dot_general3A_163 {dimension_numbers = #tpu.dot_dimension_numbers<[1], [1], [0], [0], [0, 0, 1, 0], [], []>, transpose_lhs_hint = false} : vector<8x300xf32>, vector<5120x300xf32>, vector<8x5120xf32> -> vector<8x5120xf32>
    %swap3A_165 = arith.constant 0 : index
    %swap3A_166 = arith.constant 15360 : index
    %swap3A_167 = vector.load %arg2[%swap3A_165, %swap3A_166] : memref<8x102400xf32, #tpu.memory_space<vmem>>, vector<8x5120xf32>
    tpu.vector_store %arg2[%swap3A_165, %swap3A_166], %dot_general3A_164 {strides = array<i32>} : memref<8x102400xf32, #tpu.memory_space<vmem>>, vector<8x5120xf32>,
    %dma_start3A_168 = arith.constant 3 : i32
    %dma_start3A_169 = arith.constant 3 : i32
    %dma_start3A_170 = tpu.memref_slice %arg4[%dma_start3A_169] : memref<4x!tpu.dma_semaphore, #tpu.memory_space<semaphore_mem>> -> memref<1x!tpu.dma_semaphore, #tpu.memory_space<semaphore_mem>>
    %dma_start3A_171 = tpu.memref_squeeze %dma_start3A_170 : memref<1x!tpu.dma_semaphore, #tpu.memory_space<semaphore_mem>> -> memref<!tpu.dma_semaphore, #tpu.memory_space<semaphore_mem>>
    %dma_start3A_172 = arith.constant 0 : i32
    %dma_start3A_173 = arith.constant 0 : i32
    %dma_start3A_174 = tpu.memref_slice %arg3[%dma_start3A_168, %dma_start3A_172, %dma_start3A_173] : memref<4x5120x300xf32, #tpu.memory_space<vmem>> -> memref<1x5120x300xf32, #tpu.memory_space<vmem>>
    %dma_start3A_175 = tpu.memref_squeeze %dma_start3A_174 : memref<1x5120x300xf32, #tpu.memory_space<vmem>> -> memref<5120x300xf32, #tpu.memory_space<vmem>>
    %dma_start3A_176 = arith.constant 35840 : i32
    %dma_start3A_177 = arith.constant 0 : i32
    %dma_start3A_178 = tpu.memref_slice %arg1[%dma_start3A_176, %dma_start3A_177] : memref<100000x300xf32, #tpu.memory_space<any>> -> memref<5120x300xf32, #tpu.memory_space<any>>
    tpu.enqueue_dma source(%dma_start3A_178 : memref<5120x300xf32, #tpu.memory_space<any>>) target(%dma_start3A_175 : memref<5120x300xf32, #tpu.memory_space<vmem>>) target_semaphore(%dma_start3A_171 : memref<!tpu.dma_semaphore, #tpu.memory_space<semaphore_mem>>)
    %dma_wait3A_179 = arith.constant 0 : i32
    %dma_wait3A_180 = arith.constant 0 : i32
    %dma_wait3A_181 = tpu.memref_slice %arg4[%dma_wait3A_180] : memref<4x!tpu.dma_semaphore, #tpu.memory_space<semaphore_mem>> -> memref<1x!tpu.dma_semaphore, #tpu.memory_space<semaphore_mem>>
    %dma_wait3A_182 = tpu.memref_squeeze %dma_wait3A_181 : memref<1x!tpu.dma_semaphore, #tpu.memory_space<semaphore_mem>> -> memref<!tpu.dma_semaphore, #tpu.memory_space<semaphore_mem>>
    %dma_wait3A_183 = arith.constant 0 : i32
    %dma_wait3A_184 = arith.constant 0 : i32
    %dma_wait3A_185 = tpu.memref_slice %arg3[%dma_wait3A_179, %dma_wait3A_183, %dma_wait3A_184] : memref<4x5120x300xf32, #tpu.memory_space<vmem>> -> memref<1x5120x300xf32, #tpu.memory_space<vmem>>
    %dma_wait3A_186 = tpu.memref_squeeze %dma_wait3A_185 : memref<1x5120x300xf32, #tpu.memory_space<vmem>> -> memref<5120x300xf32, #tpu.memory_space<vmem>>
    %dma_wait3A_187 = arith.constant 20480 : i32
    %dma_wait3A_188 = arith.constant 0 : i32
    %dma_wait3A_189 = tpu.memref_slice %arg1[%dma_wait3A_187, %dma_wait3A_188] : memref<100000x300xf32, #tpu.memory_space<any>> -> memref<5120x300xf32, #tpu.memory_space<any>>
    tpu.wait_dma2 semaphore(%dma_wait3A_182 : memref<!tpu.dma_semaphore, #tpu.memory_space<semaphore_mem>>) src(%dma_wait3A_189 : memref<5120x300xf32, #tpu.memory_space<any>>) dst(%dma_wait3A_186 : memref<5120x300xf32, #tpu.memory_space<vmem>>)
    %get3A_190 = arith.constant 0 : index
    %get3A_191 = arith.constant 0 : index
    %get3A_192 = vector.load %arg0[%get3A_190, %get3A_191] : memref<8x300xf32, #tpu.memory_space<vmem>>, vector<8x300xf32>
    %get3A_193 = arith.constant 0 : index
    %get3A_194 = arith.constant 0 : index
    %get3A_195 = arith.constant 0 : index
    %get3A_196 = vector.load %arg3[%get3A_193, %get3A_194, %get3A_195] : memref<4x5120x300xf32, #tpu.memory_space<vmem>>, vector<1x5120x300xf32>
    %get3A_197 = vector.shape_cast %get3A_196 : vector<1x5120x300xf32> to vector<5120x300xf32>
    %dot_general3A_198 = arith.constant dense<0.000000e+00> : vector<8x5120xf32>
    %dot_general3A_199 = tpu.matmul %get3A_192, %get3A_197, %dot_general3A_198 {dimension_numbers = #tpu.dot_dimension_numbers<[1], [1], [0], [0], [0, 0, 1, 0], [], []>, transpose_lhs_hint = false} : vector<8x300xf32>, vector<5120x300xf32>, vector<8x5120xf32> -> vector<8x5120xf32>
    %swap3A_200 = arith.constant 0 : index
    %swap3A_201 = arith.constant 20480 : index
    %swap3A_202 = vector.load %arg2[%swap3A_200, %swap3A_201] : memref<8x102400xf32, #tpu.memory_space<vmem>>, vector<8x5120xf32>
    tpu.vector_store %arg2[%swap3A_200, %swap3A_201], %dot_general3A_199 {strides = array<i32>} : memref<8x102400xf32, #tpu.memory_space<vmem>>, vector<8x5120xf32>,
    %dma_start3A_203 = arith.constant 0 : i32
    %dma_start3A_204 = arith.constant 0 : i32
    %dma_start3A_205 = tpu.memref_slice %arg4[%dma_start3A_204] : memref<4x!tpu.dma_semaphore, #tpu.memory_space<semaphore_mem>> -> memref<1x!tpu.dma_semaphore, #tpu.memory_space<semaphore_mem>>
    %dma_start3A_206 = tpu.memref_squeeze %dma_start3A_205 : memref<1x!tpu.dma_semaphore, #tpu.memory_space<semaphore_mem>> -> memref<!tpu.dma_semaphore, #tpu.memory_space<semaphore_mem>>
    %dma_start3A_207 = arith.constant 0 : i32
    %dma_start3A_208 = arith.constant 0 : i32
    %dma_start3A_209 = tpu.memref_slice %arg3[%dma_start3A_203, %dma_start3A_207, %dma_start3A_208] : memref<4x5120x300xf32, #tpu.memory_space<vmem>> -> memref<1x5120x300xf32, #tpu.memory_space<vmem>>
    %dma_start3A_210 = tpu.memref_squeeze %dma_start3A_209 : memref<1x5120x300xf32, #tpu.memory_space<vmem>> -> memref<5120x300xf32, #tpu.memory_space<vmem>>
    %dma_start3A_211 = arith.constant 40960 : i32
    %dma_start3A_212 = arith.constant 0 : i32
    %dma_start3A_213 = tpu.memref_slice %arg1[%dma_start3A_211, %dma_start3A_212] : memref<100000x300xf32, #tpu.memory_space<any>> -> memref<5120x300xf32, #tpu.memory_space<any>>
    tpu.enqueue_dma source(%dma_start3A_213 : memref<5120x300xf32, #tpu.memory_space<any>>) target(%dma_start3A_210 : memref<5120x300xf32, #tpu.memory_space<vmem>>) target_semaphore(%dma_start3A_206 : memref<!tpu.dma_semaphore, #tpu.memory_space<semaphore_mem>>)
    %dma_wait3A_214 = arith.constant 1 : i32
    %dma_wait3A_215 = arith.constant 1 : i32
    %dma_wait3A_216 = tpu.memref_slice %arg4[%dma_wait3A_215] : memref<4x!tpu.dma_semaphore, #tpu.memory_space<semaphore_mem>> -> memref<1x!tpu.dma_semaphore, #tpu.memory_space<semaphore_mem>>
    %dma_wait3A_217 = tpu.memref_squeeze %dma_wait3A_216 : memref<1x!tpu.dma_semaphore, #tpu.memory_space<semaphore_mem>> -> memref<!tpu.dma_semaphore, #tpu.memory_space<semaphore_mem>>
    %dma_wait3A_218 = arith.constant 0 : i32
    %dma_wait3A_219 = arith.constant 0 : i32
    %dma_wait3A_220 = tpu.memref_slice %arg3[%dma_wait3A_214, %dma_wait3A_218, %dma_wait3A_219] : memref<4x5120x300xf32, #tpu.memory_space<vmem>> -> memref<1x5120x300xf32, #tpu.memory_space<vmem>>
    %dma_wait3A_221 = tpu.memref_squeeze %dma_wait3A_220 : memref<1x5120x300xf32, #tpu.memory_space<vmem>> -> memref<5120x300xf32, #tpu.memory_space<vmem>>
    %dma_wait3A_222 = arith.constant 25600 : i32
    %dma_wait3A_223 = arith.constant 0 : i32
    %dma_wait3A_224 = tpu.memref_slice %arg1[%dma_wait3A_222, %dma_wait3A_223] : memref<100000x300xf32, #tpu.memory_space<any>> -> memref<5120x300xf32, #tpu.memory_space<any>>
    tpu.wait_dma2 semaphore(%dma_wait3A_217 : memref<!tpu.dma_semaphore, #tpu.memory_space<semaphore_mem>>) src(%dma_wait3A_224 : memref<5120x300xf32, #tpu.memory_space<any>>) dst(%dma_wait3A_221 : memref<5120x300xf32, #tpu.memory_space<vmem>>)
    %get3A_225 = arith.constant 0 : index
    %get3A_226 = arith.constant 0 : index
    %get3A_227 = vector.load %arg0[%get3A_225, %get3A_226] : memref<8x300xf32, #tpu.memory_space<vmem>>, vector<8x300xf32>
    %get3A_228 = arith.constant 1 : index
    %get3A_229 = arith.constant 0 : index
    %get3A_230 = arith.constant 0 : index
    %get3A_231 = vector.load %arg3[%get3A_228, %get3A_229, %get3A_230] : memref<4x5120x300xf32, #tpu.memory_space<vmem>>, vector<1x5120x300xf32>
    %get3A_232 = vector.shape_cast %get3A_231 : vector<1x5120x300xf32> to vector<5120x300xf32>
    %dot_general3A_233 = arith.constant dense<0.000000e+00> : vector<8x5120xf32>
    %dot_general3A_234 = tpu.matmul %get3A_227, %get3A_232, %dot_general3A_233 {dimension_numbers = #tpu.dot_dimension_numbers<[1], [1], [0], [0], [0, 0, 1, 0], [], []>, transpose_lhs_hint = false} : vector<8x300xf32>, vector<5120x300xf32>, vector<8x5120xf32> -> vector<8x5120xf32>
    %swap3A_235 = arith.constant 0 : index
    %swap3A_236 = arith.constant 25600 : index
    %swap3A_237 = vector.load %arg2[%swap3A_235, %swap3A_236] : memref<8x102400xf32, #tpu.memory_space<vmem>>, vector<8x5120xf32>
    tpu.vector_store %arg2[%swap3A_235, %swap3A_236], %dot_general3A_234 {strides = array<i32>} : memref<8x102400xf32, #tpu.memory_space<vmem>>, vector<8x5120xf32>,
    %dma_start3A_238 = arith.constant 1 : i32
    %dma_start3A_239 = arith.constant 1 : i32
    %dma_start3A_240 = tpu.memref_slice %arg4[%dma_start3A_239] : memref<4x!tpu.dma_semaphore, #tpu.memory_space<semaphore_mem>> -> memref<1x!tpu.dma_semaphore, #tpu.memory_space<semaphore_mem>>
    %dma_start3A_241 = tpu.memref_squeeze %dma_start3A_240 : memref<1x!tpu.dma_semaphore, #tpu.memory_space<semaphore_mem>> -> memref<!tpu.dma_semaphore, #tpu.memory_space<semaphore_mem>>
    %dma_start3A_242 = arith.constant 0 : i32
    %dma_start3A_243 = arith.constant 0 : i32
    %dma_start3A_244 = tpu.memref_slice %arg3[%dma_start3A_238, %dma_start3A_242, %dma_start3A_243] : memref<4x5120x300xf32, #tpu.memory_space<vmem>> -> memref<1x5120x300xf32, #tpu.memory_space<vmem>>
    %dma_start3A_245 = tpu.memref_squeeze %dma_start3A_244 : memref<1x5120x300xf32, #tpu.memory_space<vmem>> -> memref<5120x300xf32, #tpu.memory_space<vmem>>
    %dma_start3A_246 = arith.constant 46080 : i32
    %dma_start3A_247 = arith.constant 0 : i32
    %dma_start3A_248 = tpu.memref_slice %arg1[%dma_start3A_246, %dma_start3A_247] : memref<100000x300xf32, #tpu.memory_space<any>> -> memref<5120x300xf32, #tpu.memory_space<any>>
    tpu.enqueue_dma source(%dma_start3A_248 : memref<5120x300xf32, #tpu.memory_space<any>>) target(%dma_start3A_245 : memref<5120x300xf32, #tpu.memory_space<vmem>>) target_semaphore(%dma_start3A_241 : memref<!tpu.dma_semaphore, #tpu.memory_space<semaphore_mem>>)
    %dma_wait3A_249 = arith.constant 2 : i32
    %dma_wait3A_250 = arith.constant 2 : i32
    %dma_wait3A_251 = tpu.memref_slice %arg4[%dma_wait3A_250] : memref<4x!tpu.dma_semaphore, #tpu.memory_space<semaphore_mem>> -> memref<1x!tpu.dma_semaphore, #tpu.memory_space<semaphore_mem>>
    %dma_wait3A_252 = tpu.memref_squeeze %dma_wait3A_251 : memref<1x!tpu.dma_semaphore, #tpu.memory_space<semaphore_mem>> -> memref<!tpu.dma_semaphore, #tpu.memory_space<semaphore_mem>>
    %dma_wait3A_253 = arith.constant 0 : i32
    %dma_wait3A_254 = arith.constant 0 : i32
    %dma_wait3A_255 = tpu.memref_slice %arg3[%dma_wait3A_249, %dma_wait3A_253, %dma_wait3A_254] : memref<4x5120x300xf32, #tpu.memory_space<vmem>> -> memref<1x5120x300xf32, #tpu.memory_space<vmem>>
    %dma_wait3A_256 = tpu.memref_squeeze %dma_wait3A_255 : memref<1x5120x300xf32, #tpu.memory_space<vmem>> -> memref<5120x300xf32, #tpu.memory_space<vmem>>
    %dma_wait3A_257 = arith.constant 30720 : i32
    %dma_wait3A_258 = arith.constant 0 : i32
    %dma_wait3A_259 = tpu.memref_slice %arg1[%dma_wait3A_257, %dma_wait3A_258] : memref<100000x300xf32, #tpu.memory_space<any>> -> memref<5120x300xf32, #tpu.memory_space<any>>
    tpu.wait_dma2 semaphore(%dma_wait3A_252 : memref<!tpu.dma_semaphore, #tpu.memory_space<semaphore_mem>>) src(%dma_wait3A_259 : memref<5120x300xf32, #tpu.memory_space<any>>) dst(%dma_wait3A_256 : memref<5120x300xf32, #tpu.memory_space<vmem>>)
    %get3A_260 = arith.constant 0 : index
    %get3A_261 = arith.constant 0 : index
    %get3A_262 = vector.load %arg0[%get3A_260, %get3A_261] : memref<8x300xf32, #tpu.memory_space<vmem>>, vector<8x300xf32>
    %get3A_263 = arith.constant 2 : index
    %get3A_264 = arith.constant 0 : index
    %get3A_265 = arith.constant 0 : index
    %get3A_266 = vector.load %arg3[%get3A_263, %get3A_264, %get3A_265] : memref<4x5120x300xf32, #tpu.memory_space<vmem>>, vector<1x5120x300xf32>
    %get3A_267 = vector.shape_cast %get3A_266 : vector<1x5120x300xf32> to vector<5120x300xf32>
    %dot_general3A_268 = arith.constant dense<0.000000e+00> : vector<8x5120xf32>
    %dot_general3A_269 = tpu.matmul %get3A_262, %get3A_267, %dot_general3A_268 {dimension_numbers = #tpu.dot_dimension_numbers<[1], [1], [0], [0], [0, 0, 1, 0], [], []>, transpose_lhs_hint = false} : vector<8x300xf32>, vector<5120x300xf32>, vector<8x5120xf32> -> vector<8x5120xf32>
    %swap3A_270 = arith.constant 0 : index
    %swap3A_271 = arith.constant 30720 : index
    %swap3A_272 = vector.load %arg2[%swap3A_270, %swap3A_271] : memref<8x102400xf32, #tpu.memory_space<vmem>>, vector<8x5120xf32>
    tpu.vector_store %arg2[%swap3A_270, %swap3A_271], %dot_general3A_269 {strides = array<i32>} : memref<8x102400xf32, #tpu.memory_space<vmem>>, vector<8x5120xf32>,
    %dma_start3A_273 = arith.constant 2 : i32
    %dma_start3A_274 = arith.constant 2 : i32
    %dma_start3A_275 = tpu.memref_slice %arg4[%dma_start3A_274] : memref<4x!tpu.dma_semaphore, #tpu.memory_space<semaphore_mem>> -> memref<1x!tpu.dma_semaphore, #tpu.memory_space<semaphore_mem>>
    %dma_start3A_276 = tpu.memref_squeeze %dma_start3A_275 : memref<1x!tpu.dma_semaphore, #tpu.memory_space<semaphore_mem>> -> memref<!tpu.dma_semaphore, #tpu.memory_space<semaphore_mem>>
    %dma_start3A_277 = arith.constant 0 : i32
    %dma_start3A_278 = arith.constant 0 : i32
    %dma_start3A_279 = tpu.memref_slice %arg3[%dma_start3A_273, %dma_start3A_277, %dma_start3A_278] : memref<4x5120x300xf32, #tpu.memory_space<vmem>> -> memref<1x5120x300xf32, #tpu.memory_space<vmem>>
    %dma_start3A_280 = tpu.memref_squeeze %dma_start3A_279 : memref<1x5120x300xf32, #tpu.memory_space<vmem>> -> memref<5120x300xf32, #tpu.memory_space<vmem>>
    %dma_start3A_281 = arith.constant 51200 : i32
    %dma_start3A_282 = arith.constant 0 : i32
    %dma_start3A_283 = tpu.memref_slice %arg1[%dma_start3A_281, %dma_start3A_282] : memref<100000x300xf32, #tpu.memory_space<any>> -> memref<5120x300xf32, #tpu.memory_space<any>>
    tpu.enqueue_dma source(%dma_start3A_283 : memref<5120x300xf32, #tpu.memory_space<any>>) target(%dma_start3A_280 : memref<5120x300xf32, #tpu.memory_space<vmem>>) target_semaphore(%dma_start3A_276 : memref<!tpu.dma_semaphore, #tpu.memory_space<semaphore_mem>>)
    %dma_wait3A_284 = arith.constant 3 : i32
    %dma_wait3A_285 = arith.constant 3 : i32
    %dma_wait3A_286 = tpu.memref_slice %arg4[%dma_wait3A_285] : memref<4x!tpu.dma_semaphore, #tpu.memory_space<semaphore_mem>> -> memref<1x!tpu.dma_semaphore, #tpu.memory_space<semaphore_mem>>
    %dma_wait3A_287 = tpu.memref_squeeze %dma_wait3A_286 : memref<1x!tpu.dma_semaphore, #tpu.memory_space<semaphore_mem>> -> memref<!tpu.dma_semaphore, #tpu.memory_space<semaphore_mem>>
    %dma_wait3A_288 = arith.constant 0 : i32
    %dma_wait3A_289 = arith.constant 0 : i32
    %dma_wait3A_290 = tpu.memref_slice %arg3[%dma_wait3A_284, %dma_wait3A_288, %dma_wait3A_289] : memref<4x5120x300xf32, #tpu.memory_space<vmem>> -> memref<1x5120x300xf32, #tpu.memory_space<vmem>>
    %dma_wait3A_291 = tpu.memref_squeeze %dma_wait3A_290 : memref<1x5120x300xf32, #tpu.memory_space<vmem>> -> memref<5120x300xf32, #tpu.memory_space<vmem>>
    %dma_wait3A_292 = arith.constant 35840 : i32
    %dma_wait3A_293 = arith.constant 0 : i32
    %dma_wait3A_294 = tpu.memref_slice %arg1[%dma_wait3A_292, %dma_wait3A_293] : memref<100000x300xf32, #tpu.memory_space<any>> -> memref<5120x300xf32, #tpu.memory_space<any>>
    tpu.wait_dma2 semaphore(%dma_wait3A_287 : memref<!tpu.dma_semaphore, #tpu.memory_space<semaphore_mem>>) src(%dma_wait3A_294 : memref<5120x300xf32, #tpu.memory_space<any>>) dst(%dma_wait3A_291 : memref<5120x300xf32, #tpu.memory_space<vmem>>)
    %get3A_295 = arith.constant 0 : index
    %get3A_296 = arith.constant 0 : index
    %get3A_297 = vector.load %arg0[%get3A_295, %get3A_296] : memref<8x300xf32, #tpu.memory_space<vmem>>, vector<8x300xf32>
    %get3A_298 = arith.constant 3 : index
    %get3A_299 = arith.constant 0 : index
    %get3A_300 = arith.constant 0 : index
    %get3A_301 = vector.load %arg3[%get3A_298, %get3A_299, %get3A_300] : memref<4x5120x300xf32, #tpu.memory_space<vmem>>, vector<1x5120x300xf32>
    %get3A_302 = vector.shape_cast %get3A_301 : vector<1x5120x300xf32> to vector<5120x300xf32>
    %dot_general3A_303 = arith.constant dense<0.000000e+00> : vector<8x5120xf32>
    %dot_general3A_304 = tpu.matmul %get3A_297, %get3A_302, %dot_general3A_303 {dimension_numbers = #tpu.dot_dimension_numbers<[1], [1], [0], [0], [0, 0, 1, 0], [], []>, transpose_lhs_hint = false} : vector<8x300xf32>, vector<5120x300xf32>, vector<8x5120xf32> -> vector<8x5120xf32>
    %swap3A_305 = arith.constant 0 : index
    %swap3A_306 = arith.constant 35840 : index
    %swap3A_307 = vector.load %arg2[%swap3A_305, %swap3A_306] : memref<8x102400xf32, #tpu.memory_space<vmem>>, vector<8x5120xf32>
    tpu.vector_store %arg2[%swap3A_305, %swap3A_306], %dot_general3A_304 {strides = array<i32>} : memref<8x102400xf32, #tpu.memory_space<vmem>>, vector<8x5120xf32>,
    %dma_start3A_308 = arith.constant 3 : i32
    %dma_start3A_309 = arith.constant 3 : i32
    %dma_start3A_310 = tpu.memref_slice %arg4[%dma_start3A_309] : memref<4x!tpu.dma_semaphore, #tpu.memory_space<semaphore_mem>> -> memref<1x!tpu.dma_semaphore, #tpu.memory_space<semaphore_mem>>
    %dma_start3A_311 = tpu.memref_squeeze %dma_start3A_310 : memref<1x!tpu.dma_semaphore, #tpu.memory_space<semaphore_mem>> -> memref<!tpu.dma_semaphore, #tpu.memory_space<semaphore_mem>>
    %dma_start3A_312 = arith.constant 0 : i32
    %dma_start3A_313 = arith.constant 0 : i32
    %dma_start3A_314 = tpu.memref_slice %arg3[%dma_start3A_308, %dma_start3A_312, %dma_start3A_313] : memref<4x5120x300xf32, #tpu.memory_space<vmem>> -> memref<1x5120x300xf32, #tpu.memory_space<vmem>>
    %dma_start3A_315 = tpu.memref_squeeze %dma_start3A_314 : memref<1x5120x300xf32, #tpu.memory_space<vmem>> -> memref<5120x300xf32, #tpu.memory_space<vmem>>
    %dma_start3A_316 = arith.constant 56320 : i32
    %dma_start3A_317 = arith.constant 0 : i32
    %dma_start3A_318 = tpu.memref_slice %arg1[%dma_start3A_316, %dma_start3A_317] : memref<100000x300xf32, #tpu.memory_space<any>> -> memref<5120x300xf32, #tpu.memory_space<any>>
    tpu.enqueue_dma source(%dma_start3A_318 : memref<5120x300xf32, #tpu.memory_space<any>>) target(%dma_start3A_315 : memref<5120x300xf32, #tpu.memory_space<vmem>>) target_semaphore(%dma_start3A_311 : memref<!tpu.dma_semaphore, #tpu.memory_space<semaphore_mem>>)
    %dma_wait3A_319 = arith.constant 0 : i32
    %dma_wait3A_320 = arith.constant 0 : i32
    %dma_wait3A_321 = tpu.memref_slice %arg4[%dma_wait3A_320] : memref<4x!tpu.dma_semaphore, #tpu.memory_space<semaphore_mem>> -> memref<1x!tpu.dma_semaphore, #tpu.memory_space<semaphore_mem>>
    %dma_wait3A_322 = tpu.memref_squeeze %dma_wait3A_321 : memref<1x!tpu.dma_semaphore, #tpu.memory_space<semaphore_mem>> -> memref<!tpu.dma_semaphore, #tpu.memory_space<semaphore_mem>>
    %dma_wait3A_323 = arith.constant 0 : i32
    %dma_wait3A_324 = arith.constant 0 : i32
    %dma_wait3A_325 = tpu.memref_slice %arg3[%dma_wait3A_319, %dma_wait3A_323, %dma_wait3A_324] : memref<4x5120x300xf32, #tpu.memory_space<vmem>> -> memref<1x5120x300xf32, #tpu.memory_space<vmem>>
    %dma_wait3A_326 = tpu.memref_squeeze %dma_wait3A_325 : memref<1x5120x300xf32, #tpu.memory_space<vmem>> -> memref<5120x300xf32, #tpu.memory_space<vmem>>
    %dma_wait3A_327 = arith.constant 40960 : i32
    %dma_wait3A_328 = arith.constant 0 : i32
    %dma_wait3A_329 = tpu.memref_slice %arg1[%dma_wait3A_327, %dma_wait3A_328] : memref<100000x300xf32, #tpu.memory_space<any>> -> memref<5120x300xf32, #tpu.memory_space<any>>
    tpu.wait_dma2 semaphore(%dma_wait3A_322 : memref<!tpu.dma_semaphore, #tpu.memory_space<semaphore_mem>>) src(%dma_wait3A_329 : memref<5120x300xf32, #tpu.memory_space<any>>) dst(%dma_wait3A_326 : memref<5120x300xf32, #tpu.memory_space<vmem>>)
    %get3A_330 = arith.constant 0 : index
    %get3A_331 = arith.constant 0 : index
    %get3A_332 = vector.load %arg0[%get3A_330, %get3A_331] : memref<8x300xf32, #tpu.memory_space<vmem>>, vector<8x300xf32>
    %get3A_333 = arith.constant 0 : index
    %get3A_334 = arith.constant 0 : index
    %get3A_335 = arith.constant 0 : index
    %get3A_336 = vector.load %arg3[%get3A_333, %get3A_334, %get3A_335] : memref<4x5120x300xf32, #tpu.memory_space<vmem>>, vector<1x5120x300xf32>
    %get3A_337 = vector.shape_cast %get3A_336 : vector<1x5120x300xf32> to vector<5120x300xf32>
    %dot_general3A_338 = arith.constant dense<0.000000e+00> : vector<8x5120xf32>
    %dot_general3A_339 = tpu.matmul %get3A_332, %get3A_337, %dot_general3A_338 {dimension_numbers = #tpu.dot_dimension_numbers<[1], [1], [0], [0], [0, 0, 1, 0], [], []>, transpose_lhs_hint = false} : vector<8x300xf32>, vector<5120x300xf32>, vector<8x5120xf32> -> vector<8x5120xf32>
    %swap3A_340 = arith.constant 0 : index
    %swap3A_341 = arith.constant 40960 : index
    %swap3A_342 = vector.load %arg2[%swap3A_340, %swap3A_341] : memref<8x102400xf32, #tpu.memory_space<vmem>>, vector<8x5120xf32>
    tpu.vector_store %arg2[%swap3A_340, %swap3A_341], %dot_general3A_339 {strides = array<i32>} : memref<8x102400xf32, #tpu.memory_space<vmem>>, vector<8x5120xf32>,
    %dma_start3A_343 = arith.constant 0 : i32
    %dma_start3A_344 = arith.constant 0 : i32
    %dma_start3A_345 = tpu.memref_slice %arg4[%dma_start3A_344] : memref<4x!tpu.dma_semaphore, #tpu.memory_space<semaphore_mem>> -> memref<1x!tpu.dma_semaphore, #tpu.memory_space<semaphore_mem>>
    %dma_start3A_346 = tpu.memref_squeeze %dma_start3A_345 : memref<1x!tpu.dma_semaphore, #tpu.memory_space<semaphore_mem>> -> memref<!tpu.dma_semaphore, #tpu.memory_space<semaphore_mem>>
    %dma_start3A_347 = arith.constant 0 : i32
    %dma_start3A_348 = arith.constant 0 : i32
    %dma_start3A_349 = tpu.memref_slice %arg3[%dma_start3A_343, %dma_start3A_347, %dma_start3A_348] : memref<4x5120x300xf32, #tpu.memory_space<vmem>> -> memref<1x5120x300xf32, #tpu.memory_space<vmem>>
    %dma_start3A_350 = tpu.memref_squeeze %dma_start3A_349 : memref<1x5120x300xf32, #tpu.memory_space<vmem>> -> memref<5120x300xf32, #tpu.memory_space<vmem>>
    %dma_start3A_351 = arith.constant 61440 : i32
    %dma_start3A_352 = arith.constant 0 : i32
    %dma_start3A_353 = tpu.memref_slice %arg1[%dma_start3A_351, %dma_start3A_352] : memref<100000x300xf32, #tpu.memory_space<any>> -> memref<5120x300xf32, #tpu.memory_space<any>>
    tpu.enqueue_dma source(%dma_start3A_353 : memref<5120x300xf32, #tpu.memory_space<any>>) target(%dma_start3A_350 : memref<5120x300xf32, #tpu.memory_space<vmem>>) target_semaphore(%dma_start3A_346 : memref<!tpu.dma_semaphore, #tpu.memory_space<semaphore_mem>>)
    %dma_wait3A_354 = arith.constant 1 : i32
    %dma_wait3A_355 = arith.constant 1 : i32
    %dma_wait3A_356 = tpu.memref_slice %arg4[%dma_wait3A_355] : memref<4x!tpu.dma_semaphore, #tpu.memory_space<semaphore_mem>> -> memref<1x!tpu.dma_semaphore, #tpu.memory_space<semaphore_mem>>
    %dma_wait3A_357 = tpu.memref_squeeze %dma_wait3A_356 : memref<1x!tpu.dma_semaphore, #tpu.memory_space<semaphore_mem>> -> memref<!tpu.dma_semaphore, #tpu.memory_space<semaphore_mem>>
    %dma_wait3A_358 = arith.constant 0 : i32
    %dma_wait3A_359 = arith.constant 0 : i32
    %dma_wait3A_360 = tpu.memref_slice %arg3[%dma_wait3A_354, %dma_wait3A_358, %dma_wait3A_359] : memref<4x5120x300xf32, #tpu.memory_space<vmem>> -> memref<1x5120x300xf32, #tpu.memory_space<vmem>>
    %dma_wait3A_361 = tpu.memref_squeeze %dma_wait3A_360 : memref<1x5120x300xf32, #tpu.memory_space<vmem>> -> memref<5120x300xf32, #tpu.memory_space<vmem>>
    %dma_wait3A_362 = arith.constant 46080 : i32
    %dma_wait3A_363 = arith.constant 0 : i32
    %dma_wait3A_364 = tpu.memref_slice %arg1[%dma_wait3A_362, %dma_wait3A_363] : memref<100000x300xf32, #tpu.memory_space<any>> -> memref<5120x300xf32, #tpu.memory_space<any>>
    tpu.wait_dma2 semaphore(%dma_wait3A_357 : memref<!tpu.dma_semaphore, #tpu.memory_space<semaphore_mem>>) src(%dma_wait3A_364 : memref<5120x300xf32, #tpu.memory_space<any>>) dst(%dma_wait3A_361 : memref<5120x300xf32, #tpu.memory_space<vmem>>)
    %get3A_365 = arith.constant 0 : index
    %get3A_366 = arith.constant 0 : index
    %get3A_367 = vector.load %arg0[%get3A_365, %get3A_366] : memref<8x300xf32, #tpu.memory_space<vmem>>, vector<8x300xf32>
    %get3A_368 = arith.constant 1 : index
    %get3A_369 = arith.constant 0 : index
    %get3A_370 = arith.constant 0 : index
    %get3A_371 = vector.load %arg3[%get3A_368, %get3A_369, %get3A_370] : memref<4x5120x300xf32, #tpu.memory_space<vmem>>, vector<1x5120x300xf32>
    %get3A_372 = vector.shape_cast %get3A_371 : vector<1x5120x300xf32> to vector<5120x300xf32>
    %dot_general3A_373 = arith.constant dense<0.000000e+00> : vector<8x5120xf32>
    %dot_general3A_374 = tpu.matmul %get3A_367, %get3A_372, %dot_general3A_373 {dimension_numbers = #tpu.dot_dimension_numbers<[1], [1], [0], [0], [0, 0, 1, 0], [], []>, transpose_lhs_hint = false} : vector<8x300xf32>, vector<5120x300xf32>, vector<8x5120xf32> -> vector<8x5120xf32>
    %swap3A_375 = arith.constant 0 : index
    %swap3A_376 = arith.constant 46080 : index
    %swap3A_377 = vector.load %arg2[%swap3A_375, %swap3A_376] : memref<8x102400xf32, #tpu.memory_space<vmem>>, vector<8x5120xf32>
    tpu.vector_store %arg2[%swap3A_375, %swap3A_376], %dot_general3A_374 {strides = array<i32>} : memref<8x102400xf32, #tpu.memory_space<vmem>>, vector<8x5120xf32>,
    %dma_start3A_378 = arith.constant 1 : i32
    %dma_start3A_379 = arith.constant 1 : i32
    %dma_start3A_380 = tpu.memref_slice %arg4[%dma_start3A_379] : memref<4x!tpu.dma_semaphore, #tpu.memory_space<semaphore_mem>> -> memref<1x!tpu.dma_semaphore, #tpu.memory_space<semaphore_mem>>
    %dma_start3A_381 = tpu.memref_squeeze %dma_start3A_380 : memref<1x!tpu.dma_semaphore, #tpu.memory_space<semaphore_mem>> -> memref<!tpu.dma_semaphore, #tpu.memory_space<semaphore_mem>>
    %dma_start3A_382 = arith.constant 0 : i32
    %dma_start3A_383 = arith.constant 0 : i32
    %dma_start3A_384 = tpu.memref_slice %arg3[%dma_start3A_378, %dma_start3A_382, %dma_start3A_383] : memref<4x5120x300xf32, #tpu.memory_space<vmem>> -> memref<1x5120x300xf32, #tpu.memory_space<vmem>>
    %dma_start3A_385 = tpu.memref_squeeze %dma_start3A_384 : memref<1x5120x300xf32, #tpu.memory_space<vmem>> -> memref<5120x300xf32, #tpu.memory_space<vmem>>
    %dma_start3A_386 = arith.constant 66560 : i32
    %dma_start3A_387 = arith.constant 0 : i32
    %dma_start3A_388 = tpu.memref_slice %arg1[%dma_start3A_386, %dma_start3A_387] : memref<100000x300xf32, #tpu.memory_space<any>> -> memref<5120x300xf32, #tpu.memory_space<any>>
    tpu.enqueue_dma source(%dma_start3A_388 : memref<5120x300xf32, #tpu.memory_space<any>>) target(%dma_start3A_385 : memref<5120x300xf32, #tpu.memory_space<vmem>>) target_semaphore(%dma_start3A_381 : memref<!tpu.dma_semaphore, #tpu.memory_space<semaphore_mem>>)
    %dma_wait3A_389 = arith.constant 2 : i32
    %dma_wait3A_390 = arith.constant 2 : i32
    %dma_wait3A_391 = tpu.memref_slice %arg4[%dma_wait3A_390] : memref<4x!tpu.dma_semaphore, #tpu.memory_space<semaphore_mem>> -> memref<1x!tpu.dma_semaphore, #tpu.memory_space<semaphore_mem>>
    %dma_wait3A_392 = tpu.memref_squeeze %dma_wait3A_391 : memref<1x!tpu.dma_semaphore, #tpu.memory_space<semaphore_mem>> -> memref<!tpu.dma_semaphore, #tpu.memory_space<semaphore_mem>>
    %dma_wait3A_393 = arith.constant 0 : i32
    %dma_wait3A_394 = arith.constant 0 : i32
    %dma_wait3A_395 = tpu.memref_slice %arg3[%dma_wait3A_389, %dma_wait3A_393, %dma_wait3A_394] : memref<4x5120x300xf32, #tpu.memory_space<vmem>> -> memref<1x5120x300xf32, #tpu.memory_space<vmem>>
    %dma_wait3A_396 = tpu.memref_squeeze %dma_wait3A_395 : memref<1x5120x300xf32, #tpu.memory_space<vmem>> -> memref<5120x300xf32, #tpu.memory_space<vmem>>
    %dma_wait3A_397 = arith.constant 51200 : i32
    %dma_wait3A_398 = arith.constant 0 : i32
    %dma_wait3A_399 = tpu.memref_slice %arg1[%dma_wait3A_397, %dma_wait3A_398] : memref<100000x300xf32, #tpu.memory_space<any>> -> memref<5120x300xf32, #tpu.memory_space<any>>
    tpu.wait_dma2 semaphore(%dma_wait3A_392 : memref<!tpu.dma_semaphore, #tpu.memory_space<semaphore_mem>>) src(%dma_wait3A_399 : memref<5120x300xf32, #tpu.memory_space<any>>) dst(%dma_wait3A_396 : memref<5120x300xf32, #tpu.memory_space<vmem>>)
    %get3A_400 = arith.constant 0 : index
    %get3A_401 = arith.constant 0 : index
    %get3A_402 = vector.load %arg0[%get3A_400, %get3A_401] : memref<8x300xf32, #tpu.memory_space<vmem>>, vector<8x300xf32>
    %get3A_403 = arith.constant 2 : index
    %get3A_404 = arith.constant 0 : index
    %get3A_405 = arith.constant 0 : index
    %get3A_406 = vector.load %arg3[%get3A_403, %get3A_404, %get3A_405] : memref<4x5120x300xf32, #tpu.memory_space<vmem>>, vector<1x5120x300xf32>
    %get3A_407 = vector.shape_cast %get3A_406 : vector<1x5120x300xf32> to vector<5120x300xf32>
    %dot_general3A_408 = arith.constant dense<0.000000e+00> : vector<8x5120xf32>
    %dot_general3A_409 = tpu.matmul %get3A_402, %get3A_407, %dot_general3A_408 {dimension_numbers = #tpu.dot_dimension_numbers<[1], [1], [0], [0], [0, 0, 1, 0], [], []>, transpose_lhs_hint = false} : vector<8x300xf32>, vector<5120x300xf32>, vector<8x5120xf32> -> vector<8x5120xf32>
    %swap3A_410 = arith.constant 0 : index
    %swap3A_411 = arith.constant 51200 : index
    %swap3A_412 = vector.load %arg2[%swap3A_410, %swap3A_411] : memref<8x102400xf32, #tpu.memory_space<vmem>>, vector<8x5120xf32>
    tpu.vector_store %arg2[%swap3A_410, %swap3A_411], %dot_general3A_409 {strides = array<i32>} : memref<8x102400xf32, #tpu.memory_space<vmem>>, vector<8x5120xf32>,
    %dma_start3A_413 = arith.constant 2 : i32
    %dma_start3A_414 = arith.constant 2 : i32
    %dma_start3A_415 = tpu.memref_slice %arg4[%dma_start3A_414] : memref<4x!tpu.dma_semaphore, #tpu.memory_space<semaphore_mem>> -> memref<1x!tpu.dma_semaphore, #tpu.memory_space<semaphore_mem>>
    %dma_start3A_416 = tpu.memref_squeeze %dma_start3A_415 : memref<1x!tpu.dma_semaphore, #tpu.memory_space<semaphore_mem>> -> memref<!tpu.dma_semaphore, #tpu.memory_space<semaphore_mem>>
    %dma_start3A_417 = arith.constant 0 : i32
    %dma_start3A_418 = arith.constant 0 : i32
    %dma_start3A_419 = tpu.memref_slice %arg3[%dma_start3A_413, %dma_start3A_417, %dma_start3A_418] : memref<4x5120x300xf32, #tpu.memory_space<vmem>> -> memref<1x5120x300xf32, #tpu.memory_space<vmem>>
    %dma_start3A_420 = tpu.memref_squeeze %dma_start3A_419 : memref<1x5120x300xf32, #tpu.memory_space<vmem>> -> memref<5120x300xf32, #tpu.memory_space<vmem>>
    %dma_start3A_421 = arith.constant 71680 : i32
    %dma_start3A_422 = arith.constant 0 : i32
    %dma_start3A_423 = tpu.memref_slice %arg1[%dma_start3A_421, %dma_start3A_422] : memref<100000x300xf32, #tpu.memory_space<any>> -> memref<5120x300xf32, #tpu.memory_space<any>>
    tpu.enqueue_dma source(%dma_start3A_423 : memref<5120x300xf32, #tpu.memory_space<any>>) target(%dma_start3A_420 : memref<5120x300xf32, #tpu.memory_space<vmem>>) target_semaphore(%dma_start3A_416 : memref<!tpu.dma_semaphore, #tpu.memory_space<semaphore_mem>>)
    %dma_wait3A_424 = arith.constant 3 : i32
    %dma_wait3A_425 = arith.constant 3 : i32
    %dma_wait3A_426 = tpu.memref_slice %arg4[%dma_wait3A_425] : memref<4x!tpu.dma_semaphore, #tpu.memory_space<semaphore_mem>> -> memref<1x!tpu.dma_semaphore, #tpu.memory_space<semaphore_mem>>
    %dma_wait3A_427 = tpu.memref_squeeze %dma_wait3A_426 : memref<1x!tpu.dma_semaphore, #tpu.memory_space<semaphore_mem>> -> memref<!tpu.dma_semaphore, #tpu.memory_space<semaphore_mem>>
    %dma_wait3A_428 = arith.constant 0 : i32
    %dma_wait3A_429 = arith.constant 0 : i32
    %dma_wait3A_430 = tpu.memref_slice %arg3[%dma_wait3A_424, %dma_wait3A_428, %dma_wait3A_429] : memref<4x5120x300xf32, #tpu.memory_space<vmem>> -> memref<1x5120x300xf32, #tpu.memory_space<vmem>>
    %dma_wait3A_431 = tpu.memref_squeeze %dma_wait3A_430 : memref<1x5120x300xf32, #tpu.memory_space<vmem>> -> memref<5120x300xf32, #tpu.memory_space<vmem>>
    %dma_wait3A_432 = arith.constant 56320 : i32
    %dma_wait3A_433 = arith.constant 0 : i32
    %dma_wait3A_434 = tpu.memref_slice %arg1[%dma_wait3A_432, %dma_wait3A_433] : memref<100000x300xf32, #tpu.memory_space<any>> -> memref<5120x300xf32, #tpu.memory_space<any>>
    tpu.wait_dma2 semaphore(%dma_wait3A_427 : memref<!tpu.dma_semaphore, #tpu.memory_space<semaphore_mem>>) src(%dma_wait3A_434 : memref<5120x300xf32, #tpu.memory_space<any>>) dst(%dma_wait3A_431 : memref<5120x300xf32, #tpu.memory_space<vmem>>)
    %get3A_435 = arith.constant 0 : index
    %get3A_436 = arith.constant 0 : index
    %get3A_437 = vector.load %arg0[%get3A_435, %get3A_436] : memref<8x300xf32, #tpu.memory_space<vmem>>, vector<8x300xf32>
    %get3A_438 = arith.constant 3 : index
    %get3A_439 = arith.constant 0 : index
    %get3A_440 = arith.constant 0 : index
    %get3A_441 = vector.load %arg3[%get3A_438, %get3A_439, %get3A_440] : memref<4x5120x300xf32, #tpu.memory_space<vmem>>, vector<1x5120x300xf32>
    %get3A_442 = vector.shape_cast %get3A_441 : vector<1x5120x300xf32> to vector<5120x300xf32>
    %dot_general3A_443 = arith.constant dense<0.000000e+00> : vector<8x5120xf32>
    %dot_general3A_444 = tpu.matmul %get3A_437, %get3A_442, %dot_general3A_443 {dimension_numbers = #tpu.dot_dimension_numbers<[1], [1], [0], [0], [0, 0, 1, 0], [], []>, transpose_lhs_hint = false} : vector<8x300xf32>, vector<5120x300xf32>, vector<8x5120xf32> -> vector<8x5120xf32>
    %swap3A_445 = arith.constant 0 : index
    %swap3A_446 = arith.constant 56320 : index
    %swap3A_447 = vector.load %arg2[%swap3A_445, %swap3A_446] : memref<8x102400xf32, #tpu.memory_space<vmem>>, vector<8x5120xf32>
    tpu.vector_store %arg2[%swap3A_445, %swap3A_446], %dot_general3A_444 {strides = array<i32>} : memref<8x102400xf32, #tpu.memory_space<vmem>>, vector<8x5120xf32>,
    %dma_start3A_448 = arith.constant 3 : i32
    %dma_start3A_449 = arith.constant 3 : i32
    %dma_start3A_450 = tpu.memref_slice %arg4[%dma_start3A_449] : memref<4x!tpu.dma_semaphore, #tpu.memory_space<semaphore_mem>> -> memref<1x!tpu.dma_semaphore, #tpu.memory_space<semaphore_mem>>
    %dma_start3A_451 = tpu.memref_squeeze %dma_start3A_450 : memref<1x!tpu.dma_semaphore, #tpu.memory_space<semaphore_mem>> -> memref<!tpu.dma_semaphore, #tpu.memory_space<semaphore_mem>>
    %dma_start3A_452 = arith.constant 0 : i32
    %dma_start3A_453 = arith.constant 0 : i32
    %dma_start3A_454 = tpu.memref_slice %arg3[%dma_start3A_448, %dma_start3A_452, %dma_start3A_453] : memref<4x5120x300xf32, #tpu.memory_space<vmem>> -> memref<1x5120x300xf32, #tpu.memory_space<vmem>>
    %dma_start3A_455 = tpu.memref_squeeze %dma_start3A_454 : memref<1x5120x300xf32, #tpu.memory_space<vmem>> -> memref<5120x300xf32, #tpu.memory_space<vmem>>
    %dma_start3A_456 = arith.constant 76800 : i32
    %dma_start3A_457 = arith.constant 0 : i32
    %dma_start3A_458 = tpu.memref_slice %arg1[%dma_start3A_456, %dma_start3A_457] : memref<100000x300xf32, #tpu.memory_space<any>> -> memref<5120x300xf32, #tpu.memory_space<any>>
    tpu.enqueue_dma source(%dma_start3A_458 : memref<5120x300xf32, #tpu.memory_space<any>>) target(%dma_start3A_455 : memref<5120x300xf32, #tpu.memory_space<vmem>>) target_semaphore(%dma_start3A_451 : memref<!tpu.dma_semaphore, #tpu.memory_space<semaphore_mem>>)
    %dma_wait3A_459 = arith.constant 0 : i32
    %dma_wait3A_460 = arith.constant 0 : i32
    %dma_wait3A_461 = tpu.memref_slice %arg4[%dma_wait3A_460] : memref<4x!tpu.dma_semaphore, #tpu.memory_space<semaphore_mem>> -> memref<1x!tpu.dma_semaphore, #tpu.memory_space<semaphore_mem>>
    %dma_wait3A_462 = tpu.memref_squeeze %dma_wait3A_461 : memref<1x!tpu.dma_semaphore, #tpu.memory_space<semaphore_mem>> -> memref<!tpu.dma_semaphore, #tpu.memory_space<semaphore_mem>>
    %dma_wait3A_463 = arith.constant 0 : i32
    %dma_wait3A_464 = arith.constant 0 : i32
    %dma_wait3A_465 = tpu.memref_slice %arg3[%dma_wait3A_459, %dma_wait3A_463, %dma_wait3A_464] : memref<4x5120x300xf32, #tpu.memory_space<vmem>> -> memref<1x5120x300xf32, #tpu.memory_space<vmem>>
    %dma_wait3A_466 = tpu.memref_squeeze %dma_wait3A_465 : memref<1x5120x300xf32, #tpu.memory_space<vmem>> -> memref<5120x300xf32, #tpu.memory_space<vmem>>
    %dma_wait3A_467 = arith.constant 61440 : i32
    %dma_wait3A_468 = arith.constant 0 : i32
    %dma_wait3A_469 = tpu.memref_slice %arg1[%dma_wait3A_467, %dma_wait3A_468] : memref<100000x300xf32, #tpu.memory_space<any>> -> memref<5120x300xf32, #tpu.memory_space<any>>
    tpu.wait_dma2 semaphore(%dma_wait3A_462 : memref<!tpu.dma_semaphore, #tpu.memory_space<semaphore_mem>>) src(%dma_wait3A_469 : memref<5120x300xf32, #tpu.memory_space<any>>) dst(%dma_wait3A_466 : memref<5120x300xf32, #tpu.memory_space<vmem>>)
    %get3A_470 = arith.constant 0 : index
    %get3A_471 = arith.constant 0 : index
    %get3A_472 = vector.load %arg0[%get3A_470, %get3A_471] : memref<8x300xf32, #tpu.memory_space<vmem>>, vector<8x300xf32>
    %get3A_473 = arith.constant 0 : index
    %get3A_474 = arith.constant 0 : index
    %get3A_475 = arith.constant 0 : index
    %get3A_476 = vector.load %arg3[%get3A_473, %get3A_474, %get3A_475] : memref<4x5120x300xf32, #tpu.memory_space<vmem>>, vector<1x5120x300xf32>
    %get3A_477 = vector.shape_cast %get3A_476 : vector<1x5120x300xf32> to vector<5120x300xf32>
    %dot_general3A_478 = arith.constant dense<0.000000e+00> : vector<8x5120xf32>
    %dot_general3A_479 = tpu.matmul %get3A_472, %get3A_477, %dot_general3A_478 {dimension_numbers = #tpu.dot_dimension_numbers<[1], [1], [0], [0], [0, 0, 1, 0], [], []>, transpose_lhs_hint = false} : vector<8x300xf32>, vector<5120x300xf32>, vector<8x5120xf32> -> vector<8x5120xf32>
    %swap3A_480 = arith.constant 0 : index
    %swap3A_481 = arith.constant 61440 : index
    %swap3A_482 = vector.load %arg2[%swap3A_480, %swap3A_481] : memref<8x102400xf32, #tpu.memory_space<vmem>>, vector<8x5120xf32>
    tpu.vector_store %arg2[%swap3A_480, %swap3A_481], %dot_general3A_479 {strides = array<i32>} : memref<8x102400xf32, #tpu.memory_space<vmem>>, vector<8x5120xf32>,
    %dma_start3A_483 = arith.constant 0 : i32
    %dma_start3A_484 = arith.constant 0 : i32
    %dma_start3A_485 = tpu.memref_slice %arg4[%dma_start3A_484] : memref<4x!tpu.dma_semaphore, #tpu.memory_space<semaphore_mem>> -> memref<1x!tpu.dma_semaphore, #tpu.memory_space<semaphore_mem>>
    %dma_start3A_486 = tpu.memref_squeeze %dma_start3A_485 : memref<1x!tpu.dma_semaphore, #tpu.memory_space<semaphore_mem>> -> memref<!tpu.dma_semaphore, #tpu.memory_space<semaphore_mem>>
    %dma_start3A_487 = arith.constant 0 : i32
    %dma_start3A_488 = arith.constant 0 : i32
    %dma_start3A_489 = tpu.memref_slice %arg3[%dma_start3A_483, %dma_start3A_487, %dma_start3A_488] : memref<4x5120x300xf32, #tpu.memory_space<vmem>> -> memref<1x5120x300xf32, #tpu.memory_space<vmem>>
    %dma_start3A_490 = tpu.memref_squeeze %dma_start3A_489 : memref<1x5120x300xf32, #tpu.memory_space<vmem>> -> memref<5120x300xf32, #tpu.memory_space<vmem>>
    %dma_start3A_491 = arith.constant 81920 : i32
    %dma_start3A_492 = arith.constant 0 : i32
    %dma_start3A_493 = tpu.memref_slice %arg1[%dma_start3A_491, %dma_start3A_492] : memref<100000x300xf32, #tpu.memory_space<any>> -> memref<5120x300xf32, #tpu.memory_space<any>>
    tpu.enqueue_dma source(%dma_start3A_493 : memref<5120x300xf32, #tpu.memory_space<any>>) target(%dma_start3A_490 : memref<5120x300xf32, #tpu.memory_space<vmem>>) target_semaphore(%dma_start3A_486 : memref<!tpu.dma_semaphore, #tpu.memory_space<semaphore_mem>>)
    %dma_wait3A_494 = arith.constant 1 : i32
    %dma_wait3A_495 = arith.constant 1 : i32
    %dma_wait3A_496 = tpu.memref_slice %arg4[%dma_wait3A_495] : memref<4x!tpu.dma_semaphore, #tpu.memory_space<semaphore_mem>> -> memref<1x!tpu.dma_semaphore, #tpu.memory_space<semaphore_mem>>
    %dma_wait3A_497 = tpu.memref_squeeze %dma_wait3A_496 : memref<1x!tpu.dma_semaphore, #tpu.memory_space<semaphore_mem>> -> memref<!tpu.dma_semaphore, #tpu.memory_space<semaphore_mem>>
    %dma_wait3A_498 = arith.constant 0 : i32
    %dma_wait3A_499 = arith.constant 0 : i32
    %dma_wait3A_500 = tpu.memref_slice %arg3[%dma_wait3A_494, %dma_wait3A_498, %dma_wait3A_499] : memref<4x5120x300xf32, #tpu.memory_space<vmem>> -> memref<1x5120x300xf32, #tpu.memory_space<vmem>>
    %dma_wait3A_501 = tpu.memref_squeeze %dma_wait3A_500 : memref<1x5120x300xf32, #tpu.memory_space<vmem>> -> memref<5120x300xf32, #tpu.memory_space<vmem>>
    %dma_wait3A_502 = arith.constant 66560 : i32
    %dma_wait3A_503 = arith.constant 0 : i32
    %dma_wait3A_504 = tpu.memref_slice %arg1[%dma_wait3A_502, %dma_wait3A_503] : memref<100000x300xf32, #tpu.memory_space<any>> -> memref<5120x300xf32, #tpu.memory_space<any>>
    tpu.wait_dma2 semaphore(%dma_wait3A_497 : memref<!tpu.dma_semaphore, #tpu.memory_space<semaphore_mem>>) src(%dma_wait3A_504 : memref<5120x300xf32, #tpu.memory_space<any>>) dst(%dma_wait3A_501 : memref<5120x300xf32, #tpu.memory_space<vmem>>)
    %get3A_505 = arith.constant 0 : index
    %get3A_506 = arith.constant 0 : index
    %get3A_507 = vector.load %arg0[%get3A_505, %get3A_506] : memref<8x300xf32, #tpu.memory_space<vmem>>, vector<8x300xf32>
    %get3A_508 = arith.constant 1 : index
    %get3A_509 = arith.constant 0 : index
    %get3A_510 = arith.constant 0 : index
    %get3A_511 = vector.load %arg3[%get3A_508, %get3A_509, %get3A_510] : memref<4x5120x300xf32, #tpu.memory_space<vmem>>, vector<1x5120x300xf32>
    %get3A_512 = vector.shape_cast %get3A_511 : vector<1x5120x300xf32> to vector<5120x300xf32>
    %dot_general3A_513 = arith.constant dense<0.000000e+00> : vector<8x5120xf32>
    %dot_general3A_514 = tpu.matmul %get3A_507, %get3A_512, %dot_general3A_513 {dimension_numbers = #tpu.dot_dimension_numbers<[1], [1], [0], [0], [0, 0, 1, 0], [], []>, transpose_lhs_hint = false} : vector<8x300xf32>, vector<5120x300xf32>, vector<8x5120xf32> -> vector<8x5120xf32>
    %swap3A_515 = arith.constant 0 : index
    %swap3A_516 = arith.constant 66560 : index
    %swap3A_517 = vector.load %arg2[%swap3A_515, %swap3A_516] : memref<8x102400xf32, #tpu.memory_space<vmem>>, vector<8x5120xf32>
    tpu.vector_store %arg2[%swap3A_515, %swap3A_516], %dot_general3A_514 {strides = array<i32>} : memref<8x102400xf32, #tpu.memory_space<vmem>>, vector<8x5120xf32>,
    %dma_start3A_518 = arith.constant 1 : i32
    %dma_start3A_519 = arith.constant 1 : i32
    %dma_start3A_520 = tpu.memref_slice %arg4[%dma_start3A_519] : memref<4x!tpu.dma_semaphore, #tpu.memory_space<semaphore_mem>> -> memref<1x!tpu.dma_semaphore, #tpu.memory_space<semaphore_mem>>
    %dma_start3A_521 = tpu.memref_squeeze %dma_start3A_520 : memref<1x!tpu.dma_semaphore, #tpu.memory_space<semaphore_mem>> -> memref<!tpu.dma_semaphore, #tpu.memory_space<semaphore_mem>>
    %dma_start3A_522 = arith.constant 0 : i32
    %dma_start3A_523 = arith.constant 0 : i32
    %dma_start3A_524 = tpu.memref_slice %arg3[%dma_start3A_518, %dma_start3A_522, %dma_start3A_523] : memref<4x5120x300xf32, #tpu.memory_space<vmem>> -> memref<1x5120x300xf32, #tpu.memory_space<vmem>>
    %dma_start3A_525 = tpu.memref_squeeze %dma_start3A_524 : memref<1x5120x300xf32, #tpu.memory_space<vmem>> -> memref<5120x300xf32, #tpu.memory_space<vmem>>
    %dma_start3A_526 = arith.constant 87040 : i32
    %dma_start3A_527 = arith.constant 0 : i32
    %dma_start3A_528 = tpu.memref_slice %arg1[%dma_start3A_526, %dma_start3A_527] : memref<100000x300xf32, #tpu.memory_space<any>> -> memref<5120x300xf32, #tpu.memory_space<any>>
    tpu.enqueue_dma source(%dma_start3A_528 : memref<5120x300xf32, #tpu.memory_space<any>>) target(%dma_start3A_525 : memref<5120x300xf32, #tpu.memory_space<vmem>>) target_semaphore(%dma_start3A_521 : memref<!tpu.dma_semaphore, #tpu.memory_space<semaphore_mem>>)
    %dma_wait3A_529 = arith.constant 2 : i32
    %dma_wait3A_530 = arith.constant 2 : i32
    %dma_wait3A_531 = tpu.memref_slice %arg4[%dma_wait3A_530] : memref<4x!tpu.dma_semaphore, #tpu.memory_space<semaphore_mem>> -> memref<1x!tpu.dma_semaphore, #tpu.memory_space<semaphore_mem>>
    %dma_wait3A_532 = tpu.memref_squeeze %dma_wait3A_531 : memref<1x!tpu.dma_semaphore, #tpu.memory_space<semaphore_mem>> -> memref<!tpu.dma_semaphore, #tpu.memory_space<semaphore_mem>>
    %dma_wait3A_533 = arith.constant 0 : i32
    %dma_wait3A_534 = arith.constant 0 : i32
    %dma_wait3A_535 = tpu.memref_slice %arg3[%dma_wait3A_529, %dma_wait3A_533, %dma_wait3A_534] : memref<4x5120x300xf32, #tpu.memory_space<vmem>> -> memref<1x5120x300xf32, #tpu.memory_space<vmem>>
    %dma_wait3A_536 = tpu.memref_squeeze %dma_wait3A_535 : memref<1x5120x300xf32, #tpu.memory_space<vmem>> -> memref<5120x300xf32, #tpu.memory_space<vmem>>
    %dma_wait3A_537 = arith.constant 71680 : i32
    %dma_wait3A_538 = arith.constant 0 : i32
    %dma_wait3A_539 = tpu.memref_slice %arg1[%dma_wait3A_537, %dma_wait3A_538] : memref<100000x300xf32, #tpu.memory_space<any>> -> memref<5120x300xf32, #tpu.memory_space<any>>
    tpu.wait_dma2 semaphore(%dma_wait3A_532 : memref<!tpu.dma_semaphore, #tpu.memory_space<semaphore_mem>>) src(%dma_wait3A_539 : memref<5120x300xf32, #tpu.memory_space<any>>) dst(%dma_wait3A_536 : memref<5120x300xf32, #tpu.memory_space<vmem>>)
    %get3A_540 = arith.constant 0 : index
    %get3A_541 = arith.constant 0 : index
    %get3A_542 = vector.load %arg0[%get3A_540, %get3A_541] : memref<8x300xf32, #tpu.memory_space<vmem>>, vector<8x300xf32>
    %get3A_543 = arith.constant 2 : index
    %get3A_544 = arith.constant 0 : index
    %get3A_545 = arith.constant 0 : index
    %get3A_546 = vector.load %arg3[%get3A_543, %get3A_544, %get3A_545] : memref<4x5120x300xf32, #tpu.memory_space<vmem>>, vector<1x5120x300xf32>
    %get3A_547 = vector.shape_cast %get3A_546 : vector<1x5120x300xf32> to vector<5120x300xf32>
    %dot_general3A_548 = arith.constant dense<0.000000e+00> : vector<8x5120xf32>
    %dot_general3A_549 = tpu.matmul %get3A_542, %get3A_547, %dot_general3A_548 {dimension_numbers = #tpu.dot_dimension_numbers<[1], [1], [0], [0], [0, 0, 1, 0], [], []>, transpose_lhs_hint = false} : vector<8x300xf32>, vector<5120x300xf32>, vector<8x5120xf32> -> vector<8x5120xf32>
    %swap3A_550 = arith.constant 0 : index
    %swap3A_551 = arith.constant 71680 : index
    %swap3A_552 = vector.load %arg2[%swap3A_550, %swap3A_551] : memref<8x102400xf32, #tpu.memory_space<vmem>>, vector<8x5120xf32>
    tpu.vector_store %arg2[%swap3A_550, %swap3A_551], %dot_general3A_549 {strides = array<i32>} : memref<8x102400xf32, #tpu.memory_space<vmem>>, vector<8x5120xf32>,
    %dma_start3A_553 = arith.constant 2 : i32
    %dma_start3A_554 = arith.constant 2 : i32
    %dma_start3A_555 = tpu.memref_slice %arg4[%dma_start3A_554] : memref<4x!tpu.dma_semaphore, #tpu.memory_space<semaphore_mem>> -> memref<1x!tpu.dma_semaphore, #tpu.memory_space<semaphore_mem>>
    %dma_start3A_556 = tpu.memref_squeeze %dma_start3A_555 : memref<1x!tpu.dma_semaphore, #tpu.memory_space<semaphore_mem>> -> memref<!tpu.dma_semaphore, #tpu.memory_space<semaphore_mem>>
    %dma_start3A_557 = arith.constant 0 : i32
    %dma_start3A_558 = arith.constant 0 : i32
    %dma_start3A_559 = tpu.memref_slice %arg3[%dma_start3A_553, %dma_start3A_557, %dma_start3A_558] : memref<4x5120x300xf32, #tpu.memory_space<vmem>> -> memref<1x5120x300xf32, #tpu.memory_space<vmem>>
    %dma_start3A_560 = tpu.memref_squeeze %dma_start3A_559 : memref<1x5120x300xf32, #tpu.memory_space<vmem>> -> memref<5120x300xf32, #tpu.memory_space<vmem>>
    %dma_start3A_561 = arith.constant 92160 : i32
    %dma_start3A_562 = arith.constant 0 : i32
    %dma_start3A_563 = tpu.memref_slice %arg1[%dma_start3A_561, %dma_start3A_562] : memref<100000x300xf32, #tpu.memory_space<any>> -> memref<5120x300xf32, #tpu.memory_space<any>>
    tpu.enqueue_dma source(%dma_start3A_563 : memref<5120x300xf32, #tpu.memory_space<any>>) target(%dma_start3A_560 : memref<5120x300xf32, #tpu.memory_space<vmem>>) target_semaphore(%dma_start3A_556 : memref<!tpu.dma_semaphore, #tpu.memory_space<semaphore_mem>>)
    %dma_wait3A_564 = arith.constant 3 : i32
    %dma_wait3A_565 = arith.constant 3 : i32
    %dma_wait3A_566 = tpu.memref_slice %arg4[%dma_wait3A_565] : memref<4x!tpu.dma_semaphore, #tpu.memory_space<semaphore_mem>> -> memref<1x!tpu.dma_semaphore, #tpu.memory_space<semaphore_mem>>
    %dma_wait3A_567 = tpu.memref_squeeze %dma_wait3A_566 : memref<1x!tpu.dma_semaphore, #tpu.memory_space<semaphore_mem>> -> memref<!tpu.dma_semaphore, #tpu.memory_space<semaphore_mem>>
    %dma_wait3A_568 = arith.constant 0 : i32
    %dma_wait3A_569 = arith.constant 0 : i32
    %dma_wait3A_570 = tpu.memref_slice %arg3[%dma_wait3A_564, %dma_wait3A_568, %dma_wait3A_569] : memref<4x5120x300xf32, #tpu.memory_space<vmem>> -> memref<1x5120x300xf32, #tpu.memory_space<vmem>>
    %dma_wait3A_571 = tpu.memref_squeeze %dma_wait3A_570 : memref<1x5120x300xf32, #tpu.memory_space<vmem>> -> memref<5120x300xf32, #tpu.memory_space<vmem>>
    %dma_wait3A_572 = arith.constant 76800 : i32
    %dma_wait3A_573 = arith.constant 0 : i32
    %dma_wait3A_574 = tpu.memref_slice %arg1[%dma_wait3A_572, %dma_wait3A_573] : memref<100000x300xf32, #tpu.memory_space<any>> -> memref<5120x300xf32, #tpu.memory_space<any>>
    tpu.wait_dma2 semaphore(%dma_wait3A_567 : memref<!tpu.dma_semaphore, #tpu.memory_space<semaphore_mem>>) src(%dma_wait3A_574 : memref<5120x300xf32, #tpu.memory_space<any>>) dst(%dma_wait3A_571 : memref<5120x300xf32, #tpu.memory_space<vmem>>)
    %get3A_575 = arith.constant 0 : index
    %get3A_576 = arith.constant 0 : index
    %get3A_577 = vector.load %arg0[%get3A_575, %get3A_576] : memref<8x300xf32, #tpu.memory_space<vmem>>, vector<8x300xf32>
    %get3A_578 = arith.constant 3 : index
    %get3A_579 = arith.constant 0 : index
    %get3A_580 = arith.constant 0 : index
    %get3A_581 = vector.load %arg3[%get3A_578, %get3A_579, %get3A_580] : memref<4x5120x300xf32, #tpu.memory_space<vmem>>, vector<1x5120x300xf32>
    %get3A_582 = vector.shape_cast %get3A_581 : vector<1x5120x300xf32> to vector<5120x300xf32>
    %dot_general3A_583 = arith.constant dense<0.000000e+00> : vector<8x5120xf32>
    %dot_general3A_584 = tpu.matmul %get3A_577, %get3A_582, %dot_general3A_583 {dimension_numbers = #tpu.dot_dimension_numbers<[1], [1], [0], [0], [0, 0, 1, 0], [], []>, transpose_lhs_hint = false} : vector<8x300xf32>, vector<5120x300xf32>, vector<8x5120xf32> -> vector<8x5120xf32>
    %swap3A_585 = arith.constant 0 : index
    %swap3A_586 = arith.constant 76800 : index
    %swap3A_587 = vector.load %arg2[%swap3A_585, %swap3A_586] : memref<8x102400xf32, #tpu.memory_space<vmem>>, vector<8x5120xf32>
    tpu.vector_store %arg2[%swap3A_585, %swap3A_586], %dot_general3A_584 {strides = array<i32>} : memref<8x102400xf32, #tpu.memory_space<vmem>>, vector<8x5120xf32>,
    %dma_start3A_588 = arith.constant 3 : i32
    %dma_start3A_589 = arith.constant 3 : i32
    %dma_start3A_590 = tpu.memref_slice %arg4[%dma_start3A_589] : memref<4x!tpu.dma_semaphore, #tpu.memory_space<semaphore_mem>> -> memref<1x!tpu.dma_semaphore, #tpu.memory_space<semaphore_mem>>
    %dma_start3A_591 = tpu.memref_squeeze %dma_start3A_590 : memref<1x!tpu.dma_semaphore, #tpu.memory_space<semaphore_mem>> -> memref<!tpu.dma_semaphore, #tpu.memory_space<semaphore_mem>>
    %dma_start3A_592 = arith.constant 0 : i32
    %dma_start3A_593 = arith.constant 0 : i32
    %dma_start3A_594 = tpu.memref_slice %arg3[%dma_start3A_588, %dma_start3A_592, %dma_start3A_593] : memref<4x5120x300xf32, #tpu.memory_space<vmem>> -> memref<1x2720x300xf32, #tpu.memory_space<vmem>>
    %dma_start3A_595 = tpu.memref_squeeze %dma_start3A_594 : memref<1x2720x300xf32, #tpu.memory_space<vmem>> -> memref<2720x300xf32, #tpu.memory_space<vmem>>
    %dma_start3A_596 = arith.constant 97280 : i32
    %dma_start3A_597 = arith.constant 0 : i32
    %dma_start3A_598 = tpu.memref_slice %arg1[%dma_start3A_596, %dma_start3A_597] : memref<100000x300xf32, #tpu.memory_space<any>> -> memref<2720x300xf32, #tpu.memory_space<any>>
    tpu.enqueue_dma source(%dma_start3A_598 : memref<2720x300xf32, #tpu.memory_space<any>>) target(%dma_start3A_595 : memref<2720x300xf32, #tpu.memory_space<vmem>>) target_semaphore(%dma_start3A_591 : memref<!tpu.dma_semaphore, #tpu.memory_space<semaphore_mem>>)
    %dma_wait3A_599 = arith.constant 0 : i32
    %dma_wait3A_600 = arith.constant 0 : i32
    %dma_wait3A_601 = tpu.memref_slice %arg4[%dma_wait3A_600] : memref<4x!tpu.dma_semaphore, #tpu.memory_space<semaphore_mem>> -> memref<1x!tpu.dma_semaphore, #tpu.memory_space<semaphore_mem>>
    %dma_wait3A_602 = tpu.memref_squeeze %dma_wait3A_601 : memref<1x!tpu.dma_semaphore, #tpu.memory_space<semaphore_mem>> -> memref<!tpu.dma_semaphore, #tpu.memory_space<semaphore_mem>>
    %dma_wait3A_603 = arith.constant 0 : i32
    %dma_wait3A_604 = arith.constant 0 : i32
    %dma_wait3A_605 = tpu.memref_slice %arg3[%dma_wait3A_599, %dma_wait3A_603, %dma_wait3A_604] : memref<4x5120x300xf32, #tpu.memory_space<vmem>> -> memref<1x5120x300xf32, #tpu.memory_space<vmem>>
    %dma_wait3A_606 = tpu.memref_squeeze %dma_wait3A_605 : memref<1x5120x300xf32, #tpu.memory_space<vmem>> -> memref<5120x300xf32, #tpu.memory_space<vmem>>
    %dma_wait3A_607 = arith.constant 81920 : i32
    %dma_wait3A_608 = arith.constant 0 : i32
    %dma_wait3A_609 = tpu.memref_slice %arg1[%dma_wait3A_607, %dma_wait3A_608] : memref<100000x300xf32, #tpu.memory_space<any>> -> memref<5120x300xf32, #tpu.memory_space<any>>
    tpu.wait_dma2 semaphore(%dma_wait3A_602 : memref<!tpu.dma_semaphore, #tpu.memory_space<semaphore_mem>>) src(%dma_wait3A_609 : memref<5120x300xf32, #tpu.memory_space<any>>) dst(%dma_wait3A_606 : memref<5120x300xf32, #tpu.memory_space<vmem>>)
    %get3A_610 = arith.constant 0 : index
    %get3A_611 = arith.constant 0 : index
    %get3A_612 = vector.load %arg0[%get3A_610, %get3A_611] : memref<8x300xf32, #tpu.memory_space<vmem>>, vector<8x300xf32>
    %get3A_613 = arith.constant 0 : index
    %get3A_614 = arith.constant 0 : index
    %get3A_615 = arith.constant 0 : index
    %get3A_616 = vector.load %arg3[%get3A_613, %get3A_614, %get3A_615] : memref<4x5120x300xf32, #tpu.memory_space<vmem>>, vector<1x5120x300xf32>
    %get3A_617 = vector.shape_cast %get3A_616 : vector<1x5120x300xf32> to vector<5120x300xf32>
    %dot_general3A_618 = arith.constant dense<0.000000e+00> : vector<8x5120xf32>
    %dot_general3A_619 = tpu.matmul %get3A_612, %get3A_617, %dot_general3A_618 {dimension_numbers = #tpu.dot_dimension_numbers<[1], [1], [0], [0], [0, 0, 1, 0], [], []>, transpose_lhs_hint = false} : vector<8x300xf32>, vector<5120x300xf32>, vector<8x5120xf32> -> vector<8x5120xf32>
    %swap3A_620 = arith.constant 0 : index
    %swap3A_621 = arith.constant 81920 : index
    %swap3A_622 = vector.load %arg2[%swap3A_620, %swap3A_621] : memref<8x102400xf32, #tpu.memory_space<vmem>>, vector<8x5120xf32>
    tpu.vector_store %arg2[%swap3A_620, %swap3A_621], %dot_general3A_619 {strides = array<i32>} : memref<8x102400xf32, #tpu.memory_space<vmem>>, vector<8x5120xf32>,
    %dma_wait3A_623 = arith.constant 1 : i32
    %dma_wait3A_624 = arith.constant 1 : i32
    %dma_wait3A_625 = tpu.memref_slice %arg4[%dma_wait3A_624] : memref<4x!tpu.dma_semaphore, #tpu.memory_space<semaphore_mem>> -> memref<1x!tpu.dma_semaphore, #tpu.memory_space<semaphore_mem>>
    %dma_wait3A_626 = tpu.memref_squeeze %dma_wait3A_625 : memref<1x!tpu.dma_semaphore, #tpu.memory_space<semaphore_mem>> -> memref<!tpu.dma_semaphore, #tpu.memory_space<semaphore_mem>>
    %dma_wait3A_627 = arith.constant 0 : i32
    %dma_wait3A_628 = arith.constant 0 : i32
    %dma_wait3A_629 = tpu.memref_slice %arg3[%dma_wait3A_623, %dma_wait3A_627, %dma_wait3A_628] : memref<4x5120x300xf32, #tpu.memory_space<vmem>> -> memref<1x5120x300xf32, #tpu.memory_space<vmem>>
    %dma_wait3A_630 = tpu.memref_squeeze %dma_wait3A_629 : memref<1x5120x300xf32, #tpu.memory_space<vmem>> -> memref<5120x300xf32, #tpu.memory_space<vmem>>
    %dma_wait3A_631 = arith.constant 87040 : i32
    %dma_wait3A_632 = arith.constant 0 : i32
    %dma_wait3A_633 = tpu.memref_slice %arg1[%dma_wait3A_631, %dma_wait3A_632] : memref<100000x300xf32, #tpu.memory_space<any>> -> memref<5120x300xf32, #tpu.memory_space<any>>
    tpu.wait_dma2 semaphore(%dma_wait3A_626 : memref<!tpu.dma_semaphore, #tpu.memory_space<semaphore_mem>>) src(%dma_wait3A_633 : memref<5120x300xf32, #tpu.memory_space<any>>) dst(%dma_wait3A_630 : memref<5120x300xf32, #tpu.memory_space<vmem>>)
    %get3A_634 = arith.constant 0 : index
    %get3A_635 = arith.constant 0 : index
    %get3A_636 = vector.load %arg0[%get3A_634, %get3A_635] : memref<8x300xf32, #tpu.memory_space<vmem>>, vector<8x300xf32>
    %get3A_637 = arith.constant 1 : index
    %get3A_638 = arith.constant 0 : index
    %get3A_639 = arith.constant 0 : index
    %get3A_640 = vector.load %arg3[%get3A_637, %get3A_638, %get3A_639] : memref<4x5120x300xf32, #tpu.memory_space<vmem>>, vector<1x5120x300xf32>
    %get3A_641 = vector.shape_cast %get3A_640 : vector<1x5120x300xf32> to vector<5120x300xf32>
    %dot_general3A_642 = arith.constant dense<0.000000e+00> : vector<8x5120xf32>
    %dot_general3A_643 = tpu.matmul %get3A_636, %get3A_641, %dot_general3A_642 {dimension_numbers = #tpu.dot_dimension_numbers<[1], [1], [0], [0], [0, 0, 1, 0], [], []>, transpose_lhs_hint = false} : vector<8x300xf32>, vector<5120x300xf32>, vector<8x5120xf32> -> vector<8x5120xf32>
    %swap3A_644 = arith.constant 0 : index
    %swap3A_645 = arith.constant 87040 : index
    %swap3A_646 = vector.load %arg2[%swap3A_644, %swap3A_645] : memref<8x102400xf32, #tpu.memory_space<vmem>>, vector<8x5120xf32>
    tpu.vector_store %arg2[%swap3A_644, %swap3A_645], %dot_general3A_643 {strides = array<i32>} : memref<8x102400xf32, #tpu.memory_space<vmem>>, vector<8x5120xf32>,
    %dma_wait3A_647 = arith.constant 2 : i32
    %dma_wait3A_648 = arith.constant 2 : i32
    %dma_wait3A_649 = tpu.memref_slice %arg4[%dma_wait3A_648] : memref<4x!tpu.dma_semaphore, #tpu.memory_space<semaphore_mem>> -> memref<1x!tpu.dma_semaphore, #tpu.memory_space<semaphore_mem>>
    %dma_wait3A_650 = tpu.memref_squeeze %dma_wait3A_649 : memref<1x!tpu.dma_semaphore, #tpu.memory_space<semaphore_mem>> -> memref<!tpu.dma_semaphore, #tpu.memory_space<semaphore_mem>>
    %dma_wait3A_651 = arith.constant 0 : i32
    %dma_wait3A_652 = arith.constant 0 : i32
    %dma_wait3A_653 = tpu.memref_slice %arg3[%dma_wait3A_647, %dma_wait3A_651, %dma_wait3A_652] : memref<4x5120x300xf32, #tpu.memory_space<vmem>> -> memref<1x5120x300xf32, #tpu.memory_space<vmem>>
    %dma_wait3A_654 = tpu.memref_squeeze %dma_wait3A_653 : memref<1x5120x300xf32, #tpu.memory_space<vmem>> -> memref<5120x300xf32, #tpu.memory_space<vmem>>
    %dma_wait3A_655 = arith.constant 92160 : i32
    %dma_wait3A_656 = arith.constant 0 : i32
    %dma_wait3A_657 = tpu.memref_slice %arg1[%dma_wait3A_655, %dma_wait3A_656] : memref<100000x300xf32, #tpu.memory_space<any>> -> memref<5120x300xf32, #tpu.memory_space<any>>
    tpu.wait_dma2 semaphore(%dma_wait3A_650 : memref<!tpu.dma_semaphore, #tpu.memory_space<semaphore_mem>>) src(%dma_wait3A_657 : memref<5120x300xf32, #tpu.memory_space<any>>) dst(%dma_wait3A_654 : memref<5120x300xf32, #tpu.memory_space<vmem>>)
    %get3A_658 = arith.constant 0 : index
    %get3A_659 = arith.constant 0 : index
    %get3A_660 = vector.load %arg0[%get3A_658, %get3A_659] : memref<8x300xf32, #tpu.memory_space<vmem>>, vector<8x300xf32>
    %get3A_661 = arith.constant 2 : index
    %get3A_662 = arith.constant 0 : index
    %get3A_663 = arith.constant 0 : index
    %get3A_664 = vector.load %arg3[%get3A_661, %get3A_662, %get3A_663] : memref<4x5120x300xf32, #tpu.memory_space<vmem>>, vector<1x5120x300xf32>
    %get3A_665 = vector.shape_cast %get3A_664 : vector<1x5120x300xf32> to vector<5120x300xf32>
    %dot_general3A_666 = arith.constant dense<0.000000e+00> : vector<8x5120xf32>
    %dot_general3A_667 = tpu.matmul %get3A_660, %get3A_665, %dot_general3A_666 {dimension_numbers = #tpu.dot_dimension_numbers<[1], [1], [0], [0], [0, 0, 1, 0], [], []>, transpose_lhs_hint = false} : vector<8x300xf32>, vector<5120x300xf32>, vector<8x5120xf32> -> vector<8x5120xf32>
    %swap3A_668 = arith.constant 0 : index
    %swap3A_669 = arith.constant 92160 : index
    %swap3A_670 = vector.load %arg2[%swap3A_668, %swap3A_669] : memref<8x102400xf32, #tpu.memory_space<vmem>>, vector<8x5120xf32>
    tpu.vector_store %arg2[%swap3A_668, %swap3A_669], %dot_general3A_667 {strides = array<i32>} : memref<8x102400xf32, #tpu.memory_space<vmem>>, vector<8x5120xf32>,
    %dma_wait3A_671 = arith.constant 3 : i32
    %dma_wait3A_672 = arith.constant 3 : i32
    %dma_wait3A_673 = tpu.memref_slice %arg4[%dma_wait3A_672] : memref<4x!tpu.dma_semaphore, #tpu.memory_space<semaphore_mem>> -> memref<1x!tpu.dma_semaphore, #tpu.memory_space<semaphore_mem>>
    %dma_wait3A_674 = tpu.memref_squeeze %dma_wait3A_673 : memref<1x!tpu.dma_semaphore, #tpu.memory_space<semaphore_mem>> -> memref<!tpu.dma_semaphore, #tpu.memory_space<semaphore_mem>>
    %dma_wait3A_675 = arith.constant 0 : i32
    %dma_wait3A_676 = arith.constant 0 : i32
    %dma_wait3A_677 = tpu.memref_slice %arg3[%dma_wait3A_671, %dma_wait3A_675, %dma_wait3A_676] : memref<4x5120x300xf32, #tpu.memory_space<vmem>> -> memref<1x2720x300xf32, #tpu.memory_space<vmem>>
    %dma_wait3A_678 = tpu.memref_squeeze %dma_wait3A_677 : memref<1x2720x300xf32, #tpu.memory_space<vmem>> -> memref<2720x300xf32, #tpu.memory_space<vmem>>
    %dma_wait3A_679 = arith.constant 97280 : i32
    %dma_wait3A_680 = arith.constant 0 : i32
    %dma_wait3A_681 = tpu.memref_slice %arg1[%dma_wait3A_679, %dma_wait3A_680] : memref<100000x300xf32, #tpu.memory_space<any>> -> memref<2720x300xf32, #tpu.memory_space<any>>
    tpu.wait_dma2 semaphore(%dma_wait3A_674 : memref<!tpu.dma_semaphore, #tpu.memory_space<semaphore_mem>>) src(%dma_wait3A_681 : memref<2720x300xf32, #tpu.memory_space<any>>) dst(%dma_wait3A_678 : memref<2720x300xf32, #tpu.memory_space<vmem>>)
    %get3A_682 = arith.constant 0 : index
    %get3A_683 = arith.constant 0 : index
    %get3A_684 = vector.load %arg0[%get3A_682, %get3A_683] : memref<8x300xf32, #tpu.memory_space<vmem>>, vector<8x300xf32>
    %get3A_685 = arith.constant 3 : index
    %get3A_686 = arith.constant 0 : index
    %get3A_687 = arith.constant 0 : index
    %get3A_688 = vector.load %arg3[%get3A_685, %get3A_686, %get3A_687] : memref<4x5120x300xf32, #tpu.memory_space<vmem>>, vector<1x5120x300xf32>
    %get3A_689 = vector.shape_cast %get3A_688 : vector<1x5120x300xf32> to vector<5120x300xf32>
    %dot_general3A_690 = arith.constant dense<0.000000e+00> : vector<8x5120xf32>
    %dot_general3A_691 = tpu.matmul %get3A_684, %get3A_689, %dot_general3A_690 {dimension_numbers = #tpu.dot_dimension_numbers<[1], [1], [0], [0], [0, 0, 1, 0], [], []>, transpose_lhs_hint = false} : vector<8x300xf32>, vector<5120x300xf32>, vector<8x5120xf32> -> vector<8x5120xf32>
    %swap3A_692 = arith.constant 0 : index
    %swap3A_693 = arith.constant 97280 : index
    %swap3A_694 = vector.load %arg2[%swap3A_692, %swap3A_693] : memref<8x102400xf32, #tpu.memory_space<vmem>>, vector<8x5120xf32>
    tpu.vector_store %arg2[%swap3A_692, %swap3A_693], %dot_general3A_691 {strides = array<i32>} : memref<8x102400xf32, #tpu.memory_space<vmem>>, vector<8x5120xf32>,
    %broadcast_in_dim3A = arith.constant 0.000000e+00 : f32
    %broadcast_in_dim3A_695 = vector.broadcast %broadcast_in_dim3A : f32 to vector<8x1xf32>
    %swap3A_696 = arith.constant 0 : index
    %swap3A_697 = arith.constant 0 : index
    %swap3A_698 = vector.load %arg2[%swap3A_696, %swap3A_697] : memref<8x102400xf32, #tpu.memory_space<vmem>>, vector<8x1xf32>
    tpu.vector_store %arg2[%swap3A_696, %swap3A_697], %broadcast_in_dim3A_695 {strides = array<i32>} : memref<8x102400xf32, #tpu.memory_space<vmem>>, vector<8x1xf32>,
    return
  }
}

</mosaic_0001>

<sc_bundles>
// kernel: kernel.4.cloned.1.call-start
scs
__scs_entry_jumppad:
0x0: {  	(pc) =	sbr.rel $0x88, $3  }
0x1: {  	(tag) =	ssettag $0x0;
	lr =	simm.s32 $0x1  }
0x2: {  	[smem:$0x3F9D] =	sst lr;
	_ =	strace $0xD0000000  }
0x3: {  	_ = 	snop  }
0x4: {  	_ = 	snop  }
0x5: {  	_ = 	snop  }
0x6: {  	_ = 	snop  }
0x7: {  	_ = 	snop  }
__scs_overlays_trampoline_lowered:
0x8: {  	[smem:$0x3FAC] =	sst s0  }
0x9: {  	[smem:$0x3FAD] =	sst s1  }
0xa: {  	[smem:$0x3FAE] =	sst s2  }
0xb: {  	[smem:$0x3FAF] =	sst s3  }
0xc: {  	[smem:$0x3FB0] =	sst s4  }
0xd: {  	[smem:$0x3FB1] =	sst s5  }
0xe: {  	[smem:$0x3FB2] =	sst s6  }
0xf: {  	[smem:$0x3FB3] =	sst s7  }
0x10: {  	[smem:$0x3FB4] =	sst s8  }
0x11: {  	[smem:$0x3FB5] =	sst s9;
	s0 =	simm.s32 @!p0 $0x0  }
0x12: {  	s1 =	sld [smem:$0x3F9B];
	s0 =	simm.s32 @p0 $0x1  }
0x13: {  	[smem:$0x3FB6] =	sst s0;
	s0 =	simm.s32 @!p1 $0x0  }
0x14: {  	s2 =	sld [smem:$0x3F9A];
	s0 =	simm.s32 @p1 $0x1  }
0x15: {  	[smem:$0x3FB7] =	sst s0;
	s0 =	simm.s32 @!p2 $0x0  }
0x16: {  	s3 =	sld [smem:$0x3FDB];
	s0 =	simm.s32 @p2 $0x1  }
0x17: {  	s4 =	simm.s32 $0x1BF5;
	[smem:$0x3FB9] =	sst s0  }
0x18: {  	s0 =	sld [smem:$0x3F9C];
	_ =	swait.ge [sflag:s4], $0x0  }
0x19: {  	s7 =	sld [smem:$0x3F9D]  }
0x1a: {  	s8 =	sadd.s32 $0xFFFFE003, lr  }
0x1b: {  	s9 =	sadd.s32 $0xFFFFFEF7, lr;
	s5 =	simm.s32 $0xFFFFFFFF;
	p2 =	slt.u32 s8, $0xFFFFF086  }
0x1c: {  	p1 =	slt.u32 s9, $0xF7A;
	s5 =	simm.s32 @!p2 $0x0  }
0x1d: {  	s5 =	simm.s32 @p1 $0x1;
	p0 =	seq.s32 s7, s2  }
0x1e: {  	s7 =	smul.u32 @!p0 $0xF7A, s2;
	p2 =	seq.s32 @!p0 s5, $0x0  }
0x1f: {  	s9 =	smul.u32 $0xF7A, s1;
	s8 =	simm.s32 @!p0 $0x1BF5;
	p2 =	por !p2, p0  }
0x20: {  	[sflag:s8] =	ssyncset.s32 @!p0 $0xFFFFF086;
	s6 =	sadd.s32 @!p0 s3, s7;
	s7 =	simm.s32 @!p0 $0x108  }
0x21: {  	s3 =	sadd.s32 s3, s9;
	s6 =	sadd.s32 @!p0 $0x88, s6;
	s7 =	simm.s32 @p2 $0x1082  }
0x22: {  	[simem:s7], [sflag:s8] =	dma.local @!p0 [hbm:s6], $0xF7A  }
0x23: {  	s9 =	sor.u32 $0xD0000000, s2;
	s6 =	simm.s32 $0x108;
	_ =	swait.ge @!p0 [sflag:s8], $0x0  }
0x24: {  	s3 =	sadd.s32 $0x88, s3;
	s6 =	simm.s32 @!p1 $0x1082;
	[sflag:s4] =	ssyncset.s32 $0xFFFFF086  }
0x25: {  	[simem:s6], [sflag:s4] =	dma.local [hbm:s3], $0xF7A  }
0x26: {  	[smem:$0x3F9D] =	sst s1;
	(tag) =	ssettag s2;
	_ =	strace s9  }
0x27: {  	s1 =	sld [smem:$0x3FAD]  }
0x28: {  	s2 =	sld [smem:$0x3FAE]  }
0x29: {  	s4 =	sld [smem:$0x3FB0]  }
0x2a: {  	p0 =	seq.s32 s5, $0x0;
	s5 =	sld [smem:$0x3FB1]  }
0x2b: {  	s6 =	sld [smem:$0x3FB2]  }
0x2c: {  	s7 =	sld [smem:$0x3FB3]  }
0x2d: {  	s3 =	simm.s32 $0x108;
	s8 =	sld [smem:$0x3FB4]  }
0x2e: {  	s3 =	simm.s32 @!p0 $0x1082;
	s9 =	sld [smem:$0x3FB5]  }
0x2f: {  	lr =	sadd.s32 s0, s3;
	s0 =	sld [smem:$0x3FAC]  }
0x30: {  	s3 =	sld [smem:$0x3FAF]  }
0x31: {  	[smem:$0x3FB8] =	sst s10  }
0x32: {  	s10 =	sld [smem:$0x3FB6];
	_ =	sdelay $0x3  }
0x33: {  	p0 =	seq.s32 s10, $0x1;
	s10 =	sld [smem:$0x3FB8];
	_ =	sdelay $0x3  }
0x34: {  	[smem:$0x3FB8] =	sst s10  }
0x35: {  	s10 =	sld [smem:$0x3FB7];
	_ =	sdelay $0x3  }
0x36: {  	p1 =	seq.s32 s10, $0x1;
	s10 =	sld [smem:$0x3FB8];
	_ =	sdelay $0x3  }
0x37: {  	[smem:$0x3FB8] =	sst s10  }
0x38: {  	s10 =	sld [smem:$0x3FB9]  }
0x39: {  	_ = 	snop;
	(pc) =	sbr.ind lr, $3  }
0x3a: {  	_ = 	snop  }
0x3b: {  	_ = 	snop  }
0x3c: {  	p2 =	seq.s32 s10, $0x1;
	s10 =	sld [smem:$0x3FB8]  }
0x3d: {  	_ =	shalt  }
0x3e: {  	_ =	shalt  }
0x3f: {  	_ =	shalt  }
0x40: {  	_ =	shalt  }
0x41: {  	_ =	shalt  }
0x42: {  	_ =	shalt  }
0x43: {  	_ =	shalt  }
0x44: {  	_ =	shalt  }
0x45: {  	_ =	shalt  }
0x46: {  	_ =	shalt  }
0x47: {  	_ =	shalt  }
0x48: {  	_ =	shalt  }
0x49: {  	_ =	shalt  }
0x4a: {  	_ =	shalt  }
0x4b: {  	_ =	shalt  }
0x4c: {  	_ =	shalt  }
0x4d: {  	_ =	shalt  }
0x4e: {  	_ =	shalt  }
0x4f: {  	_ =	shalt  }
0x50: {  	_ =	shalt  }
0x51: {  	_ =	shalt  }
0x52: {  	_ =	shalt  }
0x53: {  	_ =	shalt  }
0x54: {  	_ =	shalt  }
0x55: {  	_ =	shalt  }
0x56: {  	_ =	shalt  }
0x57: {  	_ =	shalt  }
0x58: {  	_ =	shalt  }
0x59: {  	_ =	shalt  }
0x5a: {  	_ =	shalt  }
0x5b: {  	_ =	shalt  }
0x5c: {  	_ =	shalt  }
0x5d: {  	_ =	shalt  }
0x5e: {  	_ =	shalt  }
0x5f: {  	_ =	shalt  }
0x60: {  	_ =	shalt  }
0x61: {  	_ =	shalt  }
0x62: {  	_ =	shalt  }
0x63: {  	_ =	shalt  }
0x64: {  	_ =	shalt  }
0x65: {  	_ =	shalt  }
0x66: {  	_ =	shalt  }
0x67: {  	_ =	shalt  }
0x68: {  	_ =	shalt  }
0x69: {  	_ =	shalt  }
0x6a: {  	_ =	shalt  }
0x6b: {  	_ =	shalt  }
0x6c: {  	_ =	shalt  }
0x6d: {  	_ =	shalt  }
0x6e: {  	_ =	shalt  }
0x6f: {  	_ =	shalt  }
0x70: {  	_ =	shalt  }
0x71: {  	_ =	shalt  }
0x72: {  	_ =	shalt  }
0x73: {  	_ =	shalt  }
0x74: {  	_ =	shalt  }
0x75: {  	_ =	shalt  }
0x76: {  	_ =	shalt  }
0x77: {  	_ =	shalt  }
0x78: {  	_ =	shalt  }
0x79: {  	_ =	shalt  }
0x7a: {  	_ =	shalt  }
0x7b: {  	_ =	shalt  }
0x7c: {  	_ =	shalt  }
0x7d: {  	_ =	shalt  }
0x7e: {  	_ =	shalt  }
0x7f: {  	_ =	shalt  }
0x80: {  	_ =	shalt  }
0x81: {  	_ =	shalt  }
0x82: {  	_ =	shalt  }
0x83: {  	_ =	shalt  }
0x84: {  	_ =	shalt  }
0x85: {  	_ =	shalt  }
0x86: {  	_ =	shalt  }
0x87: {  	_ =	shalt  }
.Lfunc_end0:
.L_simem_size_0:
called_computation_lowered:
.L_overlay_start_0:
0x88: {  	s2 =	sld [smem:$0x3FD9]  }
0x89: {  	s3 =	sld [smem:$0x3FFE];
	_ =	sdelay $0x1  }
0x8a: {  	s1 =	srdreg.scid  }
0x8b: {  	s0 =	sand.u32 $0x1, s1  }
0x8c: {  	s17 =	sshll.u32 s0, $0xA;
	s2 =	sadd.s32 s3, s2  }
0x8d: {  	s2 =	sadd.s32 s2, s17  }
0x8e: {  	[smem:$0x3FC4] =	sst s2  }
0x8f: {  	_ = 	snop  }
0x90: {  	s2 =	sld [smem:$0x3FD0];
	(tm) =	ssettm $0x1  }
0x91: {  	s18 =	sld [smem:$0x3FFB];
	_ =	sdelay $0x3  }
0x92: {  	_ =	strace s18  }
0x93: {  	s3 =	sld [smem:$0x3FFC];
	_ =	sdelay $0x3  }
0x94: {  	_ =	strace s3  }
0x95: {  	s3 =	sld [smem:$0x3FFD];
	_ =	sdelay $0x3  }
0x96: {  	_ =	strace s3  }
0x97: {  	_ =	strace $0x8FFFFFFF  }
0x98: {  	s19 =	sld [smem:$0x3FDB];
	_ =	sdelay $0x1  }
0x99: {  	s4 =	simm.s32 $_scs_section_size  }
0x9a: {  	s5 =	simm.s32 $_size__tile_overlayer_lowered;
	s6 =	simm.s32 $_tile_overlayer_lowered  }
0x9b: {  	s22 =	simm.s32 $0x1BFF;
	s21 =	sshll.u32 s6, $0x1;
	s3 =	sadd.s32 s4, s19  }
0x9c: {  	s7 =	simm.s32 $0x0;
	s20 =	sshll.u32 s5, $0x1;
	s5 =	sadd.s32 s21, s3  }
0x9d: {  	[timem:s7], [sflag:s22] =	dma.local [hbm:s5], s20  }
0x9e: {  	_ =	swait.ge [sflag:s22], s20  }
0x9f: {  	s4 =	ssub.s32 $0x0, s20;
	[sflag:s22] =	ssyncset.done $0x0  }
0xa0: {  	[sflag:s22] =	ssyncadd.s32 s4;
	_ =	sdelay $0x1  }
0xa1: {  	s23 =	simm.s32 $0x1B8B  }
0xa2: {  	_ =	swait.ge [sflag:s23], $0x1  }
0xa3: {  	[sflag:s23] =	ssyncset.done $0x0  }
0xa4: {  	s25 =	simm.s32 $0x1B8E;
	s24 =	sld [smem:$0x3FFE];
	[sflag:s23] =	ssyncadd.s32 $0xFFFFFFFF  }
0xa5: {  	s26 =	simm.s32 $execute0_lowered;
	[smem:$0x3FD2] =	sst s25  }
0xa6: {  	s5 =	sshll.u32 s26, $0x1;
	_ =	strace $0x80000046;
	[dreg:$0x1] =	wrdreg $0xFFFFFFFF  }
0xa7: {  	s28 =	simm.s32 $_size_execute0_lowered;
	s3 =	sadd.s32 s3, s5;
	[dreg:$0x0] =	wrdreg $0x0  }
0xa8: {  	s5 =	sshll.u32 s28, $0x1;
	[dreg:$0x2] =	wrdreg s3  }
0xa9: {  	[dreg:$0x3] =	wrdreg s5  }
0xaa: {  	[dreg:$0x4] =	wrdreg $0xC0  }
0xab: {  	_ =	task [dreg:s7], $0x5FFFF  }
0xac: {  	[dreg:$0x1] =	wrdreg $0xFFFFFFFF  }
0xad: {  	[dreg:$0x0] =	wrdreg $0x60  }
0xae: {  	[dreg:$0x2] =	wrdreg s24  }
0xaf: {  	[dreg:$0x3] =	wrdreg s2  }
0xb0: {  	[dreg:$0x4] =	wrdreg $0x9  }
0xb1: {  	_ =	task.clear_ibuf [dreg:s7], $0x5FFFF;
	_ =	strace $0x90000046  }
0xb2: {  	s29 =	simm.s32 $0x9;
	_ =	strace $0x80000048  }
0xb3: {  	_ =	swait.ge [sflag:s29], $0x1  }
0xb4: {  	[sflag:s29] =	ssyncadd.s32 $0xFFFFFFFF  }
0xb5: {  	_ =	strace $0x90000048  }
0xb6: {  	_ =	sfence  }
0xb7: {  	s30 =	sld [smem:$0x0];
	_ =	sdelay $0x2  }
0xb8: {  	s31 =	sshll.u32 s1, $0xD;
	s1 =	sshrl.u32 s1, $0x2  }
0xb9: {  	s3 =	sand.u32 $0x4000, s31;
	s1 =	sadd.s32 s1, s30  }
0xba: {  	s0 =	sor.u32 s3, s0;
	s1 =	sshll.u32 s1, $0x11  }
0xbb: {  	s0 =	sor.u32 s1, s0  }
0xbc: {  	s0 =	sadd.s32 $0x8F2B, s0  }
0xbd: {  	[sflag:s0] =	ssyncadd.remote.s32 $0x1  }
0xbe: {  	_ =	sfence.sel $0xFFFF  }
0xbf: {  	[dreg:$0x0] =	wrdreg $0xFFFFFFFF;
	(pc) =	sbr.abs _section_cstart, $3  }
0xc0: {  	[dreg:$0x1] =	wrdreg $0xFFFFFFFF  }
0xc1: {  	_ =	task.clear_ibuf [dreg:s7], $0x2FFFF;
	_ =	strace $0x9FFFFFFF  }
0xc2: {  	(tm) =	ssettm $0x7FFFFFFF  }
0xc3: {  	_ =	shalt  }
tec
execute0_lowered:
.L_overlay_start_1:
0x0: {  	(tag) =	ssettag $0x1  }
0x1: {  	v0 =	vlaneseq.u32  }
0x2: {  	v61 =	vmul.u32 $0xC8, v0;
	_ =	sdelay $0x1  }
0x3: {  	v2 =	vor.u32 $0x1, v61;
	v3 =	vor.u32 $0x2, v61  }
0x4: {  	s3 =	rddreg [dreg:$0x0];
	v4 =	vor.u32 $0x3, v61;
	v5 =	vor.u32 $0x4, v61;
	v6 =	vor.u32 $0x5, v61  }
0x5: {  	s4 =	rddreg [dreg:$0x1];
	s2 =	simm.s32 $0x0;
	v7 =	vor.u32 $0x6, v61;
	v8 =	vor.u32 $0x7, v61;
	v9 =	vadd.s32 $0x8, v61  }
0x6: {  	[smem:$0x7FF] =	sst s2;
	v10 =	vadd.s32 $0x9, v61;
	v11 =	vadd.s32 $0xA, v61;
	v1 =	vadd.s32 $0x3E, v61  }
0x7: {  	s0 =	rddreg [dreg:$0x2];
	_ =	strace $0x80000047;
	v12 =	vadd.s32 $0xB, v61;
	v18 =	vadd.s32 $0xC, v61;
	v13 =	vadd.s32 $0xD, v61;
	[tilespmem:$0x1FEF0] =	vst v1  }
0x8: {  	v30 =	vadd.s32 $0xE, v61;
	v16 =	vadd.s32 $0xF, v61;
	v17 =	vadd.s32 $0x10, v61;
	[tilespmem:$0x1FF00] =	vst v2  }
0x9: {  	v19 =	vadd.s32 $0x11, v61;
	v15 =	vadd.s32 $0x12, v61;
	v20 =	vadd.s32 $0x13, v61;
	[tilespmem:$0x1FF10] =	vst v3  }
0xa: {  	v21 =	vadd.s32 $0x14, v61;
	v22 =	vadd.s32 $0x15, v61;
	v23 =	vadd.s32 $0x16, v61;
	[tilespmem:$0x1FF20] =	vst v4  }
0xb: {  	v24 =	vadd.s32 $0x17, v61;
	v25 =	vadd.s32 $0x18, v61;
	v26 =	vadd.s32 $0x19, v61;
	[tilespmem:$0x1FF30] =	vst v5  }
0xc: {  	v28 =	vadd.s32 $0x1A, v61;
	v27 =	vadd.s32 $0x1B, v61;
	v29 =	vadd.s32 $0x1C, v61;
	[tilespmem:$0x1FF40] =	vst v6  }
0xd: {  	v32 =	vadd.s32 $0x1D, v61;
	v31 =	vadd.s32 $0x1E, v61;
	v33 =	vadd.s32 $0x1F, v61;
	[tilespmem:$0x1FF50] =	vst v7  }
0xe: {  	s5 =	srdreg.scid;
	v38 =	vadd.s32 $0x20, v61;
	v34 =	vadd.s32 $0x21, v61;
	v35 =	vadd.s32 $0x22, v61;
	[tilespmem:$0x1FF60] =	vst v8  }
0xf: {  	s1 =	stileid.u32;
	s11 =	simm.s32 $0x1AA00;
	s12 =	simm.s32 $0x19000;
	v36 =	vadd.s32 $0x23, v61;
	v37 =	vadd.s32 $0x24, v61;
	v39 =	vadd.s32 $0x25, v61;
	[tilespmem:$0x1FF70] =	vst v9  }
0x10: {  	s13 =	simm.s32 $0x19C80;
	s14 =	simm.s32 $0x1;
	s15 =	simm.s32 $0x2;
	v45 =	vadd.s32 $0x26, v61;
	v40 =	vadd.s32 $0x27, v61;
	v41 =	vadd.s32 $0x28, v61;
	[tilespmem:$0x1FF80] =	vst v10  }
0x11: {  	s16 =	simm.s32 $0x100;
	s17 =	simm.s32 $0x1A900;
	s5 =	sand.u32 $0x1, s5;
	v42 =	vadd.s32 $0x29, v61;
	v43 =	vadd.s32 $0x2A, v61;
	v44 =	vadd.s32 $0x2B, v61;
	[tilespmem:$0x1FF90] =	vst v11  }
0x12: {  	s18 =	simm.s32 $0x0;
	s6 =	smul.u32 $0x1900, s1;
	s7 =	ssub.s32 $0x2, s5;
	v46 =	vadd.s32 $0x2C, v61;
	v47 =	vadd.s32 $0x2D, v61;
	v48 =	vadd.s32 $0x2E, v61;
	[tilespmem:$0x1FFA0] =	vst v12  }
0x13: {  	s31 =	sshll.u32 s1, $0x6;
	s5 =	sshll.u32 s5, $0x4;
	s8 =	sshrl.u32 s7, $0x1;
	v51 =	vadd.s32 $0x2F, v61;
	v49 =	vadd.s32 $0x30, v61;
	v50 =	vadd.s32 $0x31, v61;
	[tilespmem:$0x1FFB0] =	vst v30  }
0x14: {  	s6 =	sadd.s32 s6, s3;
	s9 =	sadd.s32 s5, s3;
	s10 =	sadd.s32 s4, s5;
	v54 =	vadd.s32 $0x32, v61;
	v52 =	vadd.s32 $0x33, v61;
	v53 =	vadd.s32 $0x34, v61;
	[tilespmem:$0x1FFC0] =	vst v18  }
0x15: {  	v57 =	vadd.s32 $0x35, v61;
	v55 =	vadd.s32 $0x36, v61;
	v56 =	vadd.s32 $0x37, v61;
	s7 =	ssub.s32 s7, s8;
	s3 =	sadd.s32 $0xC00, s9;
	s4 =	sadd.s32 $0x19C00, s9;
	[tilespmem:$0x1FFD0] =	vst v13  }
0x16: {  	v59 =	vadd.s32 $0x38, v61;
	v58 =	vadd.s32 $0x39, v61;
	v60 =	vadd.s32 $0x3A, v61;
	s5 =	sadd.s32 $0x494A00, s6;
	s6 =	sadd.s32 s31, s10;
	s8 =	simm.s32 $0x80;
	[tilespmem:$0x1FFE0] =	vst v15  }
0x17: {  	v62 =	vadd.s32 $0x3B, v61;
	v0 =	vadd.s32 $0x3C, v61;
	v63 =	vadd.s32 $0x3D, v61;
	s9 =	simm.s32 $0x400;
	s10 =	simm.s32 $0x3;
	[tilespmem:$0x1FFF0] =	vst v20;
	s7 =	smax.u32 s7, $0x1  }
.LBB2_1:
0x18: {  	[tilespmem:s2], [sflag:$0x3] =	stream.strided.gather [hbm4b:s3+s8], $0x19000, s9, s8, $0x38;
	[tilespmem:$0x1AA80] =	vst v63  }
0x19: {  	_ =	swait.ge [sflag:s10], $0x19000  }
0x1a: {  	[sflag:s10] =	ssyncset.done $0x0  }
0x1b: {  	[sflag:s10] =	ssyncadd.s32 $0xFFFE7000  }
0x1c: {  	[tilespmem:s11], [sflag:$0x3] =	stream.linear.gather [hbm4b:s4+s2], $0x80, $0x38;
	[tilespmem:$0x1AA80] =	vst v63  }
0x1d: {  	_ =	swait.ge [sflag:s10], $0x80  }
0x1e: {  	[sflag:s10] =	ssyncset.done $0x0  }
0x1f: {  	[sflag:s10] =	ssyncadd.s32 $0xFFFFFF80  }
0x20: {  	v1 =	vld [tilespmem:$0x1AA00];
	_ =	sdelay $0x3  }
0x21: {  	[tilespmem:s12], [sflag:$0x1] =	stream.linear.gather [hbm4b:s5+s2], $0xC80, $0x38;
	[tilespmem:$0x1AA80] =	vst v63  }
0x22: {  	s19 =	simm.s32 $0x1A910;
	s20 =	simm.s32 $0x0;
	[tilespmem:$0x1FEE0] =	vst v1  }
.LBB2_2:
0x23: {  	s21 =	sadd.s32 s20, s5  }
0x24: {  	s21 =	sadd.s32 $0x190, s21  }
0x25: {  	[tilespmem:s13], [sflag:$0x2] =	stream.linear.gather [hbm4b:s21+s2], $0xC80, $0x38;
	[tilespmem:$0x1AA80] =	vst v63  }
0x26: {  	_ =	swait.ge [sflag:s14], $0xC80  }
0x27: {  	v2 =	vld [tilespmem:$0x1FF00]  }
0x28: {  	v3 =	vld [tilespmem:$0x1FF10]  }
0x29: {  	v4 =	vld [tilespmem:$0x1FF20]  }
0x2a: {  	v5 =	vld [tilespmem:$0x1FF30]  }
0x2b: {  	v6 =	vld [tilespmem:$0x1FF40]  }
0x2c: {  	v7 =	vld [tilespmem:$0x1FF50]  }
0x2d: {  	v8 =	vld [tilespmem:$0x1FF60]  }
0x2e: {  	[sflag:s14] =	ssyncset.done $0x0;
	v9 =	vld [tilespmem:$0x1FF70]  }
0x2f: {  	v10 =	vld [tilespmem:$0x1FF80];
	[sflag:s14] =	ssyncadd.s32 $0xFFFFF380  }
0x30: {  	v1 =	vld.idx.msk [tilespmem:v61+s12+$0x0], $0xffff  }
0x31: {  	v2 =	vld.idx.msk [tilespmem:v2+s12+$0x0], $0xffff  }
0x32: {  	v3 =	vld.idx.msk [tilespmem:v3+s12+$0x0], $0xffff  }
0x33: {  	v4 =	vld.idx.msk [tilespmem:v4+s12+$0x0], $0xffff  }
0x34: {  	v5 =	vld.idx.msk [tilespmem:v5+s12+$0x0], $0xffff  }
0x35: {  	v6 =	vld.idx.msk [tilespmem:v6+s12+$0x0], $0xffff  }
0x36: {  	v7 =	vld.idx.msk [tilespmem:v7+s12+$0x0], $0xffff  }
0x37: {  	v8 =	vld.idx.msk [tilespmem:v8+s12+$0x0], $0xffff  }
0x38: {  	v1 =	vld.idx.msk [tilespmem:v1+s2+$0x0], $0xffff  }
0x39: {  	v9 =	vld.idx.msk [tilespmem:v9+s12+$0x0], $0xffff  }
0x3a: {  	v2 =	vld.idx.msk [tilespmem:v2+s2+$0x0], $0xffff  }
0x3b: {  	v10 =	vld.idx.msk [tilespmem:v10+s12+$0x0], $0xffff  }
0x3c: {  	v3 =	vld.idx.msk [tilespmem:v3+s2+$0x0], $0xffff  }
0x3d: {  	v1 =	vadd.f32 $0.0e+00, v1;
	v4 =	vld.idx.msk [tilespmem:v4+s2+$0x0], $0xffff  }
0x3e: {  	v5 =	vld.idx.msk [tilespmem:v5+s2+$0x0], $0xffff  }
0x3f: {  	v6 =	vld.idx.msk [tilespmem:v6+s2+$0x0], $0xffff;
	v1 =	vadd.f32 v2, v1  }
0x40: {  	v2 =	vld.idx.msk [tilespmem:v11+s12+$0x0], $0xffff  }
0x41: {  	v11 =	vld.idx.msk [tilespmem:v12+s12+$0x0], $0xffff;
	v1 =	vadd.f32 v3, v1  }
0x42: {  	v3 =	vld.idx.msk [tilespmem:v18+s12+$0x0], $0xffff  }
0x43: {  	v1 =	vadd.f32 v4, v1;
	v4 =	vld.idx.msk [tilespmem:v7+s2+$0x0], $0xffff  }
0x44: {  	v7 =	vld.idx.msk [tilespmem:v8+s2+$0x0], $0xffff  }
0x45: {  	v8 =	vld.idx.msk [tilespmem:v10+s2+$0x0], $0xffff;
	v1 =	vadd.f32 v5, v1  }
0x46: {  	v10 =	vld.idx.msk [tilespmem:v19+s12+$0x0], $0xffff  }
0x47: {  	v5 =	vld.idx.msk [tilespmem:v9+s2+$0x0], $0xffff;
	v1 =	vadd.f32 v6, v1  }
0x48: {  	v9 =	vld.idx.msk [tilespmem:v16+s12+$0x0], $0xffff  }
0x49: {  	v2 =	vld.idx.msk [tilespmem:v2+s2+$0x0], $0xffff;
	v1 =	vadd.f32 v4, v1  }
0x4a: {  	v4 =	vld.idx.msk [tilespmem:v13+s12+$0x0], $0xffff  }
0x4b: {  	v1 =	vadd.f32 v7, v1;
	v7 =	vld.idx.msk [tilespmem:v30+s12+$0x0], $0xffff  }
0x4c: {  	v6 =	vld.idx.msk [tilespmem:v11+s2+$0x0], $0xffff  }
0x4d: {  	v11 =	vld.idx.msk [tilespmem:v20+s12+$0x0], $0xffff;
	v1 =	vadd.f32 v5, v1  }
0x4e: {  	v5 =	vld.idx.msk [tilespmem:v17+s12+$0x0], $0xffff  }
0x4f: {  	v3 =	vld.idx.msk [tilespmem:v3+s2+$0x0], $0xffff;
	v1 =	vadd.f32 v8, v1  }
0x50: {  	v8 =	vld.idx.msk [tilespmem:v15+s12+$0x0], $0xffff  }
0x51: {  	v1 =	vadd.f32 v2, v1;
	v2 =	vld.idx.msk [tilespmem:v21+s12+$0x0], $0xffff  }
0x52: {  	v4 =	vld.idx.msk [tilespmem:v4+s2+$0x0], $0xffff  }
0x53: {  	v1 =	vadd.f32 v6, v1;
	v6 =	vld.idx.msk [tilespmem:v7+s2+$0x0], $0xffff  }
0x54: {  	v7 =	vld.idx.msk [tilespmem:v9+s2+$0x0], $0xffff  }
0x55: {  	v9 =	vld.idx.msk [tilespmem:v24+s12+$0x0], $0xffff;
	v1 =	vadd.f32 v3, v1  }
0x56: {  	v3 =	vld.idx.msk [tilespmem:v5+s2+$0x0], $0xffff  }
0x57: {  	v5 =	vld.idx.msk [tilespmem:v10+s2+$0x0], $0xffff;
	v1 =	vadd.f32 v4, v1  }
0x58: {  	v10 =	vld.idx.msk [tilespmem:v26+s12+$0x0], $0xffff  }
0x59: {  	v4 =	vld.idx.msk [tilespmem:v8+s2+$0x0], $0xffff;
	v1 =	vadd.f32 v6, v1  }
0x5a: {  	v6 =	vld.idx.msk [tilespmem:v22+s12+$0x0], $0xffff  }
0x5b: {  	v1 =	vadd.f32 v7, v1;
	v7 =	vld.idx.msk [tilespmem:v23+s12+$0x0], $0xffff  }
0x5c: {  	v8 =	vld.idx.msk [tilespmem:v11+s2+$0x0], $0xffff  }
0x5d: {  	v11 =	vld.idx.msk [tilespmem:v27+s12+$0x0], $0xffff;
	v1 =	vadd.f32 v3, v1  }
0x5e: {  	v3 =	vld.idx.msk [tilespmem:v25+s12+$0x0], $0xffff  }
0x5f: {  	v2 =	vld.idx.msk [tilespmem:v2+s2+$0x0], $0xffff;
	v1 =	vadd.f32 v5, v1  }
0x60: {  	v5 =	vld.idx.msk [tilespmem:v28+s12+$0x0], $0xffff  }
0x61: {  	v1 =	vadd.f32 v4, v1;
	v4 =	vld.idx.msk [tilespmem:v29+s12+$0x0], $0xffff  }
0x62: {  	v6 =	vld.idx.msk [tilespmem:v6+s2+$0x0], $0xffff  }
0x63: {  	v1 =	vadd.f32 v8, v1;
	v7 =	vld.idx.msk [tilespmem:v7+s2+$0x0], $0xffff  }
0x64: {  	v8 =	vld.idx.msk [tilespmem:v9+s2+$0x0], $0xffff  }
0x65: {  	v9 =	vld.idx.msk [tilespmem:v33+s12+$0x0], $0xffff;
	v1 =	vadd.f32 v2, v1  }
0x66: {  	v2 =	vld.idx.msk [tilespmem:v3+s2+$0x0], $0xffff  }
0x67: {  	v3 =	vld.idx.msk [tilespmem:v10+s2+$0x0], $0xffff;
	v1 =	vadd.f32 v6, v1  }
0x68: {  	v10 =	vld.idx.msk [tilespmem:v34+s12+$0x0], $0xffff  }
0x69: {  	v5 =	vld.idx.msk [tilespmem:v5+s2+$0x0], $0xffff;
	v1 =	vadd.f32 v7, v1  }
0x6a: {  	v7 =	vld.idx.msk [tilespmem:v32+s12+$0x0], $0xffff  }
0x6b: {  	v1 =	vadd.f32 v8, v1;
	v8 =	vld.idx.msk [tilespmem:v31+s12+$0x0], $0xffff  }
0x6c: {  	v6 =	vld.idx.msk [tilespmem:v11+s2+$0x0], $0xffff  }
0x6d: {  	v11 =	vld.idx.msk [tilespmem:v36+s12+$0x0], $0xffff;
	v1 =	vadd.f32 v2, v1  }
0x6e: {  	v4 =	vld.idx.msk [tilespmem:v4+s2+$0x0], $0xffff  }
0x6f: {  	v2 =	vld.idx.msk [tilespmem:v38+s12+$0x0], $0xffff;
	v1 =	vadd.f32 v3, v1  }
0x70: {  	v3 =	vld.idx.msk [tilespmem:v35+s12+$0x0], $0xffff  }
0x71: {  	v20 =	vmov v21;
	v21 =	vmov v22;
	v1 =	vadd.f32 v5, v1;
	v5 =	vld.idx.msk [tilespmem:v37+s12+$0x0], $0xffff  }
0x72: {  	v22 =	vmovc v23;
	v23 =	vmovc v24;
	v24 =	vmov v25;
	v25 =	vmov v26;
	v26 =	vmov v28;
	v7 =	vld.idx.msk [tilespmem:v7+s2+$0x0], $0xffff  }
0x73: {  	v28 =	vmovc v29;
	v29 =	vmovc v32;
	v32 =	vmov v33;
	v33 =	vmov v38;
	v1 =	vadd.f32 v6, v1;
	v38 =	vld.idx.msk [tilespmem:v8+s2+$0x0], $0xffff  }
0x74: {  	v8 =	vld.idx.msk [tilespmem:v9+s2+$0x0], $0xffff  }
0x75: {  	v6 =	vld.idx.msk [tilespmem:v39+s12+$0x0], $0xffff;
	v1 =	vadd.f32 v4, v1  }
0x76: {  	v9 =	vld.idx.msk [tilespmem:v40+s12+$0x0], $0xffff  }
0x77: {  	v2 =	vld.idx.msk [tilespmem:v2+s2+$0x0], $0xffff;
	v1 =	vadd.f32 v7, v1  }
0x78: {  	v4 =	vld.idx.msk [tilespmem:v10+s2+$0x0], $0xffff  }
0x79: {  	v10 =	vld.idx.msk [tilespmem:v42+s12+$0x0], $0xffff;
	v1 =	vadd.f32 v38, v1  }
0x7a: {  	v3 =	vld.idx.msk [tilespmem:v3+s2+$0x0], $0xffff  }
0x7b: {  	v1 =	vadd.f32 v8, v1;
	v8 =	vld.idx.msk [tilespmem:v45+s12+$0x0], $0xffff  }
0x7c: {  	v7 =	vld.idx.msk [tilespmem:v11+s2+$0x0], $0xffff  }
0x7d: {  	v11 =	vld.idx.msk [tilespmem:v44+s12+$0x0], $0xffff;
	v1 =	vadd.f32 v2, v1  }
0x7e: {  	v5 =	vld.idx.msk [tilespmem:v5+s2+$0x0], $0xffff  }
0x7f: {  	v2 =	vld.idx.msk [tilespmem:v41+s12+$0x0], $0xffff;
	v1 =	vadd.f32 v4, v1  }
0x80: {  	v6 =	vld.idx.msk [tilespmem:v6+s2+$0x0], $0xffff  }
0x81: {  	v4 =	vld.idx.msk [tilespmem:v43+s12+$0x0], $0xffff;
	v1 =	vadd.f32 v3, v1  }
0x82: {  	v3 =	vld.idx.msk [tilespmem:v46+s12+$0x0], $0xffff  }
0x83: {  	v38 =	vmovc v39;
	v39 =	vmov v45;
	v45 =	vmov v46;
	v1 =	vadd.f32 v7, v1;
	v46 =	vld.idx.msk [tilespmem:v8+s2+$0x0], $0xffff  }
0x84: {  	v8 =	vld.idx.msk [tilespmem:v9+s2+$0x0], $0xffff  }
0x85: {  	v7 =	vld.idx.msk [tilespmem:v47+s12+$0x0], $0xffff;
	v1 =	vadd.f32 v5, v1  }
0x86: {  	v9 =	vld.idx.msk [tilespmem:v51+s12+$0x0], $0xffff  }
0x87: {  	v2 =	vld.idx.msk [tilespmem:v2+s2+$0x0], $0xffff;
	v1 =	vadd.f32 v6, v1  }
0x88: {  	v5 =	vld.idx.msk [tilespmem:v10+s2+$0x0], $0xffff  }
0x89: {  	v10 =	vld.idx.msk [tilespmem:v50+s12+$0x0], $0xffff;
	v1 =	vadd.f32 v46, v1  }
0x8a: {  	v4 =	vld.idx.msk [tilespmem:v4+s2+$0x0], $0xffff  }
0x8b: {  	v1 =	vadd.f32 v8, v1;
	v8 =	vld.idx.msk [tilespmem:v48+s12+$0x0], $0xffff  }
0x8c: {  	v6 =	vld.idx.msk [tilespmem:v11+s2+$0x0], $0xffff  }
0x8d: {  	v1 =	vadd.f32 v2, v1;
	v2 =	vld.idx.msk [tilespmem:v49+s12+$0x0], $0xffff  }
0x8e: {  	v11 =	vld.idx.msk [tilespmem:v52+s12+$0x0], $0xffff  }
0x8f: {  	v1 =	vadd.f32 v5, v1;
	v5 =	vld.idx.msk [tilespmem:v54+s12+$0x0], $0xffff  }
0x90: {  	v3 =	vld.idx.msk [tilespmem:v3+s2+$0x0], $0xffff  }
0x91: {  	v7 =	vld.idx.msk [tilespmem:v7+s2+$0x0], $0xffff;
	v1 =	vadd.f32 v4, v1  }
0x92: {  	v4 =	vld.idx.msk [tilespmem:v53+s12+$0x0], $0xffff  }
0x93: {  	v46 =	vmovc v47;
	v47 =	vmovc v48;
	v48 =	vmov v51;
	v51 =	vmov v54;
	v1 =	vadd.f32 v6, v1;
	v54 =	vld.idx.msk [tilespmem:v8+s2+$0x0], $0xffff  }
0x94: {  	v8 =	vld.idx.msk [tilespmem:v9+s2+$0x0], $0xffff  }
0x95: {  	v1 =	vadd.f32 v3, v1;
	v2 =	vld.idx.msk [tilespmem:v2+s2+$0x0], $0xffff  }
0x96: {  	v3 =	vld.idx.msk [tilespmem:v10+s2+$0x0], $0xffff  }
0x97: {  	v1 =	vadd.f32 v7, v1;
	v5 =	vld.idx.msk [tilespmem:v5+s2+$0x0], $0xffff  }
0x98: {  	v7 =	vld.idx.msk [tilespmem:v11+s2+$0x0], $0xffff  }
0x99: {  	v6 =	vld.idx.msk [tilespmem:v57+s12+$0x0], $0xffff;
	v1 =	vadd.f32 v54, v1  }
0x9a: {  	v9 =	vld.idx.msk [tilespmem:v56+s12+$0x0], $0xffff  }
0x9b: {  	v11 =	vld.idx.msk [tilespmem:v62+s12+$0x0], $0xffff;
	v1 =	vadd.f32 v8, v1  }
0x9c: {  	v8 =	vld.idx.msk [tilespmem:v55+s12+$0x0], $0xffff  }
0x9d: {  	v10 =	vld.idx.msk [tilespmem:v58+s12+$0x0], $0xffff;
	v1 =	vadd.f32 v2, v1  }
0x9e: {  	v14 =	vld [tilespmem:$0x1FEF0]  }
0x9f: {  	v4 =	vld.idx.msk [tilespmem:v4+s2+$0x0], $0xffff;
	v1 =	vadd.f32 v3, v1  }
0xa0: {  	v2 =	vld.idx.msk [tilespmem:v59+s12+$0x0], $0xffff  }
0xa1: {  	v3 =	vld.idx.msk [tilespmem:v60+s12+$0x0], $0xffff;
	v1 =	vadd.f32 v5, v1  }
0xa2: {  	v6 =	vld.idx.msk [tilespmem:v6+s2+$0x0], $0xffff  }
0xa3: {  	v54 =	vmovc v57;
	v57 =	vmov v59;
	v59 =	vmov v60;
	v60 =	vld.idx.msk [tilespmem:v11+s2+$0x0], $0xffff;
	v1 =	vadd.f32 v7, v1  }
0xa4: {  	v7 =	vld.idx.msk [tilespmem:v8+s2+$0x0], $0xffff  }
0xa5: {  	v5 =	vld.idx.msk [tilespmem:v0+s12+$0x0], $0xffff;
	v1 =	vadd.f32 v4, v1  }
0xa6: {  	v8 =	vld.idx.msk [tilespmem:v9+s2+$0x0], $0xffff;
	v9 =	vadd.s32 $0x3F, v61  }
0xa7: {  	v30 =	vmov v0;
	v0 =	vmov v63;
	v63 =	vld.idx.msk [tilespmem:v63+s12+$0x0], $0xffff;
	v1 =	vadd.f32 v6, v1  }
0xa8: {  	v2 =	vld.idx.msk [tilespmem:v2+s2+$0x0], $0xffff  }
0xa9: {  	v4 =	vld.idx.msk [tilespmem:v10+s2+$0x0], $0xffff;
	v10 =	vadd.s32 $0x40, v61;
	v1 =	vadd.f32 v7, v1  }
0xaa: {  	v13 =	vadd.s32 $0x41, v61;
	v3 =	vld.idx.msk [tilespmem:v3+s2+$0x0], $0xffff  }
0xab: {  	v11 =	vadd.s32 $0x42, v61;
	[tilespmem:$0x1F680] =	vst v9;
	v9 =	vld.idx.msk [tilespmem:v9+s12+$0x0], $0xffff;
	v1 =	vadd.f32 v8, v1  }
0xac: {  	v15 =	vadd.s32 $0x43, v61;
	v8 =	vld.idx.msk [tilespmem:v14+s12+$0x0], $0xffff  }
0xad: {  	v5 =	vld.idx.msk [tilespmem:v5+s2+$0x0], $0xffff;
	v1 =	vadd.f32 v2, v1  }
0xae: {  	v12 =	vadd.s32 $0x44, v61;
	v2 =	vld.idx.msk [tilespmem:v10+s12+$0x0], $0xffff  }
0xaf: {  	[tilespmem:$0x1F690] =	vst v10;
	v10 =	vld.idx.msk [tilespmem:v13+s12+$0x0], $0xffff;
	v1 =	vadd.f32 v4, v1  }
0xb0: {  	v4 =	vld.idx.msk [tilespmem:v11+s12+$0x0], $0xffff  }
0xb1: {  	[tilespmem:$0x1F6B0] =	vst v11;
	v11 =	vld.idx.msk [tilespmem:v15+s12+$0x0], $0xffff;
	v1 =	vadd.f32 v3, v1  }
0xb2: {  	v7 =	vld.idx.msk [tilespmem:v63+s2+$0x0], $0xffff  }
0xb3: {  	v3 =	vld.idx.msk [tilespmem:v12+s12+$0x0], $0xffff;
	v1 =	vadd.f32 v60, v1  }
0xb4: {  	v60 =	vld.idx.msk [tilespmem:v8+s2+$0x0], $0xffff  }
0xb5: {  	[tilespmem:$0x1F6D0] =	vst v12;
	v12 =	vadd.s32 $0x45, v61;
	v8 =	vld.idx.msk [tilespmem:v9+s2+$0x0], $0xffff;
	v1 =	vadd.f32 v5, v1  }
0xb6: {  	v2 =	vld.idx.msk [tilespmem:v2+s2+$0x0], $0xffff  }
0xb7: {  	v9 =	vadd.s32 $0x46, v61;
	v63 =	vld.idx.msk [tilespmem:v10+s2+$0x0], $0xffff;
	v1 =	vadd.f32 v7, v1  }
0xb8: {  	v10 =	vadd.s32 $0x47, v61;
	v4 =	vld.idx.msk [tilespmem:v4+s2+$0x0], $0xffff  }
0xb9: {  	[tilespmem:$0x1F6C0] =	vst v15;
	v15 =	vadd.s32 $0x48, v61;
	v7 =	vld.idx.msk [tilespmem:v11+s2+$0x0], $0xffff;
	v1 =	vadd.f32 v60, v1  }
0xba: {  	v18 =	vadd.s32 $0x49, v61;
	v60 =	vld.idx.msk [tilespmem:v12+s12+$0x0], $0xffff  }
0xbb: {  	v11 =	vadd.s32 $0x4A, v61;
	v3 =	vld.idx.msk [tilespmem:v3+s2+$0x0], $0xffff;
	v1 =	vadd.f32 v8, v1  }
0xbc: {  	[tilespmem:$0x1F6A0] =	vst v13;
	v13 =	vadd.s32 $0x4B, v61;
	v8 =	vld.idx.msk [tilespmem:v9+s12+$0x0], $0xffff  }
0xbd: {  	[tilespmem:$0x1F6F0] =	vst v9;
	v9 =	vld.idx.msk [tilespmem:v10+s12+$0x0], $0xffff;
	v1 =	vadd.f32 v2, v1  }
0xbe: {  	[tilespmem:$0x1F6E0] =	vst v12;
	v12 =	vadd.s32 $0x4C, v61;
	v2 =	vld.idx.msk [tilespmem:v15+s12+$0x0], $0xffff  }
0xbf: {  	[tilespmem:$0x1F700] =	vst v10;
	v10 =	vld.idx.msk [tilespmem:v18+s12+$0x0], $0xffff;
	v1 =	vadd.f32 v63, v1  }
0xc0: {  	v63 =	vld.idx.msk [tilespmem:v11+s12+$0x0], $0xffff  }
0xc1: {  	[tilespmem:$0x1F730] =	vst v11;
	v11 =	vld.idx.msk [tilespmem:v13+s12+$0x0], $0xffff;
	v1 =	vadd.f32 v4, v1  }
0xc2: {  	v6 =	vld.idx.msk [tilespmem:v60+s2+$0x0], $0xffff  }
0xc3: {  	v4 =	vld.idx.msk [tilespmem:v12+s12+$0x0], $0xffff;
	v1 =	vadd.f32 v7, v1  }
0xc4: {  	v60 =	vld.idx.msk [tilespmem:v8+s2+$0x0], $0xffff  }
0xc5: {  	[tilespmem:$0x1F750] =	vst v12;
	v12 =	vadd.s32 $0x4D, v61;
	v8 =	vld.idx.msk [tilespmem:v9+s2+$0x0], $0xffff;
	v1 =	vadd.f32 v3, v1  }
0xc6: {  	v2 =	vld.idx.msk [tilespmem:v2+s2+$0x0], $0xffff  }
0xc7: {  	v9 =	vadd.s32 $0x4E, v61;
	v3 =	vld.idx.msk [tilespmem:v10+s2+$0x0], $0xffff;
	v1 =	vadd.f32 v6, v1  }
0xc8: {  	v10 =	vadd.s32 $0x4F, v61;
	v5 =	vld.idx.msk [tilespmem:v63+s2+$0x0], $0xffff  }
0xc9: {  	[tilespmem:$0x1F710] =	vst v15;
	v15 =	vadd.s32 $0x50, v61;
	v63 =	vld.idx.msk [tilespmem:v11+s2+$0x0], $0xffff;
	v1 =	vadd.f32 v60, v1  }
0xca: {  	[tilespmem:$0x1F720] =	vst v18;
	v18 =	vadd.s32 $0x51, v61;
	v60 =	vld.idx.msk [tilespmem:v12+s12+$0x0], $0xffff  }
0xcb: {  	v11 =	vadd.s32 $0x52, v61;
	v4 =	vld.idx.msk [tilespmem:v4+s2+$0x0], $0xffff;
	v1 =	vadd.f32 v8, v1  }
0xcc: {  	[tilespmem:$0x1F740] =	vst v13;
	v13 =	vadd.s32 $0x53, v61;
	v8 =	vld.idx.msk [tilespmem:v9+s12+$0x0], $0xffff  }
0xcd: {  	[tilespmem:$0x1F770] =	vst v9;
	v9 =	vld.idx.msk [tilespmem:v10+s12+$0x0], $0xffff;
	v1 =	vadd.f32 v2, v1  }
0xce: {  	[tilespmem:$0x1F760] =	vst v12;
	v12 =	vadd.s32 $0x54, v61;
	v2 =	vld.idx.msk [tilespmem:v15+s12+$0x0], $0xffff  }
0xcf: {  	[tilespmem:$0x1F780] =	vst v10;
	v10 =	vld.idx.msk [tilespmem:v18+s12+$0x0], $0xffff;
	v1 =	vadd.f32 v3, v1  }
0xd0: {  	v3 =	vld.idx.msk [tilespmem:v11+s12+$0x0], $0xffff  }
0xd1: {  	[tilespmem:$0x1F7B0] =	vst v11;
	v11 =	vld.idx.msk [tilespmem:v13+s12+$0x0], $0xffff;
	v1 =	vadd.f32 v5, v1  }
0xd2: {  	v7 =	vld.idx.msk [tilespmem:v60+s2+$0x0], $0xffff  }
0xd3: {  	v5 =	vld.idx.msk [tilespmem:v12+s12+$0x0], $0xffff;
	v1 =	vadd.f32 v63, v1  }
0xd4: {  	v63 =	vld.idx.msk [tilespmem:v8+s2+$0x0], $0xffff  }
0xd5: {  	[tilespmem:$0x1F7D0] =	vst v12;
	v12 =	vadd.s32 $0x55, v61;
	v8 =	vld.idx.msk [tilespmem:v9+s2+$0x0], $0xffff;
	v1 =	vadd.f32 v4, v1  }
0xd6: {  	v2 =	vld.idx.msk [tilespmem:v2+s2+$0x0], $0xffff  }
0xd7: {  	v9 =	vadd.s32 $0x56, v61;
	v4 =	vld.idx.msk [tilespmem:v10+s2+$0x0], $0xffff;
	v1 =	vadd.f32 v7, v1  }
0xd8: {  	v10 =	vadd.s32 $0x57, v61;
	v3 =	vld.idx.msk [tilespmem:v3+s2+$0x0], $0xffff  }
0xd9: {  	[tilespmem:$0x1F7A0] =	vst v18;
	v18 =	vadd.s32 $0x59, v61;
	v60 =	vld.idx.msk [tilespmem:v11+s2+$0x0], $0xffff;
	v1 =	vadd.f32 v63, v1  }
0xda: {  	[tilespmem:$0x1F790] =	vst v15;
	v15 =	vadd.s32 $0x58, v61;
	v63 =	vld.idx.msk [tilespmem:v12+s12+$0x0], $0xffff  }
0xdb: {  	[tilespmem:$0x1F7C0] =	vst v13;
	v11 =	vadd.s32 $0x5A, v61;
	v5 =	vld.idx.msk [tilespmem:v5+s2+$0x0], $0xffff;
	v1 =	vadd.f32 v8, v1  }
0xdc: {  	v13 =	vadd.s32 $0x5B, v61;
	[tilespmem:$0x1F7E0] =	vst v12;
	v8 =	vld.idx.msk [tilespmem:v9+s12+$0x0], $0xffff  }
0xdd: {  	[tilespmem:$0x1F7F0] =	vst v9;
	v9 =	vld.idx.msk [tilespmem:v10+s12+$0x0], $0xffff;
	v1 =	vadd.f32 v2, v1  }
0xde: {  	[tilespmem:$0x1F800] =	vst v10;
	v12 =	vadd.s32 $0x5C, v61;
	v10 =	vld.idx.msk [tilespmem:v18+s12+$0x0], $0xffff  }
0xdf: {  	v2 =	vld.idx.msk [tilespmem:v15+s12+$0x0], $0xffff;
	v1 =	vadd.f32 v4, v1  }
0xe0: {  	v4 =	vld.idx.msk [tilespmem:v11+s12+$0x0], $0xffff  }
0xe1: {  	[tilespmem:$0x1F830] =	vst v11;
	v11 =	vld.idx.msk [tilespmem:v13+s12+$0x0], $0xffff;
	v1 =	vadd.f32 v3, v1  }
0xe2: {  	v6 =	vld.idx.msk [tilespmem:v63+s2+$0x0], $0xffff  }
0xe3: {  	v3 =	vld.idx.msk [tilespmem:v12+s12+$0x0], $0xffff;
	v1 =	vadd.f32 v60, v1  }
0xe4: {  	v60 =	vld.idx.msk [tilespmem:v8+s2+$0x0], $0xffff  }
0xe5: {  	[tilespmem:$0x1F850] =	vst v12;
	v12 =	vadd.s32 $0x5D, v61;
	v8 =	vld.idx.msk [tilespmem:v9+s2+$0x0], $0xffff;
	v1 =	vadd.f32 v5, v1  }
0xe6: {  	v63 =	vld.idx.msk [tilespmem:v10+s2+$0x0], $0xffff  }
0xe7: {  	v9 =	vadd.s32 $0x5E, v61;
	v2 =	vld.idx.msk [tilespmem:v2+s2+$0x0], $0xffff;
	v1 =	vadd.f32 v6, v1  }
0xe8: {  	v10 =	vadd.s32 $0x5F, v61;
	v4 =	vld.idx.msk [tilespmem:v4+s2+$0x0], $0xffff  }
0xe9: {  	[tilespmem:$0x1F810] =	vst v15;
	v15 =	vadd.s32 $0x60, v61;
	v6 =	vld.idx.msk [tilespmem:v11+s2+$0x0], $0xffff;
	v1 =	vadd.f32 v60, v1  }
0xea: {  	[tilespmem:$0x1F820] =	vst v18;
	v18 =	vadd.s32 $0x61, v61;
	v60 =	vld.idx.msk [tilespmem:v12+s12+$0x0], $0xffff  }
0xeb: {  	v11 =	vadd.s32 $0x62, v61;
	v3 =	vld.idx.msk [tilespmem:v3+s2+$0x0], $0xffff;
	v1 =	vadd.f32 v8, v1  }
0xec: {  	[tilespmem:$0x1F840] =	vst v13;
	v13 =	vadd.s32 $0x63, v61;
	v8 =	vld.idx.msk [tilespmem:v9+s12+$0x0], $0xffff  }
0xed: {  	[tilespmem:$0x1F870] =	vst v9;
	v9 =	vld.idx.msk [tilespmem:v10+s12+$0x0], $0xffff;
	v1 =	vadd.f32 v2, v1  }
0xee: {  	[tilespmem:$0x1F860] =	vst v12;
	v12 =	vadd.s32 $0x64, v61;
	v2 =	vld.idx.msk [tilespmem:v15+s12+$0x0], $0xffff  }
0xef: {  	[tilespmem:$0x1F880] =	vst v10;
	v10 =	vld.idx.msk [tilespmem:v18+s12+$0x0], $0xffff;
	v1 =	vadd.f32 v63, v1  }
0xf0: {  	v63 =	vld.idx.msk [tilespmem:v11+s12+$0x0], $0xffff  }
0xf1: {  	[tilespmem:$0x1F8B0] =	vst v11;
	v11 =	vld.idx.msk [tilespmem:v13+s12+$0x0], $0xffff;
	v1 =	vadd.f32 v4, v1  }
0xf2: {  	v7 =	vld.idx.msk [tilespmem:v60+s2+$0x0], $0xffff  }
0xf3: {  	v4 =	vld.idx.msk [tilespmem:v12+s12+$0x0], $0xffff;
	v1 =	vadd.f32 v6, v1  }
0xf4: {  	v60 =	vld.idx.msk [tilespmem:v8+s2+$0x0], $0xffff  }
0xf5: {  	[tilespmem:$0x1F8D0] =	vst v12;
	v12 =	vadd.s32 $0x65, v61;
	v8 =	vld.idx.msk [tilespmem:v9+s2+$0x0], $0xffff;
	v1 =	vadd.f32 v3, v1  }
0xf6: {  	v2 =	vld.idx.msk [tilespmem:v2+s2+$0x0], $0xffff  }
0xf7: {  	v9 =	vadd.s32 $0x66, v61;
	v3 =	vld.idx.msk [tilespmem:v10+s2+$0x0], $0xffff;
	v1 =	vadd.f32 v7, v1  }
0xf8: {  	v10 =	vadd.s32 $0x67, v61;
	v5 =	vld.idx.msk [tilespmem:v63+s2+$0x0], $0xffff  }
0xf9: {  	[tilespmem:$0x1F890] =	vst v15;
	v15 =	vadd.s32 $0x68, v61;
	v63 =	vld.idx.msk [tilespmem:v11+s2+$0x0], $0xffff;
	v1 =	vadd.f32 v60, v1  }
0xfa: {  	[tilespmem:$0x1F8A0] =	vst v18;
	v18 =	vadd.s32 $0x69, v61;
	v60 =	vld.idx.msk [tilespmem:v12+s12+$0x0], $0xffff  }
0xfb: {  	v11 =	vadd.s32 $0x6A, v61;
	v4 =	vld.idx.msk [tilespmem:v4+s2+$0x0], $0xffff;
	v1 =	vadd.f32 v8, v1  }
0xfc: {  	[tilespmem:$0x1F8C0] =	vst v13;
	v13 =	vadd.s32 $0x6B, v61;
	v8 =	vld.idx.msk [tilespmem:v9+s12+$0x0], $0xffff  }
0xfd: {  	[tilespmem:$0x1F8F0] =	vst v9;
	v9 =	vld.idx.msk [tilespmem:v10+s12+$0x0], $0xffff;
	v1 =	vadd.f32 v2, v1  }
0xfe: {  	[tilespmem:$0x1F8E0] =	vst v12;
	v12 =	vadd.s32 $0x6C, v61;
	v2 =	vld.idx.msk [tilespmem:v15+s12+$0x0], $0xffff  }
0xff: {  	[tilespmem:$0x1F900] =	vst v10;
	v10 =	vld.idx.msk [tilespmem:v18+s12+$0x0], $0xffff;
	v1 =	vadd.f32 v3, v1  }
0x100: {  	v3 =	vld.idx.msk [tilespmem:v11+s12+$0x0], $0xffff  }
0x101: {  	[tilespmem:$0x1F930] =	vst v11;
	v11 =	vld.idx.msk [tilespmem:v13+s12+$0x0], $0xffff;
	v1 =	vadd.f32 v5, v1  }
0x102: {  	v6 =	vld.idx.msk [tilespmem:v60+s2+$0x0], $0xffff  }
0x103: {  	v5 =	vld.idx.msk [tilespmem:v12+s12+$0x0], $0xffff;
	v1 =	vadd.f32 v63, v1  }
0x104: {  	v63 =	vld.idx.msk [tilespmem:v8+s2+$0x0], $0xffff  }
0x105: {  	[tilespmem:$0x1F950] =	vst v12;
	v12 =	vadd.s32 $0x6D, v61;
	v8 =	vld.idx.msk [tilespmem:v9+s2+$0x0], $0xffff;
	v1 =	vadd.f32 v4, v1  }
0x106: {  	v2 =	vld.idx.msk [tilespmem:v2+s2+$0x0], $0xffff  }
0x107: {  	v9 =	vadd.s32 $0x6E, v61;
	v4 =	vld.idx.msk [tilespmem:v10+s2+$0x0], $0xffff;
	v1 =	vadd.f32 v6, v1  }
0x108: {  	v10 =	vadd.s32 $0x6F, v61;
	v3 =	vld.idx.msk [tilespmem:v3+s2+$0x0], $0xffff  }
0x109: {  	[tilespmem:$0x1F920] =	vst v18;
	v18 =	vadd.s32 $0x71, v61;
	v60 =	vld.idx.msk [tilespmem:v11+s2+$0x0], $0xffff;
	v1 =	vadd.f32 v63, v1  }
0x10a: {  	[tilespmem:$0x1F910] =	vst v15;
	v15 =	vadd.s32 $0x70, v61;
	v63 =	vld.idx.msk [tilespmem:v12+s12+$0x0], $0xffff  }
0x10b: {  	[tilespmem:$0x1F940] =	vst v13;
	v11 =	vadd.s32 $0x72, v61;
	v5 =	vld.idx.msk [tilespmem:v5+s2+$0x0], $0xffff;
	v1 =	vadd.f32 v8, v1  }
0x10c: {  	v13 =	vadd.s32 $0x73, v61;
	[tilespmem:$0x1F960] =	vst v12;
	v8 =	vld.idx.msk [tilespmem:v9+s12+$0x0], $0xffff  }
0x10d: {  	[tilespmem:$0x1F970] =	vst v9;
	v9 =	vld.idx.msk [tilespmem:v10+s12+$0x0], $0xffff;
	v1 =	vadd.f32 v2, v1  }
0x10e: {  	[tilespmem:$0x1F980] =	vst v10;
	v12 =	vadd.s32 $0x74, v61;
	v10 =	vld.idx.msk [tilespmem:v18+s12+$0x0], $0xffff  }
0x10f: {  	v2 =	vld.idx.msk [tilespmem:v15+s12+$0x0], $0xffff;
	v1 =	vadd.f32 v4, v1  }
0x110: {  	v4 =	vld.idx.msk [tilespmem:v11+s12+$0x0], $0xffff  }
0x111: {  	[tilespmem:$0x1F9B0] =	vst v11;
	v11 =	vld.idx.msk [tilespmem:v13+s12+$0x0], $0xffff;
	v1 =	vadd.f32 v3, v1  }
0x112: {  	v7 =	vld.idx.msk [tilespmem:v63+s2+$0x0], $0xffff  }
0x113: {  	v3 =	vld.idx.msk [tilespmem:v12+s12+$0x0], $0xffff;
	v1 =	vadd.f32 v60, v1  }
0x114: {  	v60 =	vld.idx.msk [tilespmem:v8+s2+$0x0], $0xffff  }
0x115: {  	[tilespmem:$0x1F9D0] =	vst v12;
	v12 =	vadd.s32 $0x75, v61;
	v8 =	vld.idx.msk [tilespmem:v9+s2+$0x0], $0xffff;
	v1 =	vadd.f32 v5, v1  }
0x116: {  	v63 =	vld.idx.msk [tilespmem:v10+s2+$0x0], $0xffff  }
0x117: {  	v9 =	vadd.s32 $0x76, v61;
	v2 =	vld.idx.msk [tilespmem:v2+s2+$0x0], $0xffff;
	v1 =	vadd.f32 v7, v1  }
0x118: {  	v10 =	vadd.s32 $0x77, v61;
	v4 =	vld.idx.msk [tilespmem:v4+s2+$0x0], $0xffff  }
0x119: {  	[tilespmem:$0x1F990] =	vst v15;
	v15 =	vadd.s32 $0x78, v61;
	v7 =	vld.idx.msk [tilespmem:v11+s2+$0x0], $0xffff;
	v1 =	vadd.f32 v60, v1  }
0x11a: {  	[tilespmem:$0x1F9A0] =	vst v18;
	v18 =	vadd.s32 $0x79, v61;
	v60 =	vld.idx.msk [tilespmem:v12+s12+$0x0], $0xffff  }
0x11b: {  	v11 =	vadd.s32 $0x7A, v61;
	v3 =	vld.idx.msk [tilespmem:v3+s2+$0x0], $0xffff;
	v1 =	vadd.f32 v8, v1  }
0x11c: {  	[tilespmem:$0x1F9C0] =	vst v13;
	v13 =	vadd.s32 $0x7B, v61;
	v8 =	vld.idx.msk [tilespmem:v9+s12+$0x0], $0xffff  }
0x11d: {  	[tilespmem:$0x1F9F0] =	vst v9;
	v9 =	vld.idx.msk [tilespmem:v10+s12+$0x0], $0xffff;
	v1 =	vadd.f32 v2, v1  }
0x11e: {  	[tilespmem:$0x1F9E0] =	vst v12;
	v12 =	vadd.s32 $0x7C, v61;
	v2 =	vld.idx.msk [tilespmem:v15+s12+$0x0], $0xffff  }
0x11f: {  	[tilespmem:$0x1FA00] =	vst v10;
	v10 =	vld.idx.msk [tilespmem:v18+s12+$0x0], $0xffff;
	v1 =	vadd.f32 v63, v1  }
0x120: {  	v63 =	vld.idx.msk [tilespmem:v11+s12+$0x0], $0xffff  }
0x121: {  	[tilespmem:$0x1FA30] =	vst v11;
	v11 =	vld.idx.msk [tilespmem:v13+s12+$0x0], $0xffff;
	v1 =	vadd.f32 v4, v1  }
0x122: {  	v6 =	vld.idx.msk [tilespmem:v60+s2+$0x0], $0xffff  }
0x123: {  	v4 =	vld.idx.msk [tilespmem:v12+s12+$0x0], $0xffff;
	v1 =	vadd.f32 v7, v1  }
0x124: {  	v60 =	vld.idx.msk [tilespmem:v8+s2+$0x0], $0xffff  }
0x125: {  	[tilespmem:$0x1FA50] =	vst v12;
	v12 =	vadd.s32 $0x7D, v61;
	v8 =	vld.idx.msk [tilespmem:v9+s2+$0x0], $0xffff;
	v1 =	vadd.f32 v3, v1  }
0x126: {  	v2 =	vld.idx.msk [tilespmem:v2+s2+$0x0], $0xffff  }
0x127: {  	v9 =	vadd.s32 $0x7E, v61;
	v3 =	vld.idx.msk [tilespmem:v10+s2+$0x0], $0xffff;
	v1 =	vadd.f32 v6, v1  }
0x128: {  	v10 =	vadd.s32 $0x7F, v61;
	v5 =	vld.idx.msk [tilespmem:v63+s2+$0x0], $0xffff  }
0x129: {  	[tilespmem:$0x1FA10] =	vst v15;
	v15 =	vadd.s32 $0x80, v61;
	v63 =	vld.idx.msk [tilespmem:v11+s2+$0x0], $0xffff;
	v1 =	vadd.f32 v60, v1  }
0x12a: {  	[tilespmem:$0x1FA20] =	vst v18;
	v18 =	vadd.s32 $0x81, v61;
	v60 =	vld.idx.msk [tilespmem:v12+s12+$0x0], $0xffff  }
0x12b: {  	v11 =	vadd.s32 $0x82, v61;
	v4 =	vld.idx.msk [tilespmem:v4+s2+$0x0], $0xffff;
	v1 =	vadd.f32 v8, v1  }
0x12c: {  	[tilespmem:$0x1FA40] =	vst v13;
	v13 =	vadd.s32 $0x83, v61;
	v8 =	vld.idx.msk [tilespmem:v9+s12+$0x0], $0xffff  }
0x12d: {  	[tilespmem:$0x1FA70] =	vst v9;
	v9 =	vld.idx.msk [tilespmem:v10+s12+$0x0], $0xffff;
	v1 =	vadd.f32 v2, v1  }
0x12e: {  	[tilespmem:$0x1FA60] =	vst v12;
	v12 =	vadd.s32 $0x84, v61;
	v2 =	vld.idx.msk [tilespmem:v15+s12+$0x0], $0xffff  }
0x12f: {  	[tilespmem:$0x1FA80] =	vst v10;
	v10 =	vld.idx.msk [tilespmem:v18+s12+$0x0], $0xffff;
	v1 =	vadd.f32 v3, v1  }
0x130: {  	v3 =	vld.idx.msk [tilespmem:v11+s12+$0x0], $0xffff  }
0x131: {  	[tilespmem:$0x1FAB0] =	vst v11;
	v11 =	vld.idx.msk [tilespmem:v13+s12+$0x0], $0xffff;
	v1 =	vadd.f32 v5, v1  }
0x132: {  	v7 =	vld.idx.msk [tilespmem:v60+s2+$0x0], $0xffff  }
0x133: {  	v5 =	vld.idx.msk [tilespmem:v12+s12+$0x0], $0xffff;
	v1 =	vadd.f32 v63, v1  }
0x134: {  	v63 =	vld.idx.msk [tilespmem:v8+s2+$0x0], $0xffff  }
0x135: {  	[tilespmem:$0x1FAD0] =	vst v12;
	v12 =	vadd.s32 $0x85, v61;
	v8 =	vld.idx.msk [tilespmem:v9+s2+$0x0], $0xffff;
	v1 =	vadd.f32 v4, v1  }
0x136: {  	v2 =	vld.idx.msk [tilespmem:v2+s2+$0x0], $0xffff  }
0x137: {  	v9 =	vadd.s32 $0x86, v61;
	v4 =	vld.idx.msk [tilespmem:v10+s2+$0x0], $0xffff;
	v1 =	vadd.f32 v7, v1  }
0x138: {  	v10 =	vadd.s32 $0x87, v61;
	v3 =	vld.idx.msk [tilespmem:v3+s2+$0x0], $0xffff  }
0x139: {  	[tilespmem:$0x1FAA0] =	vst v18;
	v18 =	vadd.s32 $0x89, v61;
	v60 =	vld.idx.msk [tilespmem:v11+s2+$0x0], $0xffff;
	v1 =	vadd.f32 v63, v1  }
0x13a: {  	[tilespmem:$0x1FA90] =	vst v15;
	v15 =	vadd.s32 $0x88, v61;
	v63 =	vld.idx.msk [tilespmem:v12+s12+$0x0], $0xffff  }
0x13b: {  	[tilespmem:$0x1FAC0] =	vst v13;
	v11 =	vadd.s32 $0x8A, v61;
	v5 =	vld.idx.msk [tilespmem:v5+s2+$0x0], $0xffff;
	v1 =	vadd.f32 v8, v1  }
0x13c: {  	v13 =	vadd.s32 $0x8B, v61;
	[tilespmem:$0x1FAE0] =	vst v12;
	v8 =	vld.idx.msk [tilespmem:v9+s12+$0x0], $0xffff  }
0x13d: {  	[tilespmem:$0x1FAF0] =	vst v9;
	v9 =	vld.idx.msk [tilespmem:v10+s12+$0x0], $0xffff;
	v1 =	vadd.f32 v2, v1  }
0x13e: {  	[tilespmem:$0x1FB00] =	vst v10;
	v12 =	vadd.s32 $0x8C, v61;
	v10 =	vld.idx.msk [tilespmem:v18+s12+$0x0], $0xffff  }
0x13f: {  	v2 =	vld.idx.msk [tilespmem:v15+s12+$0x0], $0xffff;
	v1 =	vadd.f32 v4, v1  }
0x140: {  	v4 =	vld.idx.msk [tilespmem:v11+s12+$0x0], $0xffff  }
0x141: {  	[tilespmem:$0x1FB30] =	vst v11;
	v11 =	vld.idx.msk [tilespmem:v13+s12+$0x0], $0xffff;
	v1 =	vadd.f32 v3, v1  }
0x142: {  	v6 =	vld.idx.msk [tilespmem:v63+s2+$0x0], $0xffff  }
0x143: {  	v3 =	vld.idx.msk [tilespmem:v12+s12+$0x0], $0xffff;
	v1 =	vadd.f32 v60, v1  }
0x144: {  	v60 =	vld.idx.msk [tilespmem:v8+s2+$0x0], $0xffff  }
0x145: {  	[tilespmem:$0x1FB50] =	vst v12;
	v12 =	vadd.s32 $0x8D, v61;
	v8 =	vld.idx.msk [tilespmem:v9+s2+$0x0], $0xffff;
	v1 =	vadd.f32 v5, v1  }
0x146: {  	v63 =	vld.idx.msk [tilespmem:v10+s2+$0x0], $0xffff  }
0x147: {  	v9 =	vadd.s32 $0x8E, v61;
	v2 =	vld.idx.msk [tilespmem:v2+s2+$0x0], $0xffff;
	v1 =	vadd.f32 v6, v1  }
0x148: {  	v10 =	vadd.s32 $0x8F, v61;
	v4 =	vld.idx.msk [tilespmem:v4+s2+$0x0], $0xffff  }
0x149: {  	[tilespmem:$0x1FB10] =	vst v15;
	v15 =	vadd.s32 $0x90, v61;
	v6 =	vld.idx.msk [tilespmem:v11+s2+$0x0], $0xffff;
	v1 =	vadd.f32 v60, v1  }
0x14a: {  	[tilespmem:$0x1FB20] =	vst v18;
	v18 =	vadd.s32 $0x91, v61;
	v60 =	vld.idx.msk [tilespmem:v12+s12+$0x0], $0xffff  }
0x14b: {  	v11 =	vadd.s32 $0x92, v61;
	v3 =	vld.idx.msk [tilespmem:v3+s2+$0x0], $0xffff;
	v1 =	vadd.f32 v8, v1  }
0x14c: {  	[tilespmem:$0x1FB40] =	vst v13;
	v13 =	vadd.s32 $0x93, v61;
	v8 =	vld.idx.msk [tilespmem:v9+s12+$0x0], $0xffff  }
0x14d: {  	[tilespmem:$0x1FB70] =	vst v9;
	v9 =	vld.idx.msk [tilespmem:v10+s12+$0x0], $0xffff;
	v1 =	vadd.f32 v2, v1  }
0x14e: {  	[tilespmem:$0x1FB60] =	vst v12;
	v12 =	vadd.s32 $0x94, v61;
	v2 =	vld.idx.msk [tilespmem:v15+s12+$0x0], $0xffff  }
0x14f: {  	[tilespmem:$0x1FB80] =	vst v10;
	v10 =	vld.idx.msk [tilespmem:v18+s12+$0x0], $0xffff;
	v1 =	vadd.f32 v63, v1  }
0x150: {  	v63 =	vld.idx.msk [tilespmem:v11+s12+$0x0], $0xffff  }
0x151: {  	[tilespmem:$0x1FBB0] =	vst v11;
	v11 =	vld.idx.msk [tilespmem:v13+s12+$0x0], $0xffff;
	v1 =	vadd.f32 v4, v1  }
0x152: {  	v7 =	vld.idx.msk [tilespmem:v60+s2+$0x0], $0xffff  }
0x153: {  	v4 =	vld.idx.msk [tilespmem:v12+s12+$0x0], $0xffff;
	v1 =	vadd.f32 v6, v1  }
0x154: {  	v60 =	vld.idx.msk [tilespmem:v8+s2+$0x0], $0xffff  }
0x155: {  	[tilespmem:$0x1FBD0] =	vst v12;
	v12 =	vadd.s32 $0x95, v61;
	v8 =	vld.idx.msk [tilespmem:v9+s2+$0x0], $0xffff;
	v1 =	vadd.f32 v3, v1  }
0x156: {  	v2 =	vld.idx.msk [tilespmem:v2+s2+$0x0], $0xffff  }
0x157: {  	v9 =	vadd.s32 $0x96, v61;
	v3 =	vld.idx.msk [tilespmem:v10+s2+$0x0], $0xffff;
	v1 =	vadd.f32 v7, v1  }
0x158: {  	v10 =	vadd.s32 $0x97, v61;
	v5 =	vld.idx.msk [tilespmem:v63+s2+$0x0], $0xffff  }
0x159: {  	[tilespmem:$0x1FBA0] =	vst v18;
	v18 =	vadd.s32 $0x99, v61;
	v63 =	vld.idx.msk [tilespmem:v11+s2+$0x0], $0xffff;
	v1 =	vadd.f32 v60, v1  }
0x15a: {  	[tilespmem:$0x1FB90] =	vst v15;
	v15 =	vadd.s32 $0x98, v61;
	v60 =	vld.idx.msk [tilespmem:v12+s12+$0x0], $0xffff  }
0x15b: {  	v11 =	vadd.s32 $0x9A, v61;
	v4 =	vld.idx.msk [tilespmem:v4+s2+$0x0], $0xffff;
	v1 =	vadd.f32 v8, v1  }
0x15c: {  	[tilespmem:$0x1FBC0] =	vst v13;
	v13 =	vadd.s32 $0x9B, v61;
	v8 =	vld.idx.msk [tilespmem:v9+s12+$0x0], $0xffff  }
0x15d: {  	[tilespmem:$0x1FBF0] =	vst v9;
	v9 =	vld.idx.msk [tilespmem:v10+s12+$0x0], $0xffff;
	v1 =	vadd.f32 v2, v1  }
0x15e: {  	[tilespmem:$0x1FC00] =	vst v10;
	v10 =	vld.idx.msk [tilespmem:v18+s12+$0x0], $0xffff  }
0x15f: {  	v2 =	vld.idx.msk [tilespmem:v15+s12+$0x0], $0xffff;
	v1 =	vadd.f32 v3, v1  }
0x160: {  	[tilespmem:$0x1FBE0] =	vst v12;
	v3 =	vld.idx.msk [tilespmem:v11+s12+$0x0], $0xffff  }
0x161: {  	[tilespmem:$0x1FC30] =	vst v11;
	v12 =	vadd.s32 $0x9C, v61;
	v11 =	vld.idx.msk [tilespmem:v13+s12+$0x0], $0xffff;
	v1 =	vadd.f32 v5, v1  }
0x162: {  	v6 =	vld.idx.msk [tilespmem:v60+s2+$0x0], $0xffff  }
0x163: {  	v1 =	vadd.f32 v63, v1  }
0x164: {  	v63 =	vld.idx.msk [tilespmem:v8+s2+$0x0], $0xffff  }
0x165: {  	v8 =	vld.idx.msk [tilespmem:v9+s2+$0x0], $0xffff;
	v9 =	vadd.s32 $0x9D, v61;
	v1 =	vadd.f32 v4, v1  }
0x166: {  	v5 =	vld.idx.msk [tilespmem:v12+s12+$0x0], $0xffff  }
0x167: {  	v60 =	vld.idx.msk [tilespmem:v10+s2+$0x0], $0xffff;
	v10 =	vadd.s32 $0x9E, v61;
	v1 =	vadd.f32 v6, v1  }
0x168: {  	v2 =	vld.idx.msk [tilespmem:v2+s2+$0x0], $0xffff  }
0x169: {  	v6 =	vld.idx.msk [tilespmem:v11+s2+$0x0], $0xffff;
	v11 =	vadd.s32 $0x9F, v61;
	v1 =	vadd.f32 v63, v1  }
0x16a: {  	[tilespmem:$0x1FC60] =	vst v9;
	v63 =	vld.idx.msk [tilespmem:v9+s12+$0x0], $0xffff;
	v9 =	vadd.s32 $0xA0, v61  }
0x16b: {  	v3 =	vld.idx.msk [tilespmem:v3+s2+$0x0], $0xffff;
	v1 =	vadd.f32 v8, v1  }
0x16c: {  	[tilespmem:$0x1FC70] =	vst v10;
	v8 =	vld.idx.msk [tilespmem:v10+s12+$0x0], $0xffff;
	v10 =	vadd.s32 $0xA1, v61  }
0x16d: {  	v1 =	vadd.f32 v2, v1  }
0x16e: {  	[tilespmem:$0x1FC80] =	vst v11;
	v2 =	vld.idx.msk [tilespmem:v11+s12+$0x0], $0xffff;
	v11 =	vadd.s32 $0xA2, v61  }
0x16f: {  	v1 =	vadd.f32 v60, v1;
	v60 =	vld.idx.msk [tilespmem:v9+s12+$0x0], $0xffff  }
0x170: {  	v5 =	vld.idx.msk [tilespmem:v5+s2+$0x0], $0xffff;
	[tilespmem:$0x1FC90] =	vst v9;
	v9 =	vadd.s32 $0xA3, v61  }
0x171: {  	v1 =	vadd.f32 v3, v1;
	v3 =	vld.idx.msk [tilespmem:v10+s12+$0x0], $0xffff  }
0x172: {  	v7 =	vld.idx.msk [tilespmem:v63+s2+$0x0], $0xffff  }
0x173: {  	[tilespmem:$0x1FCA0] =	vst v10;
	v10 =	vadd.s32 $0xA4, v61;
	v1 =	vadd.f32 v6, v1;
	v6 =	vld.idx.msk [tilespmem:v11+s12+$0x0], $0xffff  }
0x174: {  	v8 =	vld.idx.msk [tilespmem:v8+s2+$0x0], $0xffff  }
0x175: {  	[tilespmem:$0x1FCC0] =	vst v9;
	v63 =	vld.idx.msk [tilespmem:v9+s12+$0x0], $0xffff;
	v9 =	vadd.s32 $0xA5, v61;
	v1 =	vadd.f32 v5, v1  }
0x176: {  	v2 =	vld.idx.msk [tilespmem:v2+s2+$0x0], $0xffff  }
0x177: {  	[tilespmem:$0x1FCB0] =	vst v11;
	v11 =	vadd.s32 $0xA6, v61;
	v1 =	vadd.f32 v7, v1;
	v4 =	vld.idx.msk [tilespmem:v60+s2+$0x0], $0xffff  }
0x178: {  	v60 =	vld.idx.msk [tilespmem:v10+s12+$0x0], $0xffff  }
0x179: {  	[tilespmem:$0x1FCD0] =	vst v10;
	v10 =	vadd.s32 $0xA7, v61;
	v1 =	vadd.f32 v8, v1;
	v3 =	vld.idx.msk [tilespmem:v3+s2+$0x0], $0xffff  }
0x17a: {  	[tilespmem:$0x1FCE0] =	vst v9;
	v8 =	vld.idx.msk [tilespmem:v9+s12+$0x0], $0xffff;
	v9 =	vadd.s32 $0xA8, v61  }
0x17b: {  	v1 =	vadd.f32 v2, v1;
	v2 =	vld.idx.msk [tilespmem:v6+s2+$0x0], $0xffff  }
0x17c: {  	[tilespmem:$0x1FCF0] =	vst v11;
	v6 =	vld.idx.msk [tilespmem:v11+s12+$0x0], $0xffff;
	v11 =	vadd.s32 $0xA9, v61  }
0x17d: {  	v63 =	vld.idx.msk [tilespmem:v63+s2+$0x0], $0xffff;
	v1 =	vadd.f32 v4, v1  }
0x17e: {  	[tilespmem:$0x1FD00] =	vst v10;
	v5 =	vld.idx.msk [tilespmem:v10+s12+$0x0], $0xffff;
	v10 =	vadd.s32 $0xAA, v61  }
0x17f: {  	v1 =	vadd.f32 v3, v1;
	v3 =	vld.idx.msk [tilespmem:v9+s12+$0x0], $0xffff  }
0x180: {  	[tilespmem:$0x1FD10] =	vst v9;
	v7 =	vld.idx.msk [tilespmem:v60+s2+$0x0], $0xffff;
	v9 =	vadd.s32 $0xAB, v61  }
0x181: {  	v1 =	vadd.f32 v2, v1;
	v2 =	vld.idx.msk [tilespmem:v11+s12+$0x0], $0xffff  }
0x182: {  	v8 =	vld.idx.msk [tilespmem:v8+s2+$0x0], $0xffff  }
0x183: {  	[tilespmem:$0x1FD30] =	vst v10;
	v60 =	vld.idx.msk [tilespmem:v10+s12+$0x0], $0xffff;
	v10 =	vadd.s32 $0xAC, v61;
	v1 =	vadd.f32 v63, v1  }
0x184: {  	v6 =	vld.idx.msk [tilespmem:v6+s2+$0x0], $0xffff  }
0x185: {  	[tilespmem:$0x1FD40] =	vst v9;
	v63 =	vld.idx.msk [tilespmem:v9+s12+$0x0], $0xffff;
	v9 =	vadd.s32 $0xAD, v61;
	v1 =	vadd.f32 v7, v1  }
0x186: {  	v5 =	vld.idx.msk [tilespmem:v5+s2+$0x0], $0xffff  }
0x187: {  	[tilespmem:$0x1FD20] =	vst v11;
	v11 =	vadd.s32 $0xAE, v61;
	v1 =	vadd.f32 v8, v1;
	v3 =	vld.idx.msk [tilespmem:v3+s2+$0x0], $0xffff  }
0x188: {  	[tilespmem:$0x1FD50] =	vst v10;
	v8 =	vld.idx.msk [tilespmem:v10+s12+$0x0], $0xffff;
	v10 =	vadd.s32 $0xAF, v61  }
0x189: {  	v1 =	vadd.f32 v6, v1;
	v2 =	vld.idx.msk [tilespmem:v2+s2+$0x0], $0xffff  }
0x18a: {  	[tilespmem:$0x1FD60] =	vst v9;
	v6 =	vld.idx.msk [tilespmem:v9+s12+$0x0], $0xffff;
	v9 =	vadd.s32 $0xB0, v61  }
0x18b: {  	v4 =	vld.idx.msk [tilespmem:v60+s2+$0x0], $0xffff;
	v1 =	vadd.f32 v5, v1  }
0x18c: {  	[tilespmem:$0x1FD70] =	vst v11;
	v5 =	vld.idx.msk [tilespmem:v11+s12+$0x0], $0xffff;
	v11 =	vadd.s32 $0xB1, v61  }
0x18d: {  	v60 =	vld.idx.msk [tilespmem:v10+s12+$0x0], $0xffff;
	v1 =	vadd.f32 v3, v1  }
0x18e: {  	[tilespmem:$0x1FD80] =	vst v10;
	v10 =	vadd.s32 $0xB2, v61;
	v3 =	vld.idx.msk [tilespmem:v63+s2+$0x0], $0xffff  }
0x18f: {  	v1 =	vadd.f32 v2, v1;
	v2 =	vld.idx.msk [tilespmem:v9+s12+$0x0], $0xffff  }
0x190: {  	[tilespmem:$0x1FD90] =	vst v9;
	v8 =	vld.idx.msk [tilespmem:v8+s2+$0x0], $0xffff;
	v9 =	vadd.s32 $0xB3, v61  }
0x191: {  	v63 =	vld.idx.msk [tilespmem:v11+s12+$0x0], $0xffff;
	v1 =	vadd.f32 v4, v1  }
0x192: {  	v6 =	vld.idx.msk [tilespmem:v6+s2+$0x0], $0xffff  }
0x193: {  	[tilespmem:$0x1FDB0] =	vst v10;
	v1 =	vadd.f32 v3, v1;
	v3 =	vld.idx.msk [tilespmem:v10+s12+$0x0], $0xffff;
	v10 =	vadd.s32 $0xB4, v61  }
0x194: {  	v5 =	vld.idx.msk [tilespmem:v5+s2+$0x0], $0xffff  }
0x195: {  	[tilespmem:$0x1FDC0] =	vst v9;
	v1 =	vadd.f32 v8, v1;
	v8 =	vld.idx.msk [tilespmem:v9+s12+$0x0], $0xffff;
	v9 =	vadd.s32 $0xB5, v61  }
0x196: {  	[tilespmem:$0x1FDA0] =	vst v11;
	v11 =	vadd.s32 $0xB6, v61;
	v7 =	vld.idx.msk [tilespmem:v60+s2+$0x0], $0xffff  }
0x197: {  	v1 =	vadd.f32 v6, v1;
	v2 =	vld.idx.msk [tilespmem:v2+s2+$0x0], $0xffff  }
0x198: {  	v6 =	vld.idx.msk [tilespmem:v10+s12+$0x0], $0xffff  }
0x199: {  	[tilespmem:$0x1FDD0] =	vst v10;
	v4 =	vld.idx.msk [tilespmem:v63+s2+$0x0], $0xffff;
	v10 =	vadd.s32 $0xB7, v61;
	v1 =	vadd.f32 v5, v1  }
0x19a: {  	[tilespmem:$0x1FDE0] =	vst v9;
	v5 =	vld.idx.msk [tilespmem:v9+s12+$0x0], $0xffff;
	v9 =	vadd.s32 $0xB8, v61  }
0x19b: {  	v60 =	vld.idx.msk [tilespmem:v11+s12+$0x0], $0xffff;
	v1 =	vadd.f32 v7, v1  }
0x19c: {  	[tilespmem:$0x1FDF0] =	vst v11;
	v11 =	vadd.s32 $0xB9, v61;
	v3 =	vld.idx.msk [tilespmem:v3+s2+$0x0], $0xffff  }
0x19d: {  	v1 =	vadd.f32 v2, v1;
	v2 =	vld.idx.msk [tilespmem:v8+s2+$0x0], $0xffff  }
0x19e: {  	v8 =	vld.idx.msk [tilespmem:v10+s12+$0x0], $0xffff  }
0x19f: {  	[tilespmem:$0x1FE00] =	vst v10;
	v10 =	vadd.s32 $0xBA, v61;
	v1 =	vadd.f32 v4, v1;
	v63 =	vld.idx.msk [tilespmem:v9+s12+$0x0], $0xffff  }
0x1a0: {  	[tilespmem:$0x1FC50] =	vst v12;
	v12 =	vadd.s32 $0xBB, v61;
	v6 =	vld.idx.msk [tilespmem:v6+s2+$0x0], $0xffff  }
0x1a1: {  	v1 =	vadd.f32 v3, v1;
	v3 =	vld.idx.msk [tilespmem:v11+s12+$0x0], $0xffff  }
0x1a2: {  	[tilespmem:$0x1FE20] =	vst v11;
	v11 =	vadd.s32 $0xBC, v61;
	v5 =	vld.idx.msk [tilespmem:v5+s2+$0x0], $0xffff  }
0x1a3: {  	v7 =	vld.idx.msk [tilespmem:v60+s2+$0x0], $0xffff;
	v1 =	vadd.f32 v2, v1  }
0x1a4: {  	[tilespmem:$0x1FE10] =	vst v9;
	v9 =	vld.idx.msk [tilespmem:v10+s12+$0x0], $0xffff  }
0x1a5: {  	v60 =	vadd.s32 $0xBD, v61;
	[tilespmem:$0x1FE30] =	vst v10;
	v10 =	vld.idx.msk [tilespmem:v12+s12+$0x0], $0xffff;
	v1 =	vadd.f32 v6, v1  }
0x1a6: {  	[tilespmem:$0x1FE40] =	vst v12;
	v12 =	vadd.s32 $0xBE, v61;
	v2 =	vld.idx.msk [tilespmem:v8+s2+$0x0], $0xffff  }
0x1a7: {  	v8 =	vld.idx.msk [tilespmem:v11+s12+$0x0], $0xffff;
	v1 =	vadd.f32 v5, v1  }
0x1a8: {  	v4 =	vld.idx.msk [tilespmem:v63+s2+$0x0], $0xffff  }
0x1a9: {  	v1 =	vadd.f32 v7, v1;
	v5 =	vld.idx.msk [tilespmem:v3+s2+$0x0], $0xffff;
	v3 =	vadd.s32 $0xBF, v61  }
0x1aa: {  	[tilespmem:$0x1FC10] =	vst v15;
	v15 =	vadd.s32 $0xC0, v61;
	v7 =	vld.idx.msk [tilespmem:v60+s12+$0x0], $0xffff  }
0x1ab: {  	[tilespmem:$0x1FC20] =	vst v18;
	v18 =	vld.idx.msk [tilespmem:v12+s12+$0x0], $0xffff;
	v1 =	vadd.f32 v2, v1  }
0x1ac: {  	v63 =	vld.idx.msk [tilespmem:v9+s2+$0x0], $0xffff;
	v9 =	vadd.s32 $0xC1, v61  }
0x1ad: {  	[tilespmem:$0x1FE60] =	vst v60;
	v60 =	vld.idx.msk [tilespmem:v10+s2+$0x0], $0xffff;
	v1 =	vadd.f32 v4, v1  }
0x1ae: {  	[tilespmem:$0x1FE80] =	vst v3;
	v10 =	vld.idx.msk [tilespmem:v3+s12+$0x0], $0xffff;
	v3 =	vadd.s32 $0xC2, v61  }
0x1af: {  	v1 =	vadd.f32 v5, v1;
	v5 =	vld.idx.msk [tilespmem:v15+s12+$0x0], $0xffff  }
0x1b0: {  	[tilespmem:$0x1FE70] =	vst v12;
	v12 =	vadd.s32 $0xC3, v61;
	v2 =	vld.idx.msk [tilespmem:v8+s2+$0x0], $0xffff  }
0x1b1: {  	v6 =	vld.idx.msk [tilespmem:v9+s12+$0x0], $0xffff;
	v1 =	vadd.f32 v63, v1  }
0x1b2: {  	v7 =	vld.idx.msk [tilespmem:v7+s2+$0x0], $0xffff  }
0x1b3: {  	v63 =	vadd.s32 $0xC4, v61;
	v1 =	vadd.f32 v60, v1;
	v4 =	vld.idx.msk [tilespmem:v3+s12+$0x0], $0xffff  }
0x1b4: {  	[tilespmem:$0x1FEA0] =	vst v3;
	v3 =	vld.idx.msk [tilespmem:v18+s2+$0x0], $0xffff  }
0x1b5: {  	v18 =	vld.idx.msk [tilespmem:v12+s12+$0x0], $0xffff;
	v1 =	vadd.f32 v2, v1;
	v2 =	vmov v0;
	v0 =	vadd.s32 $0xC5, v61  }
0x1b6: {  	v10 =	vld.idx.msk [tilespmem:v10+s2+$0x0], $0xffff  }
0x1b7: {  	v60 =	vmov v62;
	v62 =	vadd.s32 $0xC6, v61;
	v1 =	vadd.f32 v7, v1;
	v5 =	vld.idx.msk [tilespmem:v5+s2+$0x0], $0xffff  }
0x1b8: {  	v7 =	vld.idx.msk [tilespmem:v63+s12+$0x0], $0xffff  }
0x1b9: {  	v8 =	vmov v30;
	v30 =	vadd.s32 $0xC7, v61;
	v6 =	vld.idx.msk [tilespmem:v6+s2+$0x0], $0xffff;
	v3 =	vadd.f32 v3, v1  }
0x1ba: {  	v1 =	vld.idx.msk [tilespmem:v0+s12+$0x0], $0xffff  }
0x1bb: {  	v3 =	vadd.f32 v10, v3;
	v4 =	vld.idx.msk [tilespmem:v4+s2+$0x0], $0xffff  }
0x1bc: {  	v10 =	vld.idx.msk [tilespmem:v62+s12+$0x0], $0xffff  }
0x1bd: {  	v3 =	vadd.f32 v5, v3;
	v5 =	vld.idx.msk [tilespmem:v18+s2+$0x0], $0xffff  }
0x1be: {  	v18 =	vld.idx.msk [tilespmem:v30+s12+$0x0], $0xffff  }
0x1bf: {  	v3 =	vadd.f32 v6, v3  }
0x1c0: {  	[tilespmem:$0x1FEC0] =	vst v62;
	v62 =	vld.idx.msk [tilespmem:v7+s2+$0x0], $0xffff  }
0x1c1: {  	v3 =	vadd.f32 v4, v3  }
0x1c2: {  	v1 =	vld.idx.msk [tilespmem:v1+s2+$0x0], $0xffff  }
0x1c3: {  	v3 =	vadd.f32 v5, v3  }
0x1c4: {  	v4 =	vld.idx.msk [tilespmem:v10+s2+$0x0], $0xffff  }
0x1c5: {  	v3 =	vadd.f32 v62, v3  }
0x1c6: {  	v62 =	vld.idx.msk [tilespmem:v18+s2+$0x0], $0xffff  }
0x1c7: {  	v1 =	vadd.f32 v1, v3;
	_ =	sdelay $0x1  }
0x1c8: {  	v1 =	vadd.f32 v4, v1  }
0x1c9: {  	v3 =	vld [tilespmem:$0x1FEE0]  }
0x1ca: {  	v1 =	vadd.f32 v62, v1;
	_ =	sdelay $0x1  }
0x1cb: {  	v1 =	vmul.f32 $4.999999890e-03, v1;
	_ =	sdelay $0x1  }
0x1cc: {  	v1 =	vadd.f32 v1, v3;
	_ =	sdelay $0x1  }
0x1cd: {  	v1 =	vsub.f32 $0.0e+00, v1;
	_ =	sdelay $0x1  }
0x1ce: {  	v1 =	vmul.f32 $1.442695020e+00, v1;
	_ =	sdelay $0x1  }
0x1cf: {  	(erf) = vpow2.f32 v1;
	_ =	sdelay $0x8  }
0x1d0: {  	v1 =	vpop (erf)  }
0x1d1: {  	v1 =	vadd.f32 $1.000000000e+00, v1;
	_ =	sdelay $0x1  }
0x1d2: {  	(erf) = vrcp.f32 v1;
	_ =	sdelay $0x4  }
0x1d3: {  	[tilespmem:$0x1FC40] =	vst v13  }
0x1d4: {  	[tilespmem:$0x1FE50] =	vst v11  }
0x1d5: {  	[tilespmem:$0x1FE90] =	vst v9  }
0x1d6: {  	p0 =	seq.s32 s20, $0x15E0;
	[tilespmem:$0x1FED0] =	vst v30  }
0x1d7: {  	s21 =	sadd.s32 @!p0 s20, s5;
	[tilespmem:$0x1FEB0] =	vst v0;
	v1 =	vpop (erf)  }
0x1d8: {  	s22 =	simm.s32 @!p0 $0x0;
	s23 =	simm.s32 @!p0 $0x19000;
	s21 =	sadd.s32 @!p0 $0x320, s21;
	v13 =	vld [tilespmem:$0x1FFD0];
	[tilespmem:s19+$0xFFFFFFF0] =	vst v1  }
0x1d9: {  	v11 =	vld [tilespmem:$0x1FFC0];
	[tilespmem:s23], [sflag:$0x1] =	stream.linear.gather @!p0 [hbm4b:s21+s22], $0xC80, $0x38  }
0x1da: {  	v9 =	vld [tilespmem:$0x1FFE0];
	_ =	swait.ge [sflag:s15], $0xC80  }
0x1db: {  	v62 =	vld [tilespmem:$0x1FF10];
	_ =	sdelay $0x5  }
0x1dc: {  	[sflag:s15] =	ssyncset.done $0x0  }
0x1dd: {  	[sflag:s15] =	ssyncadd.s32 $0xFFFFF380  }
0x1de: {  	v4 =	vld.idx.msk [tilespmem:v62+s13+$0x0], $0xffff  }
0x1df: {  	v62 =	vld [tilespmem:$0x1FF20];
	_ =	sdelay $0x7  }
0x1e0: {  	v5 =	vld.idx.msk [tilespmem:v62+s13+$0x0], $0xffff  }
0x1e1: {  	v62 =	vld [tilespmem:$0x1FF30];
	_ =	sdelay $0x2  }
0x1e2: {  	v3 =	vld [tilespmem:$0x1FF00];
	_ =	sdelay $0x3  }
0x1e3: {  	v1 =	vld.idx.msk [tilespmem:v61+s13+$0x0], $0xffff  }
0x1e4: {  	v6 =	vld.idx.msk [tilespmem:v62+s13+$0x0], $0xffff  }
0x1e5: {  	v62 =	vld [tilespmem:$0x1FF40];
	_ =	sdelay $0x1  }
0x1e6: {  	v3 =	vld.idx.msk [tilespmem:v3+s13+$0x0], $0xffff;
	_ =	sdelay $0x3  }
0x1e7: {  	v10 =	vld [tilespmem:$0x1FF50]  }
0x1e8: {  	v1 =	vld.idx.msk [tilespmem:v1+s2+$0x0], $0xffff  }
0x1e9: {  	v7 =	vld.idx.msk [tilespmem:v62+s13+$0x0], $0xffff  }
0x1ea: {  	v62 =	vld [tilespmem:$0x1FF80]  }
0x1eb: {  	v3 =	vld.idx.msk [tilespmem:v3+s2+$0x0], $0xffff  }
0x1ec: {  	v18 =	vld [tilespmem:$0x1FF60]  }
0x1ed: {  	v4 =	vld.idx.msk [tilespmem:v4+s2+$0x0], $0xffff  }
0x1ee: {  	v1 =	vadd.f32 $0.0e+00, v1;
	_ =	sdelay $0x1  }
0x1ef: {  	v1 =	vadd.f32 v3, v1  }
0x1f0: {  	v10 =	vld.idx.msk [tilespmem:v10+s13+$0x0], $0xffff  }
0x1f1: {  	v1 =	vadd.f32 v4, v1;
	v4 =	vld.idx.msk [tilespmem:v62+s13+$0x0], $0xffff  }
0x1f2: {  	v62 =	vld [tilespmem:$0x1FF90]  }
0x1f3: {  	v18 =	vld.idx.msk [tilespmem:v18+s13+$0x0], $0xffff  }
0x1f4: {  	v3 =	vld [tilespmem:$0x1FF70]  }
0x1f5: {  	v5 =	vld.idx.msk [tilespmem:v5+s2+$0x0], $0xffff;
	_ =	sdelay $0x1  }
0x1f6: {  	v6 =	vld.idx.msk [tilespmem:v6+s2+$0x0], $0xffff  }
0x1f7: {  	v10 =	vld.idx.msk [tilespmem:v10+s2+$0x0], $0xffff  }
0x1f8: {  	v7 =	vld.idx.msk [tilespmem:v7+s2+$0x0], $0xffff  }
0x1f9: {  	v1 =	vadd.f32 v5, v1;
	v5 =	vld.idx.msk [tilespmem:v62+s13+$0x0], $0xffff  }
0x1fa: {  	v62 =	vld [tilespmem:$0x1FFA0]  }
0x1fb: {  	v18 =	vld.idx.msk [tilespmem:v18+s2+$0x0], $0xffff;
	v1 =	vadd.f32 v6, v1  }
0x1fc: {  	v3 =	vld.idx.msk [tilespmem:v3+s13+$0x0], $0xffff  }
0x1fd: {  	v1 =	vadd.f32 v7, v1;
	_ =	sdelay $0x1  }
0x1fe: {  	v1 =	vadd.f32 v10, v1;
	_ =	sdelay $0x1  }
0x1ff: {  	v1 =	vadd.f32 v18, v1;
	v18 =	vld [tilespmem:$0x1FFB0]  }
0x200: {  	v6 =	vld.idx.msk [tilespmem:v62+s13+$0x0], $0xffff  }
0x201: {  	v0 =	vld [tilespmem:$0x1FFF0]  }
0x202: {  	v3 =	vld.idx.msk [tilespmem:v3+s2+$0x0], $0xffff  }
0x203: {  	v62 =	vld.idx.msk [tilespmem:v11+s13+$0x0], $0xffff  }
0x204: {  	v10 =	vld.idx.msk [tilespmem:v13+s13+$0x0], $0xffff  }
0x205: {  	v4 =	vld.idx.msk [tilespmem:v4+s2+$0x0], $0xffff  }
0x206: {  	v5 =	vld.idx.msk [tilespmem:v5+s2+$0x0], $0xffff  }
0x207: {  	v18 =	vld.idx.msk [tilespmem:v18+s13+$0x0], $0xffff  }
0x208: {  	v1 =	vadd.f32 v3, v1;
	v3 =	vld.idx.msk [tilespmem:v6+s2+$0x0], $0xffff  }
0x209: {  	v6 =	vld.idx.msk [tilespmem:v16+s13+$0x0], $0xffff  }
0x20a: {  	v1 =	vadd.f32 v4, v1;
	v4 =	vld.idx.msk [tilespmem:v17+s13+$0x0], $0xffff  }
0x20b: {  	v7 =	vld.idx.msk [tilespmem:v62+s2+$0x0], $0xffff  }
0x20c: {  	v1 =	vadd.f32 v5, v1;
	v5 =	vld.idx.msk [tilespmem:v19+s13+$0x0], $0xffff  }
0x20d: {  	v10 =	vld.idx.msk [tilespmem:v10+s2+$0x0], $0xffff  }
0x20e: {  	v1 =	vadd.f32 v3, v1;
	v3 =	vld.idx.msk [tilespmem:v9+s13+$0x0], $0xffff  }
0x20f: {  	v18 =	vld.idx.msk [tilespmem:v18+s2+$0x0], $0xffff  }
0x210: {  	v62 =	vld.idx.msk [tilespmem:v0+s13+$0x0], $0xffff;
	v1 =	vadd.f32 v7, v1  }
0x211: {  	v6 =	vld.idx.msk [tilespmem:v6+s2+$0x0], $0xffff  }
0x212: {  	v4 =	vld.idx.msk [tilespmem:v4+s2+$0x0], $0xffff;
	v1 =	vadd.f32 v10, v1  }
0x213: {  	v10 =	vld.idx.msk [tilespmem:v20+s13+$0x0], $0xffff  }
0x214: {  	v5 =	vld.idx.msk [tilespmem:v5+s2+$0x0], $0xffff;
	v1 =	vadd.f32 v18, v1  }
0x215: {  	v18 =	vld.idx.msk [tilespmem:v21+s13+$0x0], $0xffff  }
0x216: {  	v1 =	vadd.f32 v6, v1;
	v3 =	vld.idx.msk [tilespmem:v3+s2+$0x0], $0xffff  }
0x217: {  	v6 =	vld.idx.msk [tilespmem:v22+s13+$0x0], $0xffff  }
0x218: {  	v7 =	vld.idx.msk [tilespmem:v23+s13+$0x0], $0xffff;
	v1 =	vadd.f32 v4, v1  }
0x219: {  	v62 =	vld.idx.msk [tilespmem:v62+s2+$0x0], $0xffff  }
0x21a: {  	v1 =	vadd.f32 v5, v1;
	v5 =	vld.idx.msk [tilespmem:v24+s13+$0x0], $0xffff  }
0x21b: {  	v10 =	vld.idx.msk [tilespmem:v10+s2+$0x0], $0xffff  }
0x21c: {  	v1 =	vadd.f32 v3, v1;
	v3 =	vld.idx.msk [tilespmem:v25+s13+$0x0], $0xffff  }
0x21d: {  	v18 =	vld.idx.msk [tilespmem:v18+s2+$0x0], $0xffff  }
0x21e: {  	v1 =	vadd.f32 v62, v1;
	v62 =	vld.idx.msk [tilespmem:v26+s13+$0x0], $0xffff  }
0x21f: {  	v6 =	vld.idx.msk [tilespmem:v6+s2+$0x0], $0xffff  }
0x220: {  	v1 =	vadd.f32 v10, v1;
	v10 =	vld.idx.msk [tilespmem:v27+s13+$0x0], $0xffff  }
0x221: {  	v7 =	vld.idx.msk [tilespmem:v7+s2+$0x0], $0xffff  }
0x222: {  	v1 =	vadd.f32 v18, v1;
	v5 =	vld.idx.msk [tilespmem:v5+s2+$0x0], $0xffff  }
0x223: {  	v18 =	vld.idx.msk [tilespmem:v28+s13+$0x0], $0xffff  }
0x224: {  	v1 =	vadd.f32 v6, v1;
	v3 =	vld.idx.msk [tilespmem:v3+s2+$0x0], $0xffff  }
0x225: {  	v6 =	vld.idx.msk [tilespmem:v29+s13+$0x0], $0xffff  }
0x226: {  	v1 =	vadd.f32 v7, v1;
	v4 =	vld.idx.msk [tilespmem:v62+s2+$0x0], $0xffff  }
0x227: {  	v7 =	vld.idx.msk [tilespmem:v31+s13+$0x0], $0xffff  }
0x228: {  	v1 =	vadd.f32 v5, v1;
	v5 =	vld.idx.msk [tilespmem:v10+s2+$0x0], $0xffff  }
0x229: {  	v10 =	vld.idx.msk [tilespmem:v32+s13+$0x0], $0xffff  }
0x22a: {  	v1 =	vadd.f32 v3, v1;
	v3 =	vld.idx.msk [tilespmem:v33+s13+$0x0], $0xffff  }
0x22b: {  	v18 =	vld.idx.msk [tilespmem:v18+s2+$0x0], $0xffff  }
0x22c: {  	v62 =	vld.idx.msk [tilespmem:v34+s13+$0x0], $0xffff;
	v1 =	vadd.f32 v4, v1  }
0x22d: {  	v6 =	vld.idx.msk [tilespmem:v6+s2+$0x0], $0xffff  }
0x22e: {  	v1 =	vadd.f32 v5, v1;
	v5 =	vld.idx.msk [tilespmem:v35+s13+$0x0], $0xffff  }
0x22f: {  	v7 =	vld.idx.msk [tilespmem:v7+s2+$0x0], $0xffff  }
0x230: {  	v1 =	vadd.f32 v18, v1;
	v18 =	vld.idx.msk [tilespmem:v36+s13+$0x0], $0xffff  }
0x231: {  	v10 =	vld.idx.msk [tilespmem:v10+s2+$0x0], $0xffff  }
0x232: {  	v1 =	vadd.f32 v6, v1;
	v3 =	vld.idx.msk [tilespmem:v3+s2+$0x0], $0xffff  }
0x233: {  	v6 =	vld.idx.msk [tilespmem:v37+s13+$0x0], $0xffff  }
0x234: {  	v4 =	vld.idx.msk [tilespmem:v62+s2+$0x0], $0xffff;
	v1 =	vadd.f32 v7, v1  }
0x235: {  	v62 =	vld.idx.msk [tilespmem:v38+s13+$0x0], $0xffff  }
0x236: {  	v1 =	vadd.f32 v10, v1;
	v5 =	vld.idx.msk [tilespmem:v5+s2+$0x0], $0xffff  }
0x237: {  	v10 =	vld.idx.msk [tilespmem:v39+s13+$0x0], $0xffff  }
0x238: {  	v1 =	vadd.f32 v3, v1;
	v3 =	vld.idx.msk [tilespmem:v18+s2+$0x0], $0xffff  }
0x239: {  	v18 =	vld.idx.msk [tilespmem:v40+s13+$0x0], $0xffff  }
0x23a: {  	v1 =	vadd.f32 v4, v1;
	v4 =	vld.idx.msk [tilespmem:v41+s13+$0x0], $0xffff  }
0x23b: {  	v6 =	vld.idx.msk [tilespmem:v6+s2+$0x0], $0xffff  }
0x23c: {  	v1 =	vadd.f32 v5, v1;
	v5 =	vld.idx.msk [tilespmem:v42+s13+$0x0], $0xffff  }
0x23d: {  	v7 =	vld.idx.msk [tilespmem:v62+s2+$0x0], $0xffff  }
0x23e: {  	v1 =	vadd.f32 v3, v1;
	v3 =	vld.idx.msk [tilespmem:v43+s13+$0x0], $0xffff  }
0x23f: {  	v10 =	vld.idx.msk [tilespmem:v10+s2+$0x0], $0xffff  }
0x240: {  	v62 =	vld.idx.msk [tilespmem:v44+s13+$0x0], $0xffff;
	v1 =	vadd.f32 v6, v1  }
0x241: {  	v18 =	vld.idx.msk [tilespmem:v18+s2+$0x0], $0xffff  }
0x242: {  	v1 =	vadd.f32 v7, v1;
	v4 =	vld.idx.msk [tilespmem:v4+s2+$0x0], $0xffff  }
0x243: {  	v7 =	vld.idx.msk [tilespmem:v45+s13+$0x0], $0xffff  }
0x244: {  	v1 =	vadd.f32 v10, v1;
	v5 =	vld.idx.msk [tilespmem:v5+s2+$0x0], $0xffff  }
0x245: {  	v10 =	vld.idx.msk [tilespmem:v46+s13+$0x0], $0xffff  }
0x246: {  	v1 =	vadd.f32 v18, v1;
	v3 =	vld.idx.msk [tilespmem:v3+s2+$0x0], $0xffff  }
0x247: {  	v18 =	vld.idx.msk [tilespmem:v47+s13+$0x0], $0xffff  }
0x248: {  	v6 =	vld.idx.msk [tilespmem:v48+s13+$0x0], $0xffff;
	v1 =	vadd.f32 v4, v1  }
0x249: {  	v62 =	vld.idx.msk [tilespmem:v62+s2+$0x0], $0xffff  }
0x24a: {  	v1 =	vadd.f32 v5, v1;
	v5 =	vld.idx.msk [tilespmem:v49+s13+$0x0], $0xffff  }
0x24b: {  	v7 =	vld.idx.msk [tilespmem:v7+s2+$0x0], $0xffff  }
0x24c: {  	v1 =	vadd.f32 v3, v1;
	v3 =	vld.idx.msk [tilespmem:v50+s13+$0x0], $0xffff  }
0x24d: {  	v10 =	vld.idx.msk [tilespmem:v10+s2+$0x0], $0xffff  }
0x24e: {  	v4 =	vld.idx.msk [tilespmem:v51+s13+$0x0], $0xffff;
	v1 =	vadd.f32 v62, v1  }
0x24f: {  	v18 =	vld.idx.msk [tilespmem:v18+s2+$0x0], $0xffff  }
0x250: {  	v6 =	vld.idx.msk [tilespmem:v6+s2+$0x0], $0xffff;
	v1 =	vadd.f32 v7, v1  }
0x251: {  	v62 =	vld.idx.msk [tilespmem:v52+s13+$0x0], $0xffff  }
0x252: {  	v1 =	vadd.f32 v10, v1  }
0x253: {  	v5 =	vld.idx.msk [tilespmem:v5+s2+$0x0], $0xffff  }
0x254: {  	v1 =	vadd.f32 v18, v1  }
0x255: {  	v3 =	vld.idx.msk [tilespmem:v3+s2+$0x0], $0xffff  }
0x256: {  	v1 =	vadd.f32 v6, v1  }
0x257: {  	v4 =	vld.idx.msk [tilespmem:v4+s2+$0x0], $0xffff  }
0x258: {  	v10 =	vld.idx.msk [tilespmem:v53+s13+$0x0], $0xffff;
	v1 =	vadd.f32 v5, v1  }
0x259: {  	v62 =	vld.idx.msk [tilespmem:v62+s2+$0x0], $0xffff  }
0x25a: {  	v18 =	vld.idx.msk [tilespmem:v54+s13+$0x0], $0xffff;
	v1 =	vadd.f32 v3, v1;
	_ =	sdelay $0x1  }
0x25b: {  	v6 =	vld.idx.msk [tilespmem:v55+s13+$0x0], $0xffff;
	v1 =	vadd.f32 v4, v1  }
0x25c: {  	v7 =	vld.idx.msk [tilespmem:v56+s13+$0x0], $0xffff  }
0x25d: {  	v1 =	vadd.f32 v62, v1;
	v62 =	vld.idx.msk [tilespmem:v59+s13+$0x0], $0xffff  }
0x25e: {  	v3 =	vld.idx.msk [tilespmem:v57+s13+$0x0], $0xffff  }
0x25f: {  	v10 =	vld.idx.msk [tilespmem:v10+s2+$0x0], $0xffff  }
0x260: {  	v4 =	vld.idx.msk [tilespmem:v58+s13+$0x0], $0xffff  }
0x261: {  	v18 =	vld.idx.msk [tilespmem:v18+s2+$0x0], $0xffff;
	_ =	sdelay $0x1  }
0x262: {  	v6 =	vld.idx.msk [tilespmem:v6+s2+$0x0], $0xffff  }
0x263: {  	v7 =	vld.idx.msk [tilespmem:v7+s2+$0x0], $0xffff;
	v1 =	vadd.f32 v10, v1  }
0x264: {  	v5 =	vld.idx.msk [tilespmem:v62+s2+$0x0], $0xffff  }
0x265: {  	v1 =	vadd.f32 v18, v1;
	v62 =	vld [tilespmem:$0x1F690]  }
0x266: {  	v3 =	vld.idx.msk [tilespmem:v3+s2+$0x0], $0xffff  }
0x267: {  	v1 =	vadd.f32 v6, v1  }
0x268: {  	v4 =	vld.idx.msk [tilespmem:v4+s2+$0x0], $0xffff  }
0x269: {  	v1 =	vadd.f32 v7, v1;
	_ =	sdelay $0x1  }
0x26a: {  	v1 =	vadd.f32 v3, v1  }
0x26b: {  	v10 =	vld.idx.msk [tilespmem:v60+s13+$0x0], $0xffff  }
0x26c: {  	v1 =	vadd.f32 v4, v1;
	v4 =	vld.idx.msk [tilespmem:v62+s13+$0x0], $0xffff  }
0x26d: {  	v62 =	vld [tilespmem:$0x1F6A0];
	_ =	sdelay $0x1  }
0x26e: {  	v18 =	vld.idx.msk [tilespmem:v8+s13+$0x0], $0xffff;
	_ =	sdelay $0x1  }
0x26f: {  	v6 =	vld.idx.msk [tilespmem:v2+s13+$0x0], $0xffff;
	_ =	sdelay $0x1  }
0x270: {  	v3 =	vld.idx.msk [tilespmem:v10+s2+$0x0], $0xffff  }
0x271: {  	v10 =	vld [tilespmem:$0x1F680]  }
0x272: {  	v1 =	vadd.f32 v5, v1;
	v5 =	vld.idx.msk [tilespmem:v62+s13+$0x0], $0xffff  }
0x273: {  	v62 =	vld [tilespmem:$0x1F6D0]  }
0x274: {  	v18 =	vld.idx.msk [tilespmem:v18+s2+$0x0], $0xffff;
	_ =	sdelay $0x1  }
0x275: {  	v6 =	vld.idx.msk [tilespmem:v6+s2+$0x0], $0xffff  }
0x276: {  	v7 =	vld.idx.msk [tilespmem:v14+s13+$0x0], $0xffff;
	v1 =	vadd.f32 v3, v1;
	_ =	sdelay $0x1  }
0x277: {  	v1 =	vadd.f32 v18, v1  }
0x278: {  	v10 =	vld.idx.msk [tilespmem:v10+s13+$0x0], $0xffff  }
0x279: {  	v1 =	vadd.f32 v6, v1;
	v6 =	vld.idx.msk [tilespmem:v62+s13+$0x0], $0xffff  }
0x27a: {  	v62 =	vld [tilespmem:$0x1F6E0];
	_ =	sdelay $0x1  }
0x27b: {  	v3 =	vld [tilespmem:$0x1F6B0]  }
0x27c: {  	v7 =	vld.idx.msk [tilespmem:v7+s2+$0x0], $0xffff;
	_ =	sdelay $0x1  }
0x27d: {  	v14 =	vld [tilespmem:$0x1F6C0];
	_ =	sdelay $0x1  }
0x27e: {  	v10 =	vld.idx.msk [tilespmem:v10+s2+$0x0], $0xffff  }
0x27f: {  	v1 =	vadd.f32 v7, v1;
	v7 =	vld.idx.msk [tilespmem:v62+s13+$0x0], $0xffff  }
0x280: {  	v62 =	vld [tilespmem:$0x1F710]  }
0x281: {  	v4 =	vld.idx.msk [tilespmem:v4+s2+$0x0], $0xffff  }
0x282: {  	v3 =	vld.idx.msk [tilespmem:v3+s13+$0x0], $0xffff  }
0x283: {  	v5 =	vld.idx.msk [tilespmem:v5+s2+$0x0], $0xffff  }
0x284: {  	v18 =	vld.idx.msk [tilespmem:v14+s13+$0x0], $0xffff;
	v1 =	vadd.f32 v10, v1;
	_ =	sdelay $0x1  }
0x285: {  	v1 =	vadd.f32 v4, v1;
	_ =	sdelay $0x1  }
0x286: {  	v1 =	vadd.f32 v5, v1;
	v5 =	vld.idx.msk [tilespmem:v62+s13+$0x0], $0xffff  }
0x287: {  	v62 =	vld [tilespmem:$0x1F730]  }
0x288: {  	v3 =	vld.idx.msk [tilespmem:v3+s2+$0x0], $0xffff;
	_ =	sdelay $0x1  }
0x289: {  	v4 =	vld.idx.msk [tilespmem:v18+s2+$0x0], $0xffff;
	_ =	sdelay $0x2  }
0x28a: {  	v14 =	vld [tilespmem:$0x1F700];
	v1 =	vadd.f32 v3, v1  }
0x28b: {  	v10 =	vld [tilespmem:$0x1F6F0]  }
0x28c: {  	v1 =	vadd.f32 v4, v1;
	v4 =	vld.idx.msk [tilespmem:v62+s13+$0x0], $0xffff  }
0x28d: {  	v62 =	vld [tilespmem:$0x1F740];
	_ =	sdelay $0x2  }
0x28e: {  	v6 =	vld.idx.msk [tilespmem:v6+s2+$0x0], $0xffff;
	_ =	sdelay $0x2  }
0x28f: {  	v18 =	vld.idx.msk [tilespmem:v14+s13+$0x0], $0xffff  }
0x290: {  	v10 =	vld.idx.msk [tilespmem:v10+s13+$0x0], $0xffff  }
0x291: {  	v1 =	vadd.f32 v6, v1;
	v6 =	vld.idx.msk [tilespmem:v62+s13+$0x0], $0xffff  }
0x292: {  	v62 =	vld [tilespmem:$0x1F750];
	_ =	sdelay $0x1  }
0x293: {  	v3 =	vld [tilespmem:$0x1F720]  }
0x294: {  	v7 =	vld.idx.msk [tilespmem:v7+s2+$0x0], $0xffff;
	_ =	sdelay $0x2  }
0x295: {  	v18 =	vld.idx.msk [tilespmem:v18+s2+$0x0], $0xffff  }
0x296: {  	v10 =	vld.idx.msk [tilespmem:v10+s2+$0x0], $0xffff  }
0x297: {  	v1 =	vadd.f32 v7, v1;
	v7 =	vld.idx.msk [tilespmem:v62+s13+$0x0], $0xffff  }
0x298: {  	v62 =	vld [tilespmem:$0x1F780]  }
0x299: {  	v3 =	vld.idx.msk [tilespmem:v3+s13+$0x0], $0xffff  }
0x29a: {  	v5 =	vld.idx.msk [tilespmem:v5+s2+$0x0], $0xffff  }
0x29b: {  	v1 =	vadd.f32 v10, v1;
	_ =	sdelay $0x1  }
0x29c: {  	v1 =	vadd.f32 v18, v1;
	_ =	sdelay $0x1  }
0x29d: {  	v1 =	vadd.f32 v5, v1;
	v5 =	vld.idx.msk [tilespmem:v6+s2+$0x0], $0xffff  }
0x29e: {  	v6 =	vld.idx.msk [tilespmem:v62+s13+$0x0], $0xffff  }
0x29f: {  	v62 =	vld [tilespmem:$0x1F7A0]  }
0x2a0: {  	v3 =	vld.idx.msk [tilespmem:v3+s2+$0x0], $0xffff;
	_ =	sdelay $0x1  }
0x2a1: {  	v4 =	vld.idx.msk [tilespmem:v4+s2+$0x0], $0xffff;
	_ =	sdelay $0x2  }
0x2a2: {  	v1 =	vadd.f32 v3, v1  }
0x2a3: {  	v10 =	vld [tilespmem:$0x1F760]  }
0x2a4: {  	v1 =	vadd.f32 v4, v1;
	v4 =	vld.idx.msk [tilespmem:v62+s13+$0x0], $0xffff  }
0x2a5: {  	v62 =	vld [tilespmem:$0x1F7B0];
	_ =	sdelay $0x1  }
0x2a6: {  	v14 =	vld [tilespmem:$0x1F770];
	_ =	sdelay $0x4  }
0x2a7: {  	v10 =	vld.idx.msk [tilespmem:v10+s13+$0x0], $0xffff  }
0x2a8: {  	v1 =	vadd.f32 v5, v1;
	v5 =	vld.idx.msk [tilespmem:v62+s13+$0x0], $0xffff  }
0x2a9: {  	v62 =	vld [tilespmem:$0x1F7C0]  }
0x2aa: {  	v18 =	vld.idx.msk [tilespmem:v14+s13+$0x0], $0xffff  }
0x2ab: {  	v3 =	vld [tilespmem:$0x1F790]  }
0x2ac: {  	v7 =	vld.idx.msk [tilespmem:v7+s2+$0x0], $0xffff;
	_ =	sdelay $0x3  }
0x2ad: {  	v10 =	vld.idx.msk [tilespmem:v10+s2+$0x0], $0xffff  }
0x2ae: {  	v1 =	vadd.f32 v7, v1;
	v7 =	vld.idx.msk [tilespmem:v62+s13+$0x0], $0xffff  }
0x2af: {  	v62 =	vld [tilespmem:$0x1F7F0]  }
0x2b0: {  	v18 =	vld.idx.msk [tilespmem:v18+s2+$0x0], $0xffff  }
0x2b1: {  	v3 =	vld.idx.msk [tilespmem:v3+s13+$0x0], $0xffff  }
0x2b2: {  	v6 =	vld.idx.msk [tilespmem:v6+s2+$0x0], $0xffff  }
0x2b3: {  	v1 =	vadd.f32 v10, v1;
	_ =	sdelay $0x1  }
0x2b4: {  	v1 =	vadd.f32 v18, v1;
	_ =	sdelay $0x1  }
0x2b5: {  	v1 =	vadd.f32 v6, v1;
	v6 =	vld.idx.msk [tilespmem:v62+s13+$0x0], $0xffff  }
0x2b6: {  	v62 =	vld [tilespmem:$0x1F800];
	_ =	sdelay $0x1  }
0x2b7: {  	v3 =	vld.idx.msk [tilespmem:v3+s2+$0x0], $0xffff;
	_ =	sdelay $0x3  }
0x2b8: {  	v10 =	vld [tilespmem:$0x1F7D0]  }
0x2b9: {  	v1 =	vadd.f32 v3, v1;
	v3 =	vld.idx.msk [tilespmem:v7+s2+$0x0], $0xffff  }
0x2ba: {  	v7 =	vld.idx.msk [tilespmem:v62+s13+$0x0], $0xffff  }
0x2bb: {  	v62 =	vld [tilespmem:$0x1F810];
	_ =	sdelay $0x1  }
0x2bc: {  	v14 =	vld [tilespmem:$0x1F7E0]  }
0x2bd: {  	v4 =	vld.idx.msk [tilespmem:v4+s2+$0x0], $0xffff;
	_ =	sdelay $0x3  }
0x2be: {  	v10 =	vld.idx.msk [tilespmem:v10+s13+$0x0], $0xffff  }
0x2bf: {  	v1 =	vadd.f32 v4, v1;
	v4 =	vld.idx.msk [tilespmem:v62+s13+$0x0], $0xffff  }
0x2c0: {  	v62 =	vld [tilespmem:$0x1F820];
	_ =	sdelay $0x1  }
0x2c1: {  	v18 =	vld.idx.msk [tilespmem:v14+s13+$0x0], $0xffff  }
0x2c2: {  	v5 =	vld.idx.msk [tilespmem:v5+s2+$0x0], $0xffff;
	_ =	sdelay $0x3  }
0x2c3: {  	v10 =	vld.idx.msk [tilespmem:v10+s2+$0x0], $0xffff  }
0x2c4: {  	v1 =	vadd.f32 v5, v1;
	v5 =	vld.idx.msk [tilespmem:v62+s13+$0x0], $0xffff  }
0x2c5: {  	v62 =	vld [tilespmem:$0x1F860]  }
0x2c6: {  	v18 =	vld.idx.msk [tilespmem:v18+s2+$0x0], $0xffff  }
0x2c7: {  	v1 =	vadd.f32 v3, v1  }
0x2c8: {  	v6 =	vld.idx.msk [tilespmem:v6+s2+$0x0], $0xffff  }
0x2c9: {  	v1 =	vadd.f32 v10, v1;
	_ =	sdelay $0x1  }
0x2ca: {  	v1 =	vadd.f32 v18, v1;
	_ =	sdelay $0x1  }
0x2cb: {  	v1 =	vadd.f32 v6, v1;
	v6 =	vld.idx.msk [tilespmem:v62+s13+$0x0], $0xffff  }
0x2cc: {  	v62 =	vld [tilespmem:$0x1F870];
	_ =	sdelay $0x1  }
0x2cd: {  	v3 =	vld [tilespmem:$0x1F830]  }
0x2ce: {  	v7 =	vld.idx.msk [tilespmem:v7+s2+$0x0], $0xffff;
	_ =	sdelay $0x1  }
0x2cf: {  	v10 =	vld [tilespmem:$0x1F840];
	_ =	sdelay $0x1  }
0x2d0: {  	v14 =	vld [tilespmem:$0x1F850]  }
0x2d1: {  	v1 =	vadd.f32 v7, v1;
	v7 =	vld.idx.msk [tilespmem:v62+s13+$0x0], $0xffff  }
0x2d2: {  	v62 =	vld [tilespmem:$0x1F890]  }
0x2d3: {  	v4 =	vld.idx.msk [tilespmem:v4+s2+$0x0], $0xffff  }
0x2d4: {  	v3 =	vld.idx.msk [tilespmem:v3+s13+$0x0], $0xffff  }
0x2d5: {  	v5 =	vld.idx.msk [tilespmem:v5+s2+$0x0], $0xffff  }
0x2d6: {  	v10 =	vld.idx.msk [tilespmem:v10+s13+$0x0], $0xffff;
	_ =	sdelay $0x1  }
0x2d7: {  	v1 =	vadd.f32 v4, v1;
	_ =	sdelay $0x1  }
0x2d8: {  	v1 =	vadd.f32 v5, v1;
	v5 =	vld.idx.msk [tilespmem:v62+s13+$0x0], $0xffff  }
0x2d9: {  	v62 =	vld [tilespmem:$0x1F8B0]  }
0x2da: {  	v3 =	vld.idx.msk [tilespmem:v3+s2+$0x0], $0xffff  }
0x2db: {  	v18 =	vld.idx.msk [tilespmem:v14+s13+$0x0], $0xffff  }
0x2dc: {  	v4 =	vld.idx.msk [tilespmem:v10+s2+$0x0], $0xffff;
	_ =	sdelay $0x2  }
0x2dd: {  	v1 =	vadd.f32 v3, v1  }
0x2de: {  	v10 =	vld [tilespmem:$0x1F880]  }
0x2df: {  	v1 =	vadd.f32 v4, v1;
	v4 =	vld.idx.msk [tilespmem:v62+s13+$0x0], $0xffff  }
0x2e0: {  	v62 =	vld [tilespmem:$0x1F8D0]  }
0x2e1: {  	v18 =	vld.idx.msk [tilespmem:v18+s2+$0x0], $0xffff  }
0x2e2: {  	v3 =	vld [tilespmem:$0x1F8A0]  }
0x2e3: {  	v6 =	vld.idx.msk [tilespmem:v6+s2+$0x0], $0xffff;
	_ =	sdelay $0x2  }
0x2e4: {  	v1 =	vadd.f32 v18, v1  }
0x2e5: {  	v10 =	vld.idx.msk [tilespmem:v10+s13+$0x0], $0xffff  }
0x2e6: {  	v1 =	vadd.f32 v6, v1;
	v6 =	vld.idx.msk [tilespmem:v62+s13+$0x0], $0xffff  }
0x2e7: {  	v62 =	vld [tilespmem:$0x1F8E0];
	_ =	sdelay $0x1  }
0x2e8: {  	v3 =	vld.idx.msk [tilespmem:v3+s13+$0x0], $0xffff  }
0x2e9: {  	v7 =	vld.idx.msk [tilespmem:v7+s2+$0x0], $0xffff;
	_ =	sdelay $0x1  }
0x2ea: {  	v14 =	vld [tilespmem:$0x1F8C0]  }
0x2eb: {  	v10 =	vld.idx.msk [tilespmem:v10+s2+$0x0], $0xffff  }
0x2ec: {  	v5 =	vld.idx.msk [tilespmem:v5+s2+$0x0], $0xffff  }
0x2ed: {  	v1 =	vadd.f32 v7, v1;
	v7 =	vld.idx.msk [tilespmem:v62+s13+$0x0], $0xffff  }
0x2ee: {  	v62 =	vld [tilespmem:$0x1F920]  }
0x2ef: {  	v3 =	vld.idx.msk [tilespmem:v3+s2+$0x0], $0xffff  }
0x2f0: {  	v1 =	vadd.f32 v10, v1  }
0x2f1: {  	v4 =	vld.idx.msk [tilespmem:v4+s2+$0x0], $0xffff  }
0x2f2: {  	v18 =	vld.idx.msk [tilespmem:v14+s13+$0x0], $0xffff;
	v1 =	vadd.f32 v5, v1;
	_ =	sdelay $0x1  }
0x2f3: {  	v1 =	vadd.f32 v3, v1;
	_ =	sdelay $0x1  }
0x2f4: {  	v1 =	vadd.f32 v4, v1;
	v4 =	vld.idx.msk [tilespmem:v62+s13+$0x0], $0xffff  }
0x2f5: {  	v62 =	vld [tilespmem:$0x1F930];
	_ =	sdelay $0x2  }
0x2f6: {  	v5 =	vld.idx.msk [tilespmem:v18+s2+$0x0], $0xffff;
	_ =	sdelay $0x2  }
0x2f7: {  	v14 =	vld [tilespmem:$0x1F900]  }
0x2f8: {  	v10 =	vld [tilespmem:$0x1F8F0]  }
0x2f9: {  	v1 =	vadd.f32 v5, v1;
	v5 =	vld.idx.msk [tilespmem:v62+s13+$0x0], $0xffff  }
0x2fa: {  	v62 =	vld [tilespmem:$0x1F940];
	_ =	sdelay $0x1  }
0x2fb: {  	v3 =	vld [tilespmem:$0x1F910]  }
0x2fc: {  	v6 =	vld.idx.msk [tilespmem:v6+s2+$0x0], $0xffff;
	_ =	sdelay $0x2  }
0x2fd: {  	v18 =	vld.idx.msk [tilespmem:v14+s13+$0x0], $0xffff  }
0x2fe: {  	v10 =	vld.idx.msk [tilespmem:v10+s13+$0x0], $0xffff  }
0x2ff: {  	v1 =	vadd.f32 v6, v1;
	v6 =	vld.idx.msk [tilespmem:v62+s13+$0x0], $0xffff  }
0x300: {  	v62 =	vld [tilespmem:$0x1F950];
	_ =	sdelay $0x1  }
0x301: {  	v3 =	vld.idx.msk [tilespmem:v3+s13+$0x0], $0xffff  }
0x302: {  	v7 =	vld.idx.msk [tilespmem:v7+s2+$0x0], $0xffff;
	_ =	sdelay $0x2  }
0x303: {  	v18 =	vld.idx.msk [tilespmem:v18+s2+$0x0], $0xffff  }
0x304: {  	v10 =	vld.idx.msk [tilespmem:v10+s2+$0x0], $0xffff  }
0x305: {  	v1 =	vadd.f32 v7, v1;
	v7 =	vld.idx.msk [tilespmem:v62+s13+$0x0], $0xffff  }
0x306: {  	v62 =	vld [tilespmem:$0x1F980];
	_ =	sdelay $0x1  }
0x307: {  	v3 =	vld.idx.msk [tilespmem:v3+s2+$0x0], $0xffff  }
0x308: {  	v1 =	vadd.f32 v10, v1;
	_ =	sdelay $0x1  }
0x309: {  	v1 =	vadd.f32 v18, v1;
	_ =	sdelay $0x1  }
0x30a: {  	v1 =	vadd.f32 v3, v1;
	v3 =	vld.idx.msk [tilespmem:v6+s2+$0x0], $0xffff  }
0x30b: {  	v6 =	vld.idx.msk [tilespmem:v62+s13+$0x0], $0xffff  }
0x30c: {  	v62 =	vld [tilespmem:$0x1F990];
	_ =	sdelay $0x2  }
0x30d: {  	v4 =	vld.idx.msk [tilespmem:v4+s2+$0x0], $0xffff;
	_ =	sdelay $0x3  }
0x30e: {  	v10 =	vld [tilespmem:$0x1F960]  }
0x30f: {  	v1 =	vadd.f32 v4, v1;
	v4 =	vld.idx.msk [tilespmem:v62+s13+$0x0], $0xffff  }
0x310: {  	v62 =	vld [tilespmem:$0x1F9A0];
	_ =	sdelay $0x1  }
0x311: {  	v14 =	vld [tilespmem:$0x1F970]  }
0x312: {  	v5 =	vld.idx.msk [tilespmem:v5+s2+$0x0], $0xffff;
	_ =	sdelay $0x3  }
0x313: {  	v10 =	vld.idx.msk [tilespmem:v10+s13+$0x0], $0xffff  }
0x314: {  	v1 =	vadd.f32 v5, v1;
	v5 =	vld.idx.msk [tilespmem:v62+s13+$0x0], $0xffff  }
0x315: {  	v62 =	vld [tilespmem:$0x1F9C0];
	_ =	sdelay $0x1  }
0x316: {  	v18 =	vld.idx.msk [tilespmem:v14+s13+$0x0], $0xffff  }
0x317: {  	v7 =	vld.idx.msk [tilespmem:v7+s2+$0x0], $0xffff;
	_ =	sdelay $0x2  }
0x318: {  	v1 =	vadd.f32 v3, v1  }
0x319: {  	v10 =	vld.idx.msk [tilespmem:v10+s2+$0x0], $0xffff  }
0x31a: {  	v1 =	vadd.f32 v7, v1;
	v7 =	vld.idx.msk [tilespmem:v62+s13+$0x0], $0xffff  }
0x31b: {  	v62 =	vld [tilespmem:$0x1F9F0]  }
0x31c: {  	v18 =	vld.idx.msk [tilespmem:v18+s2+$0x0], $0xffff;
	_ =	sdelay $0x1  }
0x31d: {  	v6 =	vld.idx.msk [tilespmem:v6+s2+$0x0], $0xffff  }
0x31e: {  	v1 =	vadd.f32 v10, v1;
	_ =	sdelay $0x1  }
0x31f: {  	v1 =	vadd.f32 v18, v1;
	_ =	sdelay $0x1  }
0x320: {  	v1 =	vadd.f32 v6, v1;
	v6 =	vld.idx.msk [tilespmem:v62+s13+$0x0], $0xffff  }
0x321: {  	v62 =	vld [tilespmem:$0x1FA00];
	_ =	sdelay $0x1  }
0x322: {  	v4 =	vld.idx.msk [tilespmem:v4+s2+$0x0], $0xffff  }
0x323: {  	v3 =	vld [tilespmem:$0x1F9B0];
	_ =	sdelay $0x2  }
0x324: {  	v10 =	vld [tilespmem:$0x1F9D0]  }
0x325: {  	v1 =	vadd.f32 v4, v1;
	v4 =	vld.idx.msk [tilespmem:v7+s2+$0x0], $0xffff  }
0x326: {  	v7 =	vld.idx.msk [tilespmem:v62+s13+$0x0], $0xffff  }
0x327: {  	v62 =	vld [tilespmem:$0x1FA10]  }
0x328: {  	v14 =	vld [tilespmem:$0x1F9E0]  }
0x329: {  	v3 =	vld.idx.msk [tilespmem:v3+s13+$0x0], $0xffff  }
0x32a: {  	v5 =	vld.idx.msk [tilespmem:v5+s2+$0x0], $0xffff;
	_ =	sdelay $0x3  }
0x32b: {  	v10 =	vld.idx.msk [tilespmem:v10+s13+$0x0], $0xffff  }
0x32c: {  	v1 =	vadd.f32 v5, v1;
	v5 =	vld.idx.msk [tilespmem:v62+s13+$0x0], $0xffff  }
0x32d: {  	v62 =	vld [tilespmem:$0x1FA30]  }
0x32e: {  	v3 =	vld.idx.msk [tilespmem:v3+s2+$0x0], $0xffff  }
0x32f: {  	v18 =	vld.idx.msk [tilespmem:v14+s13+$0x0], $0xffff;
	_ =	sdelay $0x3  }
0x330: {  	v1 =	vadd.f32 v3, v1  }
0x331: {  	v10 =	vld.idx.msk [tilespmem:v10+s2+$0x0], $0xffff  }
0x332: {  	v1 =	vadd.f32 v4, v1;
	v4 =	vld.idx.msk [tilespmem:v62+s13+$0x0], $0xffff  }
0x333: {  	v62 =	vld [tilespmem:$0x1FA60]  }
0x334: {  	v18 =	vld.idx.msk [tilespmem:v18+s2+$0x0], $0xffff  }
0x335: {  	v3 =	vld [tilespmem:$0x1FA20]  }
0x336: {  	v6 =	vld.idx.msk [tilespmem:v6+s2+$0x0], $0xffff  }
0x337: {  	v1 =	vadd.f32 v10, v1;
	_ =	sdelay $0x1  }
0x338: {  	v1 =	vadd.f32 v18, v1;
	_ =	sdelay $0x1  }
0x339: {  	v1 =	vadd.f32 v6, v1;
	v6 =	vld.idx.msk [tilespmem:v62+s13+$0x0], $0xffff  }
0x33a: {  	v62 =	vld [tilespmem:$0x1FA70];
	_ =	sdelay $0x1  }
0x33b: {  	v3 =	vld.idx.msk [tilespmem:v3+s13+$0x0], $0xffff  }
0x33c: {  	v7 =	vld.idx.msk [tilespmem:v7+s2+$0x0], $0xffff;
	_ =	sdelay $0x1  }
0x33d: {  	v10 =	vld [tilespmem:$0x1FA40];
	_ =	sdelay $0x1  }
0x33e: {  	v5 =	vld.idx.msk [tilespmem:v5+s2+$0x0], $0xffff  }
0x33f: {  	v1 =	vadd.f32 v7, v1;
	v7 =	vld.idx.msk [tilespmem:v62+s13+$0x0], $0xffff  }
0x340: {  	v62 =	vld [tilespmem:$0x1FAA0]  }
0x341: {  	v3 =	vld.idx.msk [tilespmem:v3+s2+$0x0], $0xffff  }
0x342: {  	v14 =	vld [tilespmem:$0x1FA50]  }
0x343: {  	v4 =	vld.idx.msk [tilespmem:v4+s2+$0x0], $0xffff  }
0x344: {  	v10 =	vld.idx.msk [tilespmem:v10+s13+$0x0], $0xffff;
	v1 =	vadd.f32 v5, v1;
	_ =	sdelay $0x1  }
0x345: {  	v1 =	vadd.f32 v3, v1;
	_ =	sdelay $0x1  }
0x346: {  	v1 =	vadd.f32 v4, v1;
	v4 =	vld.idx.msk [tilespmem:v62+s13+$0x0], $0xffff  }
0x347: {  	v62 =	vld [tilespmem:$0x1FAB0];
	_ =	sdelay $0x1  }
0x348: {  	v18 =	vld.idx.msk [tilespmem:v14+s13+$0x0], $0xffff  }
0x349: {  	v5 =	vld.idx.msk [tilespmem:v10+s2+$0x0], $0xffff;
	_ =	sdelay $0x3  }
0x34a: {  	v10 =	vld [tilespmem:$0x1FA80]  }
0x34b: {  	v1 =	vadd.f32 v5, v1;
	v5 =	vld.idx.msk [tilespmem:v62+s13+$0x0], $0xffff  }
0x34c: {  	v62 =	vld [tilespmem:$0x1FAD0]  }
0x34d: {  	v18 =	vld.idx.msk [tilespmem:v18+s2+$0x0], $0xffff  }
0x34e: {  	v3 =	vld [tilespmem:$0x1FA90]  }
0x34f: {  	v6 =	vld.idx.msk [tilespmem:v6+s2+$0x0], $0xffff;
	_ =	sdelay $0x2  }
0x350: {  	v1 =	vadd.f32 v18, v1  }
0x351: {  	v10 =	vld.idx.msk [tilespmem:v10+s13+$0x0], $0xffff  }
0x352: {  	v1 =	vadd.f32 v6, v1;
	v6 =	vld.idx.msk [tilespmem:v62+s13+$0x0], $0xffff  }
0x353: {  	v62 =	vld [tilespmem:$0x1FAE0];
	_ =	sdelay $0x1  }
0x354: {  	v3 =	vld.idx.msk [tilespmem:v3+s13+$0x0], $0xffff  }
0x355: {  	v7 =	vld.idx.msk [tilespmem:v7+s2+$0x0], $0xffff;
	_ =	sdelay $0x3  }
0x356: {  	v10 =	vld.idx.msk [tilespmem:v10+s2+$0x0], $0xffff  }
0x357: {  	v1 =	vadd.f32 v7, v1;
	v7 =	vld.idx.msk [tilespmem:v62+s13+$0x0], $0xffff  }
0x358: {  	v62 =	vld [tilespmem:$0x1FB10]  }
0x359: {  	v3 =	vld.idx.msk [tilespmem:v3+s2+$0x0], $0xffff  }
0x35a: {  	v14 =	vld [tilespmem:$0x1FAC0]  }
0x35b: {  	v4 =	vld.idx.msk [tilespmem:v4+s2+$0x0], $0xffff  }
0x35c: {  	v1 =	vadd.f32 v10, v1;
	_ =	sdelay $0x1  }
0x35d: {  	v1 =	vadd.f32 v3, v1;
	_ =	sdelay $0x1  }
0x35e: {  	v1 =	vadd.f32 v4, v1;
	v4 =	vld.idx.msk [tilespmem:v62+s13+$0x0], $0xffff  }
0x35f: {  	v62 =	vld [tilespmem:$0x1FB20];
	_ =	sdelay $0x1  }
0x360: {  	v18 =	vld.idx.msk [tilespmem:v14+s13+$0x0], $0xffff  }
0x361: {  	v5 =	vld.idx.msk [tilespmem:v5+s2+$0x0], $0xffff;
	_ =	sdelay $0x2  }
0x362: {  	v14 =	vld [tilespmem:$0x1FB00]  }
0x363: {  	v10 =	vld [tilespmem:$0x1FAF0]  }
0x364: {  	v1 =	vadd.f32 v5, v1;
	v5 =	vld.idx.msk [tilespmem:v62+s13+$0x0], $0xffff  }
0x365: {  	v62 =	vld [tilespmem:$0x1FB40]  }
0x366: {  	v3 =	vld.idx.msk [tilespmem:v18+s2+$0x0], $0xffff;
	_ =	sdelay $0x1  }
0x367: {  	v6 =	vld.idx.msk [tilespmem:v6+s2+$0x0], $0xffff;
	_ =	sdelay $0x2  }
0x368: {  	v18 =	vld.idx.msk [tilespmem:v14+s13+$0x0], $0xffff;
	v1 =	vadd.f32 v3, v1  }
0x369: {  	v10 =	vld.idx.msk [tilespmem:v10+s13+$0x0], $0xffff  }
0x36a: {  	v1 =	vadd.f32 v6, v1;
	v6 =	vld.idx.msk [tilespmem:v62+s13+$0x0], $0xffff  }
0x36b: {  	v62 =	vld [tilespmem:$0x1FB50];
	_ =	sdelay $0x2  }
0x36c: {  	v7 =	vld.idx.msk [tilespmem:v7+s2+$0x0], $0xffff;
	_ =	sdelay $0x2  }
0x36d: {  	v18 =	vld.idx.msk [tilespmem:v18+s2+$0x0], $0xffff  }
0x36e: {  	v10 =	vld.idx.msk [tilespmem:v10+s2+$0x0], $0xffff  }
0x36f: {  	v1 =	vadd.f32 v7, v1;
	v7 =	vld.idx.msk [tilespmem:v62+s13+$0x0], $0xffff  }
0x370: {  	v62 =	vld [tilespmem:$0x1FB80];
	_ =	sdelay $0x1  }
0x371: {  	v4 =	vld.idx.msk [tilespmem:v4+s2+$0x0], $0xffff  }
0x372: {  	v3 =	vld [tilespmem:$0x1FB30];
	v1 =	vadd.f32 v10, v1;
	_ =	sdelay $0x1  }
0x373: {  	v1 =	vadd.f32 v18, v1;
	_ =	sdelay $0x1  }
0x374: {  	v1 =	vadd.f32 v4, v1;
	v4 =	vld.idx.msk [tilespmem:v6+s2+$0x0], $0xffff  }
0x375: {  	v6 =	vld.idx.msk [tilespmem:v62+s13+$0x0], $0xffff  }
0x376: {  	v62 =	vld [tilespmem:$0x1FB90];
	_ =	sdelay $0x1  }
0x377: {  	v3 =	vld.idx.msk [tilespmem:v3+s13+$0x0], $0xffff  }
0x378: {  	v5 =	vld.idx.msk [tilespmem:v5+s2+$0x0], $0xffff;
	_ =	sdelay $0x3  }
0x379: {  	v10 =	vld [tilespmem:$0x1FB60]  }
0x37a: {  	v1 =	vadd.f32 v5, v1;
	v5 =	vld.idx.msk [tilespmem:v62+s13+$0x0], $0xffff  }
0x37b: {  	v62 =	vld [tilespmem:$0x1FBB0]  }
0x37c: {  	v3 =	vld.idx.msk [tilespmem:v3+s2+$0x0], $0xffff;
	_ =	sdelay $0x1  }
0x37d: {  	v14 =	vld [tilespmem:$0x1FB70];
	_ =	sdelay $0x2  }
0x37e: {  	v1 =	vadd.f32 v3, v1  }
0x37f: {  	v10 =	vld.idx.msk [tilespmem:v10+s13+$0x0], $0xffff  }
0x380: {  	v1 =	vadd.f32 v4, v1;
	v4 =	vld.idx.msk [tilespmem:v62+s13+$0x0], $0xffff  }
0x381: {  	v62 =	vld [tilespmem:$0x1FBC0];
	_ =	sdelay $0x1  }
0x382: {  	v18 =	vld.idx.msk [tilespmem:v14+s13+$0x0], $0xffff  }
0x383: {  	v7 =	vld.idx.msk [tilespmem:v7+s2+$0x0], $0xffff;
	_ =	sdelay $0x3  }
0x384: {  	v10 =	vld.idx.msk [tilespmem:v10+s2+$0x0], $0xffff  }
0x385: {  	v1 =	vadd.f32 v7, v1;
	v7 =	vld.idx.msk [tilespmem:v62+s13+$0x0], $0xffff  }
0x386: {  	v62 =	vld [tilespmem:$0x1FBF0]  }
0x387: {  	v18 =	vld.idx.msk [tilespmem:v18+s2+$0x0], $0xffff  }
0x388: {  	v3 =	vld [tilespmem:$0x1FBA0]  }
0x389: {  	v6 =	vld.idx.msk [tilespmem:v6+s2+$0x0], $0xffff  }
0x38a: {  	v1 =	vadd.f32 v10, v1;
	_ =	sdelay $0x1  }
0x38b: {  	v1 =	vadd.f32 v18, v1;
	_ =	sdelay $0x1  }
0x38c: {  	v1 =	vadd.f32 v6, v1;
	v6 =	vld.idx.msk [tilespmem:v62+s13+$0x0], $0xffff  }
0x38d: {  	v62 =	vld [tilespmem:$0x1FC00]  }
0x38e: {  	v3 =	vld.idx.msk [tilespmem:v3+s13+$0x0], $0xffff  }
0x38f: {  	v5 =	vld.idx.msk [tilespmem:v5+s2+$0x0], $0xffff;
	_ =	sdelay $0x3  }
0x390: {  	v10 =	vld [tilespmem:$0x1FBD0]  }
0x391: {  	v1 =	vadd.f32 v5, v1;
	v5 =	vld.idx.msk [tilespmem:v7+s2+$0x0], $0xffff  }
0x392: {  	v7 =	vld.idx.msk [tilespmem:v62+s13+$0x0], $0xffff  }
0x393: {  	v62 =	vld [tilespmem:$0x1FC20]  }
0x394: {  	v3 =	vld.idx.msk [tilespmem:v3+s2+$0x0], $0xffff  }
0x395: {  	v14 =	vld [tilespmem:$0x1FBE0]  }
0x396: {  	v4 =	vld.idx.msk [tilespmem:v4+s2+$0x0], $0xffff;
	_ =	sdelay $0x2  }
0x397: {  	v1 =	vadd.f32 v3, v1  }
0x398: {  	v10 =	vld.idx.msk [tilespmem:v10+s13+$0x0], $0xffff  }
0x399: {  	v1 =	vadd.f32 v4, v1;
	v4 =	vld.idx.msk [tilespmem:v62+s13+$0x0], $0xffff  }
0x39a: {  	v62 =	vld [tilespmem:$0x1FC30];
	_ =	sdelay $0x1  }
0x39b: {  	v18 =	vld.idx.msk [tilespmem:v14+s13+$0x0], $0xffff;
	_ =	sdelay $0x4  }
0x39c: {  	v10 =	vld.idx.msk [tilespmem:v10+s2+$0x0], $0xffff  }
0x39d: {  	v1 =	vadd.f32 v5, v1;
	v5 =	vld.idx.msk [tilespmem:v62+s13+$0x0], $0xffff  }
0x39e: {  	v62 =	vld [tilespmem:$0x1FC60]  }
0x39f: {  	v18 =	vld.idx.msk [tilespmem:v18+s2+$0x0], $0xffff  }
0x3a0: {  	v3 =	vld [tilespmem:$0x1FC10]  }
0x3a1: {  	v6 =	vld.idx.msk [tilespmem:v6+s2+$0x0], $0xffff  }
0x3a2: {  	v1 =	vadd.f32 v10, v1;
	_ =	sdelay $0x1  }
0x3a3: {  	v1 =	vadd.f32 v18, v1;
	_ =	sdelay $0x1  }
0x3a4: {  	v1 =	vadd.f32 v6, v1;
	v6 =	vld.idx.msk [tilespmem:v62+s13+$0x0], $0xffff  }
0x3a5: {  	v62 =	vld [tilespmem:$0x1FC70];
	_ =	sdelay $0x1  }
0x3a6: {  	v3 =	vld.idx.msk [tilespmem:v3+s13+$0x0], $0xffff  }
0x3a7: {  	v7 =	vld.idx.msk [tilespmem:v7+s2+$0x0], $0xffff;
	_ =	sdelay $0x3  }
0x3a8: {  	v10 =	vld [tilespmem:$0x1FC40]  }
0x3a9: {  	v1 =	vadd.f32 v7, v1;
	v7 =	vld.idx.msk [tilespmem:v62+s13+$0x0], $0xffff  }
0x3aa: {  	v62 =	vld [tilespmem:$0x1FC90]  }
0x3ab: {  	v3 =	vld.idx.msk [tilespmem:v3+s2+$0x0], $0xffff  }
0x3ac: {  	v14 =	vld [tilespmem:$0x1FC50]  }
0x3ad: {  	v4 =	vld.idx.msk [tilespmem:v4+s2+$0x0], $0xffff;
	_ =	sdelay $0x2  }
0x3ae: {  	v1 =	vadd.f32 v3, v1  }
0x3af: {  	v10 =	vld.idx.msk [tilespmem:v10+s13+$0x0], $0xffff  }
0x3b0: {  	v1 =	vadd.f32 v4, v1;
	v4 =	vld.idx.msk [tilespmem:v62+s13+$0x0], $0xffff  }
0x3b1: {  	v62 =	vld [tilespmem:$0x1FCA0];
	_ =	sdelay $0x1  }
0x3b2: {  	v18 =	vld.idx.msk [tilespmem:v14+s13+$0x0], $0xffff  }
0x3b3: {  	v5 =	vld.idx.msk [tilespmem:v5+s2+$0x0], $0xffff;
	_ =	sdelay $0x2  }
0x3b4: {  	v3 =	vld.idx.msk [tilespmem:v10+s2+$0x0], $0xffff  }
0x3b5: {  	v10 =	vld [tilespmem:$0x1FC80]  }
0x3b6: {  	v1 =	vadd.f32 v5, v1;
	v5 =	vld.idx.msk [tilespmem:v62+s13+$0x0], $0xffff  }
0x3b7: {  	v62 =	vld [tilespmem:$0x1FCD0]  }
0x3b8: {  	v18 =	vld.idx.msk [tilespmem:v18+s2+$0x0], $0xffff;
	_ =	sdelay $0x1  }
0x3b9: {  	v6 =	vld.idx.msk [tilespmem:v6+s2+$0x0], $0xffff  }
0x3ba: {  	v1 =	vadd.f32 v3, v1;
	_ =	sdelay $0x1  }
0x3bb: {  	v1 =	vadd.f32 v18, v1  }
0x3bc: {  	v10 =	vld.idx.msk [tilespmem:v10+s13+$0x0], $0xffff  }
0x3bd: {  	v1 =	vadd.f32 v6, v1;
	v6 =	vld.idx.msk [tilespmem:v62+s13+$0x0], $0xffff  }
0x3be: {  	v62 =	vld [tilespmem:$0x1FCE0];
	_ =	sdelay $0x1  }
0x3bf: {  	v3 =	vld [tilespmem:$0x1FCB0]  }
0x3c0: {  	v7 =	vld.idx.msk [tilespmem:v7+s2+$0x0], $0xffff;
	_ =	sdelay $0x1  }
0x3c1: {  	v14 =	vld [tilespmem:$0x1FCC0];
	_ =	sdelay $0x1  }
0x3c2: {  	v10 =	vld.idx.msk [tilespmem:v10+s2+$0x0], $0xffff  }
0x3c3: {  	v1 =	vadd.f32 v7, v1;
	v7 =	vld.idx.msk [tilespmem:v62+s13+$0x0], $0xffff  }
0x3c4: {  	v62 =	vld [tilespmem:$0x1FD10]  }
0x3c5: {  	v4 =	vld.idx.msk [tilespmem:v4+s2+$0x0], $0xffff  }
0x3c6: {  	v3 =	vld.idx.msk [tilespmem:v3+s13+$0x0], $0xffff  }
0x3c7: {  	v5 =	vld.idx.msk [tilespmem:v5+s2+$0x0], $0xffff  }
0x3c8: {  	v18 =	vld.idx.msk [tilespmem:v14+s13+$0x0], $0xffff;
	v1 =	vadd.f32 v10, v1;
	_ =	sdelay $0x1  }
0x3c9: {  	v1 =	vadd.f32 v4, v1;
	_ =	sdelay $0x1  }
0x3ca: {  	v1 =	vadd.f32 v5, v1;
	v5 =	vld.idx.msk [tilespmem:v62+s13+$0x0], $0xffff  }
0x3cb: {  	v62 =	vld [tilespmem:$0x1FD30]  }
0x3cc: {  	v3 =	vld.idx.msk [tilespmem:v3+s2+$0x0], $0xffff;
	_ =	sdelay $0x1  }
0x3cd: {  	v4 =	vld.idx.msk [tilespmem:v18+s2+$0x0], $0xffff;
	_ =	sdelay $0x2  }
0x3ce: {  	v14 =	vld [tilespmem:$0x1FD00];
	v1 =	vadd.f32 v3, v1  }
0x3cf: {  	v10 =	vld [tilespmem:$0x1FCF0]  }
0x3d0: {  	v1 =	vadd.f32 v4, v1;
	v4 =	vld.idx.msk [tilespmem:v62+s13+$0x0], $0xffff  }
0x3d1: {  	v62 =	vld [tilespmem:$0x1FD40];
	_ =	sdelay $0x2  }
0x3d2: {  	v6 =	vld.idx.msk [tilespmem:v6+s2+$0x0], $0xffff;
	_ =	sdelay $0x2  }
0x3d3: {  	v18 =	vld.idx.msk [tilespmem:v14+s13+$0x0], $0xffff  }
0x3d4: {  	v10 =	vld.idx.msk [tilespmem:v10+s13+$0x0], $0xffff  }
0x3d5: {  	v1 =	vadd.f32 v6, v1;
	v6 =	vld.idx.msk [tilespmem:v62+s13+$0x0], $0xffff  }
0x3d6: {  	v62 =	vld [tilespmem:$0x1FD50];
	_ =	sdelay $0x1  }
0x3d7: {  	v3 =	vld [tilespmem:$0x1FD20]  }
0x3d8: {  	v7 =	vld.idx.msk [tilespmem:v7+s2+$0x0], $0xffff;
	_ =	sdelay $0x2  }
0x3d9: {  	v18 =	vld.idx.msk [tilespmem:v18+s2+$0x0], $0xffff  }
0x3da: {  	v10 =	vld.idx.msk [tilespmem:v10+s2+$0x0], $0xffff  }
0x3db: {  	v1 =	vadd.f32 v7, v1;
	v7 =	vld.idx.msk [tilespmem:v62+s13+$0x0], $0xffff  }
0x3dc: {  	v62 =	vld [tilespmem:$0x1FD80]  }
0x3dd: {  	v3 =	vld.idx.msk [tilespmem:v3+s13+$0x0], $0xffff  }
0x3de: {  	v5 =	vld.idx.msk [tilespmem:v5+s2+$0x0], $0xffff  }
0x3df: {  	v1 =	vadd.f32 v10, v1;
	_ =	sdelay $0x1  }
0x3e0: {  	v1 =	vadd.f32 v18, v1;
	_ =	sdelay $0x1  }
0x3e1: {  	v1 =	vadd.f32 v5, v1;
	v5 =	vld.idx.msk [tilespmem:v6+s2+$0x0], $0xffff  }
0x3e2: {  	v6 =	vld.idx.msk [tilespmem:v62+s13+$0x0], $0xffff  }
0x3e3: {  	v62 =	vld [tilespmem:$0x1FDA0]  }
0x3e4: {  	v3 =	vld.idx.msk [tilespmem:v3+s2+$0x0], $0xffff;
	_ =	sdelay $0x1  }
0x3e5: {  	v4 =	vld.idx.msk [tilespmem:v4+s2+$0x0], $0xffff;
	_ =	sdelay $0x2  }
0x3e6: {  	v1 =	vadd.f32 v3, v1  }
0x3e7: {  	v10 =	vld [tilespmem:$0x1FD60]  }
0x3e8: {  	v1 =	vadd.f32 v4, v1;
	v4 =	vld.idx.msk [tilespmem:v62+s13+$0x0], $0xffff  }
0x3e9: {  	v62 =	vld [tilespmem:$0x1FDB0];
	_ =	sdelay $0x1  }
0x3ea: {  	v14 =	vld [tilespmem:$0x1FD70];
	_ =	sdelay $0x4  }
0x3eb: {  	v10 =	vld.idx.msk [tilespmem:v10+s13+$0x0], $0xffff  }
0x3ec: {  	v1 =	vadd.f32 v5, v1;
	v5 =	vld.idx.msk [tilespmem:v62+s13+$0x0], $0xffff  }
0x3ed: {  	v62 =	vld [tilespmem:$0x1FDC0]  }
0x3ee: {  	v18 =	vld.idx.msk [tilespmem:v14+s13+$0x0], $0xffff  }
0x3ef: {  	v3 =	vld [tilespmem:$0x1FD90]  }
0x3f0: {  	v7 =	vld.idx.msk [tilespmem:v7+s2+$0x0], $0xffff;
	_ =	sdelay $0x3  }
0x3f1: {  	v10 =	vld.idx.msk [tilespmem:v10+s2+$0x0], $0xffff  }
0x3f2: {  	v1 =	vadd.f32 v7, v1;
	v7 =	vld.idx.msk [tilespmem:v62+s13+$0x0], $0xffff  }
0x3f3: {  	v62 =	vld [tilespmem:$0x1FDF0]  }
0x3f4: {  	v18 =	vld.idx.msk [tilespmem:v18+s2+$0x0], $0xffff  }
0x3f5: {  	v3 =	vld.idx.msk [tilespmem:v3+s13+$0x0], $0xffff  }
0x3f6: {  	v6 =	vld.idx.msk [tilespmem:v6+s2+$0x0], $0xffff  }
0x3f7: {  	v1 =	vadd.f32 v10, v1;
	_ =	sdelay $0x1  }
0x3f8: {  	v1 =	vadd.f32 v18, v1;
	_ =	sdelay $0x1  }
0x3f9: {  	v1 =	vadd.f32 v6, v1;
	v6 =	vld.idx.msk [tilespmem:v62+s13+$0x0], $0xffff  }
0x3fa: {  	v62 =	vld [tilespmem:$0x1FE00];
	_ =	sdelay $0x1  }
0x3fb: {  	v3 =	vld.idx.msk [tilespmem:v3+s2+$0x0], $0xffff;
	_ =	sdelay $0x3  }
0x3fc: {  	v10 =	vld [tilespmem:$0x1FDD0]  }
0x3fd: {  	v1 =	vadd.f32 v3, v1;
	v3 =	vld.idx.msk [tilespmem:v7+s2+$0x0], $0xffff  }
0x3fe: {  	v7 =	vld.idx.msk [tilespmem:v62+s13+$0x0], $0xffff  }
0x3ff: {  	v62 =	vld [tilespmem:$0x1FE10];
	_ =	sdelay $0x1  }
0x400: {  	v14 =	vld [tilespmem:$0x1FDE0]  }
0x401: {  	v4 =	vld.idx.msk [tilespmem:v4+s2+$0x0], $0xffff;
	_ =	sdelay $0x2  }
0x402: {  	v10 =	vld.idx.msk [tilespmem:v10+s13+$0x0], $0xffff  }
0x403: {  	v5 =	vld.idx.msk [tilespmem:v5+s2+$0x0], $0xffff  }
0x404: {  	v1 =	vadd.f32 v4, v1;
	v4 =	vld.idx.msk [tilespmem:v62+s13+$0x0], $0xffff  }
0x405: {  	v62 =	vld [tilespmem:$0x1FE20];
	_ =	sdelay $0x1  }
0x406: {  	v18 =	vld.idx.msk [tilespmem:v14+s13+$0x0], $0xffff;
	_ =	sdelay $0x2  }
0x407: {  	v1 =	vadd.f32 v5, v1  }
0x408: {  	v10 =	vld.idx.msk [tilespmem:v10+s2+$0x0], $0xffff  }
0x409: {  	v1 =	vadd.f32 v3, v1;
	v3 =	vld [tilespmem:$0x1FE30]  }
0x40a: {  	v5 =	vld.idx.msk [tilespmem:v62+s13+$0x0], $0xffff  }
0x40b: {  	v62 =	vld [tilespmem:$0x1FE60]  }
0x40c: {  	v18 =	vld.idx.msk [tilespmem:v18+s2+$0x0], $0xffff  }
0x40d: {  	v1 =	vadd.f32 v10, v1;
	v10 =	vld [tilespmem:$0x1FE40]  }
0x40e: {  	v6 =	vld.idx.msk [tilespmem:v6+s2+$0x0], $0xffff  }
0x40f: {  	v14 =	vld [tilespmem:$0x1FE50];
	_ =	sdelay $0x1  }
0x410: {  	v1 =	vadd.f32 v18, v1  }
0x411: {  	v3 =	vld.idx.msk [tilespmem:v3+s13+$0x0], $0xffff  }
0x412: {  	v1 =	vadd.f32 v6, v1;
	v6 =	vld.idx.msk [tilespmem:v62+s13+$0x0], $0xffff  }
0x413: {  	v62 =	vld [tilespmem:$0x1FE70]  }
0x414: {  	v10 =	vld.idx.msk [tilespmem:v10+s13+$0x0], $0xffff  }
0x415: {  	v7 =	vld.idx.msk [tilespmem:v7+s2+$0x0], $0xffff  }
0x416: {  	v18 =	vld.idx.msk [tilespmem:v14+s13+$0x0], $0xffff  }
0x417: {  	v4 =	vld.idx.msk [tilespmem:v4+s2+$0x0], $0xffff;
	_ =	sdelay $0x1  }
0x418: {  	v5 =	vld.idx.msk [tilespmem:v5+s2+$0x0], $0xffff  }
0x419: {  	v1 =	vadd.f32 v7, v1;
	v3 =	vld.idx.msk [tilespmem:v3+s2+$0x0], $0xffff  }
0x41a: {  	v7 =	vld.idx.msk [tilespmem:v62+s13+$0x0], $0xffff  }
0x41b: {  	v1 =	vadd.f32 v4, v1;
	v62 =	vld.idx.msk [tilespmem:v10+s2+$0x0], $0xffff  }
0x41c: {  	v10 =	vld [tilespmem:$0x1FE80]  }
0x41d: {  	v1 =	vadd.f32 v5, v1;
	v5 =	vld.idx.msk [tilespmem:v15+s13+$0x0], $0xffff  }
0x41e: {  	v15 =	vld.idx.msk [tilespmem:v18+s2+$0x0], $0xffff  }
0x41f: {  	v1 =	vadd.f32 v3, v1  }
0x420: {  	v6 =	vld.idx.msk [tilespmem:v6+s2+$0x0], $0xffff  }
0x421: {  	v0 =	vld [tilespmem:$0x1FEB0];
	v1 =	vadd.f32 v62, v1  }
0x422: {  	v3 =	vld [tilespmem:$0x1FE90]  }
0x423: {  	v62 =	vld [tilespmem:$0x1FEA0];
	v1 =	vadd.f32 v15, v1  }
0x424: {  	v10 =	vld.idx.msk [tilespmem:v10+s13+$0x0], $0xffff  }
0x425: {  	v1 =	vadd.f32 v6, v1;
	v6 =	vld.idx.msk [tilespmem:v63+s13+$0x0], $0xffff  }
0x426: {  	v63 =	vmov v2;
	v2 =	vld [tilespmem:$0x1FEC0]  }
0x427: {  	v7 =	vld.idx.msk [tilespmem:v7+s2+$0x0], $0xffff;
	_ =	sdelay $0x1  }
0x428: {  	v12 =	vld.idx.msk [tilespmem:v12+s13+$0x0], $0xffff  }
0x429: {  	v3 =	vld.idx.msk [tilespmem:v3+s13+$0x0], $0xffff  }
0x42a: {  	v4 =	vld.idx.msk [tilespmem:v62+s13+$0x0], $0xffff  }
0x42b: {  	v1 =	vadd.f32 v7, v1;
	v7 =	vld.idx.msk [tilespmem:v0+s13+$0x0], $0xffff  }
0x42c: {  	v10 =	vld.idx.msk [tilespmem:v10+s2+$0x0], $0xffff  }
0x42d: {  	v0 =	vmov v8;
	v8 =	vld.idx.msk [tilespmem:v2+s13+$0x0], $0xffff  }
0x42e: {  	v2 =	vld [tilespmem:$0x1FED0];
	_ =	sdelay $0x1  }
0x42f: {  	v5 =	vld.idx.msk [tilespmem:v5+s2+$0x0], $0xffff;
	_ =	sdelay $0x1  }
0x430: {  	v3 =	vld.idx.msk [tilespmem:v3+s2+$0x0], $0xffff  }
0x431: {  	v1 =	vadd.f32 v10, v1  }
0x432: {  	v4 =	vld.idx.msk [tilespmem:v4+s2+$0x0], $0xffff  }
0x433: {  	v1 =	vadd.f32 v5, v1;
	v5 =	vld.idx.msk [tilespmem:v12+s2+$0x0], $0xffff  }
0x434: {  	v2 =	vld.idx.msk [tilespmem:v2+s13+$0x0], $0xffff  }
0x435: {  	v1 =	vadd.f32 v3, v1  }
0x436: {  	v3 =	vld.idx.msk [tilespmem:v6+s2+$0x0], $0xffff  }
0x437: {  	v1 =	vadd.f32 v4, v1  }
0x438: {  	v4 =	vld.idx.msk [tilespmem:v7+s2+$0x0], $0xffff  }
0x439: {  	v1 =	vadd.f32 v5, v1  }
0x43a: {  	v5 =	vld.idx.msk [tilespmem:v8+s2+$0x0], $0xffff  }
0x43b: {  	v1 =	vadd.f32 v3, v1  }
0x43c: {  	v2 =	vld.idx.msk [tilespmem:v2+s2+$0x0], $0xffff  }
0x43d: {  	v1 =	vadd.f32 v4, v1;
	_ =	sdelay $0x1  }
0x43e: {  	v1 =	vadd.f32 v5, v1  }
0x43f: {  	v14 =	vld [tilespmem:$0x1FEE0]  }
0x440: {  	v1 =	vadd.f32 v2, v1;
	_ =	sdelay $0x1  }
0x441: {  	v1 =	vmul.f32 $4.999999890e-03, v1;
	_ =	sdelay $0x1  }
0x442: {  	v1 =	vadd.f32 v1, v14;
	_ =	sdelay $0x1  }
0x443: {  	v1 =	vsub.f32 $0.0e+00, v1;
	_ =	sdelay $0x1  }
0x444: {  	v1 =	vmul.f32 $1.442695020e+00, v1;
	_ =	sdelay $0x1  }
0x445: {  	(erf) = vpow2.f32 v1;
	_ =	sdelay $0x8  }
0x446: {  	v1 =	vpop (erf)  }
0x447: {  	v1 =	vadd.f32 $1.000000000e+00, v1;
	_ =	sdelay $0x1  }
0x448: {  	(erf) = vrcp.f32 v1;
	_ =	sdelay $0x3  }
0x449: {  	s20 =	sadd.s32 $0x320, s20  }
0x44a: {  	p0 =	sne.s32 s20, $0x1900;
	v18 =	vmovc v11;
	v62 =	vmovc v60;
	v60 =	vmov v59;
	v59 =	vmov v57;
	v57 =	vmov v54  }
.Ltmp0:
0x44b: {  	v54 =	vmovc v51;
	v51 =	vmovc v48;
	v48 =	vmov v47;
	v47 =	vmov v46;
	v46 =	vmov v45;
	(pc) =	sbr.rel @p0 .LBB2_2-.Ltmp0, $4  }
0x44c: {  	v30 =	vld [tilespmem:$0x1FFB0];
	v45 =	vmovc v39;
	v39 =	vmovc v38;
	v38 =	vmov v33;
	v33 =	vmov v32;
	v32 =	vmov v29  }
0x44d: {  	v11 =	vld [tilespmem:$0x1FF90];
	v29 =	vmovc v28;
	v28 =	vmovc v26;
	v26 =	vmov v25;
	v25 =	vmov v24;
	v24 =	vmov v23  }
0x44e: {  	v23 =	vmov v22;
	v22 =	vmov v21;
	v21 =	vmov v20;
	v20 =	vld [tilespmem:$0x1FFF0];
	v1 =	vpop (erf)  }
0x44f: {  	v15 =	vmov v9;
	v12 =	vld [tilespmem:$0x1FFA0];
	[tilespmem:s19+$0x0] =	vst v1;
	s19 =	sadd.s32 $0x20, s19  }
0x450: {  	s18 =	sadd.s32 $0x1, s18  }
0x451: {  	p0 =	sne.s32 s18, s7  }
.Ltmp1:
0x452: {  	_ = 	snop;
	(pc) =	sbr.rel @p0 .LBB2_1-.Ltmp1, $4  }
0x453: {  	[hbm4b:s6+s8] =	stream.strided.scatter [tilespmem:s17], [sflag:$0x3], $0x100, s16, s8, $0x38;
	[tilespmem:$0x1AA80] =	vst v63  }
0x454: {  	_ =	swait.ge [sflag:s10], $0x100  }
0x455: {  	[sflag:s10] =	ssyncset.done $0x0  }
0x456: {  	[sflag:s10] =	ssyncadd.s32 $0xFFFFFF00  }
0x457: {  	_ =	sfence.sel $0x180000  }
0x458: {  	[bflag:$0x0] =	sbarrier.arrive $0xFFFF  }
0x459: {  	p0 =	sne.s32 s1, $0x0;
	_ =	strace $0x90000047  }
0x45a: {  	s0 =	sadd.s32 @!p0 $0x100000, s0;
	[bflag:$0x2] =	sbarrier.arrive $0xFFFF  }
0x45b: {  	[sflag:s0] =	ssyncadd.tile.s32 @!p0 $0x1;
	_ =	shalt  }
.Lfunc_end2:
_tile_overlayer_lowered:
.L_overlay_start_2:
0x45c: {  	(tag) =	ssettag $0x2  }
0x45d: {  	s0 =	rddreg [dreg:$0x0];
	s2 =	stileid.u32  }
0x45e: {  	s1 =	rddreg [dreg:$0x1];
	p0 =	sne.s32 s2, $0x0  }
0x45f: {  	s3 =	rddreg [dreg:$0x2];
	[bflag:$0x3] =	sbarrier.arrive $0xFFFF;
	s2 =	simm.s32 @!p0 $0x1C03  }
0x460: {  	[timem:s3], [sflag:s2] =	dma.local @!p0 [hbm:s0], s1  }
0x461: {  	s0 =	simm.s32 @!p0 $0x3  }
0x462: {  	_ =	swait.ge @!p0 [sflag:s0], s1  }
0x463: {  	s1 =	ssub.s32 @!p0 $0x0, s1;
	[sflag:s0] =	ssyncset.done @!p0 $0x0  }
0x464: {  	[sflag:s0] =	ssyncadd.s32 @!p0 s1  }
0x465: {  	[bflag:$0x3] =	sbarrier.arrive $0xFFFF  }
0x466: {  	_ =	shalt  }

</sc_bundles>
